<compile_context>
chip_gen: v7x
topology: tpu7x:2x2x1
jax: 0.10.2.dev20260603
libtpu: 0.0.44.dev20260713+nightly
codegen_flags: <defaults>
</compile_context>

<pallas_src>
import functools

import jax
import jax.numpy as jnp
from jax import lax
from jax.experimental import pallas as pl
from jax.experimental.pallas import tpu as pltpu
from jax.experimental.pallas import tpu_sc as plsc

_N = 10000
_E = 320000
_H = 128
_L = 4
_NF = 9
_NG = 128

_NP = 10240
_NW = 32
_DUMMY = 10000
_CE_L = 79
_CE_E = 23
_BN = 2048
_GRID = _NP // _BN

_f32 = jnp.float32
_i32 = jnp.int32


def _pad_edges(src, dst, nchunks, src_pad):
    total = _NW * nchunks * 128
    pad = total - src.shape[0]
    src = jnp.concatenate([src.astype(_i32), jnp.full((pad,), src_pad, _i32)])
    dst = jnp.concatenate([dst.astype(_i32), jnp.full((pad,), _DUMMY, _i32)])
    src = src.reshape(_NW, 128, nchunks).swapaxes(1, 2)
    dst = dst.reshape(_NW, 128, nchunks).swapaxes(1, 2)
    return src, dst


def _make_sc_scatter(nchunks):
    mesh = plsc.VectorSubcoreMesh(core_axis_name="c", subcore_axis_name="s")

    @functools.partial(
        pl.kernel,
        out_type=jax.ShapeDtypeStruct((2, _NP, _H), _f32),
        mesh=mesh,
        scratch_types=[
            pltpu.VMEM((nchunks, 128), _i32),
            pltpu.VMEM((nchunks, 128), _i32),
            pltpu.VMEM((128, _H), _f32),
            pltpu.VMEM_SHARED((_NP, _H), _f32),
            pltpu.SemaphoreType.DMA,
        ],
    )
    def sc_scatter(table, src3, dst3, out, srcv, dstv, rows, agg_sh, sem):
        c = lax.axis_index("c")
        s = lax.axis_index("s")
        tid = c * 16 + s

        def zrow(i, _):
            for q in range(8):
                rows[i, pl.ds(q * 16, 16)] = jnp.zeros((16,), _f32)
            return 0

        lax.fori_loop(0, 128, zrow, 0)
        for k in range(_NP // (16 * 128)):
            pltpu.sync_copy(rows, agg_sh.at[pl.ds(s * 640 + k * 128, 128)])
        plsc.subcore_barrier()

        pltpu.sync_copy(src3.at[tid], srcv)
        pltpu.sync_copy(dst3.at[tid], dstv)

        def step(j, _):
            pltpu.async_copy(table.at[srcv.at[j]], rows, sem).wait()
            pltpu.sync_copy(rows, agg_sh.at[dstv.at[j]], add=True)
            return 0

        lax.fori_loop(0, nchunks, step, 0)
        plsc.subcore_barrier()
        pltpu.sync_copy(agg_sh.at[pl.ds(s * 640, 640)],
                        out.at[c, pl.ds(s * 640, 640)])

    return sc_scatter


def _make_sc_degrees():
    mesh = plsc.VectorSubcoreMesh(core_axis_name="c", subcore_axis_name="s")
    nbins = 2 * _NP

    @functools.partial(
        pl.kernel,
        out_type=jax.ShapeDtypeStruct((_NW, nbins), _f32),
        mesh=mesh,
        scratch_types=[
            pltpu.VMEM((_CE_L, 128), _i32),
            pltpu.VMEM((_CE_L, 128), _i32),
            pltpu.VMEM((nbins,), _f32),
        ],
        compiler_params=pltpu.CompilerParams(needs_layout_passes=False),
    )
    def sc_deg(src3, dst3, out, srcv, dstv, degv):
        c = lax.axis_index("c")
        s = lax.axis_index("s")
        tid = c * 16 + s

        def zrow(i, _):
            degv[pl.ds(i * 16, 16)] = jnp.zeros((16,), _f32)
            return 0

        lax.fori_loop(0, nbins // 16, zrow, 0)
        pltpu.sync_copy(src3.at[tid], srcv)
        pltpu.sync_copy(dst3.at[tid], dstv)
        ones = jnp.ones((16,), _f32)

        def step(j, _):
            for q in range(8):
                a = srcv[j, pl.ds(q * 16, 16)]
                plsc.addupdate_scatter(degv, [a], ones)
                b = dstv[j, pl.ds(q * 16, 16)] + _NP
                plsc.addupdate_scatter(degv, [b], ones)
            return 0

        lax.fori_loop(0, _CE_L, step, 0)
        pltpu.sync_copy(degv, out.at[tid])

    return sc_deg



def _tc_norms(degp):
    def body(d_ref, n_ref):
        d = jnp.sum(d_ref[...], axis=0)
        n_ref[...] = 1.0 / jnp.sqrt(jnp.maximum(d, 1.0))

    nrows = 2 * _NP // 128
    return pl.pallas_call(
        body,
        out_shape=jax.ShapeDtypeStruct((nrows, 128), _f32),
    )(degp)


def _expand_lanes(lm):
    r = lax.broadcasted_iota(_i32, (128, 128), 0)
    c = lax.broadcasted_iota(_i32, (128, 128), 1)
    ident = (r == c).astype(_f32)
    parts = []
    for k in range(16):
        col = lax.dot_general(ident, lm[k:k + 1, :], (((1,), (1,)), ((), ())),
                              precision=lax.Precision.HIGHEST,
                              preferred_element_type=_f32)
        parts.append(col * jnp.ones((1, _H), _f32))
    return jnp.concatenate(parts, axis=0)


def _tc_pass0(xp, norms_lm):
    def body(xp_ref, ns_ref, nd_ref, x_ref, xn_ref, nsb_ref, ndb_ref):
        nsb = _expand_lanes(ns_ref[...])
        ndb = _expand_lanes(nd_ref[...])
        x = xp_ref[0] + xp_ref[1]
        x_ref[...] = x
        xn_ref[...] = x * nsb
        nsb_ref[...] = nsb
        ndb_ref[...] = ndb

    return pl.pallas_call(
        body,
        grid=(_GRID,),
        in_specs=[
            pl.BlockSpec((2, _BN, _H), lambda i: (0, i, 0)),
            pl.BlockSpec((16, 128), lambda i: (i, 0)),
            pl.BlockSpec((16, 128), lambda i: (i + _GRID, 0)),
        ],
        out_specs=[
            pl.BlockSpec((_BN, _H), lambda i: (i, 0)),
            pl.BlockSpec((_BN, _H), lambda i: (i, 0)),
            pl.BlockSpec((_BN, _H), lambda i: (i, 0)),
            pl.BlockSpec((_BN, _H), lambda i: (i, 0)),
        ],
        out_shape=[
            jax.ShapeDtypeStruct((_NP, _H), _f32),
            jax.ShapeDtypeStruct((_NP, _H), _f32),
            jax.ShapeDtypeStruct((_NP, _H), _f32),
            jax.ShapeDtypeStruct((_NP, _H), _f32),
        ],
    )(xp, norms_lm, norms_lm)


def _tc_layer_pass1(aggp, nd, W, b):
    def body(agg_ref, nd_ref, w_ref, b_ref, y_ref, st_ref, acc):
        i = pl.program_id(0)

        @pl.when(i == 0)
        def _():
            acc[...] = jnp.zeros((8, _H), _f32)

        z = (agg_ref[0] + agg_ref[1]) * nd_ref[...]
        y = jnp.dot(z, w_ref[...], preferred_element_type=_f32) + b_ref[...]
        y_ref[...] = y
        rows = lax.broadcasted_iota(_i32, (_BN, 1), 0) + i * _BN
        mask = rows < _N
        ym = jnp.where(mask, y, 0.0)
        ym2 = jnp.where(mask, y * y, 0.0)
        acc[0:1, :] += jnp.sum(ym, axis=0, keepdims=True)
        acc[1:2, :] += jnp.sum(ym2, axis=0, keepdims=True)
        st_ref[...] = acc[...]

    return pl.pallas_call(
        body,
        grid=(_GRID,),
        in_specs=[
            pl.BlockSpec((2, _BN, _H), lambda i: (0, i, 0)),
            pl.BlockSpec((_BN, _H), lambda i: (i, 0)),
            pl.BlockSpec((_H, _H), lambda i: (0, 0)),
            pl.BlockSpec((1, _H), lambda i: (0, 0)),
        ],
        out_specs=[
            pl.BlockSpec((_BN, _H), lambda i: (i, 0)),
            pl.BlockSpec((8, _H), lambda i: (0, 0)),
        ],
        out_shape=[
            jax.ShapeDtypeStruct((_NP, _H), _f32),
            jax.ShapeDtypeStruct((8, _H), _f32),
        ],
        scratch_shapes=[pltpu.VMEM((8, _H), _f32)],
        compiler_params=pltpu.CompilerParams(
            dimension_semantics=("arbitrary",)),
    )(aggp, nd, W, b)


def _tc_layer_pass2(y, stats, gamma, beta, xprev, ns):
    def body(y_ref, st_ref, g_ref, be_ref, xp_ref, ns_ref, x_ref, xn_ref):
        mean = st_ref[0:1, :] * (1.0 / _N)
        var = st_ref[1:2, :] * (1.0 / _N) - mean * mean
        scale = g_ref[...] / jnp.sqrt(var + 1e-5)
        t = (y_ref[...] - mean) * scale + be_ref[...]
        t = jnp.maximum(t, 0.0)
        x = xp_ref[...] + t
        x_ref[...] = x
        xn_ref[...] = x * ns_ref[...]

    return pl.pallas_call(
        body,
        grid=(_GRID,),
        in_specs=[
            pl.BlockSpec((_BN, _H), lambda i: (i, 0)),
            pl.BlockSpec((8, _H), lambda i: (0, 0)),
            pl.BlockSpec((1, _H), lambda i: (0, 0)),
            pl.BlockSpec((1, _H), lambda i: (0, 0)),
            pl.BlockSpec((_BN, _H), lambda i: (i, 0)),
            pl.BlockSpec((_BN, _H), lambda i: (i, 0)),
        ],
        out_specs=[
            pl.BlockSpec((_BN, _H), lambda i: (i, 0)),
            pl.BlockSpec((_BN, _H), lambda i: (i, 0)),
        ],
        out_shape=[
            jax.ShapeDtypeStruct((_NP, _H), _f32),
            jax.ShapeDtypeStruct((_NP, _H), _f32),
        ],
    )(y, stats, gamma, beta, xprev, ns)


def _tc_readout(x, gid, W0, b0, W1, b1, W2, b2):
    def body(x_ref, g_ref, w0, b0r, w1, b1r, w2, b2r, z_ref, hg, cnt):
        i = pl.program_id(0)

        @pl.when(i == 0)
        def _():
            hg[...] = jnp.zeros((_NG, _H), _f32)
            cnt[...] = jnp.zeros((_NG, 1), _f32)

        cols = lax.broadcasted_iota(_i32, (_BN, _NG), 1)
        m = (g_ref[...] == cols).astype(_f32)
        hg[...] += lax.dot_general(m, x_ref[...], (((0,), (0,)), ((), ())),
                                   precision=lax.Precision.HIGHEST,
                                   preferred_element_type=_f32)
        cnt[...] += lax.dot_general(m, jnp.ones((_BN, 1), _f32),
                                    (((0,), (0,)), ((), ())),
                                    precision=lax.Precision.HIGHEST,
                                    preferred_element_type=_f32)

        @pl.when(i == _GRID - 1)
        def _():
            hgm = hg[...] / jnp.maximum(cnt[...], 1.0)
            z = jnp.maximum(jnp.dot(hgm, w0[...],
                                    preferred_element_type=_f32) + b0r[...], 0.0)
            z = jnp.maximum(jnp.dot(z, w1[...],
                                    preferred_element_type=_f32) + b1r[...], 0.0)
            z_ref[...] = jnp.dot(z, w2[...],
                                 preferred_element_type=_f32) + b2r[...]

    return pl.pallas_call(
        body,
        grid=(_GRID,),
        in_specs=[
            pl.BlockSpec((_BN, _H), lambda i: (i, 0)),
            pl.BlockSpec((_BN, 1), lambda i: (i, 0)),
            pl.BlockSpec((_H, _H // 2), lambda i: (0, 0)),
            pl.BlockSpec((1, _H // 2), lambda i: (0, 0)),
            pl.BlockSpec((_H // 2, _H // 4), lambda i: (0, 0)),
            pl.BlockSpec((1, _H // 4), lambda i: (0, 0)),
            pl.BlockSpec((_H // 4, 1), lambda i: (0, 0)),
            pl.BlockSpec((1, 1), lambda i: (0, 0)),
        ],
        out_specs=pl.BlockSpec((_NG, 1), lambda i: (0, 0)),
        out_shape=jax.ShapeDtypeStruct((_NG, 1), _f32),
        scratch_shapes=[pltpu.VMEM((_NG, _H), _f32),
                        pltpu.VMEM((_NG, 1), _f32)],
        compiler_params=pltpu.CompilerParams(
            dimension_semantics=("arbitrary",)),
    )(x, gid, W0, b0, W1, b1, W2, b2)


def kernel(h, edge_index, e, graph_ids, atom_emb, Ws, bs, gammas, betas,
           mlp_W0, mlp_b0, mlp_W1, mlp_b1, mlp_W2, mlp_b2):
    del e

    flat_table = atom_emb.reshape(_NF * 119, _H)
    enc_src = (h.astype(_i32) + 119 * jnp.arange(_NF, dtype=_i32)).reshape(-1)
    enc_dst = jnp.broadcast_to(jnp.arange(_N, dtype=_i32)[:, None],
                               (_N, _NF)).reshape(-1)
    enc_src3, enc_dst3 = _pad_edges(enc_src, enc_dst, _CE_E, 0)
    order = jnp.argsort(edge_index[1], stable=True)
    src3, dst3 = _pad_edges(edge_index[0][order], edge_index[1][order],
                            _CE_L, _DUMMY)

    gid = jnp.concatenate([graph_ids.astype(_i32),
                           jnp.full((_NP - _N,), -1, _i32)]).reshape(_NP, 1)
    b0 = mlp_b0.reshape(1, -1)
    b1 = mlp_b1.reshape(1, -1)
    b2 = mlp_b2.reshape(1, 1)

    sc_encode = _make_sc_scatter(_CE_E)
    sc_layer = _make_sc_scatter(_CE_L)
    sc_deg = _make_sc_degrees()

    xp = sc_encode(flat_table, enc_src3, enc_dst3)
    degp = sc_deg(src3, dst3)
    norms_lm = _tc_norms(degp.reshape(_NW, 2 * _NP // 128, 128))
    x, xn, ns, nd = _tc_pass0(xp, norms_lm)

    for l in range(_L):
        aggp = sc_layer(xn, src3, dst3)
        y, stats = _tc_layer_pass1(aggp, nd, Ws[l], bs[l].reshape(1, _H))
        x, xn = _tc_layer_pass2(y, stats, gammas[l].reshape(1, _H),
                                betas[l].reshape(1, _H), x, ns)

    return _tc_readout(x, gid, mlp_W0, b0, mlp_W1, b1, mlp_W2, b2)

# --- scband reference (transcript-rebuilt; emitter-appended) ---
"""Pipeline reference for scband-gcnnet-73993696575804 (READ-ONLY COPY).

The authoritative reference and input builder live on the scoring server;
editing this copy changes nothing except your own understanding.
"""

import jax, jax.numpy as jnp
import numpy as np

N = 10000
E = 320000
H = 128
L = 4
NF = 9
NG = 128


def setup_inputs(seed: int = 0) -> dict:
    key = jax.random.key(seed)
    ks = jax.random.split(key, 12)
    h = jax.random.randint(ks[0], (N, NF), 0, 100)
    edge_index = jax.random.randint(ks[1], (2, E), 0, N)
    e = jax.random.randint(ks[2], (E, 3), 0, 4)
    graph_ids = jnp.sort(jax.random.randint(ks[3], (N,), 0, NG))
    atom_emb = jax.random.normal(ks[4], (NF, 119, H), dtype=jnp.float32) * 0.1
    Ws = jax.random.normal(ks[5], (L, H, H), dtype=jnp.float32) * (1.0 / np.sqrt(H))
    bs = jnp.zeros((L, H), dtype=jnp.float32)
    gammas = jnp.ones((L, H), dtype=jnp.float32)
    betas = jnp.zeros((L, H), dtype=jnp.float32)
    mlp_W0 = jax.random.normal(ks[6], (H, H // 2), dtype=jnp.float32) * (1.0 / np.sqrt(H))
    mlp_b0 = jnp.zeros((H // 2,), dtype=jnp.float32)
    mlp_W1 = jax.random.normal(ks[7], (H // 2, H // 4), dtype=jnp.float32) * (1.0 / np.sqrt(H // 2))
    mlp_b1 = jnp.zeros((H // 4,), dtype=jnp.float32)
    mlp_W2 = jax.random.normal(ks[8], (H // 4, 1), dtype=jnp.float32) * (1.0 / np.sqrt(H // 4))
    mlp_b2 = jnp.zeros((1,), dtype=jnp.float32)
    return {"h": h, "edge_index": edge_index, "e": e, "graph_ids": graph_ids,
            "atom_emb": atom_emb, "Ws": Ws, "bs": bs, "gammas": gammas, "betas": betas,
            "mlp_W0": mlp_W0, "mlp_b0": mlp_b0, "mlp_W1": mlp_W1, "mlp_b1": mlp_b1,
            "mlp_W2": mlp_W2, "mlp_b2": mlp_b2}


def reference(h, edge_index, e, graph_ids, atom_emb, Ws, bs, gammas, betas,
              mlp_W0, mlp_b0, mlp_W1, mlp_b1, mlp_W2, mlp_b2):
    # AtomEncoder: sum of per-feature embedding lookups (gather-heavy)
    x = jnp.zeros((N, H), dtype=jnp.float32)
    for f in range(NF):
        x = x + atom_emb[f][h[:, f]]
    # (in_feat_dropout p=0.0 -> identity; eval mode)
    src = edge_index[0]
    dst = edge_index[1]
    ones = jnp.ones((E,), dtype=jnp.float32)
    deg_out = jax.ops.segment_sum(ones, src, num_segments=N)
    deg_in = jax.ops.segment_sum(ones, dst, num_segments=N)
    norm_src = 1.0 / jnp.sqrt(jnp.clip(deg_out, 1.0))
    norm_dst = 1.0 / jnp.sqrt(jnp.clip(deg_in, 1.0))
    for l in range(L):
        h_in = x
        # GraphConv with symmetric (both) normalization: gather -> segment_sum scatter
        m = x[src] * norm_src[src][:, None]
        agg = jax.ops.segment_sum(m, dst, num_segments=N)
        agg = agg * norm_dst[:, None]
        y = agg @ Ws[l] + bs[l]
        # BatchNorm1d over node dimension
        mean = jnp.mean(y, axis=0)
        var = jnp.var(y, axis=0)
        y = gammas[l] * (y - mean) / jnp.sqrt(var + 1e-5) + betas[l]
        y = jax.nn.relu(y)
        y = h_in + y  # residual (in_dim == out_dim for all layers)
        # dropout p=0.0 -> identity
        x = y
    # mean readout per graph (segment mean)
    counts = jax.ops.segment_sum(jnp.ones((N,), dtype=jnp.float32), graph_ids, num_segments=NG)
    hg = jax.ops.segment_sum(x, graph_ids, num_segments=NG) / jnp.clip(counts, 1.0)[:, None]
    # MLPReadout (L=2): 128 -> 64 -> 32 -> 1 with ReLU
    z = jax.nn.relu(hg @ mlp_W0 + mlp_b0)
    z = jax.nn.relu(z @ mlp_W1 + mlp_b1)
    z = z @ mlp_W2 + mlp_b2
    return z

if __name__ == "__main__":
    import jax
    _d = setup_inputs()
    print(jax.jit(kernel)(*tuple(_d.values())))

</pallas_src>

<mosaic_0001>
#map = affine_map<(d0, d1) -> (0, 0, 0)>
#map1 = affine_map<(d0, d1) -> (0, 0)>
module attributes {stable_mosaic.version = 14 : i64} {
  func.func @sc_deg(%arg0: i32, %arg1: i32, %arg2: memref<32x79x128xi32, #tpu.memory_space<hbm>>, %arg3: memref<32x79x128xi32, #tpu.memory_space<hbm>>, %arg4: memref<32x20480xf32, #tpu.memory_space<hbm>>, %arg5: memref<79x128xi32, #tpu.memory_space<vmem>>, %arg6: memref<79x128xi32, #tpu.memory_space<vmem>>, %arg7: memref<20480xf32, #tpu.memory_space<vmem>>) attributes {dimension_semantics = [#tpu.dimension_semantics<core_parallel>, #tpu.dimension_semantics<subcore_parallel>], iteration_bounds = array<i64: 2, 16>, scalar_prefetch = 0 : i64, scratch_operands = 3 : i64, tpu.core_type = #tpu.core_type<sc_vector_subcore>, window_params = [{transform_indices = #map}, {transform_indices = #map}, {transform_indices = #map1}]} {
    %mul3A = arith.constant 16 : i32
    %mul3A_0 = arith.muli %arg0, %mul3A : i32
    %add3A = arith.addi %mul3A_0, %arg1 : i32
    %scan3A = arith.constant 0 : i32
    %scan3A_1 = arith.constant 0 : i32
    %scan3A_2 = arith.constant 1280 : i32
    %scan3A_3 = arith.addi %scan3A_1, %scan3A_2 : i32
    %scan3A_4 = arith.constant 1 : i32
    %scan3A_5 = scf.for %scan3A_15 = %scan3A_1 to %scan3A_3 step %scan3A_4 iter_args(%scan3A_16 = %scan3A) -> (i32)  : i32 {
      %broadcast_in_dim3A_17 = arith.constant 0.000000e+00 : f32
      %broadcast_in_dim3A_18 = vector.broadcast %broadcast_in_dim3A_17 : f32 to vector<16xf32>
      %mul3A_19 = arith.constant 16 : i32
      %mul3A_20 = arith.muli %scan3A_15, %mul3A_19 : i32
      %swap3A = arith.index_cast %mul3A_20 : i32 to index
      %swap3A_21 = tpu.vector_load %arg7[%swap3A] {strides = array<i32>} : memref<20480xf32, #tpu.memory_space<vmem>>, vector<16xf32>,
      tpu.vector_store %arg7[%swap3A], %broadcast_in_dim3A_18 {strides = array<i32>} : memref<20480xf32, #tpu.memory_space<vmem>>, vector<16xf32>,
      %scan3A_22 = arith.constant 0 : i32
      scf.yield %scan3A_22 : i32
    }
    %scan3A_6 = arith.constant 1280 : i32
    "tpu.region"() ({
      %run_scoped3A = tpu.sem_alloc : memref<!tpu.dma_semaphore, #tpu.memory_space<semaphore_mem>>
      %dma_start3A = arith.constant 0 : i32
      %dma_start3A_15 = arith.constant 0 : i32
      %dma_start3A_16 = tpu.memref_slice %arg2[%add3A, %dma_start3A, %dma_start3A_15] : memref<32x79x128xi32, #tpu.memory_space<hbm>> -> memref<1x79x128xi32, #tpu.memory_space<hbm>>
      %dma_start3A_17 = tpu.memref_squeeze %dma_start3A_16 : memref<1x79x128xi32, #tpu.memory_space<hbm>> -> memref<79x128xi32, #tpu.memory_space<hbm>>
      %dma_start3A_18 = arith.constant 0 : i32
      %dma_start3A_19 = arith.constant 0 : i32
      %dma_start3A_20 = tpu.memref_slice %arg2[%add3A, %dma_start3A_18, %dma_start3A_19] : memref<32x79x128xi32, #tpu.memory_space<hbm>> -> memref<1x79x128xi32, #tpu.memory_space<hbm>>
      %dma_start3A_21 = tpu.memref_squeeze %dma_start3A_20 : memref<1x79x128xi32, #tpu.memory_space<hbm>> -> memref<79x128xi32, #tpu.memory_space<hbm>>
      tpu.enqueue_dma source(%dma_start3A_21 : memref<79x128xi32, #tpu.memory_space<hbm>>) target(%arg5 : memref<79x128xi32, #tpu.memory_space<vmem>>) target_semaphore(%run_scoped3A : memref<!tpu.dma_semaphore, #tpu.memory_space<semaphore_mem>>)
      %dma_wait3A = arith.constant 0 : i32
      %dma_wait3A_22 = arith.constant 0 : i32
      %dma_wait3A_23 = tpu.memref_slice %arg2[%add3A, %dma_wait3A, %dma_wait3A_22] : memref<32x79x128xi32, #tpu.memory_space<hbm>> -> memref<1x79x128xi32, #tpu.memory_space<hbm>>
      %dma_wait3A_24 = tpu.memref_squeeze %dma_wait3A_23 : memref<1x79x128xi32, #tpu.memory_space<hbm>> -> memref<79x128xi32, #tpu.memory_space<hbm>>
      %dma_wait3A_25 = arith.constant 0 : i32
      %dma_wait3A_26 = arith.constant 0 : i32
      %dma_wait3A_27 = tpu.memref_slice %arg2[%add3A, %dma_wait3A_25, %dma_wait3A_26] : memref<32x79x128xi32, #tpu.memory_space<hbm>> -> memref<1x79x128xi32, #tpu.memory_space<hbm>>
      %dma_wait3A_28 = tpu.memref_squeeze %dma_wait3A_27 : memref<1x79x128xi32, #tpu.memory_space<hbm>> -> memref<79x128xi32, #tpu.memory_space<hbm>>
      tpu.wait_dma2 semaphore(%run_scoped3A : memref<!tpu.dma_semaphore, #tpu.memory_space<semaphore_mem>>) src(%dma_wait3A_28 : memref<79x128xi32, #tpu.memory_space<hbm>>) dst(%arg5 : memref<79x128xi32, #tpu.memory_space<vmem>>)
      tpu.yield
    }) : () -> ()
    "tpu.region"() ({
      %run_scoped3A = tpu.sem_alloc : memref<!tpu.dma_semaphore, #tpu.memory_space<semaphore_mem>>
      %dma_start3A = arith.constant 0 : i32
      %dma_start3A_15 = arith.constant 0 : i32
      %dma_start3A_16 = tpu.memref_slice %arg3[%add3A, %dma_start3A, %dma_start3A_15] : memref<32x79x128xi32, #tpu.memory_space<hbm>> -> memref<1x79x128xi32, #tpu.memory_space<hbm>>
      %dma_start3A_17 = tpu.memref_squeeze %dma_start3A_16 : memref<1x79x128xi32, #tpu.memory_space<hbm>> -> memref<79x128xi32, #tpu.memory_space<hbm>>
      %dma_start3A_18 = arith.constant 0 : i32
      %dma_start3A_19 = arith.constant 0 : i32
      %dma_start3A_20 = tpu.memref_slice %arg3[%add3A, %dma_start3A_18, %dma_start3A_19] : memref<32x79x128xi32, #tpu.memory_space<hbm>> -> memref<1x79x128xi32, #tpu.memory_space<hbm>>
      %dma_start3A_21 = tpu.memref_squeeze %dma_start3A_20 : memref<1x79x128xi32, #tpu.memory_space<hbm>> -> memref<79x128xi32, #tpu.memory_space<hbm>>
      tpu.enqueue_dma source(%dma_start3A_21 : memref<79x128xi32, #tpu.memory_space<hbm>>) target(%arg6 : memref<79x128xi32, #tpu.memory_space<vmem>>) target_semaphore(%run_scoped3A : memref<!tpu.dma_semaphore, #tpu.memory_space<semaphore_mem>>)
      %dma_wait3A = arith.constant 0 : i32
      %dma_wait3A_22 = arith.constant 0 : i32
      %dma_wait3A_23 = tpu.memref_slice %arg3[%add3A, %dma_wait3A, %dma_wait3A_22] : memref<32x79x128xi32, #tpu.memory_space<hbm>> -> memref<1x79x128xi32, #tpu.memory_space<hbm>>
      %dma_wait3A_24 = tpu.memref_squeeze %dma_wait3A_23 : memref<1x79x128xi32, #tpu.memory_space<hbm>> -> memref<79x128xi32, #tpu.memory_space<hbm>>
      %dma_wait3A_25 = arith.constant 0 : i32
      %dma_wait3A_26 = arith.constant 0 : i32
      %dma_wait3A_27 = tpu.memref_slice %arg3[%add3A, %dma_wait3A_25, %dma_wait3A_26] : memref<32x79x128xi32, #tpu.memory_space<hbm>> -> memref<1x79x128xi32, #tpu.memory_space<hbm>>
      %dma_wait3A_28 = tpu.memref_squeeze %dma_wait3A_27 : memref<1x79x128xi32, #tpu.memory_space<hbm>> -> memref<79x128xi32, #tpu.memory_space<hbm>>
      tpu.wait_dma2 semaphore(%run_scoped3A : memref<!tpu.dma_semaphore, #tpu.memory_space<semaphore_mem>>) src(%dma_wait3A_28 : memref<79x128xi32, #tpu.memory_space<hbm>>) dst(%arg6 : memref<79x128xi32, #tpu.memory_space<vmem>>)
      tpu.yield
    }) : () -> ()
    %broadcast_in_dim3A = arith.constant 1.000000e+00 : f32
    %broadcast_in_dim3A_7 = vector.broadcast %broadcast_in_dim3A : f32 to vector<16xf32>
    %scan3A_8 = arith.constant 0 : i32
    %scan3A_9 = arith.constant 0 : i32
    %scan3A_10 = arith.constant 79 : i32
    %scan3A_11 = arith.addi %scan3A_9, %scan3A_10 : i32
    %scan3A_12 = arith.constant 1 : i32
    %scan3A_13 = scf.for %scan3A_15 = %scan3A_9 to %scan3A_11 step %scan3A_12 iter_args(%scan3A_16 = %scan3A_8) -> (i32)  : i32 {
      %get3A = arith.index_cast %scan3A_15 : i32 to index
      %get3A_17 = arith.constant 0 : index
      %get3A_18 = tpu.vector_load %arg5[%get3A, %get3A_17] {strides = array<i32>} : memref<79x128xi32, #tpu.memory_space<vmem>>, vector<16xi32>,
      tpu.vector_store_idx %arg7[%get3A_18], %broadcast_in_dim3A_7 {add = true} : memref<20480xf32, #tpu.memory_space<vmem>>[vector<16xi32>], vector<16xf32>,
      %get3A_19 = arith.index_cast %scan3A_15 : i32 to index
      %get3A_20 = arith.constant 0 : index
      %get3A_21 = tpu.vector_load %arg6[%get3A_19, %get3A_20] {strides = array<i32>} : memref<79x128xi32, #tpu.memory_space<vmem>>, vector<16xi32>,
      %add3A_22 = arith.constant 10240 : i32
      %add3A_23 = vector.broadcast %add3A_22 : i32 to vector<16xi32>
      %add3A_24 = arith.addi %get3A_21, %add3A_23 : vector<16xi32>
      tpu.vector_store_idx %arg7[%add3A_24], %broadcast_in_dim3A_7 {add = true} : memref<20480xf32, #tpu.memory_space<vmem>>[vector<16xi32>], vector<16xf32>,
      %get3A_25 = arith.index_cast %scan3A_15 : i32 to index
      %get3A_26 = arith.constant 16 : index
      %get3A_27 = tpu.vector_load %arg5[%get3A_25, %get3A_26] {strides = array<i32>} : memref<79x128xi32, #tpu.memory_space<vmem>>, vector<16xi32>,
      tpu.vector_store_idx %arg7[%get3A_27], %broadcast_in_dim3A_7 {add = true} : memref<20480xf32, #tpu.memory_space<vmem>>[vector<16xi32>], vector<16xf32>,
      %get3A_28 = arith.index_cast %scan3A_15 : i32 to index
      %get3A_29 = arith.constant 16 : index
      %get3A_30 = tpu.vector_load %arg6[%get3A_28, %get3A_29] {strides = array<i32>} : memref<79x128xi32, #tpu.memory_space<vmem>>, vector<16xi32>,
      %add3A_31 = arith.constant 10240 : i32
      %add3A_32 = vector.broadcast %add3A_31 : i32 to vector<16xi32>
      %add3A_33 = arith.addi %get3A_30, %add3A_32 : vector<16xi32>
      tpu.vector_store_idx %arg7[%add3A_33], %broadcast_in_dim3A_7 {add = true} : memref<20480xf32, #tpu.memory_space<vmem>>[vector<16xi32>], vector<16xf32>,
      %get3A_34 = arith.index_cast %scan3A_15 : i32 to index
      %get3A_35 = arith.constant 32 : index
      %get3A_36 = tpu.vector_load %arg5[%get3A_34, %get3A_35] {strides = array<i32>} : memref<79x128xi32, #tpu.memory_space<vmem>>, vector<16xi32>,
      tpu.vector_store_idx %arg7[%get3A_36], %broadcast_in_dim3A_7 {add = true} : memref<20480xf32, #tpu.memory_space<vmem>>[vector<16xi32>], vector<16xf32>,
      %get3A_37 = arith.index_cast %scan3A_15 : i32 to index
      %get3A_38 = arith.constant 32 : index
      %get3A_39 = tpu.vector_load %arg6[%get3A_37, %get3A_38] {strides = array<i32>} : memref<79x128xi32, #tpu.memory_space<vmem>>, vector<16xi32>,
      %add3A_40 = arith.constant 10240 : i32
      %add3A_41 = vector.broadcast %add3A_40 : i32 to vector<16xi32>
      %add3A_42 = arith.addi %get3A_39, %add3A_41 : vector<16xi32>
      tpu.vector_store_idx %arg7[%add3A_42], %broadcast_in_dim3A_7 {add = true} : memref<20480xf32, #tpu.memory_space<vmem>>[vector<16xi32>], vector<16xf32>,
      %get3A_43 = arith.index_cast %scan3A_15 : i32 to index
      %get3A_44 = arith.constant 48 : index
      %get3A_45 = tpu.vector_load %arg5[%get3A_43, %get3A_44] {strides = array<i32>} : memref<79x128xi32, #tpu.memory_space<vmem>>, vector<16xi32>,
      tpu.vector_store_idx %arg7[%get3A_45], %broadcast_in_dim3A_7 {add = true} : memref<20480xf32, #tpu.memory_space<vmem>>[vector<16xi32>], vector<16xf32>,
      %get3A_46 = arith.index_cast %scan3A_15 : i32 to index
      %get3A_47 = arith.constant 48 : index
      %get3A_48 = tpu.vector_load %arg6[%get3A_46, %get3A_47] {strides = array<i32>} : memref<79x128xi32, #tpu.memory_space<vmem>>, vector<16xi32>,
      %add3A_49 = arith.constant 10240 : i32
      %add3A_50 = vector.broadcast %add3A_49 : i32 to vector<16xi32>
      %add3A_51 = arith.addi %get3A_48, %add3A_50 : vector<16xi32>
      tpu.vector_store_idx %arg7[%add3A_51], %broadcast_in_dim3A_7 {add = true} : memref<20480xf32, #tpu.memory_space<vmem>>[vector<16xi32>], vector<16xf32>,
      %get3A_52 = arith.index_cast %scan3A_15 : i32 to index
      %get3A_53 = arith.constant 64 : index
      %get3A_54 = tpu.vector_load %arg5[%get3A_52, %get3A_53] {strides = array<i32>} : memref<79x128xi32, #tpu.memory_space<vmem>>, vector<16xi32>,
      tpu.vector_store_idx %arg7[%get3A_54], %broadcast_in_dim3A_7 {add = true} : memref<20480xf32, #tpu.memory_space<vmem>>[vector<16xi32>], vector<16xf32>,
      %get3A_55 = arith.index_cast %scan3A_15 : i32 to index
      %get3A_56 = arith.constant 64 : index
      %get3A_57 = tpu.vector_load %arg6[%get3A_55, %get3A_56] {strides = array<i32>} : memref<79x128xi32, #tpu.memory_space<vmem>>, vector<16xi32>,
      %add3A_58 = arith.constant 10240 : i32
      %add3A_59 = vector.broadcast %add3A_58 : i32 to vector<16xi32>
      %add3A_60 = arith.addi %get3A_57, %add3A_59 : vector<16xi32>
      tpu.vector_store_idx %arg7[%add3A_60], %broadcast_in_dim3A_7 {add = true} : memref<20480xf32, #tpu.memory_space<vmem>>[vector<16xi32>], vector<16xf32>,
      %get3A_61 = arith.index_cast %scan3A_15 : i32 to index
      %get3A_62 = arith.constant 80 : index
      %get3A_63 = tpu.vector_load %arg5[%get3A_61, %get3A_62] {strides = array<i32>} : memref<79x128xi32, #tpu.memory_space<vmem>>, vector<16xi32>,
      tpu.vector_store_idx %arg7[%get3A_63], %broadcast_in_dim3A_7 {add = true} : memref<20480xf32, #tpu.memory_space<vmem>>[vector<16xi32>], vector<16xf32>,
      %get3A_64 = arith.index_cast %scan3A_15 : i32 to index
      %get3A_65 = arith.constant 80 : index
      %get3A_66 = tpu.vector_load %arg6[%get3A_64, %get3A_65] {strides = array<i32>} : memref<79x128xi32, #tpu.memory_space<vmem>>, vector<16xi32>,
      %add3A_67 = arith.constant 10240 : i32
      %add3A_68 = vector.broadcast %add3A_67 : i32 to vector<16xi32>
      %add3A_69 = arith.addi %get3A_66, %add3A_68 : vector<16xi32>
      tpu.vector_store_idx %arg7[%add3A_69], %broadcast_in_dim3A_7 {add = true} : memref<20480xf32, #tpu.memory_space<vmem>>[vector<16xi32>], vector<16xf32>,
      %get3A_70 = arith.index_cast %scan3A_15 : i32 to index
      %get3A_71 = arith.constant 96 : index
      %get3A_72 = tpu.vector_load %arg5[%get3A_70, %get3A_71] {strides = array<i32>} : memref<79x128xi32, #tpu.memory_space<vmem>>, vector<16xi32>,
      tpu.vector_store_idx %arg7[%get3A_72], %broadcast_in_dim3A_7 {add = true} : memref<20480xf32, #tpu.memory_space<vmem>>[vector<16xi32>], vector<16xf32>,
      %get3A_73 = arith.index_cast %scan3A_15 : i32 to index
      %get3A_74 = arith.constant 96 : index
      %get3A_75 = tpu.vector_load %arg6[%get3A_73, %get3A_74] {strides = array<i32>} : memref<79x128xi32, #tpu.memory_space<vmem>>, vector<16xi32>,
      %add3A_76 = arith.constant 10240 : i32
      %add3A_77 = vector.broadcast %add3A_76 : i32 to vector<16xi32>
      %add3A_78 = arith.addi %get3A_75, %add3A_77 : vector<16xi32>
      tpu.vector_store_idx %arg7[%add3A_78], %broadcast_in_dim3A_7 {add = true} : memref<20480xf32, #tpu.memory_space<vmem>>[vector<16xi32>], vector<16xf32>,
      %get3A_79 = arith.index_cast %scan3A_15 : i32 to index
      %get3A_80 = arith.constant 112 : index
      %get3A_81 = tpu.vector_load %arg5[%get3A_79, %get3A_80] {strides = array<i32>} : memref<79x128xi32, #tpu.memory_space<vmem>>, vector<16xi32>,
      tpu.vector_store_idx %arg7[%get3A_81], %broadcast_in_dim3A_7 {add = true} : memref<20480xf32, #tpu.memory_space<vmem>>[vector<16xi32>], vector<16xf32>,
      %get3A_82 = arith.index_cast %scan3A_15 : i32 to index
      %get3A_83 = arith.constant 112 : index
      %get3A_84 = tpu.vector_load %arg6[%get3A_82, %get3A_83] {strides = array<i32>} : memref<79x128xi32, #tpu.memory_space<vmem>>, vector<16xi32>,
      %add3A_85 = arith.constant 10240 : i32
      %add3A_86 = vector.broadcast %add3A_85 : i32 to vector<16xi32>
      %add3A_87 = arith.addi %get3A_84, %add3A_86 : vector<16xi32>
      tpu.vector_store_idx %arg7[%add3A_87], %broadcast_in_dim3A_7 {add = true} : memref<20480xf32, #tpu.memory_space<vmem>>[vector<16xi32>], vector<16xf32>,
      %scan3A_88 = arith.constant 0 : i32
      scf.yield %scan3A_88 : i32
    }
    %scan3A_14 = arith.constant 79 : i32
    "tpu.region"() ({
      %run_scoped3A = tpu.sem_alloc : memref<!tpu.dma_semaphore, #tpu.memory_space<semaphore_mem>>
      %dma_start3A = arith.constant 0 : i32
      %dma_start3A_15 = tpu.memref_slice %arg4[%add3A, %dma_start3A] : memref<32x20480xf32, #tpu.memory_space<hbm>> -> memref<1x20480xf32, #tpu.memory_space<hbm>>
      %dma_start3A_16 = tpu.memref_squeeze %dma_start3A_15 : memref<1x20480xf32, #tpu.memory_space<hbm>> -> memref<20480xf32, #tpu.memory_space<hbm>>
      %dma_start3A_17 = arith.constant 0 : i32
      %dma_start3A_18 = tpu.memref_slice %arg4[%add3A, %dma_start3A_17] : memref<32x20480xf32, #tpu.memory_space<hbm>> -> memref<1x20480xf32, #tpu.memory_space<hbm>>
      %dma_start3A_19 = tpu.memref_squeeze %dma_start3A_18 : memref<1x20480xf32, #tpu.memory_space<hbm>> -> memref<20480xf32, #tpu.memory_space<hbm>>
      tpu.enqueue_dma source(%arg7 : memref<20480xf32, #tpu.memory_space<vmem>>) target(%dma_start3A_19 : memref<20480xf32, #tpu.memory_space<hbm>>) target_semaphore(%run_scoped3A : memref<!tpu.dma_semaphore, #tpu.memory_space<semaphore_mem>>)
      %dma_wait3A = arith.constant 0 : i32
      %dma_wait3A_20 = tpu.memref_slice %arg4[%add3A, %dma_wait3A] : memref<32x20480xf32, #tpu.memory_space<hbm>> -> memref<1x20480xf32, #tpu.memory_space<hbm>>
      %dma_wait3A_21 = tpu.memref_squeeze %dma_wait3A_20 : memref<1x20480xf32, #tpu.memory_space<hbm>> -> memref<20480xf32, #tpu.memory_space<hbm>>
      %dma_wait3A_22 = arith.constant 0 : i32
      %dma_wait3A_23 = tpu.memref_slice %arg4[%add3A, %dma_wait3A_22] : memref<32x20480xf32, #tpu.memory_space<hbm>> -> memref<1x20480xf32, #tpu.memory_space<hbm>>
      %dma_wait3A_24 = tpu.memref_squeeze %dma_wait3A_23 : memref<1x20480xf32, #tpu.memory_space<hbm>> -> memref<20480xf32, #tpu.memory_space<hbm>>
      tpu.wait_dma2 semaphore(%run_scoped3A : memref<!tpu.dma_semaphore, #tpu.memory_space<semaphore_mem>>) src(%arg7 : memref<20480xf32, #tpu.memory_space<vmem>>) dst(%dma_wait3A_24 : memref<20480xf32, #tpu.memory_space<hbm>>)
      tpu.yield
    }) : () -> ()
    return
  }
}

#map = affine_map<(d0, d1) -> (0, 0)>
#map1 = affine_map<(d0, d1) -> (0, 0, 0)>
module attributes {stable_mosaic.version = 14 : i64} {
  func.func @sc_scatter(%arg0: i32, %arg1: i32, %arg2: memref<1071x128xf32, #tpu.memory_space<hbm>>, %arg3: memref<32x23x128xi32, #tpu.memory_space<hbm>>, %arg4: memref<32x23x128xi32, #tpu.memory_space<hbm>>, %arg5: memref<2x10240x128xf32, #tpu.memory_space<hbm>>, %arg6: memref<23x128xi32, #tpu.memory_space<vmem>>, %arg7: memref<23x128xi32, #tpu.memory_space<vmem>>, %arg8: memref<128x128xf32, #tpu.memory_space<vmem>>, %arg9: memref<10240x128xf32, #tpu.memory_space<vmem_shared>>, %arg10: memref<!tpu.dma_semaphore, #tpu.memory_space<semaphore_mem>>) attributes {dimension_semantics = [#tpu.dimension_semantics<core_parallel>, #tpu.dimension_semantics<subcore_parallel>], iteration_bounds = array<i64: 2, 16>, scalar_prefetch = 0 : i64, scratch_operands = 5 : i64, tpu.core_type = #tpu.core_type<sc_vector_subcore>, window_params = [{transform_indices = #map}, {transform_indices = #map1}, {transform_indices = #map1}, {transform_indices = #map1}]} {
    %mul3A = arith.constant 16 : i32
    %mul3A_0 = arith.muli %arg0, %mul3A : i32
    %add3A = arith.addi %mul3A_0, %arg1 : i32
    %scan3A = arith.constant 0 : i32
    %scan3A_1 = arith.constant 0 : i32
    %scan3A_2 = arith.constant 128 : i32
    %scan3A_3 = arith.addi %scan3A_1, %scan3A_2 : i32
    %scan3A_4 = arith.constant 1 : i32
    %scan3A_5 = scf.for %scan3A_39 = %scan3A_1 to %scan3A_3 step %scan3A_4 iter_args(%scan3A_40 = %scan3A) -> (i32)  : i32 {
      %broadcast_in_dim3A = arith.constant 0.000000e+00 : f32
      %broadcast_in_dim3A_41 = vector.broadcast %broadcast_in_dim3A : f32 to vector<16xf32>
      %swap3A = arith.index_cast %scan3A_39 : i32 to index
      %swap3A_42 = arith.constant 0 : index
      %swap3A_43 = tpu.vector_load %arg8[%swap3A, %swap3A_42] {strides = array<i32>} : memref<128x128xf32, #tpu.memory_space<vmem>>, vector<1x16xf32>,
      %swap3A_44 = vector.shape_cast %swap3A_43 : vector<1x16xf32> to vector<16xf32>
      %swap3A_45 = vector.shape_cast %broadcast_in_dim3A_41 : vector<16xf32> to vector<1x16xf32>
      tpu.vector_store %arg8[%swap3A, %swap3A_42], %swap3A_45 {strides = array<i32>} : memref<128x128xf32, #tpu.memory_space<vmem>>, vector<1x16xf32>,
      %broadcast_in_dim3A_46 = arith.constant 0.000000e+00 : f32
      %broadcast_in_dim3A_47 = vector.broadcast %broadcast_in_dim3A_46 : f32 to vector<16xf32>
      %swap3A_48 = arith.index_cast %scan3A_39 : i32 to index
      %swap3A_49 = arith.constant 16 : index
      %swap3A_50 = tpu.vector_load %arg8[%swap3A_48, %swap3A_49] {strides = array<i32>} : memref<128x128xf32, #tpu.memory_space<vmem>>, vector<1x16xf32>,
      %swap3A_51 = vector.shape_cast %swap3A_50 : vector<1x16xf32> to vector<16xf32>
      %swap3A_52 = vector.shape_cast %broadcast_in_dim3A_47 : vector<16xf32> to vector<1x16xf32>
      tpu.vector_store %arg8[%swap3A_48, %swap3A_49], %swap3A_52 {strides = array<i32>} : memref<128x128xf32, #tpu.memory_space<vmem>>, vector<1x16xf32>,
      %broadcast_in_dim3A_53 = arith.constant 0.000000e+00 : f32
      %broadcast_in_dim3A_54 = vector.broadcast %broadcast_in_dim3A_53 : f32 to vector<16xf32>
      %swap3A_55 = arith.index_cast %scan3A_39 : i32 to index
      %swap3A_56 = arith.constant 32 : index
      %swap3A_57 = tpu.vector_load %arg8[%swap3A_55, %swap3A_56] {strides = array<i32>} : memref<128x128xf32, #tpu.memory_space<vmem>>, vector<1x16xf32>,
      %swap3A_58 = vector.shape_cast %swap3A_57 : vector<1x16xf32> to vector<16xf32>
      %swap3A_59 = vector.shape_cast %broadcast_in_dim3A_54 : vector<16xf32> to vector<1x16xf32>
      tpu.vector_store %arg8[%swap3A_55, %swap3A_56], %swap3A_59 {strides = array<i32>} : memref<128x128xf32, #tpu.memory_space<vmem>>, vector<1x16xf32>,
      %broadcast_in_dim3A_60 = arith.constant 0.000000e+00 : f32
      %broadcast_in_dim3A_61 = vector.broadcast %broadcast_in_dim3A_60 : f32 to vector<16xf32>
      %swap3A_62 = arith.index_cast %scan3A_39 : i32 to index
      %swap3A_63 = arith.constant 48 : index
      %swap3A_64 = tpu.vector_load %arg8[%swap3A_62, %swap3A_63] {strides = array<i32>} : memref<128x128xf32, #tpu.memory_space<vmem>>, vector<1x16xf32>,
      %swap3A_65 = vector.shape_cast %swap3A_64 : vector<1x16xf32> to vector<16xf32>
      %swap3A_66 = vector.shape_cast %broadcast_in_dim3A_61 : vector<16xf32> to vector<1x16xf32>
      tpu.vector_store %arg8[%swap3A_62, %swap3A_63], %swap3A_66 {strides = array<i32>} : memref<128x128xf32, #tpu.memory_space<vmem>>, vector<1x16xf32>,
      %broadcast_in_dim3A_67 = arith.constant 0.000000e+00 : f32
      %broadcast_in_dim3A_68 = vector.broadcast %broadcast_in_dim3A_67 : f32 to vector<16xf32>
      %swap3A_69 = arith.index_cast %scan3A_39 : i32 to index
      %swap3A_70 = arith.constant 64 : index
      %swap3A_71 = tpu.vector_load %arg8[%swap3A_69, %swap3A_70] {strides = array<i32>} : memref<128x128xf32, #tpu.memory_space<vmem>>, vector<1x16xf32>,
      %swap3A_72 = vector.shape_cast %swap3A_71 : vector<1x16xf32> to vector<16xf32>
      %swap3A_73 = vector.shape_cast %broadcast_in_dim3A_68 : vector<16xf32> to vector<1x16xf32>
      tpu.vector_store %arg8[%swap3A_69, %swap3A_70], %swap3A_73 {strides = array<i32>} : memref<128x128xf32, #tpu.memory_space<vmem>>, vector<1x16xf32>,
      %broadcast_in_dim3A_74 = arith.constant 0.000000e+00 : f32
      %broadcast_in_dim3A_75 = vector.broadcast %broadcast_in_dim3A_74 : f32 to vector<16xf32>
      %swap3A_76 = arith.index_cast %scan3A_39 : i32 to index
      %swap3A_77 = arith.constant 80 : index
      %swap3A_78 = tpu.vector_load %arg8[%swap3A_76, %swap3A_77] {strides = array<i32>} : memref<128x128xf32, #tpu.memory_space<vmem>>, vector<1x16xf32>,
      %swap3A_79 = vector.shape_cast %swap3A_78 : vector<1x16xf32> to vector<16xf32>
      %swap3A_80 = vector.shape_cast %broadcast_in_dim3A_75 : vector<16xf32> to vector<1x16xf32>
      tpu.vector_store %arg8[%swap3A_76, %swap3A_77], %swap3A_80 {strides = array<i32>} : memref<128x128xf32, #tpu.memory_space<vmem>>, vector<1x16xf32>,
      %broadcast_in_dim3A_81 = arith.constant 0.000000e+00 : f32
      %broadcast_in_dim3A_82 = vector.broadcast %broadcast_in_dim3A_81 : f32 to vector<16xf32>
      %swap3A_83 = arith.index_cast %scan3A_39 : i32 to index
      %swap3A_84 = arith.constant 96 : index
      %swap3A_85 = tpu.vector_load %arg8[%swap3A_83, %swap3A_84] {strides = array<i32>} : memref<128x128xf32, #tpu.memory_space<vmem>>, vector<1x16xf32>,
      %swap3A_86 = vector.shape_cast %swap3A_85 : vector<1x16xf32> to vector<16xf32>
      %swap3A_87 = vector.shape_cast %broadcast_in_dim3A_82 : vector<16xf32> to vector<1x16xf32>
      tpu.vector_store %arg8[%swap3A_83, %swap3A_84], %swap3A_87 {strides = array<i32>} : memref<128x128xf32, #tpu.memory_space<vmem>>, vector<1x16xf32>,
      %broadcast_in_dim3A_88 = arith.constant 0.000000e+00 : f32
      %broadcast_in_dim3A_89 = vector.broadcast %broadcast_in_dim3A_88 : f32 to vector<16xf32>
      %swap3A_90 = arith.index_cast %scan3A_39 : i32 to index
      %swap3A_91 = arith.constant 112 : index
      %swap3A_92 = tpu.vector_load %arg8[%swap3A_90, %swap3A_91] {strides = array<i32>} : memref<128x128xf32, #tpu.memory_space<vmem>>, vector<1x16xf32>,
      %swap3A_93 = vector.shape_cast %swap3A_92 : vector<1x16xf32> to vector<16xf32>
      %swap3A_94 = vector.shape_cast %broadcast_in_dim3A_89 : vector<16xf32> to vector<1x16xf32>
      tpu.vector_store %arg8[%swap3A_90, %swap3A_91], %swap3A_94 {strides = array<i32>} : memref<128x128xf32, #tpu.memory_space<vmem>>, vector<1x16xf32>,
      %scan3A_95 = arith.constant 0 : i32
      scf.yield %scan3A_95 : i32
    }
    %scan3A_6 = arith.constant 128 : i32
    %mul3A_7 = arith.constant 640 : i32
    %mul3A_8 = arith.muli %arg1, %mul3A_7 : i32
    %add3A_9 = arith.constant 0 : i32
    %add3A_10 = arith.addi %mul3A_8, %add3A_9 : i32
    "tpu.region"() ({
      %run_scoped3A = tpu.sem_alloc : memref<!tpu.dma_semaphore, #tpu.memory_space<semaphore_mem>>
      %dma_start3A = arith.constant 0 : i32
      %dma_start3A_39 = tpu.memref_slice %arg9[%add3A_10, %dma_start3A] : memref<10240x128xf32, #tpu.memory_space<vmem_shared>> -> memref<128x128xf32, #tpu.memory_space<vmem_shared>>
      %dma_start3A_40 = arith.constant 0 : i32
      %dma_start3A_41 = tpu.memref_slice %arg9[%add3A_10, %dma_start3A_40] : memref<10240x128xf32, #tpu.memory_space<vmem_shared>> -> memref<128x128xf32, #tpu.memory_space<vmem_shared>>
      tpu.enqueue_dma source(%arg8 : memref<128x128xf32, #tpu.memory_space<vmem>>) target(%dma_start3A_41 : memref<128x128xf32, #tpu.memory_space<vmem_shared>>) target_semaphore(%run_scoped3A : memref<!tpu.dma_semaphore, #tpu.memory_space<semaphore_mem>>)
      %dma_wait3A = arith.constant 0 : i32
      %dma_wait3A_42 = tpu.memref_slice %arg9[%add3A_10, %dma_wait3A] : memref<10240x128xf32, #tpu.memory_space<vmem_shared>> -> memref<128x128xf32, #tpu.memory_space<vmem_shared>>
      %dma_wait3A_43 = arith.constant 0 : i32
      %dma_wait3A_44 = tpu.memref_slice %arg9[%add3A_10, %dma_wait3A_43] : memref<10240x128xf32, #tpu.memory_space<vmem_shared>> -> memref<128x128xf32, #tpu.memory_space<vmem_shared>>
      tpu.wait_dma2 semaphore(%run_scoped3A : memref<!tpu.dma_semaphore, #tpu.memory_space<semaphore_mem>>) src(%arg8 : memref<128x128xf32, #tpu.memory_space<vmem>>) dst(%dma_wait3A_44 : memref<128x128xf32, #tpu.memory_space<vmem_shared>>)
      tpu.yield
    }) : () -> ()
    %mul3A_11 = arith.constant 640 : i32
    %mul3A_12 = arith.muli %arg1, %mul3A_11 : i32
    %add3A_13 = arith.constant 128 : i32
    %add3A_14 = arith.addi %mul3A_12, %add3A_13 : i32
    "tpu.region"() ({
      %run_scoped3A = tpu.sem_alloc : memref<!tpu.dma_semaphore, #tpu.memory_space<semaphore_mem>>
      %dma_start3A = arith.constant 0 : i32
      %dma_start3A_39 = tpu.memref_slice %arg9[%add3A_14, %dma_start3A] : memref<10240x128xf32, #tpu.memory_space<vmem_shared>> -> memref<128x128xf32, #tpu.memory_space<vmem_shared>>
      %dma_start3A_40 = arith.constant 0 : i32
      %dma_start3A_41 = tpu.memref_slice %arg9[%add3A_14, %dma_start3A_40] : memref<10240x128xf32, #tpu.memory_space<vmem_shared>> -> memref<128x128xf32, #tpu.memory_space<vmem_shared>>
      tpu.enqueue_dma source(%arg8 : memref<128x128xf32, #tpu.memory_space<vmem>>) target(%dma_start3A_41 : memref<128x128xf32, #tpu.memory_space<vmem_shared>>) target_semaphore(%run_scoped3A : memref<!tpu.dma_semaphore, #tpu.memory_space<semaphore_mem>>)
      %dma_wait3A = arith.constant 0 : i32
      %dma_wait3A_42 = tpu.memref_slice %arg9[%add3A_14, %dma_wait3A] : memref<10240x128xf32, #tpu.memory_space<vmem_shared>> -> memref<128x128xf32, #tpu.memory_space<vmem_shared>>
      %dma_wait3A_43 = arith.constant 0 : i32
      %dma_wait3A_44 = tpu.memref_slice %arg9[%add3A_14, %dma_wait3A_43] : memref<10240x128xf32, #tpu.memory_space<vmem_shared>> -> memref<128x128xf32, #tpu.memory_space<vmem_shared>>
      tpu.wait_dma2 semaphore(%run_scoped3A : memref<!tpu.dma_semaphore, #tpu.memory_space<semaphore_mem>>) src(%arg8 : memref<128x128xf32, #tpu.memory_space<vmem>>) dst(%dma_wait3A_44 : memref<128x128xf32, #tpu.memory_space<vmem_shared>>)
      tpu.yield
    }) : () -> ()
    %mul3A_15 = arith.constant 640 : i32
    %mul3A_16 = arith.muli %arg1, %mul3A_15 : i32
    %add3A_17 = arith.constant 256 : i32
    %add3A_18 = arith.addi %mul3A_16, %add3A_17 : i32
    "tpu.region"() ({
      %run_scoped3A = tpu.sem_alloc : memref<!tpu.dma_semaphore, #tpu.memory_space<semaphore_mem>>
      %dma_start3A = arith.constant 0 : i32
      %dma_start3A_39 = tpu.memref_slice %arg9[%add3A_18, %dma_start3A] : memref<10240x128xf32, #tpu.memory_space<vmem_shared>> -> memref<128x128xf32, #tpu.memory_space<vmem_shared>>
      %dma_start3A_40 = arith.constant 0 : i32
      %dma_start3A_41 = tpu.memref_slice %arg9[%add3A_18, %dma_start3A_40] : memref<10240x128xf32, #tpu.memory_space<vmem_shared>> -> memref<128x128xf32, #tpu.memory_space<vmem_shared>>
      tpu.enqueue_dma source(%arg8 : memref<128x128xf32, #tpu.memory_space<vmem>>) target(%dma_start3A_41 : memref<128x128xf32, #tpu.memory_space<vmem_shared>>) target_semaphore(%run_scoped3A : memref<!tpu.dma_semaphore, #tpu.memory_space<semaphore_mem>>)
      %dma_wait3A = arith.constant 0 : i32
      %dma_wait3A_42 = tpu.memref_slice %arg9[%add3A_18, %dma_wait3A] : memref<10240x128xf32, #tpu.memory_space<vmem_shared>> -> memref<128x128xf32, #tpu.memory_space<vmem_shared>>
      %dma_wait3A_43 = arith.constant 0 : i32
      %dma_wait3A_44 = tpu.memref_slice %arg9[%add3A_18, %dma_wait3A_43] : memref<10240x128xf32, #tpu.memory_space<vmem_shared>> -> memref<128x128xf32, #tpu.memory_space<vmem_shared>>
      tpu.wait_dma2 semaphore(%run_scoped3A : memref<!tpu.dma_semaphore, #tpu.memory_space<semaphore_mem>>) src(%arg8 : memref<128x128xf32, #tpu.memory_space<vmem>>) dst(%dma_wait3A_44 : memref<128x128xf32, #tpu.memory_space<vmem_shared>>)
      tpu.yield
    }) : () -> ()
    %mul3A_19 = arith.constant 640 : i32
    %mul3A_20 = arith.muli %arg1, %mul3A_19 : i32
    %add3A_21 = arith.constant 384 : i32
    %add3A_22 = arith.addi %mul3A_20, %add3A_21 : i32
    "tpu.region"() ({
      %run_scoped3A = tpu.sem_alloc : memref<!tpu.dma_semaphore, #tpu.memory_space<semaphore_mem>>
      %dma_start3A = arith.constant 0 : i32
      %dma_start3A_39 = tpu.memref_slice %arg9[%add3A_22, %dma_start3A] : memref<10240x128xf32, #tpu.memory_space<vmem_shared>> -> memref<128x128xf32, #tpu.memory_space<vmem_shared>>
      %dma_start3A_40 = arith.constant 0 : i32
      %dma_start3A_41 = tpu.memref_slice %arg9[%add3A_22, %dma_start3A_40] : memref<10240x128xf32, #tpu.memory_space<vmem_shared>> -> memref<128x128xf32, #tpu.memory_space<vmem_shared>>
      tpu.enqueue_dma source(%arg8 : memref<128x128xf32, #tpu.memory_space<vmem>>) target(%dma_start3A_41 : memref<128x128xf32, #tpu.memory_space<vmem_shared>>) target_semaphore(%run_scoped3A : memref<!tpu.dma_semaphore, #tpu.memory_space<semaphore_mem>>)
      %dma_wait3A = arith.constant 0 : i32
      %dma_wait3A_42 = tpu.memref_slice %arg9[%add3A_22, %dma_wait3A] : memref<10240x128xf32, #tpu.memory_space<vmem_shared>> -> memref<128x128xf32, #tpu.memory_space<vmem_shared>>
      %dma_wait3A_43 = arith.constant 0 : i32
      %dma_wait3A_44 = tpu.memref_slice %arg9[%add3A_22, %dma_wait3A_43] : memref<10240x128xf32, #tpu.memory_space<vmem_shared>> -> memref<128x128xf32, #tpu.memory_space<vmem_shared>>
      tpu.wait_dma2 semaphore(%run_scoped3A : memref<!tpu.dma_semaphore, #tpu.memory_space<semaphore_mem>>) src(%arg8 : memref<128x128xf32, #tpu.memory_space<vmem>>) dst(%dma_wait3A_44 : memref<128x128xf32, #tpu.memory_space<vmem_shared>>)
      tpu.yield
    }) : () -> ()
    %mul3A_23 = arith.constant 640 : i32
    %mul3A_24 = arith.muli %arg1, %mul3A_23 : i32
    %add3A_25 = arith.constant 512 : i32
    %add3A_26 = arith.addi %mul3A_24, %add3A_25 : i32
    "tpu.region"() ({
      %run_scoped3A = tpu.sem_alloc : memref<!tpu.dma_semaphore, #tpu.memory_space<semaphore_mem>>
      %dma_start3A = arith.constant 0 : i32
      %dma_start3A_39 = tpu.memref_slice %arg9[%add3A_26, %dma_start3A] : memref<10240x128xf32, #tpu.memory_space<vmem_shared>> -> memref<128x128xf32, #tpu.memory_space<vmem_shared>>
      %dma_start3A_40 = arith.constant 0 : i32
      %dma_start3A_41 = tpu.memref_slice %arg9[%add3A_26, %dma_start3A_40] : memref<10240x128xf32, #tpu.memory_space<vmem_shared>> -> memref<128x128xf32, #tpu.memory_space<vmem_shared>>
      tpu.enqueue_dma source(%arg8 : memref<128x128xf32, #tpu.memory_space<vmem>>) target(%dma_start3A_41 : memref<128x128xf32, #tpu.memory_space<vmem_shared>>) target_semaphore(%run_scoped3A : memref<!tpu.dma_semaphore, #tpu.memory_space<semaphore_mem>>)
      %dma_wait3A = arith.constant 0 : i32
      %dma_wait3A_42 = tpu.memref_slice %arg9[%add3A_26, %dma_wait3A] : memref<10240x128xf32, #tpu.memory_space<vmem_shared>> -> memref<128x128xf32, #tpu.memory_space<vmem_shared>>
      %dma_wait3A_43 = arith.constant 0 : i32
      %dma_wait3A_44 = tpu.memref_slice %arg9[%add3A_26, %dma_wait3A_43] : memref<10240x128xf32, #tpu.memory_space<vmem_shared>> -> memref<128x128xf32, #tpu.memory_space<vmem_shared>>
      tpu.wait_dma2 semaphore(%run_scoped3A : memref<!tpu.dma_semaphore, #tpu.memory_space<semaphore_mem>>) src(%arg8 : memref<128x128xf32, #tpu.memory_space<vmem>>) dst(%dma_wait3A_44 : memref<128x128xf32, #tpu.memory_space<vmem_shared>>)
      tpu.yield
    }) : () -> ()
    %barrier3A = arith.constant 0 : index
    tpu.barrier barrier_id(%barrier3A)
    "tpu.region"() ({
      %run_scoped3A = tpu.sem_alloc : memref<!tpu.dma_semaphore, #tpu.memory_space<semaphore_mem>>
      %dma_start3A = arith.constant 0 : i32
      %dma_start3A_39 = arith.constant 0 : i32
      %dma_start3A_40 = tpu.memref_slice %arg3[%add3A, %dma_start3A, %dma_start3A_39] : memref<32x23x128xi32, #tpu.memory_space<hbm>> -> memref<1x23x128xi32, #tpu.memory_space<hbm>>
      %dma_start3A_41 = tpu.memref_squeeze %dma_start3A_40 : memref<1x23x128xi32, #tpu.memory_space<hbm>> -> memref<23x128xi32, #tpu.memory_space<hbm>>
      %dma_start3A_42 = arith.constant 0 : i32
      %dma_start3A_43 = arith.constant 0 : i32
      %dma_start3A_44 = tpu.memref_slice %arg3[%add3A, %dma_start3A_42, %dma_start3A_43] : memref<32x23x128xi32, #tpu.memory_space<hbm>> -> memref<1x23x128xi32, #tpu.memory_space<hbm>>
      %dma_start3A_45 = tpu.memref_squeeze %dma_start3A_44 : memref<1x23x128xi32, #tpu.memory_space<hbm>> -> memref<23x128xi32, #tpu.memory_space<hbm>>
      tpu.enqueue_dma source(%dma_start3A_45 : memref<23x128xi32, #tpu.memory_space<hbm>>) target(%arg6 : memref<23x128xi32, #tpu.memory_space<vmem>>) target_semaphore(%run_scoped3A : memref<!tpu.dma_semaphore, #tpu.memory_space<semaphore_mem>>)
      %dma_wait3A = arith.constant 0 : i32
      %dma_wait3A_46 = arith.constant 0 : i32
      %dma_wait3A_47 = tpu.memref_slice %arg3[%add3A, %dma_wait3A, %dma_wait3A_46] : memref<32x23x128xi32, #tpu.memory_space<hbm>> -> memref<1x23x128xi32, #tpu.memory_space<hbm>>
      %dma_wait3A_48 = tpu.memref_squeeze %dma_wait3A_47 : memref<1x23x128xi32, #tpu.memory_space<hbm>> -> memref<23x128xi32, #tpu.memory_space<hbm>>
      %dma_wait3A_49 = arith.constant 0 : i32
      %dma_wait3A_50 = arith.constant 0 : i32
      %dma_wait3A_51 = tpu.memref_slice %arg3[%add3A, %dma_wait3A_49, %dma_wait3A_50] : memref<32x23x128xi32, #tpu.memory_space<hbm>> -> memref<1x23x128xi32, #tpu.memory_space<hbm>>
      %dma_wait3A_52 = tpu.memref_squeeze %dma_wait3A_51 : memref<1x23x128xi32, #tpu.memory_space<hbm>> -> memref<23x128xi32, #tpu.memory_space<hbm>>
      tpu.wait_dma2 semaphore(%run_scoped3A : memref<!tpu.dma_semaphore, #tpu.memory_space<semaphore_mem>>) src(%dma_wait3A_52 : memref<23x128xi32, #tpu.memory_space<hbm>>) dst(%arg6 : memref<23x128xi32, #tpu.memory_space<vmem>>)
      tpu.yield
    }) : () -> ()
    "tpu.region"() ({
      %run_scoped3A = tpu.sem_alloc : memref<!tpu.dma_semaphore, #tpu.memory_space<semaphore_mem>>
      %dma_start3A = arith.constant 0 : i32
      %dma_start3A_39 = arith.constant 0 : i32
      %dma_start3A_40 = tpu.memref_slice %arg4[%add3A, %dma_start3A, %dma_start3A_39] : memref<32x23x128xi32, #tpu.memory_space<hbm>> -> memref<1x23x128xi32, #tpu.memory_space<hbm>>
      %dma_start3A_41 = tpu.memref_squeeze %dma_start3A_40 : memref<1x23x128xi32, #tpu.memory_space<hbm>> -> memref<23x128xi32, #tpu.memory_space<hbm>>
      %dma_start3A_42 = arith.constant 0 : i32
      %dma_start3A_43 = arith.constant 0 : i32
      %dma_start3A_44 = tpu.memref_slice %arg4[%add3A, %dma_start3A_42, %dma_start3A_43] : memref<32x23x128xi32, #tpu.memory_space<hbm>> -> memref<1x23x128xi32, #tpu.memory_space<hbm>>
      %dma_start3A_45 = tpu.memref_squeeze %dma_start3A_44 : memref<1x23x128xi32, #tpu.memory_space<hbm>> -> memref<23x128xi32, #tpu.memory_space<hbm>>
      tpu.enqueue_dma source(%dma_start3A_45 : memref<23x128xi32, #tpu.memory_space<hbm>>) target(%arg7 : memref<23x128xi32, #tpu.memory_space<vmem>>) target_semaphore(%run_scoped3A : memref<!tpu.dma_semaphore, #tpu.memory_space<semaphore_mem>>)
      %dma_wait3A = arith.constant 0 : i32
      %dma_wait3A_46 = arith.constant 0 : i32
      %dma_wait3A_47 = tpu.memref_slice %arg4[%add3A, %dma_wait3A, %dma_wait3A_46] : memref<32x23x128xi32, #tpu.memory_space<hbm>> -> memref<1x23x128xi32, #tpu.memory_space<hbm>>
      %dma_wait3A_48 = tpu.memref_squeeze %dma_wait3A_47 : memref<1x23x128xi32, #tpu.memory_space<hbm>> -> memref<23x128xi32, #tpu.memory_space<hbm>>
      %dma_wait3A_49 = arith.constant 0 : i32
      %dma_wait3A_50 = arith.constant 0 : i32
      %dma_wait3A_51 = tpu.memref_slice %arg4[%add3A, %dma_wait3A_49, %dma_wait3A_50] : memref<32x23x128xi32, #tpu.memory_space<hbm>> -> memref<1x23x128xi32, #tpu.memory_space<hbm>>
      %dma_wait3A_52 = tpu.memref_squeeze %dma_wait3A_51 : memref<1x23x128xi32, #tpu.memory_space<hbm>> -> memref<23x128xi32, #tpu.memory_space<hbm>>
      tpu.wait_dma2 semaphore(%run_scoped3A : memref<!tpu.dma_semaphore, #tpu.memory_space<semaphore_mem>>) src(%dma_wait3A_52 : memref<23x128xi32, #tpu.memory_space<hbm>>) dst(%arg7 : memref<23x128xi32, #tpu.memory_space<vmem>>)
      tpu.yield
    }) : () -> ()
    %scan3A_27 = arith.constant 0 : i32
    %scan3A_28 = arith.constant 0 : i32
    %scan3A_29 = arith.constant 23 : i32
    %scan3A_30 = arith.addi %scan3A_28, %scan3A_29 : i32
    %scan3A_31 = arith.constant 1 : i32
    %scan3A_32 = scf.for %scan3A_39 = %scan3A_28 to %scan3A_30 step %scan3A_31 iter_args(%scan3A_40 = %scan3A_27) -> (i32)  : i32 {
      %dma_start3A = arith.constant 0 : i32
      %dma_start3A_41 = tpu.memref_slice %arg6[%scan3A_39, %dma_start3A] : memref<23x128xi32, #tpu.memory_space<vmem>> -> memref<1x128xi32, #tpu.memory_space<vmem>>
      %dma_start3A_42 = tpu.memref_squeeze %dma_start3A_41 : memref<1x128xi32, #tpu.memory_space<vmem>> -> memref<128xi32, #tpu.memory_space<vmem>>
      %dma_start3A_43 = arith.constant 0 : i32
      %dma_start3A_44 = arith.constant 0 : i32
      %dma_start3A_45 = tpu.memref_slice %arg2[%dma_start3A_43, %dma_start3A_44] : memref<1071x128xf32, #tpu.memory_space<hbm>> -> memref<1071x128xf32, #tpu.memory_space<hbm>>
      tpu.enqueue_indirect_dma source(%dma_start3A_45 : memref<1071x128xf32, #tpu.memory_space<hbm>>) target(%arg8 : memref<128x128xf32, #tpu.memory_space<vmem>>) offsets(%dma_start3A_42 : memref<128xi32, #tpu.memory_space<vmem>>) semaphore(%arg10 : memref<!tpu.dma_semaphore, #tpu.memory_space<semaphore_mem>>)
      %dma_wait3A = arith.constant 0 : i32
      %dma_wait3A_46 = tpu.memref_slice %arg6[%scan3A_39, %dma_wait3A] : memref<23x128xi32, #tpu.memory_space<vmem>> -> memref<1x128xi32, #tpu.memory_space<vmem>>
      %dma_wait3A_47 = tpu.memref_squeeze %dma_wait3A_46 : memref<1x128xi32, #tpu.memory_space<vmem>> -> memref<128xi32, #tpu.memory_space<vmem>>
      %dma_wait3A_48 = arith.constant 0 : i32
      %dma_wait3A_49 = arith.constant 0 : i32
      %dma_wait3A_50 = tpu.memref_slice %arg2[%dma_wait3A_48, %dma_wait3A_49] : memref<1071x128xf32, #tpu.memory_space<hbm>> -> memref<1071x128xf32, #tpu.memory_space<hbm>>
      tpu.wait_indirect_dma semaphore(%arg10 : memref<!tpu.dma_semaphore, #tpu.memory_space<semaphore_mem>>) src(%dma_wait3A_50 : memref<1071x128xf32, #tpu.memory_space<hbm>>) dst(%arg8 : memref<128x128xf32, #tpu.memory_space<vmem>>)
      "tpu.region"() ({
        %run_scoped3A = tpu.sem_alloc : memref<!tpu.dma_semaphore, #tpu.memory_space<semaphore_mem>>
        %dma_start3A_52 = arith.constant 0 : i32
        %dma_start3A_53 = tpu.memref_slice %arg7[%scan3A_39, %dma_start3A_52] : memref<23x128xi32, #tpu.memory_space<vmem>> -> memref<1x128xi32, #tpu.memory_space<vmem>>
        %dma_start3A_54 = tpu.memref_squeeze %dma_start3A_53 : memref<1x128xi32, #tpu.memory_space<vmem>> -> memref<128xi32, #tpu.memory_space<vmem>>
        %dma_start3A_55 = arith.constant 0 : i32
        %dma_start3A_56 = arith.constant 0 : i32
        %dma_start3A_57 = tpu.memref_slice %arg9[%dma_start3A_55, %dma_start3A_56] : memref<10240x128xf32, #tpu.memory_space<vmem_shared>> -> memref<10240x128xf32, #tpu.memory_space<vmem_shared>>
        tpu.enqueue_indirect_dma source(%arg8 : memref<128x128xf32, #tpu.memory_space<vmem>>) target(%dma_start3A_57 : memref<10240x128xf32, #tpu.memory_space<vmem_shared>>) offsets(%dma_start3A_54 : memref<128xi32, #tpu.memory_space<vmem>>) semaphore(%run_scoped3A : memref<!tpu.dma_semaphore, #tpu.memory_space<semaphore_mem>>) {add = true}
        %dma_wait3A_58 = arith.constant 0 : i32
        %dma_wait3A_59 = tpu.memref_slice %arg7[%scan3A_39, %dma_wait3A_58] : memref<23x128xi32, #tpu.memory_space<vmem>> -> memref<1x128xi32, #tpu.memory_space<vmem>>
        %dma_wait3A_60 = tpu.memref_squeeze %dma_wait3A_59 : memref<1x128xi32, #tpu.memory_space<vmem>> -> memref<128xi32, #tpu.memory_space<vmem>>
        %dma_wait3A_61 = arith.constant 0 : i32
        %dma_wait3A_62 = arith.constant 0 : i32
        %dma_wait3A_63 = tpu.memref_slice %arg9[%dma_wait3A_61, %dma_wait3A_62] : memref<10240x128xf32, #tpu.memory_space<vmem_shared>> -> memref<10240x128xf32, #tpu.memory_space<vmem_shared>>
        tpu.wait_indirect_dma semaphore(%run_scoped3A : memref<!tpu.dma_semaphore, #tpu.memory_space<semaphore_mem>>) src(%arg8 : memref<128x128xf32, #tpu.memory_space<vmem>>) dst(%dma_wait3A_63 : memref<10240x128xf32, #tpu.memory_space<vmem_shared>>)
        tpu.yield
      }) : () -> ()
      %scan3A_51 = arith.constant 0 : i32
      scf.yield %scan3A_51 : i32
    }
    %scan3A_33 = arith.constant 23 : i32
    %barrier3A_34 = arith.constant 0 : index
    tpu.barrier barrier_id(%barrier3A_34)
    %mul3A_35 = arith.constant 640 : i32
    %mul3A_36 = arith.muli %arg1, %mul3A_35 : i32
    %mul3A_37 = arith.constant 640 : i32
    %mul3A_38 = arith.muli %arg1, %mul3A_37 : i32
    "tpu.region"() ({
      %run_scoped3A = tpu.sem_alloc : memref<!tpu.dma_semaphore, #tpu.memory_space<semaphore_mem>>
      %dma_start3A = arith.constant 0 : i32
      %dma_start3A_39 = tpu.memref_slice %arg5[%arg0, %mul3A_38, %dma_start3A] : memref<2x10240x128xf32, #tpu.memory_space<hbm>> -> memref<1x640x128xf32, #tpu.memory_space<hbm>>
      %dma_start3A_40 = tpu.memref_squeeze %dma_start3A_39 : memref<1x640x128xf32, #tpu.memory_space<hbm>> -> memref<640x128xf32, #tpu.memory_space<hbm>>
      %dma_start3A_41 = arith.constant 0 : i32
      %dma_start3A_42 = tpu.memref_slice %arg9[%mul3A_36, %dma_start3A_41] : memref<10240x128xf32, #tpu.memory_space<vmem_shared>> -> memref<640x128xf32, #tpu.memory_space<vmem_shared>>
      tpu.enqueue_dma source(%dma_start3A_42 : memref<640x128xf32, #tpu.memory_space<vmem_shared>>) target(%dma_start3A_40 : memref<640x128xf32, #tpu.memory_space<hbm>>) target_semaphore(%run_scoped3A : memref<!tpu.dma_semaphore, #tpu.memory_space<semaphore_mem>>)
      %dma_wait3A = arith.constant 0 : i32
      %dma_wait3A_43 = tpu.memref_slice %arg5[%arg0, %mul3A_38, %dma_wait3A] : memref<2x10240x128xf32, #tpu.memory_space<hbm>> -> memref<1x640x128xf32, #tpu.memory_space<hbm>>
      %dma_wait3A_44 = tpu.memref_squeeze %dma_wait3A_43 : memref<1x640x128xf32, #tpu.memory_space<hbm>> -> memref<640x128xf32, #tpu.memory_space<hbm>>
      %dma_wait3A_45 = arith.constant 0 : i32
      %dma_wait3A_46 = tpu.memref_slice %arg9[%mul3A_36, %dma_wait3A_45] : memref<10240x128xf32, #tpu.memory_space<vmem_shared>> -> memref<640x128xf32, #tpu.memory_space<vmem_shared>>
      tpu.wait_dma2 semaphore(%run_scoped3A : memref<!tpu.dma_semaphore, #tpu.memory_space<semaphore_mem>>) src(%dma_wait3A_46 : memref<640x128xf32, #tpu.memory_space<vmem_shared>>) dst(%dma_wait3A_44 : memref<640x128xf32, #tpu.memory_space<hbm>>)
      tpu.yield
    }) : () -> ()
    return
  }
}

#map = affine_map<(d0, d1) -> (0, 0)>
#map1 = affine_map<(d0, d1) -> (0, 0, 0)>
module attributes {stable_mosaic.version = 14 : i64} {
  func.func @sc_scatter(%arg0: i32, %arg1: i32, %arg2: memref<10240x128xf32, #tpu.memory_space<hbm>>, %arg3: memref<32x79x128xi32, #tpu.memory_space<hbm>>, %arg4: memref<32x79x128xi32, #tpu.memory_space<hbm>>, %arg5: memref<2x10240x128xf32, #tpu.memory_space<hbm>>, %arg6: memref<79x128xi32, #tpu.memory_space<vmem>>, %arg7: memref<79x128xi32, #tpu.memory_space<vmem>>, %arg8: memref<128x128xf32, #tpu.memory_space<vmem>>, %arg9: memref<10240x128xf32, #tpu.memory_space<vmem_shared>>, %arg10: memref<!tpu.dma_semaphore, #tpu.memory_space<semaphore_mem>>) attributes {dimension_semantics = [#tpu.dimension_semantics<core_parallel>, #tpu.dimension_semantics<subcore_parallel>], iteration_bounds = array<i64: 2, 16>, scalar_prefetch = 0 : i64, scratch_operands = 5 : i64, tpu.core_type = #tpu.core_type<sc_vector_subcore>, window_params = [{transform_indices = #map}, {transform_indices = #map1}, {transform_indices = #map1}, {transform_indices = #map1}]} {
    %mul3A = arith.constant 16 : i32
    %mul3A_0 = arith.muli %arg0, %mul3A : i32
    %add3A = arith.addi %mul3A_0, %arg1 : i32
    %scan3A = arith.constant 0 : i32
    %scan3A_1 = arith.constant 0 : i32
    %scan3A_2 = arith.constant 128 : i32
    %scan3A_3 = arith.addi %scan3A_1, %scan3A_2 : i32
    %scan3A_4 = arith.constant 1 : i32
    %scan3A_5 = scf.for %scan3A_39 = %scan3A_1 to %scan3A_3 step %scan3A_4 iter_args(%scan3A_40 = %scan3A) -> (i32)  : i32 {
      %broadcast_in_dim3A = arith.constant 0.000000e+00 : f32
      %broadcast_in_dim3A_41 = vector.broadcast %broadcast_in_dim3A : f32 to vector<16xf32>
      %swap3A = arith.index_cast %scan3A_39 : i32 to index
      %swap3A_42 = arith.constant 0 : index
      %swap3A_43 = tpu.vector_load %arg8[%swap3A, %swap3A_42] {strides = array<i32>} : memref<128x128xf32, #tpu.memory_space<vmem>>, vector<1x16xf32>,
      %swap3A_44 = vector.shape_cast %swap3A_43 : vector<1x16xf32> to vector<16xf32>
      %swap3A_45 = vector.shape_cast %broadcast_in_dim3A_41 : vector<16xf32> to vector<1x16xf32>
      tpu.vector_store %arg8[%swap3A, %swap3A_42], %swap3A_45 {strides = array<i32>} : memref<128x128xf32, #tpu.memory_space<vmem>>, vector<1x16xf32>,
      %broadcast_in_dim3A_46 = arith.constant 0.000000e+00 : f32
      %broadcast_in_dim3A_47 = vector.broadcast %broadcast_in_dim3A_46 : f32 to vector<16xf32>
      %swap3A_48 = arith.index_cast %scan3A_39 : i32 to index
      %swap3A_49 = arith.constant 16 : index
      %swap3A_50 = tpu.vector_load %arg8[%swap3A_48, %swap3A_49] {strides = array<i32>} : memref<128x128xf32, #tpu.memory_space<vmem>>, vector<1x16xf32>,
      %swap3A_51 = vector.shape_cast %swap3A_50 : vector<1x16xf32> to vector<16xf32>
      %swap3A_52 = vector.shape_cast %broadcast_in_dim3A_47 : vector<16xf32> to vector<1x16xf32>
      tpu.vector_store %arg8[%swap3A_48, %swap3A_49], %swap3A_52 {strides = array<i32>} : memref<128x128xf32, #tpu.memory_space<vmem>>, vector<1x16xf32>,
      %broadcast_in_dim3A_53 = arith.constant 0.000000e+00 : f32
      %broadcast_in_dim3A_54 = vector.broadcast %broadcast_in_dim3A_53 : f32 to vector<16xf32>
      %swap3A_55 = arith.index_cast %scan3A_39 : i32 to index
      %swap3A_56 = arith.constant 32 : index
      %swap3A_57 = tpu.vector_load %arg8[%swap3A_55, %swap3A_56] {strides = array<i32>} : memref<128x128xf32, #tpu.memory_space<vmem>>, vector<1x16xf32>,
      %swap3A_58 = vector.shape_cast %swap3A_57 : vector<1x16xf32> to vector<16xf32>
      %swap3A_59 = vector.shape_cast %broadcast_in_dim3A_54 : vector<16xf32> to vector<1x16xf32>
      tpu.vector_store %arg8[%swap3A_55, %swap3A_56], %swap3A_59 {strides = array<i32>} : memref<128x128xf32, #tpu.memory_space<vmem>>, vector<1x16xf32>,
      %broadcast_in_dim3A_60 = arith.constant 0.000000e+00 : f32
      %broadcast_in_dim3A_61 = vector.broadcast %broadcast_in_dim3A_60 : f32 to vector<16xf32>
      %swap3A_62 = arith.index_cast %scan3A_39 : i32 to index
      %swap3A_63 = arith.constant 48 : index
      %swap3A_64 = tpu.vector_load %arg8[%swap3A_62, %swap3A_63] {strides = array<i32>} : memref<128x128xf32, #tpu.memory_space<vmem>>, vector<1x16xf32>,
      %swap3A_65 = vector.shape_cast %swap3A_64 : vector<1x16xf32> to vector<16xf32>
      %swap3A_66 = vector.shape_cast %broadcast_in_dim3A_61 : vector<16xf32> to vector<1x16xf32>
      tpu.vector_store %arg8[%swap3A_62, %swap3A_63], %swap3A_66 {strides = array<i32>} : memref<128x128xf32, #tpu.memory_space<vmem>>, vector<1x16xf32>,
      %broadcast_in_dim3A_67 = arith.constant 0.000000e+00 : f32
      %broadcast_in_dim3A_68 = vector.broadcast %broadcast_in_dim3A_67 : f32 to vector<16xf32>
      %swap3A_69 = arith.index_cast %scan3A_39 : i32 to index
      %swap3A_70 = arith.constant 64 : index
      %swap3A_71 = tpu.vector_load %arg8[%swap3A_69, %swap3A_70] {strides = array<i32>} : memref<128x128xf32, #tpu.memory_space<vmem>>, vector<1x16xf32>,
      %swap3A_72 = vector.shape_cast %swap3A_71 : vector<1x16xf32> to vector<16xf32>
      %swap3A_73 = vector.shape_cast %broadcast_in_dim3A_68 : vector<16xf32> to vector<1x16xf32>
      tpu.vector_store %arg8[%swap3A_69, %swap3A_70], %swap3A_73 {strides = array<i32>} : memref<128x128xf32, #tpu.memory_space<vmem>>, vector<1x16xf32>,
      %broadcast_in_dim3A_74 = arith.constant 0.000000e+00 : f32
      %broadcast_in_dim3A_75 = vector.broadcast %broadcast_in_dim3A_74 : f32 to vector<16xf32>
      %swap3A_76 = arith.index_cast %scan3A_39 : i32 to index
      %swap3A_77 = arith.constant 80 : index
      %swap3A_78 = tpu.vector_load %arg8[%swap3A_76, %swap3A_77] {strides = array<i32>} : memref<128x128xf32, #tpu.memory_space<vmem>>, vector<1x16xf32>,
      %swap3A_79 = vector.shape_cast %swap3A_78 : vector<1x16xf32> to vector<16xf32>
      %swap3A_80 = vector.shape_cast %broadcast_in_dim3A_75 : vector<16xf32> to vector<1x16xf32>
      tpu.vector_store %arg8[%swap3A_76, %swap3A_77], %swap3A_80 {strides = array<i32>} : memref<128x128xf32, #tpu.memory_space<vmem>>, vector<1x16xf32>,
      %broadcast_in_dim3A_81 = arith.constant 0.000000e+00 : f32
      %broadcast_in_dim3A_82 = vector.broadcast %broadcast_in_dim3A_81 : f32 to vector<16xf32>
      %swap3A_83 = arith.index_cast %scan3A_39 : i32 to index
      %swap3A_84 = arith.constant 96 : index
      %swap3A_85 = tpu.vector_load %arg8[%swap3A_83, %swap3A_84] {strides = array<i32>} : memref<128x128xf32, #tpu.memory_space<vmem>>, vector<1x16xf32>,
      %swap3A_86 = vector.shape_cast %swap3A_85 : vector<1x16xf32> to vector<16xf32>
      %swap3A_87 = vector.shape_cast %broadcast_in_dim3A_82 : vector<16xf32> to vector<1x16xf32>
      tpu.vector_store %arg8[%swap3A_83, %swap3A_84], %swap3A_87 {strides = array<i32>} : memref<128x128xf32, #tpu.memory_space<vmem>>, vector<1x16xf32>,
      %broadcast_in_dim3A_88 = arith.constant 0.000000e+00 : f32
      %broadcast_in_dim3A_89 = vector.broadcast %broadcast_in_dim3A_88 : f32 to vector<16xf32>
      %swap3A_90 = arith.index_cast %scan3A_39 : i32 to index
      %swap3A_91 = arith.constant 112 : index
      %swap3A_92 = tpu.vector_load %arg8[%swap3A_90, %swap3A_91] {strides = array<i32>} : memref<128x128xf32, #tpu.memory_space<vmem>>, vector<1x16xf32>,
      %swap3A_93 = vector.shape_cast %swap3A_92 : vector<1x16xf32> to vector<16xf32>
      %swap3A_94 = vector.shape_cast %broadcast_in_dim3A_89 : vector<16xf32> to vector<1x16xf32>
      tpu.vector_store %arg8[%swap3A_90, %swap3A_91], %swap3A_94 {strides = array<i32>} : memref<128x128xf32, #tpu.memory_space<vmem>>, vector<1x16xf32>,
      %scan3A_95 = arith.constant 0 : i32
      scf.yield %scan3A_95 : i32
    }
    %scan3A_6 = arith.constant 128 : i32
    %mul3A_7 = arith.constant 640 : i32
    %mul3A_8 = arith.muli %arg1, %mul3A_7 : i32
    %add3A_9 = arith.constant 0 : i32
    %add3A_10 = arith.addi %mul3A_8, %add3A_9 : i32
    "tpu.region"() ({
      %run_scoped3A = tpu.sem_alloc : memref<!tpu.dma_semaphore, #tpu.memory_space<semaphore_mem>>
      %dma_start3A = arith.constant 0 : i32
      %dma_start3A_39 = tpu.memref_slice %arg9[%add3A_10, %dma_start3A] : memref<10240x128xf32, #tpu.memory_space<vmem_shared>> -> memref<128x128xf32, #tpu.memory_space<vmem_shared>>
      %dma_start3A_40 = arith.constant 0 : i32
      %dma_start3A_41 = tpu.memref_slice %arg9[%add3A_10, %dma_start3A_40] : memref<10240x128xf32, #tpu.memory_space<vmem_shared>> -> memref<128x128xf32, #tpu.memory_space<vmem_shared>>
      tpu.enqueue_dma source(%arg8 : memref<128x128xf32, #tpu.memory_space<vmem>>) target(%dma_start3A_41 : memref<128x128xf32, #tpu.memory_space<vmem_shared>>) target_semaphore(%run_scoped3A : memref<!tpu.dma_semaphore, #tpu.memory_space<semaphore_mem>>)
      %dma_wait3A = arith.constant 0 : i32
      %dma_wait3A_42 = tpu.memref_slice %arg9[%add3A_10, %dma_wait3A] : memref<10240x128xf32, #tpu.memory_space<vmem_shared>> -> memref<128x128xf32, #tpu.memory_space<vmem_shared>>
      %dma_wait3A_43 = arith.constant 0 : i32
      %dma_wait3A_44 = tpu.memref_slice %arg9[%add3A_10, %dma_wait3A_43] : memref<10240x128xf32, #tpu.memory_space<vmem_shared>> -> memref<128x128xf32, #tpu.memory_space<vmem_shared>>
      tpu.wait_dma2 semaphore(%run_scoped3A : memref<!tpu.dma_semaphore, #tpu.memory_space<semaphore_mem>>) src(%arg8 : memref<128x128xf32, #tpu.memory_space<vmem>>) dst(%dma_wait3A_44 : memref<128x128xf32, #tpu.memory_space<vmem_shared>>)
      tpu.yield
    }) : () -> ()
    %mul3A_11 = arith.constant 640 : i32
    %mul3A_12 = arith.muli %arg1, %mul3A_11 : i32
    %add3A_13 = arith.constant 128 : i32
    %add3A_14 = arith.addi %mul3A_12, %add3A_13 : i32
    "tpu.region"() ({
      %run_scoped3A = tpu.sem_alloc : memref<!tpu.dma_semaphore, #tpu.memory_space<semaphore_mem>>
      %dma_start3A = arith.constant 0 : i32
      %dma_start3A_39 = tpu.memref_slice %arg9[%add3A_14, %dma_start3A] : memref<10240x128xf32, #tpu.memory_space<vmem_shared>> -> memref<128x128xf32, #tpu.memory_space<vmem_shared>>
      %dma_start3A_40 = arith.constant 0 : i32
      %dma_start3A_41 = tpu.memref_slice %arg9[%add3A_14, %dma_start3A_40] : memref<10240x128xf32, #tpu.memory_space<vmem_shared>> -> memref<128x128xf32, #tpu.memory_space<vmem_shared>>
      tpu.enqueue_dma source(%arg8 : memref<128x128xf32, #tpu.memory_space<vmem>>) target(%dma_start3A_41 : memref<128x128xf32, #tpu.memory_space<vmem_shared>>) target_semaphore(%run_scoped3A : memref<!tpu.dma_semaphore, #tpu.memory_space<semaphore_mem>>)
      %dma_wait3A = arith.constant 0 : i32
      %dma_wait3A_42 = tpu.memref_slice %arg9[%add3A_14, %dma_wait3A] : memref<10240x128xf32, #tpu.memory_space<vmem_shared>> -> memref<128x128xf32, #tpu.memory_space<vmem_shared>>
      %dma_wait3A_43 = arith.constant 0 : i32
      %dma_wait3A_44 = tpu.memref_slice %arg9[%add3A_14, %dma_wait3A_43] : memref<10240x128xf32, #tpu.memory_space<vmem_shared>> -> memref<128x128xf32, #tpu.memory_space<vmem_shared>>
      tpu.wait_dma2 semaphore(%run_scoped3A : memref<!tpu.dma_semaphore, #tpu.memory_space<semaphore_mem>>) src(%arg8 : memref<128x128xf32, #tpu.memory_space<vmem>>) dst(%dma_wait3A_44 : memref<128x128xf32, #tpu.memory_space<vmem_shared>>)
      tpu.yield
    }) : () -> ()
    %mul3A_15 = arith.constant 640 : i32
    %mul3A_16 = arith.muli %arg1, %mul3A_15 : i32
    %add3A_17 = arith.constant 256 : i32
    %add3A_18 = arith.addi %mul3A_16, %add3A_17 : i32
    "tpu.region"() ({
      %run_scoped3A = tpu.sem_alloc : memref<!tpu.dma_semaphore, #tpu.memory_space<semaphore_mem>>
      %dma_start3A = arith.constant 0 : i32
      %dma_start3A_39 = tpu.memref_slice %arg9[%add3A_18, %dma_start3A] : memref<10240x128xf32, #tpu.memory_space<vmem_shared>> -> memref<128x128xf32, #tpu.memory_space<vmem_shared>>
      %dma_start3A_40 = arith.constant 0 : i32
      %dma_start3A_41 = tpu.memref_slice %arg9[%add3A_18, %dma_start3A_40] : memref<10240x128xf32, #tpu.memory_space<vmem_shared>> -> memref<128x128xf32, #tpu.memory_space<vmem_shared>>
      tpu.enqueue_dma source(%arg8 : memref<128x128xf32, #tpu.memory_space<vmem>>) target(%dma_start3A_41 : memref<128x128xf32, #tpu.memory_space<vmem_shared>>) target_semaphore(%run_scoped3A : memref<!tpu.dma_semaphore, #tpu.memory_space<semaphore_mem>>)
      %dma_wait3A = arith.constant 0 : i32
      %dma_wait3A_42 = tpu.memref_slice %arg9[%add3A_18, %dma_wait3A] : memref<10240x128xf32, #tpu.memory_space<vmem_shared>> -> memref<128x128xf32, #tpu.memory_space<vmem_shared>>
      %dma_wait3A_43 = arith.constant 0 : i32
      %dma_wait3A_44 = tpu.memref_slice %arg9[%add3A_18, %dma_wait3A_43] : memref<10240x128xf32, #tpu.memory_space<vmem_shared>> -> memref<128x128xf32, #tpu.memory_space<vmem_shared>>
      tpu.wait_dma2 semaphore(%run_scoped3A : memref<!tpu.dma_semaphore, #tpu.memory_space<semaphore_mem>>) src(%arg8 : memref<128x128xf32, #tpu.memory_space<vmem>>) dst(%dma_wait3A_44 : memref<128x128xf32, #tpu.memory_space<vmem_shared>>)
      tpu.yield
    }) : () -> ()
    %mul3A_19 = arith.constant 640 : i32
    %mul3A_20 = arith.muli %arg1, %mul3A_19 : i32
    %add3A_21 = arith.constant 384 : i32
    %add3A_22 = arith.addi %mul3A_20, %add3A_21 : i32
    "tpu.region"() ({
      %run_scoped3A = tpu.sem_alloc : memref<!tpu.dma_semaphore, #tpu.memory_space<semaphore_mem>>
      %dma_start3A = arith.constant 0 : i32
      %dma_start3A_39 = tpu.memref_slice %arg9[%add3A_22, %dma_start3A] : memref<10240x128xf32, #tpu.memory_space<vmem_shared>> -> memref<128x128xf32, #tpu.memory_space<vmem_shared>>
      %dma_start3A_40 = arith.constant 0 : i32
      %dma_start3A_41 = tpu.memref_slice %arg9[%add3A_22, %dma_start3A_40] : memref<10240x128xf32, #tpu.memory_space<vmem_shared>> -> memref<128x128xf32, #tpu.memory_space<vmem_shared>>
      tpu.enqueue_dma source(%arg8 : memref<128x128xf32, #tpu.memory_space<vmem>>) target(%dma_start3A_41 : memref<128x128xf32, #tpu.memory_space<vmem_shared>>) target_semaphore(%run_scoped3A : memref<!tpu.dma_semaphore, #tpu.memory_space<semaphore_mem>>)
      %dma_wait3A = arith.constant 0 : i32
      %dma_wait3A_42 = tpu.memref_slice %arg9[%add3A_22, %dma_wait3A] : memref<10240x128xf32, #tpu.memory_space<vmem_shared>> -> memref<128x128xf32, #tpu.memory_space<vmem_shared>>
      %dma_wait3A_43 = arith.constant 0 : i32
      %dma_wait3A_44 = tpu.memref_slice %arg9[%add3A_22, %dma_wait3A_43] : memref<10240x128xf32, #tpu.memory_space<vmem_shared>> -> memref<128x128xf32, #tpu.memory_space<vmem_shared>>
      tpu.wait_dma2 semaphore(%run_scoped3A : memref<!tpu.dma_semaphore, #tpu.memory_space<semaphore_mem>>) src(%arg8 : memref<128x128xf32, #tpu.memory_space<vmem>>) dst(%dma_wait3A_44 : memref<128x128xf32, #tpu.memory_space<vmem_shared>>)
      tpu.yield
    }) : () -> ()
    %mul3A_23 = arith.constant 640 : i32
    %mul3A_24 = arith.muli %arg1, %mul3A_23 : i32
    %add3A_25 = arith.constant 512 : i32
    %add3A_26 = arith.addi %mul3A_24, %add3A_25 : i32
    "tpu.region"() ({
      %run_scoped3A = tpu.sem_alloc : memref<!tpu.dma_semaphore, #tpu.memory_space<semaphore_mem>>
      %dma_start3A = arith.constant 0 : i32
      %dma_start3A_39 = tpu.memref_slice %arg9[%add3A_26, %dma_start3A] : memref<10240x128xf32, #tpu.memory_space<vmem_shared>> -> memref<128x128xf32, #tpu.memory_space<vmem_shared>>
      %dma_start3A_40 = arith.constant 0 : i32
      %dma_start3A_41 = tpu.memref_slice %arg9[%add3A_26, %dma_start3A_40] : memref<10240x128xf32, #tpu.memory_space<vmem_shared>> -> memref<128x128xf32, #tpu.memory_space<vmem_shared>>
      tpu.enqueue_dma source(%arg8 : memref<128x128xf32, #tpu.memory_space<vmem>>) target(%dma_start3A_41 : memref<128x128xf32, #tpu.memory_space<vmem_shared>>) target_semaphore(%run_scoped3A : memref<!tpu.dma_semaphore, #tpu.memory_space<semaphore_mem>>)
      %dma_wait3A = arith.constant 0 : i32
      %dma_wait3A_42 = tpu.memref_slice %arg9[%add3A_26, %dma_wait3A] : memref<10240x128xf32, #tpu.memory_space<vmem_shared>> -> memref<128x128xf32, #tpu.memory_space<vmem_shared>>
      %dma_wait3A_43 = arith.constant 0 : i32
      %dma_wait3A_44 = tpu.memref_slice %arg9[%add3A_26, %dma_wait3A_43] : memref<10240x128xf32, #tpu.memory_space<vmem_shared>> -> memref<128x128xf32, #tpu.memory_space<vmem_shared>>
      tpu.wait_dma2 semaphore(%run_scoped3A : memref<!tpu.dma_semaphore, #tpu.memory_space<semaphore_mem>>) src(%arg8 : memref<128x128xf32, #tpu.memory_space<vmem>>) dst(%dma_wait3A_44 : memref<128x128xf32, #tpu.memory_space<vmem_shared>>)
      tpu.yield
    }) : () -> ()
    %barrier3A = arith.constant 0 : index
    tpu.barrier barrier_id(%barrier3A)
    "tpu.region"() ({
      %run_scoped3A = tpu.sem_alloc : memref<!tpu.dma_semaphore, #tpu.memory_space<semaphore_mem>>
      %dma_start3A = arith.constant 0 : i32
      %dma_start3A_39 = arith.constant 0 : i32
      %dma_start3A_40 = tpu.memref_slice %arg3[%add3A, %dma_start3A, %dma_start3A_39] : memref<32x79x128xi32, #tpu.memory_space<hbm>> -> memref<1x79x128xi32, #tpu.memory_space<hbm>>
      %dma_start3A_41 = tpu.memref_squeeze %dma_start3A_40 : memref<1x79x128xi32, #tpu.memory_space<hbm>> -> memref<79x128xi32, #tpu.memory_space<hbm>>
      %dma_start3A_42 = arith.constant 0 : i32
      %dma_start3A_43 = arith.constant 0 : i32
      %dma_start3A_44 = tpu.memref_slice %arg3[%add3A, %dma_start3A_42, %dma_start3A_43] : memref<32x79x128xi32, #tpu.memory_space<hbm>> -> memref<1x79x128xi32, #tpu.memory_space<hbm>>
      %dma_start3A_45 = tpu.memref_squeeze %dma_start3A_44 : memref<1x79x128xi32, #tpu.memory_space<hbm>> -> memref<79x128xi32, #tpu.memory_space<hbm>>
      tpu.enqueue_dma source(%dma_start3A_45 : memref<79x128xi32, #tpu.memory_space<hbm>>) target(%arg6 : memref<79x128xi32, #tpu.memory_space<vmem>>) target_semaphore(%run_scoped3A : memref<!tpu.dma_semaphore, #tpu.memory_space<semaphore_mem>>)
      %dma_wait3A = arith.constant 0 : i32
      %dma_wait3A_46 = arith.constant 0 : i32
      %dma_wait3A_47 = tpu.memref_slice %arg3[%add3A, %dma_wait3A, %dma_wait3A_46] : memref<32x79x128xi32, #tpu.memory_space<hbm>> -> memref<1x79x128xi32, #tpu.memory_space<hbm>>
      %dma_wait3A_48 = tpu.memref_squeeze %dma_wait3A_47 : memref<1x79x128xi32, #tpu.memory_space<hbm>> -> memref<79x128xi32, #tpu.memory_space<hbm>>
      %dma_wait3A_49 = arith.constant 0 : i32
      %dma_wait3A_50 = arith.constant 0 : i32
      %dma_wait3A_51 = tpu.memref_slice %arg3[%add3A, %dma_wait3A_49, %dma_wait3A_50] : memref<32x79x128xi32, #tpu.memory_space<hbm>> -> memref<1x79x128xi32, #tpu.memory_space<hbm>>
      %dma_wait3A_52 = tpu.memref_squeeze %dma_wait3A_51 : memref<1x79x128xi32, #tpu.memory_space<hbm>> -> memref<79x128xi32, #tpu.memory_space<hbm>>
      tpu.wait_dma2 semaphore(%run_scoped3A : memref<!tpu.dma_semaphore, #tpu.memory_space<semaphore_mem>>) src(%dma_wait3A_52 : memref<79x128xi32, #tpu.memory_space<hbm>>) dst(%arg6 : memref<79x128xi32, #tpu.memory_space<vmem>>)
      tpu.yield
    }) : () -> ()
    "tpu.region"() ({
      %run_scoped3A = tpu.sem_alloc : memref<!tpu.dma_semaphore, #tpu.memory_space<semaphore_mem>>
      %dma_start3A = arith.constant 0 : i32
      %dma_start3A_39 = arith.constant 0 : i32
      %dma_start3A_40 = tpu.memref_slice %arg4[%add3A, %dma_start3A, %dma_start3A_39] : memref<32x79x128xi32, #tpu.memory_space<hbm>> -> memref<1x79x128xi32, #tpu.memory_space<hbm>>
      %dma_start3A_41 = tpu.memref_squeeze %dma_start3A_40 : memref<1x79x128xi32, #tpu.memory_space<hbm>> -> memref<79x128xi32, #tpu.memory_space<hbm>>
      %dma_start3A_42 = arith.constant 0 : i32
      %dma_start3A_43 = arith.constant 0 : i32
      %dma_start3A_44 = tpu.memref_slice %arg4[%add3A, %dma_start3A_42, %dma_start3A_43] : memref<32x79x128xi32, #tpu.memory_space<hbm>> -> memref<1x79x128xi32, #tpu.memory_space<hbm>>
      %dma_start3A_45 = tpu.memref_squeeze %dma_start3A_44 : memref<1x79x128xi32, #tpu.memory_space<hbm>> -> memref<79x128xi32, #tpu.memory_space<hbm>>
      tpu.enqueue_dma source(%dma_start3A_45 : memref<79x128xi32, #tpu.memory_space<hbm>>) target(%arg7 : memref<79x128xi32, #tpu.memory_space<vmem>>) target_semaphore(%run_scoped3A : memref<!tpu.dma_semaphore, #tpu.memory_space<semaphore_mem>>)
      %dma_wait3A = arith.constant 0 : i32
      %dma_wait3A_46 = arith.constant 0 : i32
      %dma_wait3A_47 = tpu.memref_slice %arg4[%add3A, %dma_wait3A, %dma_wait3A_46] : memref<32x79x128xi32, #tpu.memory_space<hbm>> -> memref<1x79x128xi32, #tpu.memory_space<hbm>>
      %dma_wait3A_48 = tpu.memref_squeeze %dma_wait3A_47 : memref<1x79x128xi32, #tpu.memory_space<hbm>> -> memref<79x128xi32, #tpu.memory_space<hbm>>
      %dma_wait3A_49 = arith.constant 0 : i32
      %dma_wait3A_50 = arith.constant 0 : i32
      %dma_wait3A_51 = tpu.memref_slice %arg4[%add3A, %dma_wait3A_49, %dma_wait3A_50] : memref<32x79x128xi32, #tpu.memory_space<hbm>> -> memref<1x79x128xi32, #tpu.memory_space<hbm>>
      %dma_wait3A_52 = tpu.memref_squeeze %dma_wait3A_51 : memref<1x79x128xi32, #tpu.memory_space<hbm>> -> memref<79x128xi32, #tpu.memory_space<hbm>>
      tpu.wait_dma2 semaphore(%run_scoped3A : memref<!tpu.dma_semaphore, #tpu.memory_space<semaphore_mem>>) src(%dma_wait3A_52 : memref<79x128xi32, #tpu.memory_space<hbm>>) dst(%arg7 : memref<79x128xi32, #tpu.memory_space<vmem>>)
      tpu.yield
    }) : () -> ()
    %scan3A_27 = arith.constant 0 : i32
    %scan3A_28 = arith.constant 0 : i32
    %scan3A_29 = arith.constant 79 : i32
    %scan3A_30 = arith.addi %scan3A_28, %scan3A_29 : i32
    %scan3A_31 = arith.constant 1 : i32
    %scan3A_32 = scf.for %scan3A_39 = %scan3A_28 to %scan3A_30 step %scan3A_31 iter_args(%scan3A_40 = %scan3A_27) -> (i32)  : i32 {
      %dma_start3A = arith.constant 0 : i32
      %dma_start3A_41 = tpu.memref_slice %arg6[%scan3A_39, %dma_start3A] : memref<79x128xi32, #tpu.memory_space<vmem>> -> memref<1x128xi32, #tpu.memory_space<vmem>>
      %dma_start3A_42 = tpu.memref_squeeze %dma_start3A_41 : memref<1x128xi32, #tpu.memory_space<vmem>> -> memref<128xi32, #tpu.memory_space<vmem>>
      %dma_start3A_43 = arith.constant 0 : i32
      %dma_start3A_44 = arith.constant 0 : i32
      %dma_start3A_45 = tpu.memref_slice %arg2[%dma_start3A_43, %dma_start3A_44] : memref<10240x128xf32, #tpu.memory_space<hbm>> -> memref<10240x128xf32, #tpu.memory_space<hbm>>
      tpu.enqueue_indirect_dma source(%dma_start3A_45 : memref<10240x128xf32, #tpu.memory_space<hbm>>) target(%arg8 : memref<128x128xf32, #tpu.memory_space<vmem>>) offsets(%dma_start3A_42 : memref<128xi32, #tpu.memory_space<vmem>>) semaphore(%arg10 : memref<!tpu.dma_semaphore, #tpu.memory_space<semaphore_mem>>)
      %dma_wait3A = arith.constant 0 : i32
      %dma_wait3A_46 = tpu.memref_slice %arg6[%scan3A_39, %dma_wait3A] : memref<79x128xi32, #tpu.memory_space<vmem>> -> memref<1x128xi32, #tpu.memory_space<vmem>>
      %dma_wait3A_47 = tpu.memref_squeeze %dma_wait3A_46 : memref<1x128xi32, #tpu.memory_space<vmem>> -> memref<128xi32, #tpu.memory_space<vmem>>
      %dma_wait3A_48 = arith.constant 0 : i32
      %dma_wait3A_49 = arith.constant 0 : i32
      %dma_wait3A_50 = tpu.memref_slice %arg2[%dma_wait3A_48, %dma_wait3A_49] : memref<10240x128xf32, #tpu.memory_space<hbm>> -> memref<10240x128xf32, #tpu.memory_space<hbm>>
      tpu.wait_indirect_dma semaphore(%arg10 : memref<!tpu.dma_semaphore, #tpu.memory_space<semaphore_mem>>) src(%dma_wait3A_50 : memref<10240x128xf32, #tpu.memory_space<hbm>>) dst(%arg8 : memref<128x128xf32, #tpu.memory_space<vmem>>)
      "tpu.region"() ({
        %run_scoped3A = tpu.sem_alloc : memref<!tpu.dma_semaphore, #tpu.memory_space<semaphore_mem>>
        %dma_start3A_52 = arith.constant 0 : i32
        %dma_start3A_53 = tpu.memref_slice %arg7[%scan3A_39, %dma_start3A_52] : memref<79x128xi32, #tpu.memory_space<vmem>> -> memref<1x128xi32, #tpu.memory_space<vmem>>
        %dma_start3A_54 = tpu.memref_squeeze %dma_start3A_53 : memref<1x128xi32, #tpu.memory_space<vmem>> -> memref<128xi32, #tpu.memory_space<vmem>>
        %dma_start3A_55 = arith.constant 0 : i32
        %dma_start3A_56 = arith.constant 0 : i32
        %dma_start3A_57 = tpu.memref_slice %arg9[%dma_start3A_55, %dma_start3A_56] : memref<10240x128xf32, #tpu.memory_space<vmem_shared>> -> memref<10240x128xf32, #tpu.memory_space<vmem_shared>>
        tpu.enqueue_indirect_dma source(%arg8 : memref<128x128xf32, #tpu.memory_space<vmem>>) target(%dma_start3A_57 : memref<10240x128xf32, #tpu.memory_space<vmem_shared>>) offsets(%dma_start3A_54 : memref<128xi32, #tpu.memory_space<vmem>>) semaphore(%run_scoped3A : memref<!tpu.dma_semaphore, #tpu.memory_space<semaphore_mem>>) {add = true}
        %dma_wait3A_58 = arith.constant 0 : i32
        %dma_wait3A_59 = tpu.memref_slice %arg7[%scan3A_39, %dma_wait3A_58] : memref<79x128xi32, #tpu.memory_space<vmem>> -> memref<1x128xi32, #tpu.memory_space<vmem>>
        %dma_wait3A_60 = tpu.memref_squeeze %dma_wait3A_59 : memref<1x128xi32, #tpu.memory_space<vmem>> -> memref<128xi32, #tpu.memory_space<vmem>>
        %dma_wait3A_61 = arith.constant 0 : i32
        %dma_wait3A_62 = arith.constant 0 : i32
        %dma_wait3A_63 = tpu.memref_slice %arg9[%dma_wait3A_61, %dma_wait3A_62] : memref<10240x128xf32, #tpu.memory_space<vmem_shared>> -> memref<10240x128xf32, #tpu.memory_space<vmem_shared>>
        tpu.wait_indirect_dma semaphore(%run_scoped3A : memref<!tpu.dma_semaphore, #tpu.memory_space<semaphore_mem>>) src(%arg8 : memref<128x128xf32, #tpu.memory_space<vmem>>) dst(%dma_wait3A_63 : memref<10240x128xf32, #tpu.memory_space<vmem_shared>>)
        tpu.yield
      }) : () -> ()
      %scan3A_51 = arith.constant 0 : i32
      scf.yield %scan3A_51 : i32
    }
    %scan3A_33 = arith.constant 79 : i32
    %barrier3A_34 = arith.constant 0 : index
    tpu.barrier barrier_id(%barrier3A_34)
    %mul3A_35 = arith.constant 640 : i32
    %mul3A_36 = arith.muli %arg1, %mul3A_35 : i32
    %mul3A_37 = arith.constant 640 : i32
    %mul3A_38 = arith.muli %arg1, %mul3A_37 : i32
    "tpu.region"() ({
      %run_scoped3A = tpu.sem_alloc : memref<!tpu.dma_semaphore, #tpu.memory_space<semaphore_mem>>
      %dma_start3A = arith.constant 0 : i32
      %dma_start3A_39 = tpu.memref_slice %arg5[%arg0, %mul3A_38, %dma_start3A] : memref<2x10240x128xf32, #tpu.memory_space<hbm>> -> memref<1x640x128xf32, #tpu.memory_space<hbm>>
      %dma_start3A_40 = tpu.memref_squeeze %dma_start3A_39 : memref<1x640x128xf32, #tpu.memory_space<hbm>> -> memref<640x128xf32, #tpu.memory_space<hbm>>
      %dma_start3A_41 = arith.constant 0 : i32
      %dma_start3A_42 = tpu.memref_slice %arg9[%mul3A_36, %dma_start3A_41] : memref<10240x128xf32, #tpu.memory_space<vmem_shared>> -> memref<640x128xf32, #tpu.memory_space<vmem_shared>>
      tpu.enqueue_dma source(%dma_start3A_42 : memref<640x128xf32, #tpu.memory_space<vmem_shared>>) target(%dma_start3A_40 : memref<640x128xf32, #tpu.memory_space<hbm>>) target_semaphore(%run_scoped3A : memref<!tpu.dma_semaphore, #tpu.memory_space<semaphore_mem>>)
      %dma_wait3A = arith.constant 0 : i32
      %dma_wait3A_43 = tpu.memref_slice %arg5[%arg0, %mul3A_38, %dma_wait3A] : memref<2x10240x128xf32, #tpu.memory_space<hbm>> -> memref<1x640x128xf32, #tpu.memory_space<hbm>>
      %dma_wait3A_44 = tpu.memref_squeeze %dma_wait3A_43 : memref<1x640x128xf32, #tpu.memory_space<hbm>> -> memref<640x128xf32, #tpu.memory_space<hbm>>
      %dma_wait3A_45 = arith.constant 0 : i32
      %dma_wait3A_46 = tpu.memref_slice %arg9[%mul3A_36, %dma_wait3A_45] : memref<10240x128xf32, #tpu.memory_space<vmem_shared>> -> memref<640x128xf32, #tpu.memory_space<vmem_shared>>
      tpu.wait_dma2 semaphore(%run_scoped3A : memref<!tpu.dma_semaphore, #tpu.memory_space<semaphore_mem>>) src(%dma_wait3A_46 : memref<640x128xf32, #tpu.memory_space<vmem_shared>>) dst(%dma_wait3A_44 : memref<640x128xf32, #tpu.memory_space<hbm>>)
      tpu.yield
    }) : () -> ()
    return
  }
}

#map = affine_map<(d0, d1) -> (0, 0)>
#map1 = affine_map<(d0, d1) -> (0, 0, 0)>
module attributes {stable_mosaic.version = 14 : i64} {
  func.func @sc_scatter(%arg0: i32, %arg1: i32, %arg2: memref<10240x128xf32, #tpu.memory_space<hbm>>, %arg3: memref<32x79x128xi32, #tpu.memory_space<hbm>>, %arg4: memref<32x79x128xi32, #tpu.memory_space<hbm>>, %arg5: memref<2x10240x128xf32, #tpu.memory_space<hbm>>, %arg6: memref<79x128xi32, #tpu.memory_space<vmem>>, %arg7: memref<79x128xi32, #tpu.memory_space<vmem>>, %arg8: memref<128x128xf32, #tpu.memory_space<vmem>>, %arg9: memref<10240x128xf32, #tpu.memory_space<vmem_shared>>, %arg10: memref<!tpu.dma_semaphore, #tpu.memory_space<semaphore_mem>>) attributes {dimension_semantics = [#tpu.dimension_semantics<core_parallel>, #tpu.dimension_semantics<subcore_parallel>], iteration_bounds = array<i64: 2, 16>, scalar_prefetch = 0 : i64, scratch_operands = 5 : i64, tpu.core_type = #tpu.core_type<sc_vector_subcore>, window_params = [{transform_indices = #map}, {transform_indices = #map1}, {transform_indices = #map1}, {transform_indices = #map1}]} {
    %mul3A = arith.constant 16 : i32
    %mul3A_0 = arith.muli %arg0, %mul3A : i32
    %add3A = arith.addi %mul3A_0, %arg1 : i32
    %scan3A = arith.constant 0 : i32
    %scan3A_1 = arith.constant 0 : i32
    %scan3A_2 = arith.constant 128 : i32
    %scan3A_3 = arith.addi %scan3A_1, %scan3A_2 : i32
    %scan3A_4 = arith.constant 1 : i32
    %scan3A_5 = scf.for %scan3A_39 = %scan3A_1 to %scan3A_3 step %scan3A_4 iter_args(%scan3A_40 = %scan3A) -> (i32)  : i32 {
      %broadcast_in_dim3A = arith.constant 0.000000e+00 : f32
      %broadcast_in_dim3A_41 = vector.broadcast %broadcast_in_dim3A : f32 to vector<16xf32>
      %swap3A = arith.index_cast %scan3A_39 : i32 to index
      %swap3A_42 = arith.constant 0 : index
      %swap3A_43 = tpu.vector_load %arg8[%swap3A, %swap3A_42] {strides = array<i32>} : memref<128x128xf32, #tpu.memory_space<vmem>>, vector<1x16xf32>,
      %swap3A_44 = vector.shape_cast %swap3A_43 : vector<1x16xf32> to vector<16xf32>
      %swap3A_45 = vector.shape_cast %broadcast_in_dim3A_41 : vector<16xf32> to vector<1x16xf32>
      tpu.vector_store %arg8[%swap3A, %swap3A_42], %swap3A_45 {strides = array<i32>} : memref<128x128xf32, #tpu.memory_space<vmem>>, vector<1x16xf32>,
      %broadcast_in_dim3A_46 = arith.constant 0.000000e+00 : f32
      %broadcast_in_dim3A_47 = vector.broadcast %broadcast_in_dim3A_46 : f32 to vector<16xf32>
      %swap3A_48 = arith.index_cast %scan3A_39 : i32 to index
      %swap3A_49 = arith.constant 16 : index
      %swap3A_50 = tpu.vector_load %arg8[%swap3A_48, %swap3A_49] {strides = array<i32>} : memref<128x128xf32, #tpu.memory_space<vmem>>, vector<1x16xf32>,
      %swap3A_51 = vector.shape_cast %swap3A_50 : vector<1x16xf32> to vector<16xf32>
      %swap3A_52 = vector.shape_cast %broadcast_in_dim3A_47 : vector<16xf32> to vector<1x16xf32>
      tpu.vector_store %arg8[%swap3A_48, %swap3A_49], %swap3A_52 {strides = array<i32>} : memref<128x128xf32, #tpu.memory_space<vmem>>, vector<1x16xf32>,
      %broadcast_in_dim3A_53 = arith.constant 0.000000e+00 : f32
      %broadcast_in_dim3A_54 = vector.broadcast %broadcast_in_dim3A_53 : f32 to vector<16xf32>
      %swap3A_55 = arith.index_cast %scan3A_39 : i32 to index
      %swap3A_56 = arith.constant 32 : index
      %swap3A_57 = tpu.vector_load %arg8[%swap3A_55, %swap3A_56] {strides = array<i32>} : memref<128x128xf32, #tpu.memory_space<vmem>>, vector<1x16xf32>,
      %swap3A_58 = vector.shape_cast %swap3A_57 : vector<1x16xf32> to vector<16xf32>
      %swap3A_59 = vector.shape_cast %broadcast_in_dim3A_54 : vector<16xf32> to vector<1x16xf32>
      tpu.vector_store %arg8[%swap3A_55, %swap3A_56], %swap3A_59 {strides = array<i32>} : memref<128x128xf32, #tpu.memory_space<vmem>>, vector<1x16xf32>,
      %broadcast_in_dim3A_60 = arith.constant 0.000000e+00 : f32
      %broadcast_in_dim3A_61 = vector.broadcast %broadcast_in_dim3A_60 : f32 to vector<16xf32>
      %swap3A_62 = arith.index_cast %scan3A_39 : i32 to index
      %swap3A_63 = arith.constant 48 : index
      %swap3A_64 = tpu.vector_load %arg8[%swap3A_62, %swap3A_63] {strides = array<i32>} : memref<128x128xf32, #tpu.memory_space<vmem>>, vector<1x16xf32>,
      %swap3A_65 = vector.shape_cast %swap3A_64 : vector<1x16xf32> to vector<16xf32>
      %swap3A_66 = vector.shape_cast %broadcast_in_dim3A_61 : vector<16xf32> to vector<1x16xf32>
      tpu.vector_store %arg8[%swap3A_62, %swap3A_63], %swap3A_66 {strides = array<i32>} : memref<128x128xf32, #tpu.memory_space<vmem>>, vector<1x16xf32>,
      %broadcast_in_dim3A_67 = arith.constant 0.000000e+00 : f32
      %broadcast_in_dim3A_68 = vector.broadcast %broadcast_in_dim3A_67 : f32 to vector<16xf32>
      %swap3A_69 = arith.index_cast %scan3A_39 : i32 to index
      %swap3A_70 = arith.constant 64 : index
      %swap3A_71 = tpu.vector_load %arg8[%swap3A_69, %swap3A_70] {strides = array<i32>} : memref<128x128xf32, #tpu.memory_space<vmem>>, vector<1x16xf32>,
      %swap3A_72 = vector.shape_cast %swap3A_71 : vector<1x16xf32> to vector<16xf32>
      %swap3A_73 = vector.shape_cast %broadcast_in_dim3A_68 : vector<16xf32> to vector<1x16xf32>
      tpu.vector_store %arg8[%swap3A_69, %swap3A_70], %swap3A_73 {strides = array<i32>} : memref<128x128xf32, #tpu.memory_space<vmem>>, vector<1x16xf32>,
      %broadcast_in_dim3A_74 = arith.constant 0.000000e+00 : f32
      %broadcast_in_dim3A_75 = vector.broadcast %broadcast_in_dim3A_74 : f32 to vector<16xf32>
      %swap3A_76 = arith.index_cast %scan3A_39 : i32 to index
      %swap3A_77 = arith.constant 80 : index
      %swap3A_78 = tpu.vector_load %arg8[%swap3A_76, %swap3A_77] {strides = array<i32>} : memref<128x128xf32, #tpu.memory_space<vmem>>, vector<1x16xf32>,
      %swap3A_79 = vector.shape_cast %swap3A_78 : vector<1x16xf32> to vector<16xf32>
      %swap3A_80 = vector.shape_cast %broadcast_in_dim3A_75 : vector<16xf32> to vector<1x16xf32>
      tpu.vector_store %arg8[%swap3A_76, %swap3A_77], %swap3A_80 {strides = array<i32>} : memref<128x128xf32, #tpu.memory_space<vmem>>, vector<1x16xf32>,
      %broadcast_in_dim3A_81 = arith.constant 0.000000e+00 : f32
      %broadcast_in_dim3A_82 = vector.broadcast %broadcast_in_dim3A_81 : f32 to vector<16xf32>
      %swap3A_83 = arith.index_cast %scan3A_39 : i32 to index
      %swap3A_84 = arith.constant 96 : index
      %swap3A_85 = tpu.vector_load %arg8[%swap3A_83, %swap3A_84] {strides = array<i32>} : memref<128x128xf32, #tpu.memory_space<vmem>>, vector<1x16xf32>,
      %swap3A_86 = vector.shape_cast %swap3A_85 : vector<1x16xf32> to vector<16xf32>
      %swap3A_87 = vector.shape_cast %broadcast_in_dim3A_82 : vector<16xf32> to vector<1x16xf32>
      tpu.vector_store %arg8[%swap3A_83, %swap3A_84], %swap3A_87 {strides = array<i32>} : memref<128x128xf32, #tpu.memory_space<vmem>>, vector<1x16xf32>,
      %broadcast_in_dim3A_88 = arith.constant 0.000000e+00 : f32
      %broadcast_in_dim3A_89 = vector.broadcast %broadcast_in_dim3A_88 : f32 to vector<16xf32>
      %swap3A_90 = arith.index_cast %scan3A_39 : i32 to index
      %swap3A_91 = arith.constant 112 : index
      %swap3A_92 = tpu.vector_load %arg8[%swap3A_90, %swap3A_91] {strides = array<i32>} : memref<128x128xf32, #tpu.memory_space<vmem>>, vector<1x16xf32>,
      %swap3A_93 = vector.shape_cast %swap3A_92 : vector<1x16xf32> to vector<16xf32>
      %swap3A_94 = vector.shape_cast %broadcast_in_dim3A_89 : vector<16xf32> to vector<1x16xf32>
      tpu.vector_store %arg8[%swap3A_90, %swap3A_91], %swap3A_94 {strides = array<i32>} : memref<128x128xf32, #tpu.memory_space<vmem>>, vector<1x16xf32>,
      %scan3A_95 = arith.constant 0 : i32
      scf.yield %scan3A_95 : i32
    }
    %scan3A_6 = arith.constant 128 : i32
    %mul3A_7 = arith.constant 640 : i32
    %mul3A_8 = arith.muli %arg1, %mul3A_7 : i32
    %add3A_9 = arith.constant 0 : i32
    %add3A_10 = arith.addi %mul3A_8, %add3A_9 : i32
    "tpu.region"() ({
      %run_scoped3A = tpu.sem_alloc : memref<!tpu.dma_semaphore, #tpu.memory_space<semaphore_mem>>
      %dma_start3A = arith.constant 0 : i32
      %dma_start3A_39 = tpu.memref_slice %arg9[%add3A_10, %dma_start3A] : memref<10240x128xf32, #tpu.memory_space<vmem_shared>> -> memref<128x128xf32, #tpu.memory_space<vmem_shared>>
      %dma_start3A_40 = arith.constant 0 : i32
      %dma_start3A_41 = tpu.memref_slice %arg9[%add3A_10, %dma_start3A_40] : memref<10240x128xf32, #tpu.memory_space<vmem_shared>> -> memref<128x128xf32, #tpu.memory_space<vmem_shared>>
      tpu.enqueue_dma source(%arg8 : memref<128x128xf32, #tpu.memory_space<vmem>>) target(%dma_start3A_41 : memref<128x128xf32, #tpu.memory_space<vmem_shared>>) target_semaphore(%run_scoped3A : memref<!tpu.dma_semaphore, #tpu.memory_space<semaphore_mem>>)
      %dma_wait3A = arith.constant 0 : i32
      %dma_wait3A_42 = tpu.memref_slice %arg9[%add3A_10, %dma_wait3A] : memref<10240x128xf32, #tpu.memory_space<vmem_shared>> -> memref<128x128xf32, #tpu.memory_space<vmem_shared>>
      %dma_wait3A_43 = arith.constant 0 : i32
      %dma_wait3A_44 = tpu.memref_slice %arg9[%add3A_10, %dma_wait3A_43] : memref<10240x128xf32, #tpu.memory_space<vmem_shared>> -> memref<128x128xf32, #tpu.memory_space<vmem_shared>>
      tpu.wait_dma2 semaphore(%run_scoped3A : memref<!tpu.dma_semaphore, #tpu.memory_space<semaphore_mem>>) src(%arg8 : memref<128x128xf32, #tpu.memory_space<vmem>>) dst(%dma_wait3A_44 : memref<128x128xf32, #tpu.memory_space<vmem_shared>>)
      tpu.yield
    }) : () -> ()
    %mul3A_11 = arith.constant 640 : i32
    %mul3A_12 = arith.muli %arg1, %mul3A_11 : i32
    %add3A_13 = arith.constant 128 : i32
    %add3A_14 = arith.addi %mul3A_12, %add3A_13 : i32
    "tpu.region"() ({
      %run_scoped3A = tpu.sem_alloc : memref<!tpu.dma_semaphore, #tpu.memory_space<semaphore_mem>>
      %dma_start3A = arith.constant 0 : i32
      %dma_start3A_39 = tpu.memref_slice %arg9[%add3A_14, %dma_start3A] : memref<10240x128xf32, #tpu.memory_space<vmem_shared>> -> memref<128x128xf32, #tpu.memory_space<vmem_shared>>
      %dma_start3A_40 = arith.constant 0 : i32
      %dma_start3A_41 = tpu.memref_slice %arg9[%add3A_14, %dma_start3A_40] : memref<10240x128xf32, #tpu.memory_space<vmem_shared>> -> memref<128x128xf32, #tpu.memory_space<vmem_shared>>
      tpu.enqueue_dma source(%arg8 : memref<128x128xf32, #tpu.memory_space<vmem>>) target(%dma_start3A_41 : memref<128x128xf32, #tpu.memory_space<vmem_shared>>) target_semaphore(%run_scoped3A : memref<!tpu.dma_semaphore, #tpu.memory_space<semaphore_mem>>)
      %dma_wait3A = arith.constant 0 : i32
      %dma_wait3A_42 = tpu.memref_slice %arg9[%add3A_14, %dma_wait3A] : memref<10240x128xf32, #tpu.memory_space<vmem_shared>> -> memref<128x128xf32, #tpu.memory_space<vmem_shared>>
      %dma_wait3A_43 = arith.constant 0 : i32
      %dma_wait3A_44 = tpu.memref_slice %arg9[%add3A_14, %dma_wait3A_43] : memref<10240x128xf32, #tpu.memory_space<vmem_shared>> -> memref<128x128xf32, #tpu.memory_space<vmem_shared>>
      tpu.wait_dma2 semaphore(%run_scoped3A : memref<!tpu.dma_semaphore, #tpu.memory_space<semaphore_mem>>) src(%arg8 : memref<128x128xf32, #tpu.memory_space<vmem>>) dst(%dma_wait3A_44 : memref<128x128xf32, #tpu.memory_space<vmem_shared>>)
      tpu.yield
    }) : () -> ()
    %mul3A_15 = arith.constant 640 : i32
    %mul3A_16 = arith.muli %arg1, %mul3A_15 : i32
    %add3A_17 = arith.constant 256 : i32
    %add3A_18 = arith.addi %mul3A_16, %add3A_17 : i32
    "tpu.region"() ({
      %run_scoped3A = tpu.sem_alloc : memref<!tpu.dma_semaphore, #tpu.memory_space<semaphore_mem>>
      %dma_start3A = arith.constant 0 : i32
      %dma_start3A_39 = tpu.memref_slice %arg9[%add3A_18, %dma_start3A] : memref<10240x128xf32, #tpu.memory_space<vmem_shared>> -> memref<128x128xf32, #tpu.memory_space<vmem_shared>>
      %dma_start3A_40 = arith.constant 0 : i32
      %dma_start3A_41 = tpu.memref_slice %arg9[%add3A_18, %dma_start3A_40] : memref<10240x128xf32, #tpu.memory_space<vmem_shared>> -> memref<128x128xf32, #tpu.memory_space<vmem_shared>>
      tpu.enqueue_dma source(%arg8 : memref<128x128xf32, #tpu.memory_space<vmem>>) target(%dma_start3A_41 : memref<128x128xf32, #tpu.memory_space<vmem_shared>>) target_semaphore(%run_scoped3A : memref<!tpu.dma_semaphore, #tpu.memory_space<semaphore_mem>>)
      %dma_wait3A = arith.constant 0 : i32
      %dma_wait3A_42 = tpu.memref_slice %arg9[%add3A_18, %dma_wait3A] : memref<10240x128xf32, #tpu.memory_space<vmem_shared>> -> memref<128x128xf32, #tpu.memory_space<vmem_shared>>
      %dma_wait3A_43 = arith.constant 0 : i32
      %dma_wait3A_44 = tpu.memref_slice %arg9[%add3A_18, %dma_wait3A_43] : memref<10240x128xf32, #tpu.memory_space<vmem_shared>> -> memref<128x128xf32, #tpu.memory_space<vmem_shared>>
      tpu.wait_dma2 semaphore(%run_scoped3A : memref<!tpu.dma_semaphore, #tpu.memory_space<semaphore_mem>>) src(%arg8 : memref<128x128xf32, #tpu.memory_space<vmem>>) dst(%dma_wait3A_44 : memref<128x128xf32, #tpu.memory_space<vmem_shared>>)
      tpu.yield
    }) : () -> ()
    %mul3A_19 = arith.constant 640 : i32
    %mul3A_20 = arith.muli %arg1, %mul3A_19 : i32
    %add3A_21 = arith.constant 384 : i32
    %add3A_22 = arith.addi %mul3A_20, %add3A_21 : i32
    "tpu.region"() ({
      %run_scoped3A = tpu.sem_alloc : memref<!tpu.dma_semaphore, #tpu.memory_space<semaphore_mem>>
      %dma_start3A = arith.constant 0 : i32
      %dma_start3A_39 = tpu.memref_slice %arg9[%add3A_22, %dma_start3A] : memref<10240x128xf32, #tpu.memory_space<vmem_shared>> -> memref<128x128xf32, #tpu.memory_space<vmem_shared>>
      %dma_start3A_40 = arith.constant 0 : i32
      %dma_start3A_41 = tpu.memref_slice %arg9[%add3A_22, %dma_start3A_40] : memref<10240x128xf32, #tpu.memory_space<vmem_shared>> -> memref<128x128xf32, #tpu.memory_space<vmem_shared>>
      tpu.enqueue_dma source(%arg8 : memref<128x128xf32, #tpu.memory_space<vmem>>) target(%dma_start3A_41 : memref<128x128xf32, #tpu.memory_space<vmem_shared>>) target_semaphore(%run_scoped3A : memref<!tpu.dma_semaphore, #tpu.memory_space<semaphore_mem>>)
      %dma_wait3A = arith.constant 0 : i32
      %dma_wait3A_42 = tpu.memref_slice %arg9[%add3A_22, %dma_wait3A] : memref<10240x128xf32, #tpu.memory_space<vmem_shared>> -> memref<128x128xf32, #tpu.memory_space<vmem_shared>>
      %dma_wait3A_43 = arith.constant 0 : i32
      %dma_wait3A_44 = tpu.memref_slice %arg9[%add3A_22, %dma_wait3A_43] : memref<10240x128xf32, #tpu.memory_space<vmem_shared>> -> memref<128x128xf32, #tpu.memory_space<vmem_shared>>
      tpu.wait_dma2 semaphore(%run_scoped3A : memref<!tpu.dma_semaphore, #tpu.memory_space<semaphore_mem>>) src(%arg8 : memref<128x128xf32, #tpu.memory_space<vmem>>) dst(%dma_wait3A_44 : memref<128x128xf32, #tpu.memory_space<vmem_shared>>)
      tpu.yield
    }) : () -> ()
    %mul3A_23 = arith.constant 640 : i32
    %mul3A_24 = arith.muli %arg1, %mul3A_23 : i32
    %add3A_25 = arith.constant 512 : i32
    %add3A_26 = arith.addi %mul3A_24, %add3A_25 : i32
    "tpu.region"() ({
      %run_scoped3A = tpu.sem_alloc : memref<!tpu.dma_semaphore, #tpu.memory_space<semaphore_mem>>
      %dma_start3A = arith.constant 0 : i32
      %dma_start3A_39 = tpu.memref_slice %arg9[%add3A_26, %dma_start3A] : memref<10240x128xf32, #tpu.memory_space<vmem_shared>> -> memref<128x128xf32, #tpu.memory_space<vmem_shared>>
      %dma_start3A_40 = arith.constant 0 : i32
      %dma_start3A_41 = tpu.memref_slice %arg9[%add3A_26, %dma_start3A_40] : memref<10240x128xf32, #tpu.memory_space<vmem_shared>> -> memref<128x128xf32, #tpu.memory_space<vmem_shared>>
      tpu.enqueue_dma source(%arg8 : memref<128x128xf32, #tpu.memory_space<vmem>>) target(%dma_start3A_41 : memref<128x128xf32, #tpu.memory_space<vmem_shared>>) target_semaphore(%run_scoped3A : memref<!tpu.dma_semaphore, #tpu.memory_space<semaphore_mem>>)
      %dma_wait3A = arith.constant 0 : i32
      %dma_wait3A_42 = tpu.memref_slice %arg9[%add3A_26, %dma_wait3A] : memref<10240x128xf32, #tpu.memory_space<vmem_shared>> -> memref<128x128xf32, #tpu.memory_space<vmem_shared>>
      %dma_wait3A_43 = arith.constant 0 : i32
      %dma_wait3A_44 = tpu.memref_slice %arg9[%add3A_26, %dma_wait3A_43] : memref<10240x128xf32, #tpu.memory_space<vmem_shared>> -> memref<128x128xf32, #tpu.memory_space<vmem_shared>>
      tpu.wait_dma2 semaphore(%run_scoped3A : memref<!tpu.dma_semaphore, #tpu.memory_space<semaphore_mem>>) src(%arg8 : memref<128x128xf32, #tpu.memory_space<vmem>>) dst(%dma_wait3A_44 : memref<128x128xf32, #tpu.memory_space<vmem_shared>>)
      tpu.yield
    }) : () -> ()
    %barrier3A = arith.constant 0 : index
    tpu.barrier barrier_id(%barrier3A)
    "tpu.region"() ({
      %run_scoped3A = tpu.sem_alloc : memref<!tpu.dma_semaphore, #tpu.memory_space<semaphore_mem>>
      %dma_start3A = arith.constant 0 : i32
      %dma_start3A_39 = arith.constant 0 : i32
      %dma_start3A_40 = tpu.memref_slice %arg3[%add3A, %dma_start3A, %dma_start3A_39] : memref<32x79x128xi32, #tpu.memory_space<hbm>> -> memref<1x79x128xi32, #tpu.memory_space<hbm>>
      %dma_start3A_41 = tpu.memref_squeeze %dma_start3A_40 : memref<1x79x128xi32, #tpu.memory_space<hbm>> -> memref<79x128xi32, #tpu.memory_space<hbm>>
      %dma_start3A_42 = arith.constant 0 : i32
      %dma_start3A_43 = arith.constant 0 : i32
      %dma_start3A_44 = tpu.memref_slice %arg3[%add3A, %dma_start3A_42, %dma_start3A_43] : memref<32x79x128xi32, #tpu.memory_space<hbm>> -> memref<1x79x128xi32, #tpu.memory_space<hbm>>
      %dma_start3A_45 = tpu.memref_squeeze %dma_start3A_44 : memref<1x79x128xi32, #tpu.memory_space<hbm>> -> memref<79x128xi32, #tpu.memory_space<hbm>>
      tpu.enqueue_dma source(%dma_start3A_45 : memref<79x128xi32, #tpu.memory_space<hbm>>) target(%arg6 : memref<79x128xi32, #tpu.memory_space<vmem>>) target_semaphore(%run_scoped3A : memref<!tpu.dma_semaphore, #tpu.memory_space<semaphore_mem>>)
      %dma_wait3A = arith.constant 0 : i32
      %dma_wait3A_46 = arith.constant 0 : i32
      %dma_wait3A_47 = tpu.memref_slice %arg3[%add3A, %dma_wait3A, %dma_wait3A_46] : memref<32x79x128xi32, #tpu.memory_space<hbm>> -> memref<1x79x128xi32, #tpu.memory_space<hbm>>
      %dma_wait3A_48 = tpu.memref_squeeze %dma_wait3A_47 : memref<1x79x128xi32, #tpu.memory_space<hbm>> -> memref<79x128xi32, #tpu.memory_space<hbm>>
      %dma_wait3A_49 = arith.constant 0 : i32
      %dma_wait3A_50 = arith.constant 0 : i32
      %dma_wait3A_51 = tpu.memref_slice %arg3[%add3A, %dma_wait3A_49, %dma_wait3A_50] : memref<32x79x128xi32, #tpu.memory_space<hbm>> -> memref<1x79x128xi32, #tpu.memory_space<hbm>>
      %dma_wait3A_52 = tpu.memref_squeeze %dma_wait3A_51 : memref<1x79x128xi32, #tpu.memory_space<hbm>> -> memref<79x128xi32, #tpu.memory_space<hbm>>
      tpu.wait_dma2 semaphore(%run_scoped3A : memref<!tpu.dma_semaphore, #tpu.memory_space<semaphore_mem>>) src(%dma_wait3A_52 : memref<79x128xi32, #tpu.memory_space<hbm>>) dst(%arg6 : memref<79x128xi32, #tpu.memory_space<vmem>>)
      tpu.yield
    }) : () -> ()
    "tpu.region"() ({
      %run_scoped3A = tpu.sem_alloc : memref<!tpu.dma_semaphore, #tpu.memory_space<semaphore_mem>>
      %dma_start3A = arith.constant 0 : i32
      %dma_start3A_39 = arith.constant 0 : i32
      %dma_start3A_40 = tpu.memref_slice %arg4[%add3A, %dma_start3A, %dma_start3A_39] : memref<32x79x128xi32, #tpu.memory_space<hbm>> -> memref<1x79x128xi32, #tpu.memory_space<hbm>>
      %dma_start3A_41 = tpu.memref_squeeze %dma_start3A_40 : memref<1x79x128xi32, #tpu.memory_space<hbm>> -> memref<79x128xi32, #tpu.memory_space<hbm>>
      %dma_start3A_42 = arith.constant 0 : i32
      %dma_start3A_43 = arith.constant 0 : i32
      %dma_start3A_44 = tpu.memref_slice %arg4[%add3A, %dma_start3A_42, %dma_start3A_43] : memref<32x79x128xi32, #tpu.memory_space<hbm>> -> memref<1x79x128xi32, #tpu.memory_space<hbm>>
      %dma_start3A_45 = tpu.memref_squeeze %dma_start3A_44 : memref<1x79x128xi32, #tpu.memory_space<hbm>> -> memref<79x128xi32, #tpu.memory_space<hbm>>
      tpu.enqueue_dma source(%dma_start3A_45 : memref<79x128xi32, #tpu.memory_space<hbm>>) target(%arg7 : memref<79x128xi32, #tpu.memory_space<vmem>>) target_semaphore(%run_scoped3A : memref<!tpu.dma_semaphore, #tpu.memory_space<semaphore_mem>>)
      %dma_wait3A = arith.constant 0 : i32
      %dma_wait3A_46 = arith.constant 0 : i32
      %dma_wait3A_47 = tpu.memref_slice %arg4[%add3A, %dma_wait3A, %dma_wait3A_46] : memref<32x79x128xi32, #tpu.memory_space<hbm>> -> memref<1x79x128xi32, #tpu.memory_space<hbm>>
      %dma_wait3A_48 = tpu.memref_squeeze %dma_wait3A_47 : memref<1x79x128xi32, #tpu.memory_space<hbm>> -> memref<79x128xi32, #tpu.memory_space<hbm>>
      %dma_wait3A_49 = arith.constant 0 : i32
      %dma_wait3A_50 = arith.constant 0 : i32
      %dma_wait3A_51 = tpu.memref_slice %arg4[%add3A, %dma_wait3A_49, %dma_wait3A_50] : memref<32x79x128xi32, #tpu.memory_space<hbm>> -> memref<1x79x128xi32, #tpu.memory_space<hbm>>
      %dma_wait3A_52 = tpu.memref_squeeze %dma_wait3A_51 : memref<1x79x128xi32, #tpu.memory_space<hbm>> -> memref<79x128xi32, #tpu.memory_space<hbm>>
      tpu.wait_dma2 semaphore(%run_scoped3A : memref<!tpu.dma_semaphore, #tpu.memory_space<semaphore_mem>>) src(%dma_wait3A_52 : memref<79x128xi32, #tpu.memory_space<hbm>>) dst(%arg7 : memref<79x128xi32, #tpu.memory_space<vmem>>)
      tpu.yield
    }) : () -> ()
    %scan3A_27 = arith.constant 0 : i32
    %scan3A_28 = arith.constant 0 : i32
    %scan3A_29 = arith.constant 79 : i32
    %scan3A_30 = arith.addi %scan3A_28, %scan3A_29 : i32
    %scan3A_31 = arith.constant 1 : i32
    %scan3A_32 = scf.for %scan3A_39 = %scan3A_28 to %scan3A_30 step %scan3A_31 iter_args(%scan3A_40 = %scan3A_27) -> (i32)  : i32 {
      %dma_start3A = arith.constant 0 : i32
      %dma_start3A_41 = tpu.memref_slice %arg6[%scan3A_39, %dma_start3A] : memref<79x128xi32, #tpu.memory_space<vmem>> -> memref<1x128xi32, #tpu.memory_space<vmem>>
      %dma_start3A_42 = tpu.memref_squeeze %dma_start3A_41 : memref<1x128xi32, #tpu.memory_space<vmem>> -> memref<128xi32, #tpu.memory_space<vmem>>
      %dma_start3A_43 = arith.constant 0 : i32
      %dma_start3A_44 = arith.constant 0 : i32
      %dma_start3A_45 = tpu.memref_slice %arg2[%dma_start3A_43, %dma_start3A_44] : memref<10240x128xf32, #tpu.memory_space<hbm>> -> memref<10240x128xf32, #tpu.memory_space<hbm>>
      tpu.enqueue_indirect_dma source(%dma_start3A_45 : memref<10240x128xf32, #tpu.memory_space<hbm>>) target(%arg8 : memref<128x128xf32, #tpu.memory_space<vmem>>) offsets(%dma_start3A_42 : memref<128xi32, #tpu.memory_space<vmem>>) semaphore(%arg10 : memref<!tpu.dma_semaphore, #tpu.memory_space<semaphore_mem>>)
      %dma_wait3A = arith.constant 0 : i32
      %dma_wait3A_46 = tpu.memref_slice %arg6[%scan3A_39, %dma_wait3A] : memref<79x128xi32, #tpu.memory_space<vmem>> -> memref<1x128xi32, #tpu.memory_space<vmem>>
      %dma_wait3A_47 = tpu.memref_squeeze %dma_wait3A_46 : memref<1x128xi32, #tpu.memory_space<vmem>> -> memref<128xi32, #tpu.memory_space<vmem>>
      %dma_wait3A_48 = arith.constant 0 : i32
      %dma_wait3A_49 = arith.constant 0 : i32
      %dma_wait3A_50 = tpu.memref_slice %arg2[%dma_wait3A_48, %dma_wait3A_49] : memref<10240x128xf32, #tpu.memory_space<hbm>> -> memref<10240x128xf32, #tpu.memory_space<hbm>>
      tpu.wait_indirect_dma semaphore(%arg10 : memref<!tpu.dma_semaphore, #tpu.memory_space<semaphore_mem>>) src(%dma_wait3A_50 : memref<10240x128xf32, #tpu.memory_space<hbm>>) dst(%arg8 : memref<128x128xf32, #tpu.memory_space<vmem>>)
      "tpu.region"() ({
        %run_scoped3A = tpu.sem_alloc : memref<!tpu.dma_semaphore, #tpu.memory_space<semaphore_mem>>
        %dma_start3A_52 = arith.constant 0 : i32
        %dma_start3A_53 = tpu.memref_slice %arg7[%scan3A_39, %dma_start3A_52] : memref<79x128xi32, #tpu.memory_space<vmem>> -> memref<1x128xi32, #tpu.memory_space<vmem>>
        %dma_start3A_54 = tpu.memref_squeeze %dma_start3A_53 : memref<1x128xi32, #tpu.memory_space<vmem>> -> memref<128xi32, #tpu.memory_space<vmem>>
        %dma_start3A_55 = arith.constant 0 : i32
        %dma_start3A_56 = arith.constant 0 : i32
        %dma_start3A_57 = tpu.memref_slice %arg9[%dma_start3A_55, %dma_start3A_56] : memref<10240x128xf32, #tpu.memory_space<vmem_shared>> -> memref<10240x128xf32, #tpu.memory_space<vmem_shared>>
        tpu.enqueue_indirect_dma source(%arg8 : memref<128x128xf32, #tpu.memory_space<vmem>>) target(%dma_start3A_57 : memref<10240x128xf32, #tpu.memory_space<vmem_shared>>) offsets(%dma_start3A_54 : memref<128xi32, #tpu.memory_space<vmem>>) semaphore(%run_scoped3A : memref<!tpu.dma_semaphore, #tpu.memory_space<semaphore_mem>>) {add = true}
        %dma_wait3A_58 = arith.constant 0 : i32
        %dma_wait3A_59 = tpu.memref_slice %arg7[%scan3A_39, %dma_wait3A_58] : memref<79x128xi32, #tpu.memory_space<vmem>> -> memref<1x128xi32, #tpu.memory_space<vmem>>
        %dma_wait3A_60 = tpu.memref_squeeze %dma_wait3A_59 : memref<1x128xi32, #tpu.memory_space<vmem>> -> memref<128xi32, #tpu.memory_space<vmem>>
        %dma_wait3A_61 = arith.constant 0 : i32
        %dma_wait3A_62 = arith.constant 0 : i32
        %dma_wait3A_63 = tpu.memref_slice %arg9[%dma_wait3A_61, %dma_wait3A_62] : memref<10240x128xf32, #tpu.memory_space<vmem_shared>> -> memref<10240x128xf32, #tpu.memory_space<vmem_shared>>
        tpu.wait_indirect_dma semaphore(%run_scoped3A : memref<!tpu.dma_semaphore, #tpu.memory_space<semaphore_mem>>) src(%arg8 : memref<128x128xf32, #tpu.memory_space<vmem>>) dst(%dma_wait3A_63 : memref<10240x128xf32, #tpu.memory_space<vmem_shared>>)
        tpu.yield
      }) : () -> ()
      %scan3A_51 = arith.constant 0 : i32
      scf.yield %scan3A_51 : i32
    }
    %scan3A_33 = arith.constant 79 : i32
    %barrier3A_34 = arith.constant 0 : index
    tpu.barrier barrier_id(%barrier3A_34)
    %mul3A_35 = arith.constant 640 : i32
    %mul3A_36 = arith.muli %arg1, %mul3A_35 : i32
    %mul3A_37 = arith.constant 640 : i32
    %mul3A_38 = arith.muli %arg1, %mul3A_37 : i32
    "tpu.region"() ({
      %run_scoped3A = tpu.sem_alloc : memref<!tpu.dma_semaphore, #tpu.memory_space<semaphore_mem>>
      %dma_start3A = arith.constant 0 : i32
      %dma_start3A_39 = tpu.memref_slice %arg5[%arg0, %mul3A_38, %dma_start3A] : memref<2x10240x128xf32, #tpu.memory_space<hbm>> -> memref<1x640x128xf32, #tpu.memory_space<hbm>>
      %dma_start3A_40 = tpu.memref_squeeze %dma_start3A_39 : memref<1x640x128xf32, #tpu.memory_space<hbm>> -> memref<640x128xf32, #tpu.memory_space<hbm>>
      %dma_start3A_41 = arith.constant 0 : i32
      %dma_start3A_42 = tpu.memref_slice %arg9[%mul3A_36, %dma_start3A_41] : memref<10240x128xf32, #tpu.memory_space<vmem_shared>> -> memref<640x128xf32, #tpu.memory_space<vmem_shared>>
      tpu.enqueue_dma source(%dma_start3A_42 : memref<640x128xf32, #tpu.memory_space<vmem_shared>>) target(%dma_start3A_40 : memref<640x128xf32, #tpu.memory_space<hbm>>) target_semaphore(%run_scoped3A : memref<!tpu.dma_semaphore, #tpu.memory_space<semaphore_mem>>)
      %dma_wait3A = arith.constant 0 : i32
      %dma_wait3A_43 = tpu.memref_slice %arg5[%arg0, %mul3A_38, %dma_wait3A] : memref<2x10240x128xf32, #tpu.memory_space<hbm>> -> memref<1x640x128xf32, #tpu.memory_space<hbm>>
      %dma_wait3A_44 = tpu.memref_squeeze %dma_wait3A_43 : memref<1x640x128xf32, #tpu.memory_space<hbm>> -> memref<640x128xf32, #tpu.memory_space<hbm>>
      %dma_wait3A_45 = arith.constant 0 : i32
      %dma_wait3A_46 = tpu.memref_slice %arg9[%mul3A_36, %dma_wait3A_45] : memref<10240x128xf32, #tpu.memory_space<vmem_shared>> -> memref<640x128xf32, #tpu.memory_space<vmem_shared>>
      tpu.wait_dma2 semaphore(%run_scoped3A : memref<!tpu.dma_semaphore, #tpu.memory_space<semaphore_mem>>) src(%dma_wait3A_46 : memref<640x128xf32, #tpu.memory_space<vmem_shared>>) dst(%dma_wait3A_44 : memref<640x128xf32, #tpu.memory_space<hbm>>)
      tpu.yield
    }) : () -> ()
    return
  }
}

#map = affine_map<(d0, d1) -> (0, 0)>
#map1 = affine_map<(d0, d1) -> (0, 0, 0)>
module attributes {stable_mosaic.version = 14 : i64} {
  func.func @sc_scatter(%arg0: i32, %arg1: i32, %arg2: memref<10240x128xf32, #tpu.memory_space<hbm>>, %arg3: memref<32x79x128xi32, #tpu.memory_space<hbm>>, %arg4: memref<32x79x128xi32, #tpu.memory_space<hbm>>, %arg5: memref<2x10240x128xf32, #tpu.memory_space<hbm>>, %arg6: memref<79x128xi32, #tpu.memory_space<vmem>>, %arg7: memref<79x128xi32, #tpu.memory_space<vmem>>, %arg8: memref<128x128xf32, #tpu.memory_space<vmem>>, %arg9: memref<10240x128xf32, #tpu.memory_space<vmem_shared>>, %arg10: memref<!tpu.dma_semaphore, #tpu.memory_space<semaphore_mem>>) attributes {dimension_semantics = [#tpu.dimension_semantics<core_parallel>, #tpu.dimension_semantics<subcore_parallel>], iteration_bounds = array<i64: 2, 16>, scalar_prefetch = 0 : i64, scratch_operands = 5 : i64, tpu.core_type = #tpu.core_type<sc_vector_subcore>, window_params = [{transform_indices = #map}, {transform_indices = #map1}, {transform_indices = #map1}, {transform_indices = #map1}]} {
    %mul3A = arith.constant 16 : i32
    %mul3A_0 = arith.muli %arg0, %mul3A : i32
    %add3A = arith.addi %mul3A_0, %arg1 : i32
    %scan3A = arith.constant 0 : i32
    %scan3A_1 = arith.constant 0 : i32
    %scan3A_2 = arith.constant 128 : i32
    %scan3A_3 = arith.addi %scan3A_1, %scan3A_2 : i32
    %scan3A_4 = arith.constant 1 : i32
    %scan3A_5 = scf.for %scan3A_39 = %scan3A_1 to %scan3A_3 step %scan3A_4 iter_args(%scan3A_40 = %scan3A) -> (i32)  : i32 {
      %broadcast_in_dim3A = arith.constant 0.000000e+00 : f32
      %broadcast_in_dim3A_41 = vector.broadcast %broadcast_in_dim3A : f32 to vector<16xf32>
      %swap3A = arith.index_cast %scan3A_39 : i32 to index
      %swap3A_42 = arith.constant 0 : index
      %swap3A_43 = tpu.vector_load %arg8[%swap3A, %swap3A_42] {strides = array<i32>} : memref<128x128xf32, #tpu.memory_space<vmem>>, vector<1x16xf32>,
      %swap3A_44 = vector.shape_cast %swap3A_43 : vector<1x16xf32> to vector<16xf32>
      %swap3A_45 = vector.shape_cast %broadcast_in_dim3A_41 : vector<16xf32> to vector<1x16xf32>
      tpu.vector_store %arg8[%swap3A, %swap3A_42], %swap3A_45 {strides = array<i32>} : memref<128x128xf32, #tpu.memory_space<vmem>>, vector<1x16xf32>,
      %broadcast_in_dim3A_46 = arith.constant 0.000000e+00 : f32
      %broadcast_in_dim3A_47 = vector.broadcast %broadcast_in_dim3A_46 : f32 to vector<16xf32>
      %swap3A_48 = arith.index_cast %scan3A_39 : i32 to index
      %swap3A_49 = arith.constant 16 : index
      %swap3A_50 = tpu.vector_load %arg8[%swap3A_48, %swap3A_49] {strides = array<i32>} : memref<128x128xf32, #tpu.memory_space<vmem>>, vector<1x16xf32>,
      %swap3A_51 = vector.shape_cast %swap3A_50 : vector<1x16xf32> to vector<16xf32>
      %swap3A_52 = vector.shape_cast %broadcast_in_dim3A_47 : vector<16xf32> to vector<1x16xf32>
      tpu.vector_store %arg8[%swap3A_48, %swap3A_49], %swap3A_52 {strides = array<i32>} : memref<128x128xf32, #tpu.memory_space<vmem>>, vector<1x16xf32>,
      %broadcast_in_dim3A_53 = arith.constant 0.000000e+00 : f32
      %broadcast_in_dim3A_54 = vector.broadcast %broadcast_in_dim3A_53 : f32 to vector<16xf32>
      %swap3A_55 = arith.index_cast %scan3A_39 : i32 to index
      %swap3A_56 = arith.constant 32 : index
      %swap3A_57 = tpu.vector_load %arg8[%swap3A_55, %swap3A_56] {strides = array<i32>} : memref<128x128xf32, #tpu.memory_space<vmem>>, vector<1x16xf32>,
      %swap3A_58 = vector.shape_cast %swap3A_57 : vector<1x16xf32> to vector<16xf32>
      %swap3A_59 = vector.shape_cast %broadcast_in_dim3A_54 : vector<16xf32> to vector<1x16xf32>
      tpu.vector_store %arg8[%swap3A_55, %swap3A_56], %swap3A_59 {strides = array<i32>} : memref<128x128xf32, #tpu.memory_space<vmem>>, vector<1x16xf32>,
      %broadcast_in_dim3A_60 = arith.constant 0.000000e+00 : f32
      %broadcast_in_dim3A_61 = vector.broadcast %broadcast_in_dim3A_60 : f32 to vector<16xf32>
      %swap3A_62 = arith.index_cast %scan3A_39 : i32 to index
      %swap3A_63 = arith.constant 48 : index
      %swap3A_64 = tpu.vector_load %arg8[%swap3A_62, %swap3A_63] {strides = array<i32>} : memref<128x128xf32, #tpu.memory_space<vmem>>, vector<1x16xf32>,
      %swap3A_65 = vector.shape_cast %swap3A_64 : vector<1x16xf32> to vector<16xf32>
      %swap3A_66 = vector.shape_cast %broadcast_in_dim3A_61 : vector<16xf32> to vector<1x16xf32>
      tpu.vector_store %arg8[%swap3A_62, %swap3A_63], %swap3A_66 {strides = array<i32>} : memref<128x128xf32, #tpu.memory_space<vmem>>, vector<1x16xf32>,
      %broadcast_in_dim3A_67 = arith.constant 0.000000e+00 : f32
      %broadcast_in_dim3A_68 = vector.broadcast %broadcast_in_dim3A_67 : f32 to vector<16xf32>
      %swap3A_69 = arith.index_cast %scan3A_39 : i32 to index
      %swap3A_70 = arith.constant 64 : index
      %swap3A_71 = tpu.vector_load %arg8[%swap3A_69, %swap3A_70] {strides = array<i32>} : memref<128x128xf32, #tpu.memory_space<vmem>>, vector<1x16xf32>,
      %swap3A_72 = vector.shape_cast %swap3A_71 : vector<1x16xf32> to vector<16xf32>
      %swap3A_73 = vector.shape_cast %broadcast_in_dim3A_68 : vector<16xf32> to vector<1x16xf32>
      tpu.vector_store %arg8[%swap3A_69, %swap3A_70], %swap3A_73 {strides = array<i32>} : memref<128x128xf32, #tpu.memory_space<vmem>>, vector<1x16xf32>,
      %broadcast_in_dim3A_74 = arith.constant 0.000000e+00 : f32
      %broadcast_in_dim3A_75 = vector.broadcast %broadcast_in_dim3A_74 : f32 to vector<16xf32>
      %swap3A_76 = arith.index_cast %scan3A_39 : i32 to index
      %swap3A_77 = arith.constant 80 : index
      %swap3A_78 = tpu.vector_load %arg8[%swap3A_76, %swap3A_77] {strides = array<i32>} : memref<128x128xf32, #tpu.memory_space<vmem>>, vector<1x16xf32>,
      %swap3A_79 = vector.shape_cast %swap3A_78 : vector<1x16xf32> to vector<16xf32>
      %swap3A_80 = vector.shape_cast %broadcast_in_dim3A_75 : vector<16xf32> to vector<1x16xf32>
      tpu.vector_store %arg8[%swap3A_76, %swap3A_77], %swap3A_80 {strides = array<i32>} : memref<128x128xf32, #tpu.memory_space<vmem>>, vector<1x16xf32>,
      %broadcast_in_dim3A_81 = arith.constant 0.000000e+00 : f32
      %broadcast_in_dim3A_82 = vector.broadcast %broadcast_in_dim3A_81 : f32 to vector<16xf32>
      %swap3A_83 = arith.index_cast %scan3A_39 : i32 to index
      %swap3A_84 = arith.constant 96 : index
      %swap3A_85 = tpu.vector_load %arg8[%swap3A_83, %swap3A_84] {strides = array<i32>} : memref<128x128xf32, #tpu.memory_space<vmem>>, vector<1x16xf32>,
      %swap3A_86 = vector.shape_cast %swap3A_85 : vector<1x16xf32> to vector<16xf32>
      %swap3A_87 = vector.shape_cast %broadcast_in_dim3A_82 : vector<16xf32> to vector<1x16xf32>
      tpu.vector_store %arg8[%swap3A_83, %swap3A_84], %swap3A_87 {strides = array<i32>} : memref<128x128xf32, #tpu.memory_space<vmem>>, vector<1x16xf32>,
      %broadcast_in_dim3A_88 = arith.constant 0.000000e+00 : f32
      %broadcast_in_dim3A_89 = vector.broadcast %broadcast_in_dim3A_88 : f32 to vector<16xf32>
      %swap3A_90 = arith.index_cast %scan3A_39 : i32 to index
      %swap3A_91 = arith.constant 112 : index
      %swap3A_92 = tpu.vector_load %arg8[%swap3A_90, %swap3A_91] {strides = array<i32>} : memref<128x128xf32, #tpu.memory_space<vmem>>, vector<1x16xf32>,
      %swap3A_93 = vector.shape_cast %swap3A_92 : vector<1x16xf32> to vector<16xf32>
      %swap3A_94 = vector.shape_cast %broadcast_in_dim3A_89 : vector<16xf32> to vector<1x16xf32>
      tpu.vector_store %arg8[%swap3A_90, %swap3A_91], %swap3A_94 {strides = array<i32>} : memref<128x128xf32, #tpu.memory_space<vmem>>, vector<1x16xf32>,
      %scan3A_95 = arith.constant 0 : i32
      scf.yield %scan3A_95 : i32
    }
    %scan3A_6 = arith.constant 128 : i32
    %mul3A_7 = arith.constant 640 : i32
    %mul3A_8 = arith.muli %arg1, %mul3A_7 : i32
    %add3A_9 = arith.constant 0 : i32
    %add3A_10 = arith.addi %mul3A_8, %add3A_9 : i32
    "tpu.region"() ({
      %run_scoped3A = tpu.sem_alloc : memref<!tpu.dma_semaphore, #tpu.memory_space<semaphore_mem>>
      %dma_start3A = arith.constant 0 : i32
      %dma_start3A_39 = tpu.memref_slice %arg9[%add3A_10, %dma_start3A] : memref<10240x128xf32, #tpu.memory_space<vmem_shared>> -> memref<128x128xf32, #tpu.memory_space<vmem_shared>>
      %dma_start3A_40 = arith.constant 0 : i32
      %dma_start3A_41 = tpu.memref_slice %arg9[%add3A_10, %dma_start3A_40] : memref<10240x128xf32, #tpu.memory_space<vmem_shared>> -> memref<128x128xf32, #tpu.memory_space<vmem_shared>>
      tpu.enqueue_dma source(%arg8 : memref<128x128xf32, #tpu.memory_space<vmem>>) target(%dma_start3A_41 : memref<128x128xf32, #tpu.memory_space<vmem_shared>>) target_semaphore(%run_scoped3A : memref<!tpu.dma_semaphore, #tpu.memory_space<semaphore_mem>>)
      %dma_wait3A = arith.constant 0 : i32
      %dma_wait3A_42 = tpu.memref_slice %arg9[%add3A_10, %dma_wait3A] : memref<10240x128xf32, #tpu.memory_space<vmem_shared>> -> memref<128x128xf32, #tpu.memory_space<vmem_shared>>
      %dma_wait3A_43 = arith.constant 0 : i32
      %dma_wait3A_44 = tpu.memref_slice %arg9[%add3A_10, %dma_wait3A_43] : memref<10240x128xf32, #tpu.memory_space<vmem_shared>> -> memref<128x128xf32, #tpu.memory_space<vmem_shared>>
      tpu.wait_dma2 semaphore(%run_scoped3A : memref<!tpu.dma_semaphore, #tpu.memory_space<semaphore_mem>>) src(%arg8 : memref<128x128xf32, #tpu.memory_space<vmem>>) dst(%dma_wait3A_44 : memref<128x128xf32, #tpu.memory_space<vmem_shared>>)
      tpu.yield
    }) : () -> ()
    %mul3A_11 = arith.constant 640 : i32
    %mul3A_12 = arith.muli %arg1, %mul3A_11 : i32
    %add3A_13 = arith.constant 128 : i32
    %add3A_14 = arith.addi %mul3A_12, %add3A_13 : i32
    "tpu.region"() ({
      %run_scoped3A = tpu.sem_alloc : memref<!tpu.dma_semaphore, #tpu.memory_space<semaphore_mem>>
      %dma_start3A = arith.constant 0 : i32
      %dma_start3A_39 = tpu.memref_slice %arg9[%add3A_14, %dma_start3A] : memref<10240x128xf32, #tpu.memory_space<vmem_shared>> -> memref<128x128xf32, #tpu.memory_space<vmem_shared>>
      %dma_start3A_40 = arith.constant 0 : i32
      %dma_start3A_41 = tpu.memref_slice %arg9[%add3A_14, %dma_start3A_40] : memref<10240x128xf32, #tpu.memory_space<vmem_shared>> -> memref<128x128xf32, #tpu.memory_space<vmem_shared>>
      tpu.enqueue_dma source(%arg8 : memref<128x128xf32, #tpu.memory_space<vmem>>) target(%dma_start3A_41 : memref<128x128xf32, #tpu.memory_space<vmem_shared>>) target_semaphore(%run_scoped3A : memref<!tpu.dma_semaphore, #tpu.memory_space<semaphore_mem>>)
      %dma_wait3A = arith.constant 0 : i32
      %dma_wait3A_42 = tpu.memref_slice %arg9[%add3A_14, %dma_wait3A] : memref<10240x128xf32, #tpu.memory_space<vmem_shared>> -> memref<128x128xf32, #tpu.memory_space<vmem_shared>>
      %dma_wait3A_43 = arith.constant 0 : i32
      %dma_wait3A_44 = tpu.memref_slice %arg9[%add3A_14, %dma_wait3A_43] : memref<10240x128xf32, #tpu.memory_space<vmem_shared>> -> memref<128x128xf32, #tpu.memory_space<vmem_shared>>
      tpu.wait_dma2 semaphore(%run_scoped3A : memref<!tpu.dma_semaphore, #tpu.memory_space<semaphore_mem>>) src(%arg8 : memref<128x128xf32, #tpu.memory_space<vmem>>) dst(%dma_wait3A_44 : memref<128x128xf32, #tpu.memory_space<vmem_shared>>)
      tpu.yield
    }) : () -> ()
    %mul3A_15 = arith.constant 640 : i32
    %mul3A_16 = arith.muli %arg1, %mul3A_15 : i32
    %add3A_17 = arith.constant 256 : i32
    %add3A_18 = arith.addi %mul3A_16, %add3A_17 : i32
    "tpu.region"() ({
      %run_scoped3A = tpu.sem_alloc : memref<!tpu.dma_semaphore, #tpu.memory_space<semaphore_mem>>
      %dma_start3A = arith.constant 0 : i32
      %dma_start3A_39 = tpu.memref_slice %arg9[%add3A_18, %dma_start3A] : memref<10240x128xf32, #tpu.memory_space<vmem_shared>> -> memref<128x128xf32, #tpu.memory_space<vmem_shared>>
      %dma_start3A_40 = arith.constant 0 : i32
      %dma_start3A_41 = tpu.memref_slice %arg9[%add3A_18, %dma_start3A_40] : memref<10240x128xf32, #tpu.memory_space<vmem_shared>> -> memref<128x128xf32, #tpu.memory_space<vmem_shared>>
      tpu.enqueue_dma source(%arg8 : memref<128x128xf32, #tpu.memory_space<vmem>>) target(%dma_start3A_41 : memref<128x128xf32, #tpu.memory_space<vmem_shared>>) target_semaphore(%run_scoped3A : memref<!tpu.dma_semaphore, #tpu.memory_space<semaphore_mem>>)
      %dma_wait3A = arith.constant 0 : i32
      %dma_wait3A_42 = tpu.memref_slice %arg9[%add3A_18, %dma_wait3A] : memref<10240x128xf32, #tpu.memory_space<vmem_shared>> -> memref<128x128xf32, #tpu.memory_space<vmem_shared>>
      %dma_wait3A_43 = arith.constant 0 : i32
      %dma_wait3A_44 = tpu.memref_slice %arg9[%add3A_18, %dma_wait3A_43] : memref<10240x128xf32, #tpu.memory_space<vmem_shared>> -> memref<128x128xf32, #tpu.memory_space<vmem_shared>>
      tpu.wait_dma2 semaphore(%run_scoped3A : memref<!tpu.dma_semaphore, #tpu.memory_space<semaphore_mem>>) src(%arg8 : memref<128x128xf32, #tpu.memory_space<vmem>>) dst(%dma_wait3A_44 : memref<128x128xf32, #tpu.memory_space<vmem_shared>>)
      tpu.yield
    }) : () -> ()
    %mul3A_19 = arith.constant 640 : i32
    %mul3A_20 = arith.muli %arg1, %mul3A_19 : i32
    %add3A_21 = arith.constant 384 : i32
    %add3A_22 = arith.addi %mul3A_20, %add3A_21 : i32
    "tpu.region"() ({
      %run_scoped3A = tpu.sem_alloc : memref<!tpu.dma_semaphore, #tpu.memory_space<semaphore_mem>>
      %dma_start3A = arith.constant 0 : i32
      %dma_start3A_39 = tpu.memref_slice %arg9[%add3A_22, %dma_start3A] : memref<10240x128xf32, #tpu.memory_space<vmem_shared>> -> memref<128x128xf32, #tpu.memory_space<vmem_shared>>
      %dma_start3A_40 = arith.constant 0 : i32
      %dma_start3A_41 = tpu.memref_slice %arg9[%add3A_22, %dma_start3A_40] : memref<10240x128xf32, #tpu.memory_space<vmem_shared>> -> memref<128x128xf32, #tpu.memory_space<vmem_shared>>
      tpu.enqueue_dma source(%arg8 : memref<128x128xf32, #tpu.memory_space<vmem>>) target(%dma_start3A_41 : memref<128x128xf32, #tpu.memory_space<vmem_shared>>) target_semaphore(%run_scoped3A : memref<!tpu.dma_semaphore, #tpu.memory_space<semaphore_mem>>)
      %dma_wait3A = arith.constant 0 : i32
      %dma_wait3A_42 = tpu.memref_slice %arg9[%add3A_22, %dma_wait3A] : memref<10240x128xf32, #tpu.memory_space<vmem_shared>> -> memref<128x128xf32, #tpu.memory_space<vmem_shared>>
      %dma_wait3A_43 = arith.constant 0 : i32
      %dma_wait3A_44 = tpu.memref_slice %arg9[%add3A_22, %dma_wait3A_43] : memref<10240x128xf32, #tpu.memory_space<vmem_shared>> -> memref<128x128xf32, #tpu.memory_space<vmem_shared>>
      tpu.wait_dma2 semaphore(%run_scoped3A : memref<!tpu.dma_semaphore, #tpu.memory_space<semaphore_mem>>) src(%arg8 : memref<128x128xf32, #tpu.memory_space<vmem>>) dst(%dma_wait3A_44 : memref<128x128xf32, #tpu.memory_space<vmem_shared>>)
      tpu.yield
    }) : () -> ()
    %mul3A_23 = arith.constant 640 : i32
    %mul3A_24 = arith.muli %arg1, %mul3A_23 : i32
    %add3A_25 = arith.constant 512 : i32
    %add3A_26 = arith.addi %mul3A_24, %add3A_25 : i32
    "tpu.region"() ({
      %run_scoped3A = tpu.sem_alloc : memref<!tpu.dma_semaphore, #tpu.memory_space<semaphore_mem>>
      %dma_start3A = arith.constant 0 : i32
      %dma_start3A_39 = tpu.memref_slice %arg9[%add3A_26, %dma_start3A] : memref<10240x128xf32, #tpu.memory_space<vmem_shared>> -> memref<128x128xf32, #tpu.memory_space<vmem_shared>>
      %dma_start3A_40 = arith.constant 0 : i32
      %dma_start3A_41 = tpu.memref_slice %arg9[%add3A_26, %dma_start3A_40] : memref<10240x128xf32, #tpu.memory_space<vmem_shared>> -> memref<128x128xf32, #tpu.memory_space<vmem_shared>>
      tpu.enqueue_dma source(%arg8 : memref<128x128xf32, #tpu.memory_space<vmem>>) target(%dma_start3A_41 : memref<128x128xf32, #tpu.memory_space<vmem_shared>>) target_semaphore(%run_scoped3A : memref<!tpu.dma_semaphore, #tpu.memory_space<semaphore_mem>>)
      %dma_wait3A = arith.constant 0 : i32
      %dma_wait3A_42 = tpu.memref_slice %arg9[%add3A_26, %dma_wait3A] : memref<10240x128xf32, #tpu.memory_space<vmem_shared>> -> memref<128x128xf32, #tpu.memory_space<vmem_shared>>
      %dma_wait3A_43 = arith.constant 0 : i32
      %dma_wait3A_44 = tpu.memref_slice %arg9[%add3A_26, %dma_wait3A_43] : memref<10240x128xf32, #tpu.memory_space<vmem_shared>> -> memref<128x128xf32, #tpu.memory_space<vmem_shared>>
      tpu.wait_dma2 semaphore(%run_scoped3A : memref<!tpu.dma_semaphore, #tpu.memory_space<semaphore_mem>>) src(%arg8 : memref<128x128xf32, #tpu.memory_space<vmem>>) dst(%dma_wait3A_44 : memref<128x128xf32, #tpu.memory_space<vmem_shared>>)
      tpu.yield
    }) : () -> ()
    %barrier3A = arith.constant 0 : index
    tpu.barrier barrier_id(%barrier3A)
    "tpu.region"() ({
      %run_scoped3A = tpu.sem_alloc : memref<!tpu.dma_semaphore, #tpu.memory_space<semaphore_mem>>
      %dma_start3A = arith.constant 0 : i32
      %dma_start3A_39 = arith.constant 0 : i32
      %dma_start3A_40 = tpu.memref_slice %arg3[%add3A, %dma_start3A, %dma_start3A_39] : memref<32x79x128xi32, #tpu.memory_space<hbm>> -> memref<1x79x128xi32, #tpu.memory_space<hbm>>
      %dma_start3A_41 = tpu.memref_squeeze %dma_start3A_40 : memref<1x79x128xi32, #tpu.memory_space<hbm>> -> memref<79x128xi32, #tpu.memory_space<hbm>>
      %dma_start3A_42 = arith.constant 0 : i32
      %dma_start3A_43 = arith.constant 0 : i32
      %dma_start3A_44 = tpu.memref_slice %arg3[%add3A, %dma_start3A_42, %dma_start3A_43] : memref<32x79x128xi32, #tpu.memory_space<hbm>> -> memref<1x79x128xi32, #tpu.memory_space<hbm>>
      %dma_start3A_45 = tpu.memref_squeeze %dma_start3A_44 : memref<1x79x128xi32, #tpu.memory_space<hbm>> -> memref<79x128xi32, #tpu.memory_space<hbm>>
      tpu.enqueue_dma source(%dma_start3A_45 : memref<79x128xi32, #tpu.memory_space<hbm>>) target(%arg6 : memref<79x128xi32, #tpu.memory_space<vmem>>) target_semaphore(%run_scoped3A : memref<!tpu.dma_semaphore, #tpu.memory_space<semaphore_mem>>)
      %dma_wait3A = arith.constant 0 : i32
      %dma_wait3A_46 = arith.constant 0 : i32
      %dma_wait3A_47 = tpu.memref_slice %arg3[%add3A, %dma_wait3A, %dma_wait3A_46] : memref<32x79x128xi32, #tpu.memory_space<hbm>> -> memref<1x79x128xi32, #tpu.memory_space<hbm>>
      %dma_wait3A_48 = tpu.memref_squeeze %dma_wait3A_47 : memref<1x79x128xi32, #tpu.memory_space<hbm>> -> memref<79x128xi32, #tpu.memory_space<hbm>>
      %dma_wait3A_49 = arith.constant 0 : i32
      %dma_wait3A_50 = arith.constant 0 : i32
      %dma_wait3A_51 = tpu.memref_slice %arg3[%add3A, %dma_wait3A_49, %dma_wait3A_50] : memref<32x79x128xi32, #tpu.memory_space<hbm>> -> memref<1x79x128xi32, #tpu.memory_space<hbm>>
      %dma_wait3A_52 = tpu.memref_squeeze %dma_wait3A_51 : memref<1x79x128xi32, #tpu.memory_space<hbm>> -> memref<79x128xi32, #tpu.memory_space<hbm>>
      tpu.wait_dma2 semaphore(%run_scoped3A : memref<!tpu.dma_semaphore, #tpu.memory_space<semaphore_mem>>) src(%dma_wait3A_52 : memref<79x128xi32, #tpu.memory_space<hbm>>) dst(%arg6 : memref<79x128xi32, #tpu.memory_space<vmem>>)
      tpu.yield
    }) : () -> ()
    "tpu.region"() ({
      %run_scoped3A = tpu.sem_alloc : memref<!tpu.dma_semaphore, #tpu.memory_space<semaphore_mem>>
      %dma_start3A = arith.constant 0 : i32
      %dma_start3A_39 = arith.constant 0 : i32
      %dma_start3A_40 = tpu.memref_slice %arg4[%add3A, %dma_start3A, %dma_start3A_39] : memref<32x79x128xi32, #tpu.memory_space<hbm>> -> memref<1x79x128xi32, #tpu.memory_space<hbm>>
      %dma_start3A_41 = tpu.memref_squeeze %dma_start3A_40 : memref<1x79x128xi32, #tpu.memory_space<hbm>> -> memref<79x128xi32, #tpu.memory_space<hbm>>
      %dma_start3A_42 = arith.constant 0 : i32
      %dma_start3A_43 = arith.constant 0 : i32
      %dma_start3A_44 = tpu.memref_slice %arg4[%add3A, %dma_start3A_42, %dma_start3A_43] : memref<32x79x128xi32, #tpu.memory_space<hbm>> -> memref<1x79x128xi32, #tpu.memory_space<hbm>>
      %dma_start3A_45 = tpu.memref_squeeze %dma_start3A_44 : memref<1x79x128xi32, #tpu.memory_space<hbm>> -> memref<79x128xi32, #tpu.memory_space<hbm>>
      tpu.enqueue_dma source(%dma_start3A_45 : memref<79x128xi32, #tpu.memory_space<hbm>>) target(%arg7 : memref<79x128xi32, #tpu.memory_space<vmem>>) target_semaphore(%run_scoped3A : memref<!tpu.dma_semaphore, #tpu.memory_space<semaphore_mem>>)
      %dma_wait3A = arith.constant 0 : i32
      %dma_wait3A_46 = arith.constant 0 : i32
      %dma_wait3A_47 = tpu.memref_slice %arg4[%add3A, %dma_wait3A, %dma_wait3A_46] : memref<32x79x128xi32, #tpu.memory_space<hbm>> -> memref<1x79x128xi32, #tpu.memory_space<hbm>>
      %dma_wait3A_48 = tpu.memref_squeeze %dma_wait3A_47 : memref<1x79x128xi32, #tpu.memory_space<hbm>> -> memref<79x128xi32, #tpu.memory_space<hbm>>
      %dma_wait3A_49 = arith.constant 0 : i32
      %dma_wait3A_50 = arith.constant 0 : i32
      %dma_wait3A_51 = tpu.memref_slice %arg4[%add3A, %dma_wait3A_49, %dma_wait3A_50] : memref<32x79x128xi32, #tpu.memory_space<hbm>> -> memref<1x79x128xi32, #tpu.memory_space<hbm>>
      %dma_wait3A_52 = tpu.memref_squeeze %dma_wait3A_51 : memref<1x79x128xi32, #tpu.memory_space<hbm>> -> memref<79x128xi32, #tpu.memory_space<hbm>>
      tpu.wait_dma2 semaphore(%run_scoped3A : memref<!tpu.dma_semaphore, #tpu.memory_space<semaphore_mem>>) src(%dma_wait3A_52 : memref<79x128xi32, #tpu.memory_space<hbm>>) dst(%arg7 : memref<79x128xi32, #tpu.memory_space<vmem>>)
      tpu.yield
    }) : () -> ()
    %scan3A_27 = arith.constant 0 : i32
    %scan3A_28 = arith.constant 0 : i32
    %scan3A_29 = arith.constant 79 : i32
    %scan3A_30 = arith.addi %scan3A_28, %scan3A_29 : i32
    %scan3A_31 = arith.constant 1 : i32
    %scan3A_32 = scf.for %scan3A_39 = %scan3A_28 to %scan3A_30 step %scan3A_31 iter_args(%scan3A_40 = %scan3A_27) -> (i32)  : i32 {
      %dma_start3A = arith.constant 0 : i32
      %dma_start3A_41 = tpu.memref_slice %arg6[%scan3A_39, %dma_start3A] : memref<79x128xi32, #tpu.memory_space<vmem>> -> memref<1x128xi32, #tpu.memory_space<vmem>>
      %dma_start3A_42 = tpu.memref_squeeze %dma_start3A_41 : memref<1x128xi32, #tpu.memory_space<vmem>> -> memref<128xi32, #tpu.memory_space<vmem>>
      %dma_start3A_43 = arith.constant 0 : i32
      %dma_start3A_44 = arith.constant 0 : i32
      %dma_start3A_45 = tpu.memref_slice %arg2[%dma_start3A_43, %dma_start3A_44] : memref<10240x128xf32, #tpu.memory_space<hbm>> -> memref<10240x128xf32, #tpu.memory_space<hbm>>
      tpu.enqueue_indirect_dma source(%dma_start3A_45 : memref<10240x128xf32, #tpu.memory_space<hbm>>) target(%arg8 : memref<128x128xf32, #tpu.memory_space<vmem>>) offsets(%dma_start3A_42 : memref<128xi32, #tpu.memory_space<vmem>>) semaphore(%arg10 : memref<!tpu.dma_semaphore, #tpu.memory_space<semaphore_mem>>)
      %dma_wait3A = arith.constant 0 : i32
      %dma_wait3A_46 = tpu.memref_slice %arg6[%scan3A_39, %dma_wait3A] : memref<79x128xi32, #tpu.memory_space<vmem>> -> memref<1x128xi32, #tpu.memory_space<vmem>>
      %dma_wait3A_47 = tpu.memref_squeeze %dma_wait3A_46 : memref<1x128xi32, #tpu.memory_space<vmem>> -> memref<128xi32, #tpu.memory_space<vmem>>
      %dma_wait3A_48 = arith.constant 0 : i32
      %dma_wait3A_49 = arith.constant 0 : i32
      %dma_wait3A_50 = tpu.memref_slice %arg2[%dma_wait3A_48, %dma_wait3A_49] : memref<10240x128xf32, #tpu.memory_space<hbm>> -> memref<10240x128xf32, #tpu.memory_space<hbm>>
      tpu.wait_indirect_dma semaphore(%arg10 : memref<!tpu.dma_semaphore, #tpu.memory_space<semaphore_mem>>) src(%dma_wait3A_50 : memref<10240x128xf32, #tpu.memory_space<hbm>>) dst(%arg8 : memref<128x128xf32, #tpu.memory_space<vmem>>)
      "tpu.region"() ({
        %run_scoped3A = tpu.sem_alloc : memref<!tpu.dma_semaphore, #tpu.memory_space<semaphore_mem>>
        %dma_start3A_52 = arith.constant 0 : i32
        %dma_start3A_53 = tpu.memref_slice %arg7[%scan3A_39, %dma_start3A_52] : memref<79x128xi32, #tpu.memory_space<vmem>> -> memref<1x128xi32, #tpu.memory_space<vmem>>
        %dma_start3A_54 = tpu.memref_squeeze %dma_start3A_53 : memref<1x128xi32, #tpu.memory_space<vmem>> -> memref<128xi32, #tpu.memory_space<vmem>>
        %dma_start3A_55 = arith.constant 0 : i32
        %dma_start3A_56 = arith.constant 0 : i32
        %dma_start3A_57 = tpu.memref_slice %arg9[%dma_start3A_55, %dma_start3A_56] : memref<10240x128xf32, #tpu.memory_space<vmem_shared>> -> memref<10240x128xf32, #tpu.memory_space<vmem_shared>>
        tpu.enqueue_indirect_dma source(%arg8 : memref<128x128xf32, #tpu.memory_space<vmem>>) target(%dma_start3A_57 : memref<10240x128xf32, #tpu.memory_space<vmem_shared>>) offsets(%dma_start3A_54 : memref<128xi32, #tpu.memory_space<vmem>>) semaphore(%run_scoped3A : memref<!tpu.dma_semaphore, #tpu.memory_space<semaphore_mem>>) {add = true}
        %dma_wait3A_58 = arith.constant 0 : i32
        %dma_wait3A_59 = tpu.memref_slice %arg7[%scan3A_39, %dma_wait3A_58] : memref<79x128xi32, #tpu.memory_space<vmem>> -> memref<1x128xi32, #tpu.memory_space<vmem>>
        %dma_wait3A_60 = tpu.memref_squeeze %dma_wait3A_59 : memref<1x128xi32, #tpu.memory_space<vmem>> -> memref<128xi32, #tpu.memory_space<vmem>>
        %dma_wait3A_61 = arith.constant 0 : i32
        %dma_wait3A_62 = arith.constant 0 : i32
        %dma_wait3A_63 = tpu.memref_slice %arg9[%dma_wait3A_61, %dma_wait3A_62] : memref<10240x128xf32, #tpu.memory_space<vmem_shared>> -> memref<10240x128xf32, #tpu.memory_space<vmem_shared>>
        tpu.wait_indirect_dma semaphore(%run_scoped3A : memref<!tpu.dma_semaphore, #tpu.memory_space<semaphore_mem>>) src(%arg8 : memref<128x128xf32, #tpu.memory_space<vmem>>) dst(%dma_wait3A_63 : memref<10240x128xf32, #tpu.memory_space<vmem_shared>>)
        tpu.yield
      }) : () -> ()
      %scan3A_51 = arith.constant 0 : i32
      scf.yield %scan3A_51 : i32
    }
    %scan3A_33 = arith.constant 79 : i32
    %barrier3A_34 = arith.constant 0 : index
    tpu.barrier barrier_id(%barrier3A_34)
    %mul3A_35 = arith.constant 640 : i32
    %mul3A_36 = arith.muli %arg1, %mul3A_35 : i32
    %mul3A_37 = arith.constant 640 : i32
    %mul3A_38 = arith.muli %arg1, %mul3A_37 : i32
    "tpu.region"() ({
      %run_scoped3A = tpu.sem_alloc : memref<!tpu.dma_semaphore, #tpu.memory_space<semaphore_mem>>
      %dma_start3A = arith.constant 0 : i32
      %dma_start3A_39 = tpu.memref_slice %arg5[%arg0, %mul3A_38, %dma_start3A] : memref<2x10240x128xf32, #tpu.memory_space<hbm>> -> memref<1x640x128xf32, #tpu.memory_space<hbm>>
      %dma_start3A_40 = tpu.memref_squeeze %dma_start3A_39 : memref<1x640x128xf32, #tpu.memory_space<hbm>> -> memref<640x128xf32, #tpu.memory_space<hbm>>
      %dma_start3A_41 = arith.constant 0 : i32
      %dma_start3A_42 = tpu.memref_slice %arg9[%mul3A_36, %dma_start3A_41] : memref<10240x128xf32, #tpu.memory_space<vmem_shared>> -> memref<640x128xf32, #tpu.memory_space<vmem_shared>>
      tpu.enqueue_dma source(%dma_start3A_42 : memref<640x128xf32, #tpu.memory_space<vmem_shared>>) target(%dma_start3A_40 : memref<640x128xf32, #tpu.memory_space<hbm>>) target_semaphore(%run_scoped3A : memref<!tpu.dma_semaphore, #tpu.memory_space<semaphore_mem>>)
      %dma_wait3A = arith.constant 0 : i32
      %dma_wait3A_43 = tpu.memref_slice %arg5[%arg0, %mul3A_38, %dma_wait3A] : memref<2x10240x128xf32, #tpu.memory_space<hbm>> -> memref<1x640x128xf32, #tpu.memory_space<hbm>>
      %dma_wait3A_44 = tpu.memref_squeeze %dma_wait3A_43 : memref<1x640x128xf32, #tpu.memory_space<hbm>> -> memref<640x128xf32, #tpu.memory_space<hbm>>
      %dma_wait3A_45 = arith.constant 0 : i32
      %dma_wait3A_46 = tpu.memref_slice %arg9[%mul3A_36, %dma_wait3A_45] : memref<10240x128xf32, #tpu.memory_space<vmem_shared>> -> memref<640x128xf32, #tpu.memory_space<vmem_shared>>
      tpu.wait_dma2 semaphore(%run_scoped3A : memref<!tpu.dma_semaphore, #tpu.memory_space<semaphore_mem>>) src(%dma_wait3A_46 : memref<640x128xf32, #tpu.memory_space<vmem_shared>>) dst(%dma_wait3A_44 : memref<640x128xf32, #tpu.memory_space<hbm>>)
      tpu.yield
    }) : () -> ()
    return
  }
}

#map = affine_map<(d0, d1) -> (0, 0)>
#map1 = affine_map<(d0, d1) -> (0, 0, 0)>
module attributes {stable_mosaic.version = 14 : i64} {
  func.func @sc_scatter(%arg0: i32, %arg1: i32, %arg2: memref<10240x128xf32, #tpu.memory_space<hbm>>, %arg3: memref<32x79x128xi32, #tpu.memory_space<hbm>>, %arg4: memref<32x79x128xi32, #tpu.memory_space<hbm>>, %arg5: memref<2x10240x128xf32, #tpu.memory_space<hbm>>, %arg6: memref<79x128xi32, #tpu.memory_space<vmem>>, %arg7: memref<79x128xi32, #tpu.memory_space<vmem>>, %arg8: memref<128x128xf32, #tpu.memory_space<vmem>>, %arg9: memref<10240x128xf32, #tpu.memory_space<vmem_shared>>, %arg10: memref<!tpu.dma_semaphore, #tpu.memory_space<semaphore_mem>>) attributes {dimension_semantics = [#tpu.dimension_semantics<core_parallel>, #tpu.dimension_semantics<subcore_parallel>], iteration_bounds = array<i64: 2, 16>, scalar_prefetch = 0 : i64, scratch_operands = 5 : i64, tpu.core_type = #tpu.core_type<sc_vector_subcore>, window_params = [{transform_indices = #map}, {transform_indices = #map1}, {transform_indices = #map1}, {transform_indices = #map1}]} {
    %mul3A = arith.constant 16 : i32
    %mul3A_0 = arith.muli %arg0, %mul3A : i32
    %add3A = arith.addi %mul3A_0, %arg1 : i32
    %scan3A = arith.constant 0 : i32
    %scan3A_1 = arith.constant 0 : i32
    %scan3A_2 = arith.constant 128 : i32
    %scan3A_3 = arith.addi %scan3A_1, %scan3A_2 : i32
    %scan3A_4 = arith.constant 1 : i32
    %scan3A_5 = scf.for %scan3A_39 = %scan3A_1 to %scan3A_3 step %scan3A_4 iter_args(%scan3A_40 = %scan3A) -> (i32)  : i32 {
      %broadcast_in_dim3A = arith.constant 0.000000e+00 : f32
      %broadcast_in_dim3A_41 = vector.broadcast %broadcast_in_dim3A : f32 to vector<16xf32>
      %swap3A = arith.index_cast %scan3A_39 : i32 to index
      %swap3A_42 = arith.constant 0 : index
      %swap3A_43 = tpu.vector_load %arg8[%swap3A, %swap3A_42] {strides = array<i32>} : memref<128x128xf32, #tpu.memory_space<vmem>>, vector<1x16xf32>,
      %swap3A_44 = vector.shape_cast %swap3A_43 : vector<1x16xf32> to vector<16xf32>
      %swap3A_45 = vector.shape_cast %broadcast_in_dim3A_41 : vector<16xf32> to vector<1x16xf32>
      tpu.vector_store %arg8[%swap3A, %swap3A_42], %swap3A_45 {strides = array<i32>} : memref<128x128xf32, #tpu.memory_space<vmem>>, vector<1x16xf32>,
      %broadcast_in_dim3A_46 = arith.constant 0.000000e+00 : f32
      %broadcast_in_dim3A_47 = vector.broadcast %broadcast_in_dim3A_46 : f32 to vector<16xf32>
      %swap3A_48 = arith.index_cast %scan3A_39 : i32 to index
      %swap3A_49 = arith.constant 16 : index
      %swap3A_50 = tpu.vector_load %arg8[%swap3A_48, %swap3A_49] {strides = array<i32>} : memref<128x128xf32, #tpu.memory_space<vmem>>, vector<1x16xf32>,
      %swap3A_51 = vector.shape_cast %swap3A_50 : vector<1x16xf32> to vector<16xf32>
      %swap3A_52 = vector.shape_cast %broadcast_in_dim3A_47 : vector<16xf32> to vector<1x16xf32>
      tpu.vector_store %arg8[%swap3A_48, %swap3A_49], %swap3A_52 {strides = array<i32>} : memref<128x128xf32, #tpu.memory_space<vmem>>, vector<1x16xf32>,
      %broadcast_in_dim3A_53 = arith.constant 0.000000e+00 : f32
      %broadcast_in_dim3A_54 = vector.broadcast %broadcast_in_dim3A_53 : f32 to vector<16xf32>
      %swap3A_55 = arith.index_cast %scan3A_39 : i32 to index
      %swap3A_56 = arith.constant 32 : index
      %swap3A_57 = tpu.vector_load %arg8[%swap3A_55, %swap3A_56] {strides = array<i32>} : memref<128x128xf32, #tpu.memory_space<vmem>>, vector<1x16xf32>,
      %swap3A_58 = vector.shape_cast %swap3A_57 : vector<1x16xf32> to vector<16xf32>
      %swap3A_59 = vector.shape_cast %broadcast_in_dim3A_54 : vector<16xf32> to vector<1x16xf32>
      tpu.vector_store %arg8[%swap3A_55, %swap3A_56], %swap3A_59 {strides = array<i32>} : memref<128x128xf32, #tpu.memory_space<vmem>>, vector<1x16xf32>,
      %broadcast_in_dim3A_60 = arith.constant 0.000000e+00 : f32
      %broadcast_in_dim3A_61 = vector.broadcast %broadcast_in_dim3A_60 : f32 to vector<16xf32>
      %swap3A_62 = arith.index_cast %scan3A_39 : i32 to index
      %swap3A_63 = arith.constant 48 : index
      %swap3A_64 = tpu.vector_load %arg8[%swap3A_62, %swap3A_63] {strides = array<i32>} : memref<128x128xf32, #tpu.memory_space<vmem>>, vector<1x16xf32>,
      %swap3A_65 = vector.shape_cast %swap3A_64 : vector<1x16xf32> to vector<16xf32>
      %swap3A_66 = vector.shape_cast %broadcast_in_dim3A_61 : vector<16xf32> to vector<1x16xf32>
      tpu.vector_store %arg8[%swap3A_62, %swap3A_63], %swap3A_66 {strides = array<i32>} : memref<128x128xf32, #tpu.memory_space<vmem>>, vector<1x16xf32>,
      %broadcast_in_dim3A_67 = arith.constant 0.000000e+00 : f32
      %broadcast_in_dim3A_68 = vector.broadcast %broadcast_in_dim3A_67 : f32 to vector<16xf32>
      %swap3A_69 = arith.index_cast %scan3A_39 : i32 to index
      %swap3A_70 = arith.constant 64 : index
      %swap3A_71 = tpu.vector_load %arg8[%swap3A_69, %swap3A_70] {strides = array<i32>} : memref<128x128xf32, #tpu.memory_space<vmem>>, vector<1x16xf32>,
      %swap3A_72 = vector.shape_cast %swap3A_71 : vector<1x16xf32> to vector<16xf32>
      %swap3A_73 = vector.shape_cast %broadcast_in_dim3A_68 : vector<16xf32> to vector<1x16xf32>
      tpu.vector_store %arg8[%swap3A_69, %swap3A_70], %swap3A_73 {strides = array<i32>} : memref<128x128xf32, #tpu.memory_space<vmem>>, vector<1x16xf32>,
      %broadcast_in_dim3A_74 = arith.constant 0.000000e+00 : f32
      %broadcast_in_dim3A_75 = vector.broadcast %broadcast_in_dim3A_74 : f32 to vector<16xf32>
      %swap3A_76 = arith.index_cast %scan3A_39 : i32 to index
      %swap3A_77 = arith.constant 80 : index
      %swap3A_78 = tpu.vector_load %arg8[%swap3A_76, %swap3A_77] {strides = array<i32>} : memref<128x128xf32, #tpu.memory_space<vmem>>, vector<1x16xf32>,
      %swap3A_79 = vector.shape_cast %swap3A_78 : vector<1x16xf32> to vector<16xf32>
      %swap3A_80 = vector.shape_cast %broadcast_in_dim3A_75 : vector<16xf32> to vector<1x16xf32>
      tpu.vector_store %arg8[%swap3A_76, %swap3A_77], %swap3A_80 {strides = array<i32>} : memref<128x128xf32, #tpu.memory_space<vmem>>, vector<1x16xf32>,
      %broadcast_in_dim3A_81 = arith.constant 0.000000e+00 : f32
      %broadcast_in_dim3A_82 = vector.broadcast %broadcast_in_dim3A_81 : f32 to vector<16xf32>
      %swap3A_83 = arith.index_cast %scan3A_39 : i32 to index
      %swap3A_84 = arith.constant 96 : index
      %swap3A_85 = tpu.vector_load %arg8[%swap3A_83, %swap3A_84] {strides = array<i32>} : memref<128x128xf32, #tpu.memory_space<vmem>>, vector<1x16xf32>,
      %swap3A_86 = vector.shape_cast %swap3A_85 : vector<1x16xf32> to vector<16xf32>
      %swap3A_87 = vector.shape_cast %broadcast_in_dim3A_82 : vector<16xf32> to vector<1x16xf32>
      tpu.vector_store %arg8[%swap3A_83, %swap3A_84], %swap3A_87 {strides = array<i32>} : memref<128x128xf32, #tpu.memory_space<vmem>>, vector<1x16xf32>,
      %broadcast_in_dim3A_88 = arith.constant 0.000000e+00 : f32
      %broadcast_in_dim3A_89 = vector.broadcast %broadcast_in_dim3A_88 : f32 to vector<16xf32>
      %swap3A_90 = arith.index_cast %scan3A_39 : i32 to index
      %swap3A_91 = arith.constant 112 : index
      %swap3A_92 = tpu.vector_load %arg8[%swap3A_90, %swap3A_91] {strides = array<i32>} : memref<128x128xf32, #tpu.memory_space<vmem>>, vector<1x16xf32>,
      %swap3A_93 = vector.shape_cast %swap3A_92 : vector<1x16xf32> to vector<16xf32>
      %swap3A_94 = vector.shape_cast %broadcast_in_dim3A_89 : vector<16xf32> to vector<1x16xf32>
      tpu.vector_store %arg8[%swap3A_90, %swap3A_91], %swap3A_94 {strides = array<i32>} : memref<128x128xf32, #tpu.memory_space<vmem>>, vector<1x16xf32>,
      %scan3A_95 = arith.constant 0 : i32
      scf.yield %scan3A_95 : i32
    }
    %scan3A_6 = arith.constant 128 : i32
    %mul3A_7 = arith.constant 640 : i32
    %mul3A_8 = arith.muli %arg1, %mul3A_7 : i32
    %add3A_9 = arith.constant 0 : i32
    %add3A_10 = arith.addi %mul3A_8, %add3A_9 : i32
    "tpu.region"() ({
      %run_scoped3A = tpu.sem_alloc : memref<!tpu.dma_semaphore, #tpu.memory_space<semaphore_mem>>
      %dma_start3A = arith.constant 0 : i32
      %dma_start3A_39 = tpu.memref_slice %arg9[%add3A_10, %dma_start3A] : memref<10240x128xf32, #tpu.memory_space<vmem_shared>> -> memref<128x128xf32, #tpu.memory_space<vmem_shared>>
      %dma_start3A_40 = arith.constant 0 : i32
      %dma_start3A_41 = tpu.memref_slice %arg9[%add3A_10, %dma_start3A_40] : memref<10240x128xf32, #tpu.memory_space<vmem_shared>> -> memref<128x128xf32, #tpu.memory_space<vmem_shared>>
      tpu.enqueue_dma source(%arg8 : memref<128x128xf32, #tpu.memory_space<vmem>>) target(%dma_start3A_41 : memref<128x128xf32, #tpu.memory_space<vmem_shared>>) target_semaphore(%run_scoped3A : memref<!tpu.dma_semaphore, #tpu.memory_space<semaphore_mem>>)
      %dma_wait3A = arith.constant 0 : i32
      %dma_wait3A_42 = tpu.memref_slice %arg9[%add3A_10, %dma_wait3A] : memref<10240x128xf32, #tpu.memory_space<vmem_shared>> -> memref<128x128xf32, #tpu.memory_space<vmem_shared>>
      %dma_wait3A_43 = arith.constant 0 : i32
      %dma_wait3A_44 = tpu.memref_slice %arg9[%add3A_10, %dma_wait3A_43] : memref<10240x128xf32, #tpu.memory_space<vmem_shared>> -> memref<128x128xf32, #tpu.memory_space<vmem_shared>>
      tpu.wait_dma2 semaphore(%run_scoped3A : memref<!tpu.dma_semaphore, #tpu.memory_space<semaphore_mem>>) src(%arg8 : memref<128x128xf32, #tpu.memory_space<vmem>>) dst(%dma_wait3A_44 : memref<128x128xf32, #tpu.memory_space<vmem_shared>>)
      tpu.yield
    }) : () -> ()
    %mul3A_11 = arith.constant 640 : i32
    %mul3A_12 = arith.muli %arg1, %mul3A_11 : i32
    %add3A_13 = arith.constant 128 : i32
    %add3A_14 = arith.addi %mul3A_12, %add3A_13 : i32
    "tpu.region"() ({
      %run_scoped3A = tpu.sem_alloc : memref<!tpu.dma_semaphore, #tpu.memory_space<semaphore_mem>>
      %dma_start3A = arith.constant 0 : i32
      %dma_start3A_39 = tpu.memref_slice %arg9[%add3A_14, %dma_start3A] : memref<10240x128xf32, #tpu.memory_space<vmem_shared>> -> memref<128x128xf32, #tpu.memory_space<vmem_shared>>
      %dma_start3A_40 = arith.constant 0 : i32
      %dma_start3A_41 = tpu.memref_slice %arg9[%add3A_14, %dma_start3A_40] : memref<10240x128xf32, #tpu.memory_space<vmem_shared>> -> memref<128x128xf32, #tpu.memory_space<vmem_shared>>
      tpu.enqueue_dma source(%arg8 : memref<128x128xf32, #tpu.memory_space<vmem>>) target(%dma_start3A_41 : memref<128x128xf32, #tpu.memory_space<vmem_shared>>) target_semaphore(%run_scoped3A : memref<!tpu.dma_semaphore, #tpu.memory_space<semaphore_mem>>)
      %dma_wait3A = arith.constant 0 : i32
      %dma_wait3A_42 = tpu.memref_slice %arg9[%add3A_14, %dma_wait3A] : memref<10240x128xf32, #tpu.memory_space<vmem_shared>> -> memref<128x128xf32, #tpu.memory_space<vmem_shared>>
      %dma_wait3A_43 = arith.constant 0 : i32
      %dma_wait3A_44 = tpu.memref_slice %arg9[%add3A_14, %dma_wait3A_43] : memref<10240x128xf32, #tpu.memory_space<vmem_shared>> -> memref<128x128xf32, #tpu.memory_space<vmem_shared>>
      tpu.wait_dma2 semaphore(%run_scoped3A : memref<!tpu.dma_semaphore, #tpu.memory_space<semaphore_mem>>) src(%arg8 : memref<128x128xf32, #tpu.memory_space<vmem>>) dst(%dma_wait3A_44 : memref<128x128xf32, #tpu.memory_space<vmem_shared>>)
      tpu.yield
    }) : () -> ()
    %mul3A_15 = arith.constant 640 : i32
    %mul3A_16 = arith.muli %arg1, %mul3A_15 : i32
    %add3A_17 = arith.constant 256 : i32
    %add3A_18 = arith.addi %mul3A_16, %add3A_17 : i32
    "tpu.region"() ({
      %run_scoped3A = tpu.sem_alloc : memref<!tpu.dma_semaphore, #tpu.memory_space<semaphore_mem>>
      %dma_start3A = arith.constant 0 : i32
      %dma_start3A_39 = tpu.memref_slice %arg9[%add3A_18, %dma_start3A] : memref<10240x128xf32, #tpu.memory_space<vmem_shared>> -> memref<128x128xf32, #tpu.memory_space<vmem_shared>>
      %dma_start3A_40 = arith.constant 0 : i32
      %dma_start3A_41 = tpu.memref_slice %arg9[%add3A_18, %dma_start3A_40] : memref<10240x128xf32, #tpu.memory_space<vmem_shared>> -> memref<128x128xf32, #tpu.memory_space<vmem_shared>>
      tpu.enqueue_dma source(%arg8 : memref<128x128xf32, #tpu.memory_space<vmem>>) target(%dma_start3A_41 : memref<128x128xf32, #tpu.memory_space<vmem_shared>>) target_semaphore(%run_scoped3A : memref<!tpu.dma_semaphore, #tpu.memory_space<semaphore_mem>>)
      %dma_wait3A = arith.constant 0 : i32
      %dma_wait3A_42 = tpu.memref_slice %arg9[%add3A_18, %dma_wait3A] : memref<10240x128xf32, #tpu.memory_space<vmem_shared>> -> memref<128x128xf32, #tpu.memory_space<vmem_shared>>
      %dma_wait3A_43 = arith.constant 0 : i32
      %dma_wait3A_44 = tpu.memref_slice %arg9[%add3A_18, %dma_wait3A_43] : memref<10240x128xf32, #tpu.memory_space<vmem_shared>> -> memref<128x128xf32, #tpu.memory_space<vmem_shared>>
      tpu.wait_dma2 semaphore(%run_scoped3A : memref<!tpu.dma_semaphore, #tpu.memory_space<semaphore_mem>>) src(%arg8 : memref<128x128xf32, #tpu.memory_space<vmem>>) dst(%dma_wait3A_44 : memref<128x128xf32, #tpu.memory_space<vmem_shared>>)
      tpu.yield
    }) : () -> ()
    %mul3A_19 = arith.constant 640 : i32
    %mul3A_20 = arith.muli %arg1, %mul3A_19 : i32
    %add3A_21 = arith.constant 384 : i32
    %add3A_22 = arith.addi %mul3A_20, %add3A_21 : i32
    "tpu.region"() ({
      %run_scoped3A = tpu.sem_alloc : memref<!tpu.dma_semaphore, #tpu.memory_space<semaphore_mem>>
      %dma_start3A = arith.constant 0 : i32
      %dma_start3A_39 = tpu.memref_slice %arg9[%add3A_22, %dma_start3A] : memref<10240x128xf32, #tpu.memory_space<vmem_shared>> -> memref<128x128xf32, #tpu.memory_space<vmem_shared>>
      %dma_start3A_40 = arith.constant 0 : i32
      %dma_start3A_41 = tpu.memref_slice %arg9[%add3A_22, %dma_start3A_40] : memref<10240x128xf32, #tpu.memory_space<vmem_shared>> -> memref<128x128xf32, #tpu.memory_space<vmem_shared>>
      tpu.enqueue_dma source(%arg8 : memref<128x128xf32, #tpu.memory_space<vmem>>) target(%dma_start3A_41 : memref<128x128xf32, #tpu.memory_space<vmem_shared>>) target_semaphore(%run_scoped3A : memref<!tpu.dma_semaphore, #tpu.memory_space<semaphore_mem>>)
      %dma_wait3A = arith.constant 0 : i32
      %dma_wait3A_42 = tpu.memref_slice %arg9[%add3A_22, %dma_wait3A] : memref<10240x128xf32, #tpu.memory_space<vmem_shared>> -> memref<128x128xf32, #tpu.memory_space<vmem_shared>>
      %dma_wait3A_43 = arith.constant 0 : i32
      %dma_wait3A_44 = tpu.memref_slice %arg9[%add3A_22, %dma_wait3A_43] : memref<10240x128xf32, #tpu.memory_space<vmem_shared>> -> memref<128x128xf32, #tpu.memory_space<vmem_shared>>
      tpu.wait_dma2 semaphore(%run_scoped3A : memref<!tpu.dma_semaphore, #tpu.memory_space<semaphore_mem>>) src(%arg8 : memref<128x128xf32, #tpu.memory_space<vmem>>) dst(%dma_wait3A_44 : memref<128x128xf32, #tpu.memory_space<vmem_shared>>)
      tpu.yield
    }) : () -> ()
    %mul3A_23 = arith.constant 640 : i32
    %mul3A_24 = arith.muli %arg1, %mul3A_23 : i32
    %add3A_25 = arith.constant 512 : i32
    %add3A_26 = arith.addi %mul3A_24, %add3A_25 : i32
    "tpu.region"() ({
      %run_scoped3A = tpu.sem_alloc : memref<!tpu.dma_semaphore, #tpu.memory_space<semaphore_mem>>
      %dma_start3A = arith.constant 0 : i32
      %dma_start3A_39 = tpu.memref_slice %arg9[%add3A_26, %dma_start3A] : memref<10240x128xf32, #tpu.memory_space<vmem_shared>> -> memref<128x128xf32, #tpu.memory_space<vmem_shared>>
      %dma_start3A_40 = arith.constant 0 : i32
      %dma_start3A_41 = tpu.memref_slice %arg9[%add3A_26, %dma_start3A_40] : memref<10240x128xf32, #tpu.memory_space<vmem_shared>> -> memref<128x128xf32, #tpu.memory_space<vmem_shared>>
      tpu.enqueue_dma source(%arg8 : memref<128x128xf32, #tpu.memory_space<vmem>>) target(%dma_start3A_41 : memref<128x128xf32, #tpu.memory_space<vmem_shared>>) target_semaphore(%run_scoped3A : memref<!tpu.dma_semaphore, #tpu.memory_space<semaphore_mem>>)
      %dma_wait3A = arith.constant 0 : i32
      %dma_wait3A_42 = tpu.memref_slice %arg9[%add3A_26, %dma_wait3A] : memref<10240x128xf32, #tpu.memory_space<vmem_shared>> -> memref<128x128xf32, #tpu.memory_space<vmem_shared>>
      %dma_wait3A_43 = arith.constant 0 : i32
      %dma_wait3A_44 = tpu.memref_slice %arg9[%add3A_26, %dma_wait3A_43] : memref<10240x128xf32, #tpu.memory_space<vmem_shared>> -> memref<128x128xf32, #tpu.memory_space<vmem_shared>>
      tpu.wait_dma2 semaphore(%run_scoped3A : memref<!tpu.dma_semaphore, #tpu.memory_space<semaphore_mem>>) src(%arg8 : memref<128x128xf32, #tpu.memory_space<vmem>>) dst(%dma_wait3A_44 : memref<128x128xf32, #tpu.memory_space<vmem_shared>>)
      tpu.yield
    }) : () -> ()
    %barrier3A = arith.constant 0 : index
    tpu.barrier barrier_id(%barrier3A)
    "tpu.region"() ({
      %run_scoped3A = tpu.sem_alloc : memref<!tpu.dma_semaphore, #tpu.memory_space<semaphore_mem>>
      %dma_start3A = arith.constant 0 : i32
      %dma_start3A_39 = arith.constant 0 : i32
      %dma_start3A_40 = tpu.memref_slice %arg3[%add3A, %dma_start3A, %dma_start3A_39] : memref<32x79x128xi32, #tpu.memory_space<hbm>> -> memref<1x79x128xi32, #tpu.memory_space<hbm>>
      %dma_start3A_41 = tpu.memref_squeeze %dma_start3A_40 : memref<1x79x128xi32, #tpu.memory_space<hbm>> -> memref<79x128xi32, #tpu.memory_space<hbm>>
      %dma_start3A_42 = arith.constant 0 : i32
      %dma_start3A_43 = arith.constant 0 : i32
      %dma_start3A_44 = tpu.memref_slice %arg3[%add3A, %dma_start3A_42, %dma_start3A_43] : memref<32x79x128xi32, #tpu.memory_space<hbm>> -> memref<1x79x128xi32, #tpu.memory_space<hbm>>
      %dma_start3A_45 = tpu.memref_squeeze %dma_start3A_44 : memref<1x79x128xi32, #tpu.memory_space<hbm>> -> memref<79x128xi32, #tpu.memory_space<hbm>>
      tpu.enqueue_dma source(%dma_start3A_45 : memref<79x128xi32, #tpu.memory_space<hbm>>) target(%arg6 : memref<79x128xi32, #tpu.memory_space<vmem>>) target_semaphore(%run_scoped3A : memref<!tpu.dma_semaphore, #tpu.memory_space<semaphore_mem>>)
      %dma_wait3A = arith.constant 0 : i32
      %dma_wait3A_46 = arith.constant 0 : i32
      %dma_wait3A_47 = tpu.memref_slice %arg3[%add3A, %dma_wait3A, %dma_wait3A_46] : memref<32x79x128xi32, #tpu.memory_space<hbm>> -> memref<1x79x128xi32, #tpu.memory_space<hbm>>
      %dma_wait3A_48 = tpu.memref_squeeze %dma_wait3A_47 : memref<1x79x128xi32, #tpu.memory_space<hbm>> -> memref<79x128xi32, #tpu.memory_space<hbm>>
      %dma_wait3A_49 = arith.constant 0 : i32
      %dma_wait3A_50 = arith.constant 0 : i32
      %dma_wait3A_51 = tpu.memref_slice %arg3[%add3A, %dma_wait3A_49, %dma_wait3A_50] : memref<32x79x128xi32, #tpu.memory_space<hbm>> -> memref<1x79x128xi32, #tpu.memory_space<hbm>>
      %dma_wait3A_52 = tpu.memref_squeeze %dma_wait3A_51 : memref<1x79x128xi32, #tpu.memory_space<hbm>> -> memref<79x128xi32, #tpu.memory_space<hbm>>
      tpu.wait_dma2 semaphore(%run_scoped3A : memref<!tpu.dma_semaphore, #tpu.memory_space<semaphore_mem>>) src(%dma_wait3A_52 : memref<79x128xi32, #tpu.memory_space<hbm>>) dst(%arg6 : memref<79x128xi32, #tpu.memory_space<vmem>>)
      tpu.yield
    }) : () -> ()
    "tpu.region"() ({
      %run_scoped3A = tpu.sem_alloc : memref<!tpu.dma_semaphore, #tpu.memory_space<semaphore_mem>>
      %dma_start3A = arith.constant 0 : i32
      %dma_start3A_39 = arith.constant 0 : i32
      %dma_start3A_40 = tpu.memref_slice %arg4[%add3A, %dma_start3A, %dma_start3A_39] : memref<32x79x128xi32, #tpu.memory_space<hbm>> -> memref<1x79x128xi32, #tpu.memory_space<hbm>>
      %dma_start3A_41 = tpu.memref_squeeze %dma_start3A_40 : memref<1x79x128xi32, #tpu.memory_space<hbm>> -> memref<79x128xi32, #tpu.memory_space<hbm>>
      %dma_start3A_42 = arith.constant 0 : i32
      %dma_start3A_43 = arith.constant 0 : i32
      %dma_start3A_44 = tpu.memref_slice %arg4[%add3A, %dma_start3A_42, %dma_start3A_43] : memref<32x79x128xi32, #tpu.memory_space<hbm>> -> memref<1x79x128xi32, #tpu.memory_space<hbm>>
      %dma_start3A_45 = tpu.memref_squeeze %dma_start3A_44 : memref<1x79x128xi32, #tpu.memory_space<hbm>> -> memref<79x128xi32, #tpu.memory_space<hbm>>
      tpu.enqueue_dma source(%dma_start3A_45 : memref<79x128xi32, #tpu.memory_space<hbm>>) target(%arg7 : memref<79x128xi32, #tpu.memory_space<vmem>>) target_semaphore(%run_scoped3A : memref<!tpu.dma_semaphore, #tpu.memory_space<semaphore_mem>>)
      %dma_wait3A = arith.constant 0 : i32
      %dma_wait3A_46 = arith.constant 0 : i32
      %dma_wait3A_47 = tpu.memref_slice %arg4[%add3A, %dma_wait3A, %dma_wait3A_46] : memref<32x79x128xi32, #tpu.memory_space<hbm>> -> memref<1x79x128xi32, #tpu.memory_space<hbm>>
      %dma_wait3A_48 = tpu.memref_squeeze %dma_wait3A_47 : memref<1x79x128xi32, #tpu.memory_space<hbm>> -> memref<79x128xi32, #tpu.memory_space<hbm>>
      %dma_wait3A_49 = arith.constant 0 : i32
      %dma_wait3A_50 = arith.constant 0 : i32
      %dma_wait3A_51 = tpu.memref_slice %arg4[%add3A, %dma_wait3A_49, %dma_wait3A_50] : memref<32x79x128xi32, #tpu.memory_space<hbm>> -> memref<1x79x128xi32, #tpu.memory_space<hbm>>
      %dma_wait3A_52 = tpu.memref_squeeze %dma_wait3A_51 : memref<1x79x128xi32, #tpu.memory_space<hbm>> -> memref<79x128xi32, #tpu.memory_space<hbm>>
      tpu.wait_dma2 semaphore(%run_scoped3A : memref<!tpu.dma_semaphore, #tpu.memory_space<semaphore_mem>>) src(%dma_wait3A_52 : memref<79x128xi32, #tpu.memory_space<hbm>>) dst(%arg7 : memref<79x128xi32, #tpu.memory_space<vmem>>)
      tpu.yield
    }) : () -> ()
    %scan3A_27 = arith.constant 0 : i32
    %scan3A_28 = arith.constant 0 : i32
    %scan3A_29 = arith.constant 79 : i32
    %scan3A_30 = arith.addi %scan3A_28, %scan3A_29 : i32
    %scan3A_31 = arith.constant 1 : i32
    %scan3A_32 = scf.for %scan3A_39 = %scan3A_28 to %scan3A_30 step %scan3A_31 iter_args(%scan3A_40 = %scan3A_27) -> (i32)  : i32 {
      %dma_start3A = arith.constant 0 : i32
      %dma_start3A_41 = tpu.memref_slice %arg6[%scan3A_39, %dma_start3A] : memref<79x128xi32, #tpu.memory_space<vmem>> -> memref<1x128xi32, #tpu.memory_space<vmem>>
      %dma_start3A_42 = tpu.memref_squeeze %dma_start3A_41 : memref<1x128xi32, #tpu.memory_space<vmem>> -> memref<128xi32, #tpu.memory_space<vmem>>
      %dma_start3A_43 = arith.constant 0 : i32
      %dma_start3A_44 = arith.constant 0 : i32
      %dma_start3A_45 = tpu.memref_slice %arg2[%dma_start3A_43, %dma_start3A_44] : memref<10240x128xf32, #tpu.memory_space<hbm>> -> memref<10240x128xf32, #tpu.memory_space<hbm>>
      tpu.enqueue_indirect_dma source(%dma_start3A_45 : memref<10240x128xf32, #tpu.memory_space<hbm>>) target(%arg8 : memref<128x128xf32, #tpu.memory_space<vmem>>) offsets(%dma_start3A_42 : memref<128xi32, #tpu.memory_space<vmem>>) semaphore(%arg10 : memref<!tpu.dma_semaphore, #tpu.memory_space<semaphore_mem>>)
      %dma_wait3A = arith.constant 0 : i32
      %dma_wait3A_46 = tpu.memref_slice %arg6[%scan3A_39, %dma_wait3A] : memref<79x128xi32, #tpu.memory_space<vmem>> -> memref<1x128xi32, #tpu.memory_space<vmem>>
      %dma_wait3A_47 = tpu.memref_squeeze %dma_wait3A_46 : memref<1x128xi32, #tpu.memory_space<vmem>> -> memref<128xi32, #tpu.memory_space<vmem>>
      %dma_wait3A_48 = arith.constant 0 : i32
      %dma_wait3A_49 = arith.constant 0 : i32
      %dma_wait3A_50 = tpu.memref_slice %arg2[%dma_wait3A_48, %dma_wait3A_49] : memref<10240x128xf32, #tpu.memory_space<hbm>> -> memref<10240x128xf32, #tpu.memory_space<hbm>>
      tpu.wait_indirect_dma semaphore(%arg10 : memref<!tpu.dma_semaphore, #tpu.memory_space<semaphore_mem>>) src(%dma_wait3A_50 : memref<10240x128xf32, #tpu.memory_space<hbm>>) dst(%arg8 : memref<128x128xf32, #tpu.memory_space<vmem>>)
      "tpu.region"() ({
        %run_scoped3A = tpu.sem_alloc : memref<!tpu.dma_semaphore, #tpu.memory_space<semaphore_mem>>
        %dma_start3A_52 = arith.constant 0 : i32
        %dma_start3A_53 = tpu.memref_slice %arg7[%scan3A_39, %dma_start3A_52] : memref<79x128xi32, #tpu.memory_space<vmem>> -> memref<1x128xi32, #tpu.memory_space<vmem>>
        %dma_start3A_54 = tpu.memref_squeeze %dma_start3A_53 : memref<1x128xi32, #tpu.memory_space<vmem>> -> memref<128xi32, #tpu.memory_space<vmem>>
        %dma_start3A_55 = arith.constant 0 : i32
        %dma_start3A_56 = arith.constant 0 : i32
        %dma_start3A_57 = tpu.memref_slice %arg9[%dma_start3A_55, %dma_start3A_56] : memref<10240x128xf32, #tpu.memory_space<vmem_shared>> -> memref<10240x128xf32, #tpu.memory_space<vmem_shared>>
        tpu.enqueue_indirect_dma source(%arg8 : memref<128x128xf32, #tpu.memory_space<vmem>>) target(%dma_start3A_57 : memref<10240x128xf32, #tpu.memory_space<vmem_shared>>) offsets(%dma_start3A_54 : memref<128xi32, #tpu.memory_space<vmem>>) semaphore(%run_scoped3A : memref<!tpu.dma_semaphore, #tpu.memory_space<semaphore_mem>>) {add = true}
        %dma_wait3A_58 = arith.constant 0 : i32
        %dma_wait3A_59 = tpu.memref_slice %arg7[%scan3A_39, %dma_wait3A_58] : memref<79x128xi32, #tpu.memory_space<vmem>> -> memref<1x128xi32, #tpu.memory_space<vmem>>
        %dma_wait3A_60 = tpu.memref_squeeze %dma_wait3A_59 : memref<1x128xi32, #tpu.memory_space<vmem>> -> memref<128xi32, #tpu.memory_space<vmem>>
        %dma_wait3A_61 = arith.constant 0 : i32
        %dma_wait3A_62 = arith.constant 0 : i32
        %dma_wait3A_63 = tpu.memref_slice %arg9[%dma_wait3A_61, %dma_wait3A_62] : memref<10240x128xf32, #tpu.memory_space<vmem_shared>> -> memref<10240x128xf32, #tpu.memory_space<vmem_shared>>
        tpu.wait_indirect_dma semaphore(%run_scoped3A : memref<!tpu.dma_semaphore, #tpu.memory_space<semaphore_mem>>) src(%arg8 : memref<128x128xf32, #tpu.memory_space<vmem>>) dst(%dma_wait3A_63 : memref<10240x128xf32, #tpu.memory_space<vmem_shared>>)
        tpu.yield
      }) : () -> ()
      %scan3A_51 = arith.constant 0 : i32
      scf.yield %scan3A_51 : i32
    }
    %scan3A_33 = arith.constant 79 : i32
    %barrier3A_34 = arith.constant 0 : index
    tpu.barrier barrier_id(%barrier3A_34)
    %mul3A_35 = arith.constant 640 : i32
    %mul3A_36 = arith.muli %arg1, %mul3A_35 : i32
    %mul3A_37 = arith.constant 640 : i32
    %mul3A_38 = arith.muli %arg1, %mul3A_37 : i32
    "tpu.region"() ({
      %run_scoped3A = tpu.sem_alloc : memref<!tpu.dma_semaphore, #tpu.memory_space<semaphore_mem>>
      %dma_start3A = arith.constant 0 : i32
      %dma_start3A_39 = tpu.memref_slice %arg5[%arg0, %mul3A_38, %dma_start3A] : memref<2x10240x128xf32, #tpu.memory_space<hbm>> -> memref<1x640x128xf32, #tpu.memory_space<hbm>>
      %dma_start3A_40 = tpu.memref_squeeze %dma_start3A_39 : memref<1x640x128xf32, #tpu.memory_space<hbm>> -> memref<640x128xf32, #tpu.memory_space<hbm>>
      %dma_start3A_41 = arith.constant 0 : i32
      %dma_start3A_42 = tpu.memref_slice %arg9[%mul3A_36, %dma_start3A_41] : memref<10240x128xf32, #tpu.memory_space<vmem_shared>> -> memref<640x128xf32, #tpu.memory_space<vmem_shared>>
      tpu.enqueue_dma source(%dma_start3A_42 : memref<640x128xf32, #tpu.memory_space<vmem_shared>>) target(%dma_start3A_40 : memref<640x128xf32, #tpu.memory_space<hbm>>) target_semaphore(%run_scoped3A : memref<!tpu.dma_semaphore, #tpu.memory_space<semaphore_mem>>)
      %dma_wait3A = arith.constant 0 : i32
      %dma_wait3A_43 = tpu.memref_slice %arg5[%arg0, %mul3A_38, %dma_wait3A] : memref<2x10240x128xf32, #tpu.memory_space<hbm>> -> memref<1x640x128xf32, #tpu.memory_space<hbm>>
      %dma_wait3A_44 = tpu.memref_squeeze %dma_wait3A_43 : memref<1x640x128xf32, #tpu.memory_space<hbm>> -> memref<640x128xf32, #tpu.memory_space<hbm>>
      %dma_wait3A_45 = arith.constant 0 : i32
      %dma_wait3A_46 = tpu.memref_slice %arg9[%mul3A_36, %dma_wait3A_45] : memref<10240x128xf32, #tpu.memory_space<vmem_shared>> -> memref<640x128xf32, #tpu.memory_space<vmem_shared>>
      tpu.wait_dma2 semaphore(%run_scoped3A : memref<!tpu.dma_semaphore, #tpu.memory_space<semaphore_mem>>) src(%dma_wait3A_46 : memref<640x128xf32, #tpu.memory_space<vmem_shared>>) dst(%dma_wait3A_44 : memref<640x128xf32, #tpu.memory_space<hbm>>)
      tpu.yield
    }) : () -> ()
    return
  }
}

module attributes {stable_mosaic.version = 14 : i64} {
  func.func @body(%arg0: memref<32x160x128xf32, #tpu.memory_space<vmem>>, %arg1: memref<160x128xf32, #tpu.memory_space<vmem>>) attributes {dimension_semantics = [], scalar_prefetch = 0 : i64, scratch_operands = 0 : i64, tpu.core_type = #tpu.core_type<tc>} {
    %get3A = arith.constant 0 : index
    %get3A_0 = arith.constant 0 : index
    %get3A_1 = arith.constant 0 : index
    %get3A_2 = vector.load %arg0[%get3A, %get3A_0, %get3A_1] : memref<32x160x128xf32, #tpu.memory_space<vmem>>, vector<32x160x128xf32>
    %reduce_sum3A = arith.constant dense<0.000000e+00> : vector<160x128xf32>
    %reduce_sum3A_3 = vector.multi_reduction <add>, %get3A_2, %reduce_sum3A [0] : vector<32x160x128xf32> to vector<160x128xf32>
    %max3A = arith.constant 1.000000e+00 : f32
    %max3A_4 = vector.broadcast %max3A : f32 to vector<160x128xf32>
    %max3A_5 = arith.maximumf %reduce_sum3A_3, %max3A_4 : vector<160x128xf32>
    %sqrt3A = math.sqrt %max3A_5 : vector<160x128xf32>
    %div3A = arith.constant 1.000000e+00 : f32
    %div3A_6 = vector.broadcast %div3A : f32 to vector<160x128xf32>
    %div3A_7 = arith.divf %div3A_6, %sqrt3A : vector<160x128xf32>
    %swap3A = arith.constant 0 : index
    %swap3A_8 = arith.constant 0 : index
    %swap3A_9 = vector.load %arg1[%swap3A, %swap3A_8] : memref<160x128xf32, #tpu.memory_space<vmem>>, vector<160x128xf32>
    tpu.vector_store %arg1[%swap3A, %swap3A_8], %div3A_7 {strides = array<i32>} : memref<160x128xf32, #tpu.memory_space<vmem>>, vector<160x128xf32>,
    return
  }
}

module attributes {stable_mosaic.version = 14 : i64} {
  func.func @body(%arg0: i32, %arg1: memref<2x2048x128xf32, #tpu.memory_space<vmem>>, %arg2: memref<16x128xf32, #tpu.memory_space<vmem>>, %arg3: memref<16x128xf32, #tpu.memory_space<vmem>>, %arg4: memref<2048x128xf32, #tpu.memory_space<vmem>>, %arg5: memref<2048x128xf32, #tpu.memory_space<vmem>>, %arg6: memref<2048x128xf32, #tpu.memory_space<vmem>>, %arg7: memref<2048x128xf32, #tpu.memory_space<vmem>>) attributes {dimension_semantics = [#tpu.dimension_semantics<arbitrary>], iteration_bounds = array<i64: 5>, scalar_prefetch = 0 : i64, scratch_operands = 0 : i64, tpu.core_type = #tpu.core_type<tc>, window_params = [{transform_indices = @transform_0, window_bounds = array<i64: 2, 2048, 128>}, {transform_indices = @transform_1, window_bounds = array<i64: 16, 128>}, {transform_indices = @transform_2, window_bounds = array<i64: 16, 128>}, {transform_indices = @transform_3, window_bounds = array<i64: 2048, 128>}, {transform_indices = @transform_4, window_bounds = array<i64: 2048, 128>}, {transform_indices = @transform_5, window_bounds = array<i64: 2048, 128>}, {transform_indices = @transform_6, window_bounds = array<i64: 2048, 128>}]} {
    %get3A = arith.constant 0 : index
    %get3A_0 = arith.constant 0 : index
    %get3A_1 = vector.load %arg2[%get3A, %get3A_0] : memref<16x128xf32, #tpu.memory_space<vmem>>, vector<16x128xf32>
    %iota3A = tpu.iota {dimensions = array<i32: 0>} : vector<128x128xi32>
    %iota3A_2 = tpu.iota {dimensions = array<i32: 1>} : vector<128x128xi32>
    %eq3A = arith.cmpi eq, %iota3A, %iota3A_2 : vector<128x128xi32>
    %convert_element_type3A = arith.extui %eq3A : vector<128x128xi1> to vector<128x128xi32>
    %convert_element_type3A_3 = arith.sitofp %convert_element_type3A : vector<128x128xi32> to vector<128x128xf32>
    %slice3A = vector.extract_strided_slice %get3A_1 {offsets = [0, 0], sizes = [1, 128], strides = [1, 1]} : vector<16x128xf32> to vector<1x128xf32>
    %dot_general3A = arith.constant dense<0.000000e+00> : vector<128x1xf32>
    %dot_general3A_4 = tpu.matmul %convert_element_type3A_3, %slice3A, %dot_general3A {dimension_numbers = #tpu.dot_dimension_numbers<[1], [1], [0], [0], [0, 0, 1, 0], [], []>, precision = #tpu.contract_precision<fp32>, transpose_lhs_hint = false} : vector<128x128xf32>, vector<1x128xf32>, vector<128x1xf32> -> vector<128x1xf32>
    %broadcast_in_dim3A = arith.constant 1.000000e+00 : f32
    %broadcast_in_dim3A_5 = vector.broadcast %broadcast_in_dim3A : f32 to vector<1x128xf32>
    %mul3A = vector.broadcast %dot_general3A_4 : vector<128x1xf32> to vector<128x128xf32>
    %mul3A_6 = vector.broadcast %broadcast_in_dim3A_5 : vector<1x128xf32> to vector<128x128xf32>
    %mul3A_7 = arith.mulf %mul3A, %mul3A_6 : vector<128x128xf32>
    %slice3A_8 = vector.extract_strided_slice %get3A_1 {offsets = [1, 0], sizes = [1, 128], strides = [1, 1]} : vector<16x128xf32> to vector<1x128xf32>
    %dot_general3A_9 = arith.constant dense<0.000000e+00> : vector<128x1xf32>
    %dot_general3A_10 = tpu.matmul %convert_element_type3A_3, %slice3A_8, %dot_general3A_9 {dimension_numbers = #tpu.dot_dimension_numbers<[1], [1], [0], [0], [0, 0, 1, 0], [], []>, precision = #tpu.contract_precision<fp32>, transpose_lhs_hint = false} : vector<128x128xf32>, vector<1x128xf32>, vector<128x1xf32> -> vector<128x1xf32>
    %broadcast_in_dim3A_11 = arith.constant 1.000000e+00 : f32
    %broadcast_in_dim3A_12 = vector.broadcast %broadcast_in_dim3A_11 : f32 to vector<1x128xf32>
    %mul3A_13 = vector.broadcast %dot_general3A_10 : vector<128x1xf32> to vector<128x128xf32>
    %mul3A_14 = vector.broadcast %broadcast_in_dim3A_12 : vector<1x128xf32> to vector<128x128xf32>
    %mul3A_15 = arith.mulf %mul3A_13, %mul3A_14 : vector<128x128xf32>
    %slice3A_16 = vector.extract_strided_slice %get3A_1 {offsets = [2, 0], sizes = [1, 128], strides = [1, 1]} : vector<16x128xf32> to vector<1x128xf32>
    %dot_general3A_17 = arith.constant dense<0.000000e+00> : vector<128x1xf32>
    %dot_general3A_18 = tpu.matmul %convert_element_type3A_3, %slice3A_16, %dot_general3A_17 {dimension_numbers = #tpu.dot_dimension_numbers<[1], [1], [0], [0], [0, 0, 1, 0], [], []>, precision = #tpu.contract_precision<fp32>, transpose_lhs_hint = false} : vector<128x128xf32>, vector<1x128xf32>, vector<128x1xf32> -> vector<128x1xf32>
    %broadcast_in_dim3A_19 = arith.constant 1.000000e+00 : f32
    %broadcast_in_dim3A_20 = vector.broadcast %broadcast_in_dim3A_19 : f32 to vector<1x128xf32>
    %mul3A_21 = vector.broadcast %dot_general3A_18 : vector<128x1xf32> to vector<128x128xf32>
    %mul3A_22 = vector.broadcast %broadcast_in_dim3A_20 : vector<1x128xf32> to vector<128x128xf32>
    %mul3A_23 = arith.mulf %mul3A_21, %mul3A_22 : vector<128x128xf32>
    %slice3A_24 = vector.extract_strided_slice %get3A_1 {offsets = [3, 0], sizes = [1, 128], strides = [1, 1]} : vector<16x128xf32> to vector<1x128xf32>
    %dot_general3A_25 = arith.constant dense<0.000000e+00> : vector<128x1xf32>
    %dot_general3A_26 = tpu.matmul %convert_element_type3A_3, %slice3A_24, %dot_general3A_25 {dimension_numbers = #tpu.dot_dimension_numbers<[1], [1], [0], [0], [0, 0, 1, 0], [], []>, precision = #tpu.contract_precision<fp32>, transpose_lhs_hint = false} : vector<128x128xf32>, vector<1x128xf32>, vector<128x1xf32> -> vector<128x1xf32>
    %broadcast_in_dim3A_27 = arith.constant 1.000000e+00 : f32
    %broadcast_in_dim3A_28 = vector.broadcast %broadcast_in_dim3A_27 : f32 to vector<1x128xf32>
    %mul3A_29 = vector.broadcast %dot_general3A_26 : vector<128x1xf32> to vector<128x128xf32>
    %mul3A_30 = vector.broadcast %broadcast_in_dim3A_28 : vector<1x128xf32> to vector<128x128xf32>
    %mul3A_31 = arith.mulf %mul3A_29, %mul3A_30 : vector<128x128xf32>
    %slice3A_32 = vector.extract_strided_slice %get3A_1 {offsets = [4, 0], sizes = [1, 128], strides = [1, 1]} : vector<16x128xf32> to vector<1x128xf32>
    %dot_general3A_33 = arith.constant dense<0.000000e+00> : vector<128x1xf32>
    %dot_general3A_34 = tpu.matmul %convert_element_type3A_3, %slice3A_32, %dot_general3A_33 {dimension_numbers = #tpu.dot_dimension_numbers<[1], [1], [0], [0], [0, 0, 1, 0], [], []>, precision = #tpu.contract_precision<fp32>, transpose_lhs_hint = false} : vector<128x128xf32>, vector<1x128xf32>, vector<128x1xf32> -> vector<128x1xf32>
    %broadcast_in_dim3A_35 = arith.constant 1.000000e+00 : f32
    %broadcast_in_dim3A_36 = vector.broadcast %broadcast_in_dim3A_35 : f32 to vector<1x128xf32>
    %mul3A_37 = vector.broadcast %dot_general3A_34 : vector<128x1xf32> to vector<128x128xf32>
    %mul3A_38 = vector.broadcast %broadcast_in_dim3A_36 : vector<1x128xf32> to vector<128x128xf32>
    %mul3A_39 = arith.mulf %mul3A_37, %mul3A_38 : vector<128x128xf32>
    %slice3A_40 = vector.extract_strided_slice %get3A_1 {offsets = [5, 0], sizes = [1, 128], strides = [1, 1]} : vector<16x128xf32> to vector<1x128xf32>
    %dot_general3A_41 = arith.constant dense<0.000000e+00> : vector<128x1xf32>
    %dot_general3A_42 = tpu.matmul %convert_element_type3A_3, %slice3A_40, %dot_general3A_41 {dimension_numbers = #tpu.dot_dimension_numbers<[1], [1], [0], [0], [0, 0, 1, 0], [], []>, precision = #tpu.contract_precision<fp32>, transpose_lhs_hint = false} : vector<128x128xf32>, vector<1x128xf32>, vector<128x1xf32> -> vector<128x1xf32>
    %broadcast_in_dim3A_43 = arith.constant 1.000000e+00 : f32
    %broadcast_in_dim3A_44 = vector.broadcast %broadcast_in_dim3A_43 : f32 to vector<1x128xf32>
    %mul3A_45 = vector.broadcast %dot_general3A_42 : vector<128x1xf32> to vector<128x128xf32>
    %mul3A_46 = vector.broadcast %broadcast_in_dim3A_44 : vector<1x128xf32> to vector<128x128xf32>
    %mul3A_47 = arith.mulf %mul3A_45, %mul3A_46 : vector<128x128xf32>
    %slice3A_48 = vector.extract_strided_slice %get3A_1 {offsets = [6, 0], sizes = [1, 128], strides = [1, 1]} : vector<16x128xf32> to vector<1x128xf32>
    %dot_general3A_49 = arith.constant dense<0.000000e+00> : vector<128x1xf32>
    %dot_general3A_50 = tpu.matmul %convert_element_type3A_3, %slice3A_48, %dot_general3A_49 {dimension_numbers = #tpu.dot_dimension_numbers<[1], [1], [0], [0], [0, 0, 1, 0], [], []>, precision = #tpu.contract_precision<fp32>, transpose_lhs_hint = false} : vector<128x128xf32>, vector<1x128xf32>, vector<128x1xf32> -> vector<128x1xf32>
    %broadcast_in_dim3A_51 = arith.constant 1.000000e+00 : f32
    %broadcast_in_dim3A_52 = vector.broadcast %broadcast_in_dim3A_51 : f32 to vector<1x128xf32>
    %mul3A_53 = vector.broadcast %dot_general3A_50 : vector<128x1xf32> to vector<128x128xf32>
    %mul3A_54 = vector.broadcast %broadcast_in_dim3A_52 : vector<1x128xf32> to vector<128x128xf32>
    %mul3A_55 = arith.mulf %mul3A_53, %mul3A_54 : vector<128x128xf32>
    %slice3A_56 = vector.extract_strided_slice %get3A_1 {offsets = [7, 0], sizes = [1, 128], strides = [1, 1]} : vector<16x128xf32> to vector<1x128xf32>
    %dot_general3A_57 = arith.constant dense<0.000000e+00> : vector<128x1xf32>
    %dot_general3A_58 = tpu.matmul %convert_element_type3A_3, %slice3A_56, %dot_general3A_57 {dimension_numbers = #tpu.dot_dimension_numbers<[1], [1], [0], [0], [0, 0, 1, 0], [], []>, precision = #tpu.contract_precision<fp32>, transpose_lhs_hint = false} : vector<128x128xf32>, vector<1x128xf32>, vector<128x1xf32> -> vector<128x1xf32>
    %broadcast_in_dim3A_59 = arith.constant 1.000000e+00 : f32
    %broadcast_in_dim3A_60 = vector.broadcast %broadcast_in_dim3A_59 : f32 to vector<1x128xf32>
    %mul3A_61 = vector.broadcast %dot_general3A_58 : vector<128x1xf32> to vector<128x128xf32>
    %mul3A_62 = vector.broadcast %broadcast_in_dim3A_60 : vector<1x128xf32> to vector<128x128xf32>
    %mul3A_63 = arith.mulf %mul3A_61, %mul3A_62 : vector<128x128xf32>
    %slice3A_64 = vector.extract_strided_slice %get3A_1 {offsets = [8, 0], sizes = [1, 128], strides = [1, 1]} : vector<16x128xf32> to vector<1x128xf32>
    %dot_general3A_65 = arith.constant dense<0.000000e+00> : vector<128x1xf32>
    %dot_general3A_66 = tpu.matmul %convert_element_type3A_3, %slice3A_64, %dot_general3A_65 {dimension_numbers = #tpu.dot_dimension_numbers<[1], [1], [0], [0], [0, 0, 1, 0], [], []>, precision = #tpu.contract_precision<fp32>, transpose_lhs_hint = false} : vector<128x128xf32>, vector<1x128xf32>, vector<128x1xf32> -> vector<128x1xf32>
    %broadcast_in_dim3A_67 = arith.constant 1.000000e+00 : f32
    %broadcast_in_dim3A_68 = vector.broadcast %broadcast_in_dim3A_67 : f32 to vector<1x128xf32>
    %mul3A_69 = vector.broadcast %dot_general3A_66 : vector<128x1xf32> to vector<128x128xf32>
    %mul3A_70 = vector.broadcast %broadcast_in_dim3A_68 : vector<1x128xf32> to vector<128x128xf32>
    %mul3A_71 = arith.mulf %mul3A_69, %mul3A_70 : vector<128x128xf32>
    %slice3A_72 = vector.extract_strided_slice %get3A_1 {offsets = [9, 0], sizes = [1, 128], strides = [1, 1]} : vector<16x128xf32> to vector<1x128xf32>
    %dot_general3A_73 = arith.constant dense<0.000000e+00> : vector<128x1xf32>
    %dot_general3A_74 = tpu.matmul %convert_element_type3A_3, %slice3A_72, %dot_general3A_73 {dimension_numbers = #tpu.dot_dimension_numbers<[1], [1], [0], [0], [0, 0, 1, 0], [], []>, precision = #tpu.contract_precision<fp32>, transpose_lhs_hint = false} : vector<128x128xf32>, vector<1x128xf32>, vector<128x1xf32> -> vector<128x1xf32>
    %broadcast_in_dim3A_75 = arith.constant 1.000000e+00 : f32
    %broadcast_in_dim3A_76 = vector.broadcast %broadcast_in_dim3A_75 : f32 to vector<1x128xf32>
    %mul3A_77 = vector.broadcast %dot_general3A_74 : vector<128x1xf32> to vector<128x128xf32>
    %mul3A_78 = vector.broadcast %broadcast_in_dim3A_76 : vector<1x128xf32> to vector<128x128xf32>
    %mul3A_79 = arith.mulf %mul3A_77, %mul3A_78 : vector<128x128xf32>
    %slice3A_80 = vector.extract_strided_slice %get3A_1 {offsets = [10, 0], sizes = [1, 128], strides = [1, 1]} : vector<16x128xf32> to vector<1x128xf32>
    %dot_general3A_81 = arith.constant dense<0.000000e+00> : vector<128x1xf32>
    %dot_general3A_82 = tpu.matmul %convert_element_type3A_3, %slice3A_80, %dot_general3A_81 {dimension_numbers = #tpu.dot_dimension_numbers<[1], [1], [0], [0], [0, 0, 1, 0], [], []>, precision = #tpu.contract_precision<fp32>, transpose_lhs_hint = false} : vector<128x128xf32>, vector<1x128xf32>, vector<128x1xf32> -> vector<128x1xf32>
    %broadcast_in_dim3A_83 = arith.constant 1.000000e+00 : f32
    %broadcast_in_dim3A_84 = vector.broadcast %broadcast_in_dim3A_83 : f32 to vector<1x128xf32>
    %mul3A_85 = vector.broadcast %dot_general3A_82 : vector<128x1xf32> to vector<128x128xf32>
    %mul3A_86 = vector.broadcast %broadcast_in_dim3A_84 : vector<1x128xf32> to vector<128x128xf32>
    %mul3A_87 = arith.mulf %mul3A_85, %mul3A_86 : vector<128x128xf32>
    %slice3A_88 = vector.extract_strided_slice %get3A_1 {offsets = [11, 0], sizes = [1, 128], strides = [1, 1]} : vector<16x128xf32> to vector<1x128xf32>
    %dot_general3A_89 = arith.constant dense<0.000000e+00> : vector<128x1xf32>
    %dot_general3A_90 = tpu.matmul %convert_element_type3A_3, %slice3A_88, %dot_general3A_89 {dimension_numbers = #tpu.dot_dimension_numbers<[1], [1], [0], [0], [0, 0, 1, 0], [], []>, precision = #tpu.contract_precision<fp32>, transpose_lhs_hint = false} : vector<128x128xf32>, vector<1x128xf32>, vector<128x1xf32> -> vector<128x1xf32>
    %broadcast_in_dim3A_91 = arith.constant 1.000000e+00 : f32
    %broadcast_in_dim3A_92 = vector.broadcast %broadcast_in_dim3A_91 : f32 to vector<1x128xf32>
    %mul3A_93 = vector.broadcast %dot_general3A_90 : vector<128x1xf32> to vector<128x128xf32>
    %mul3A_94 = vector.broadcast %broadcast_in_dim3A_92 : vector<1x128xf32> to vector<128x128xf32>
    %mul3A_95 = arith.mulf %mul3A_93, %mul3A_94 : vector<128x128xf32>
    %slice3A_96 = vector.extract_strided_slice %get3A_1 {offsets = [12, 0], sizes = [1, 128], strides = [1, 1]} : vector<16x128xf32> to vector<1x128xf32>
    %dot_general3A_97 = arith.constant dense<0.000000e+00> : vector<128x1xf32>
    %dot_general3A_98 = tpu.matmul %convert_element_type3A_3, %slice3A_96, %dot_general3A_97 {dimension_numbers = #tpu.dot_dimension_numbers<[1], [1], [0], [0], [0, 0, 1, 0], [], []>, precision = #tpu.contract_precision<fp32>, transpose_lhs_hint = false} : vector<128x128xf32>, vector<1x128xf32>, vector<128x1xf32> -> vector<128x1xf32>
    %broadcast_in_dim3A_99 = arith.constant 1.000000e+00 : f32
    %broadcast_in_dim3A_100 = vector.broadcast %broadcast_in_dim3A_99 : f32 to vector<1x128xf32>
    %mul3A_101 = vector.broadcast %dot_general3A_98 : vector<128x1xf32> to vector<128x128xf32>
    %mul3A_102 = vector.broadcast %broadcast_in_dim3A_100 : vector<1x128xf32> to vector<128x128xf32>
    %mul3A_103 = arith.mulf %mul3A_101, %mul3A_102 : vector<128x128xf32>
    %slice3A_104 = vector.extract_strided_slice %get3A_1 {offsets = [13, 0], sizes = [1, 128], strides = [1, 1]} : vector<16x128xf32> to vector<1x128xf32>
    %dot_general3A_105 = arith.constant dense<0.000000e+00> : vector<128x1xf32>
    %dot_general3A_106 = tpu.matmul %convert_element_type3A_3, %slice3A_104, %dot_general3A_105 {dimension_numbers = #tpu.dot_dimension_numbers<[1], [1], [0], [0], [0, 0, 1, 0], [], []>, precision = #tpu.contract_precision<fp32>, transpose_lhs_hint = false} : vector<128x128xf32>, vector<1x128xf32>, vector<128x1xf32> -> vector<128x1xf32>
    %broadcast_in_dim3A_107 = arith.constant 1.000000e+00 : f32
    %broadcast_in_dim3A_108 = vector.broadcast %broadcast_in_dim3A_107 : f32 to vector<1x128xf32>
    %mul3A_109 = vector.broadcast %dot_general3A_106 : vector<128x1xf32> to vector<128x128xf32>
    %mul3A_110 = vector.broadcast %broadcast_in_dim3A_108 : vector<1x128xf32> to vector<128x128xf32>
    %mul3A_111 = arith.mulf %mul3A_109, %mul3A_110 : vector<128x128xf32>
    %slice3A_112 = vector.extract_strided_slice %get3A_1 {offsets = [14, 0], sizes = [1, 128], strides = [1, 1]} : vector<16x128xf32> to vector<1x128xf32>
    %dot_general3A_113 = arith.constant dense<0.000000e+00> : vector<128x1xf32>
    %dot_general3A_114 = tpu.matmul %convert_element_type3A_3, %slice3A_112, %dot_general3A_113 {dimension_numbers = #tpu.dot_dimension_numbers<[1], [1], [0], [0], [0, 0, 1, 0], [], []>, precision = #tpu.contract_precision<fp32>, transpose_lhs_hint = false} : vector<128x128xf32>, vector<1x128xf32>, vector<128x1xf32> -> vector<128x1xf32>
    %broadcast_in_dim3A_115 = arith.constant 1.000000e+00 : f32
    %broadcast_in_dim3A_116 = vector.broadcast %broadcast_in_dim3A_115 : f32 to vector<1x128xf32>
    %mul3A_117 = vector.broadcast %dot_general3A_114 : vector<128x1xf32> to vector<128x128xf32>
    %mul3A_118 = vector.broadcast %broadcast_in_dim3A_116 : vector<1x128xf32> to vector<128x128xf32>
    %mul3A_119 = arith.mulf %mul3A_117, %mul3A_118 : vector<128x128xf32>
    %slice3A_120 = vector.extract_strided_slice %get3A_1 {offsets = [15, 0], sizes = [1, 128], strides = [1, 1]} : vector<16x128xf32> to vector<1x128xf32>
    %dot_general3A_121 = arith.constant dense<0.000000e+00> : vector<128x1xf32>
    %dot_general3A_122 = tpu.matmul %convert_element_type3A_3, %slice3A_120, %dot_general3A_121 {dimension_numbers = #tpu.dot_dimension_numbers<[1], [1], [0], [0], [0, 0, 1, 0], [], []>, precision = #tpu.contract_precision<fp32>, transpose_lhs_hint = false} : vector<128x128xf32>, vector<1x128xf32>, vector<128x1xf32> -> vector<128x1xf32>
    %broadcast_in_dim3A_123 = arith.constant 1.000000e+00 : f32
    %broadcast_in_dim3A_124 = vector.broadcast %broadcast_in_dim3A_123 : f32 to vector<1x128xf32>
    %mul3A_125 = vector.broadcast %dot_general3A_122 : vector<128x1xf32> to vector<128x128xf32>
    %mul3A_126 = vector.broadcast %broadcast_in_dim3A_124 : vector<1x128xf32> to vector<128x128xf32>
    %mul3A_127 = arith.mulf %mul3A_125, %mul3A_126 : vector<128x128xf32>
    %concatenate3A = tpu.concatenate %mul3A_7, %mul3A_15, %mul3A_23, %mul3A_31, %mul3A_39, %mul3A_47, %mul3A_55, %mul3A_63, %mul3A_71, %mul3A_79, %mul3A_87, %mul3A_95, %mul3A_103, %mul3A_111, %mul3A_119, %mul3A_127 in 0 : vector<128x128xf32>, vector<128x128xf32>, vector<128x128xf32>, vector<128x128xf32>, vector<128x128xf32>, vector<128x128xf32>, vector<128x128xf32>, vector<128x128xf32>, vector<128x128xf32>, vector<128x128xf32>, vector<128x128xf32>, vector<128x128xf32>, vector<128x128xf32>, vector<128x128xf32>, vector<128x128xf32>, vector<128x128xf32> -> vector<2048x128xf32>
    %get3A_128 = arith.constant 0 : index
    %get3A_129 = arith.constant 0 : index
    %get3A_130 = vector.load %arg3[%get3A_128, %get3A_129] : memref<16x128xf32, #tpu.memory_space<vmem>>, vector<16x128xf32>
    %iota3A_131 = tpu.iota {dimensions = array<i32: 0>} : vector<128x128xi32>
    %iota3A_132 = tpu.iota {dimensions = array<i32: 1>} : vector<128x128xi32>
    %eq3A_133 = arith.cmpi eq, %iota3A_131, %iota3A_132 : vector<128x128xi32>
    %convert_element_type3A_134 = arith.extui %eq3A_133 : vector<128x128xi1> to vector<128x128xi32>
    %convert_element_type3A_135 = arith.sitofp %convert_element_type3A_134 : vector<128x128xi32> to vector<128x128xf32>
    %slice3A_136 = vector.extract_strided_slice %get3A_130 {offsets = [0, 0], sizes = [1, 128], strides = [1, 1]} : vector<16x128xf32> to vector<1x128xf32>
    %dot_general3A_137 = arith.constant dense<0.000000e+00> : vector<128x1xf32>
    %dot_general3A_138 = tpu.matmul %convert_element_type3A_135, %slice3A_136, %dot_general3A_137 {dimension_numbers = #tpu.dot_dimension_numbers<[1], [1], [0], [0], [0, 0, 1, 0], [], []>, precision = #tpu.contract_precision<fp32>, transpose_lhs_hint = false} : vector<128x128xf32>, vector<1x128xf32>, vector<128x1xf32> -> vector<128x1xf32>
    %broadcast_in_dim3A_139 = arith.constant 1.000000e+00 : f32
    %broadcast_in_dim3A_140 = vector.broadcast %broadcast_in_dim3A_139 : f32 to vector<1x128xf32>
    %mul3A_141 = vector.broadcast %dot_general3A_138 : vector<128x1xf32> to vector<128x128xf32>
    %mul3A_142 = vector.broadcast %broadcast_in_dim3A_140 : vector<1x128xf32> to vector<128x128xf32>
    %mul3A_143 = arith.mulf %mul3A_141, %mul3A_142 : vector<128x128xf32>
    %slice3A_144 = vector.extract_strided_slice %get3A_130 {offsets = [1, 0], sizes = [1, 128], strides = [1, 1]} : vector<16x128xf32> to vector<1x128xf32>
    %dot_general3A_145 = arith.constant dense<0.000000e+00> : vector<128x1xf32>
    %dot_general3A_146 = tpu.matmul %convert_element_type3A_135, %slice3A_144, %dot_general3A_145 {dimension_numbers = #tpu.dot_dimension_numbers<[1], [1], [0], [0], [0, 0, 1, 0], [], []>, precision = #tpu.contract_precision<fp32>, transpose_lhs_hint = false} : vector<128x128xf32>, vector<1x128xf32>, vector<128x1xf32> -> vector<128x1xf32>
    %broadcast_in_dim3A_147 = arith.constant 1.000000e+00 : f32
    %broadcast_in_dim3A_148 = vector.broadcast %broadcast_in_dim3A_147 : f32 to vector<1x128xf32>
    %mul3A_149 = vector.broadcast %dot_general3A_146 : vector<128x1xf32> to vector<128x128xf32>
    %mul3A_150 = vector.broadcast %broadcast_in_dim3A_148 : vector<1x128xf32> to vector<128x128xf32>
    %mul3A_151 = arith.mulf %mul3A_149, %mul3A_150 : vector<128x128xf32>
    %slice3A_152 = vector.extract_strided_slice %get3A_130 {offsets = [2, 0], sizes = [1, 128], strides = [1, 1]} : vector<16x128xf32> to vector<1x128xf32>
    %dot_general3A_153 = arith.constant dense<0.000000e+00> : vector<128x1xf32>
    %dot_general3A_154 = tpu.matmul %convert_element_type3A_135, %slice3A_152, %dot_general3A_153 {dimension_numbers = #tpu.dot_dimension_numbers<[1], [1], [0], [0], [0, 0, 1, 0], [], []>, precision = #tpu.contract_precision<fp32>, transpose_lhs_hint = false} : vector<128x128xf32>, vector<1x128xf32>, vector<128x1xf32> -> vector<128x1xf32>
    %broadcast_in_dim3A_155 = arith.constant 1.000000e+00 : f32
    %broadcast_in_dim3A_156 = vector.broadcast %broadcast_in_dim3A_155 : f32 to vector<1x128xf32>
    %mul3A_157 = vector.broadcast %dot_general3A_154 : vector<128x1xf32> to vector<128x128xf32>
    %mul3A_158 = vector.broadcast %broadcast_in_dim3A_156 : vector<1x128xf32> to vector<128x128xf32>
    %mul3A_159 = arith.mulf %mul3A_157, %mul3A_158 : vector<128x128xf32>
    %slice3A_160 = vector.extract_strided_slice %get3A_130 {offsets = [3, 0], sizes = [1, 128], strides = [1, 1]} : vector<16x128xf32> to vector<1x128xf32>
    %dot_general3A_161 = arith.constant dense<0.000000e+00> : vector<128x1xf32>
    %dot_general3A_162 = tpu.matmul %convert_element_type3A_135, %slice3A_160, %dot_general3A_161 {dimension_numbers = #tpu.dot_dimension_numbers<[1], [1], [0], [0], [0, 0, 1, 0], [], []>, precision = #tpu.contract_precision<fp32>, transpose_lhs_hint = false} : vector<128x128xf32>, vector<1x128xf32>, vector<128x1xf32> -> vector<128x1xf32>
    %broadcast_in_dim3A_163 = arith.constant 1.000000e+00 : f32
    %broadcast_in_dim3A_164 = vector.broadcast %broadcast_in_dim3A_163 : f32 to vector<1x128xf32>
    %mul3A_165 = vector.broadcast %dot_general3A_162 : vector<128x1xf32> to vector<128x128xf32>
    %mul3A_166 = vector.broadcast %broadcast_in_dim3A_164 : vector<1x128xf32> to vector<128x128xf32>
    %mul3A_167 = arith.mulf %mul3A_165, %mul3A_166 : vector<128x128xf32>
    %slice3A_168 = vector.extract_strided_slice %get3A_130 {offsets = [4, 0], sizes = [1, 128], strides = [1, 1]} : vector<16x128xf32> to vector<1x128xf32>
    %dot_general3A_169 = arith.constant dense<0.000000e+00> : vector<128x1xf32>
    %dot_general3A_170 = tpu.matmul %convert_element_type3A_135, %slice3A_168, %dot_general3A_169 {dimension_numbers = #tpu.dot_dimension_numbers<[1], [1], [0], [0], [0, 0, 1, 0], [], []>, precision = #tpu.contract_precision<fp32>, transpose_lhs_hint = false} : vector<128x128xf32>, vector<1x128xf32>, vector<128x1xf32> -> vector<128x1xf32>
    %broadcast_in_dim3A_171 = arith.constant 1.000000e+00 : f32
    %broadcast_in_dim3A_172 = vector.broadcast %broadcast_in_dim3A_171 : f32 to vector<1x128xf32>
    %mul3A_173 = vector.broadcast %dot_general3A_170 : vector<128x1xf32> to vector<128x128xf32>
    %mul3A_174 = vector.broadcast %broadcast_in_dim3A_172 : vector<1x128xf32> to vector<128x128xf32>
    %mul3A_175 = arith.mulf %mul3A_173, %mul3A_174 : vector<128x128xf32>
    %slice3A_176 = vector.extract_strided_slice %get3A_130 {offsets = [5, 0], sizes = [1, 128], strides = [1, 1]} : vector<16x128xf32> to vector<1x128xf32>
    %dot_general3A_177 = arith.constant dense<0.000000e+00> : vector<128x1xf32>
    %dot_general3A_178 = tpu.matmul %convert_element_type3A_135, %slice3A_176, %dot_general3A_177 {dimension_numbers = #tpu.dot_dimension_numbers<[1], [1], [0], [0], [0, 0, 1, 0], [], []>, precision = #tpu.contract_precision<fp32>, transpose_lhs_hint = false} : vector<128x128xf32>, vector<1x128xf32>, vector<128x1xf32> -> vector<128x1xf32>
    %broadcast_in_dim3A_179 = arith.constant 1.000000e+00 : f32
    %broadcast_in_dim3A_180 = vector.broadcast %broadcast_in_dim3A_179 : f32 to vector<1x128xf32>
    %mul3A_181 = vector.broadcast %dot_general3A_178 : vector<128x1xf32> to vector<128x128xf32>
    %mul3A_182 = vector.broadcast %broadcast_in_dim3A_180 : vector<1x128xf32> to vector<128x128xf32>
    %mul3A_183 = arith.mulf %mul3A_181, %mul3A_182 : vector<128x128xf32>
    %slice3A_184 = vector.extract_strided_slice %get3A_130 {offsets = [6, 0], sizes = [1, 128], strides = [1, 1]} : vector<16x128xf32> to vector<1x128xf32>
    %dot_general3A_185 = arith.constant dense<0.000000e+00> : vector<128x1xf32>
    %dot_general3A_186 = tpu.matmul %convert_element_type3A_135, %slice3A_184, %dot_general3A_185 {dimension_numbers = #tpu.dot_dimension_numbers<[1], [1], [0], [0], [0, 0, 1, 0], [], []>, precision = #tpu.contract_precision<fp32>, transpose_lhs_hint = false} : vector<128x128xf32>, vector<1x128xf32>, vector<128x1xf32> -> vector<128x1xf32>
    %broadcast_in_dim3A_187 = arith.constant 1.000000e+00 : f32
    %broadcast_in_dim3A_188 = vector.broadcast %broadcast_in_dim3A_187 : f32 to vector<1x128xf32>
    %mul3A_189 = vector.broadcast %dot_general3A_186 : vector<128x1xf32> to vector<128x128xf32>
    %mul3A_190 = vector.broadcast %broadcast_in_dim3A_188 : vector<1x128xf32> to vector<128x128xf32>
    %mul3A_191 = arith.mulf %mul3A_189, %mul3A_190 : vector<128x128xf32>
    %slice3A_192 = vector.extract_strided_slice %get3A_130 {offsets = [7, 0], sizes = [1, 128], strides = [1, 1]} : vector<16x128xf32> to vector<1x128xf32>
    %dot_general3A_193 = arith.constant dense<0.000000e+00> : vector<128x1xf32>
    %dot_general3A_194 = tpu.matmul %convert_element_type3A_135, %slice3A_192, %dot_general3A_193 {dimension_numbers = #tpu.dot_dimension_numbers<[1], [1], [0], [0], [0, 0, 1, 0], [], []>, precision = #tpu.contract_precision<fp32>, transpose_lhs_hint = false} : vector<128x128xf32>, vector<1x128xf32>, vector<128x1xf32> -> vector<128x1xf32>
    %broadcast_in_dim3A_195 = arith.constant 1.000000e+00 : f32
    %broadcast_in_dim3A_196 = vector.broadcast %broadcast_in_dim3A_195 : f32 to vector<1x128xf32>
    %mul3A_197 = vector.broadcast %dot_general3A_194 : vector<128x1xf32> to vector<128x128xf32>
    %mul3A_198 = vector.broadcast %broadcast_in_dim3A_196 : vector<1x128xf32> to vector<128x128xf32>
    %mul3A_199 = arith.mulf %mul3A_197, %mul3A_198 : vector<128x128xf32>
    %slice3A_200 = vector.extract_strided_slice %get3A_130 {offsets = [8, 0], sizes = [1, 128], strides = [1, 1]} : vector<16x128xf32> to vector<1x128xf32>
    %dot_general3A_201 = arith.constant dense<0.000000e+00> : vector<128x1xf32>
    %dot_general3A_202 = tpu.matmul %convert_element_type3A_135, %slice3A_200, %dot_general3A_201 {dimension_numbers = #tpu.dot_dimension_numbers<[1], [1], [0], [0], [0, 0, 1, 0], [], []>, precision = #tpu.contract_precision<fp32>, transpose_lhs_hint = false} : vector<128x128xf32>, vector<1x128xf32>, vector<128x1xf32> -> vector<128x1xf32>
    %broadcast_in_dim3A_203 = arith.constant 1.000000e+00 : f32
    %broadcast_in_dim3A_204 = vector.broadcast %broadcast_in_dim3A_203 : f32 to vector<1x128xf32>
    %mul3A_205 = vector.broadcast %dot_general3A_202 : vector<128x1xf32> to vector<128x128xf32>
    %mul3A_206 = vector.broadcast %broadcast_in_dim3A_204 : vector<1x128xf32> to vector<128x128xf32>
    %mul3A_207 = arith.mulf %mul3A_205, %mul3A_206 : vector<128x128xf32>
    %slice3A_208 = vector.extract_strided_slice %get3A_130 {offsets = [9, 0], sizes = [1, 128], strides = [1, 1]} : vector<16x128xf32> to vector<1x128xf32>
    %dot_general3A_209 = arith.constant dense<0.000000e+00> : vector<128x1xf32>
    %dot_general3A_210 = tpu.matmul %convert_element_type3A_135, %slice3A_208, %dot_general3A_209 {dimension_numbers = #tpu.dot_dimension_numbers<[1], [1], [0], [0], [0, 0, 1, 0], [], []>, precision = #tpu.contract_precision<fp32>, transpose_lhs_hint = false} : vector<128x128xf32>, vector<1x128xf32>, vector<128x1xf32> -> vector<128x1xf32>
    %broadcast_in_dim3A_211 = arith.constant 1.000000e+00 : f32
    %broadcast_in_dim3A_212 = vector.broadcast %broadcast_in_dim3A_211 : f32 to vector<1x128xf32>
    %mul3A_213 = vector.broadcast %dot_general3A_210 : vector<128x1xf32> to vector<128x128xf32>
    %mul3A_214 = vector.broadcast %broadcast_in_dim3A_212 : vector<1x128xf32> to vector<128x128xf32>
    %mul3A_215 = arith.mulf %mul3A_213, %mul3A_214 : vector<128x128xf32>
    %slice3A_216 = vector.extract_strided_slice %get3A_130 {offsets = [10, 0], sizes = [1, 128], strides = [1, 1]} : vector<16x128xf32> to vector<1x128xf32>
    %dot_general3A_217 = arith.constant dense<0.000000e+00> : vector<128x1xf32>
    %dot_general3A_218 = tpu.matmul %convert_element_type3A_135, %slice3A_216, %dot_general3A_217 {dimension_numbers = #tpu.dot_dimension_numbers<[1], [1], [0], [0], [0, 0, 1, 0], [], []>, precision = #tpu.contract_precision<fp32>, transpose_lhs_hint = false} : vector<128x128xf32>, vector<1x128xf32>, vector<128x1xf32> -> vector<128x1xf32>
    %broadcast_in_dim3A_219 = arith.constant 1.000000e+00 : f32
    %broadcast_in_dim3A_220 = vector.broadcast %broadcast_in_dim3A_219 : f32 to vector<1x128xf32>
    %mul3A_221 = vector.broadcast %dot_general3A_218 : vector<128x1xf32> to vector<128x128xf32>
    %mul3A_222 = vector.broadcast %broadcast_in_dim3A_220 : vector<1x128xf32> to vector<128x128xf32>
    %mul3A_223 = arith.mulf %mul3A_221, %mul3A_222 : vector<128x128xf32>
    %slice3A_224 = vector.extract_strided_slice %get3A_130 {offsets = [11, 0], sizes = [1, 128], strides = [1, 1]} : vector<16x128xf32> to vector<1x128xf32>
    %dot_general3A_225 = arith.constant dense<0.000000e+00> : vector<128x1xf32>
    %dot_general3A_226 = tpu.matmul %convert_element_type3A_135, %slice3A_224, %dot_general3A_225 {dimension_numbers = #tpu.dot_dimension_numbers<[1], [1], [0], [0], [0, 0, 1, 0], [], []>, precision = #tpu.contract_precision<fp32>, transpose_lhs_hint = false} : vector<128x128xf32>, vector<1x128xf32>, vector<128x1xf32> -> vector<128x1xf32>
    %broadcast_in_dim3A_227 = arith.constant 1.000000e+00 : f32
    %broadcast_in_dim3A_228 = vector.broadcast %broadcast_in_dim3A_227 : f32 to vector<1x128xf32>
    %mul3A_229 = vector.broadcast %dot_general3A_226 : vector<128x1xf32> to vector<128x128xf32>
    %mul3A_230 = vector.broadcast %broadcast_in_dim3A_228 : vector<1x128xf32> to vector<128x128xf32>
    %mul3A_231 = arith.mulf %mul3A_229, %mul3A_230 : vector<128x128xf32>
    %slice3A_232 = vector.extract_strided_slice %get3A_130 {offsets = [12, 0], sizes = [1, 128], strides = [1, 1]} : vector<16x128xf32> to vector<1x128xf32>
    %dot_general3A_233 = arith.constant dense<0.000000e+00> : vector<128x1xf32>
    %dot_general3A_234 = tpu.matmul %convert_element_type3A_135, %slice3A_232, %dot_general3A_233 {dimension_numbers = #tpu.dot_dimension_numbers<[1], [1], [0], [0], [0, 0, 1, 0], [], []>, precision = #tpu.contract_precision<fp32>, transpose_lhs_hint = false} : vector<128x128xf32>, vector<1x128xf32>, vector<128x1xf32> -> vector<128x1xf32>
    %broadcast_in_dim3A_235 = arith.constant 1.000000e+00 : f32
    %broadcast_in_dim3A_236 = vector.broadcast %broadcast_in_dim3A_235 : f32 to vector<1x128xf32>
    %mul3A_237 = vector.broadcast %dot_general3A_234 : vector<128x1xf32> to vector<128x128xf32>
    %mul3A_238 = vector.broadcast %broadcast_in_dim3A_236 : vector<1x128xf32> to vector<128x128xf32>
    %mul3A_239 = arith.mulf %mul3A_237, %mul3A_238 : vector<128x128xf32>
    %slice3A_240 = vector.extract_strided_slice %get3A_130 {offsets = [13, 0], sizes = [1, 128], strides = [1, 1]} : vector<16x128xf32> to vector<1x128xf32>
    %dot_general3A_241 = arith.constant dense<0.000000e+00> : vector<128x1xf32>
    %dot_general3A_242 = tpu.matmul %convert_element_type3A_135, %slice3A_240, %dot_general3A_241 {dimension_numbers = #tpu.dot_dimension_numbers<[1], [1], [0], [0], [0, 0, 1, 0], [], []>, precision = #tpu.contract_precision<fp32>, transpose_lhs_hint = false} : vector<128x128xf32>, vector<1x128xf32>, vector<128x1xf32> -> vector<128x1xf32>
    %broadcast_in_dim3A_243 = arith.constant 1.000000e+00 : f32
    %broadcast_in_dim3A_244 = vector.broadcast %broadcast_in_dim3A_243 : f32 to vector<1x128xf32>
    %mul3A_245 = vector.broadcast %dot_general3A_242 : vector<128x1xf32> to vector<128x128xf32>
    %mul3A_246 = vector.broadcast %broadcast_in_dim3A_244 : vector<1x128xf32> to vector<128x128xf32>
    %mul3A_247 = arith.mulf %mul3A_245, %mul3A_246 : vector<128x128xf32>
    %slice3A_248 = vector.extract_strided_slice %get3A_130 {offsets = [14, 0], sizes = [1, 128], strides = [1, 1]} : vector<16x128xf32> to vector<1x128xf32>
    %dot_general3A_249 = arith.constant dense<0.000000e+00> : vector<128x1xf32>
    %dot_general3A_250 = tpu.matmul %convert_element_type3A_135, %slice3A_248, %dot_general3A_249 {dimension_numbers = #tpu.dot_dimension_numbers<[1], [1], [0], [0], [0, 0, 1, 0], [], []>, precision = #tpu.contract_precision<fp32>, transpose_lhs_hint = false} : vector<128x128xf32>, vector<1x128xf32>, vector<128x1xf32> -> vector<128x1xf32>
    %broadcast_in_dim3A_251 = arith.constant 1.000000e+00 : f32
    %broadcast_in_dim3A_252 = vector.broadcast %broadcast_in_dim3A_251 : f32 to vector<1x128xf32>
    %mul3A_253 = vector.broadcast %dot_general3A_250 : vector<128x1xf32> to vector<128x128xf32>
    %mul3A_254 = vector.broadcast %broadcast_in_dim3A_252 : vector<1x128xf32> to vector<128x128xf32>
    %mul3A_255 = arith.mulf %mul3A_253, %mul3A_254 : vector<128x128xf32>
    %slice3A_256 = vector.extract_strided_slice %get3A_130 {offsets = [15, 0], sizes = [1, 128], strides = [1, 1]} : vector<16x128xf32> to vector<1x128xf32>
    %dot_general3A_257 = arith.constant dense<0.000000e+00> : vector<128x1xf32>
    %dot_general3A_258 = tpu.matmul %convert_element_type3A_135, %slice3A_256, %dot_general3A_257 {dimension_numbers = #tpu.dot_dimension_numbers<[1], [1], [0], [0], [0, 0, 1, 0], [], []>, precision = #tpu.contract_precision<fp32>, transpose_lhs_hint = false} : vector<128x128xf32>, vector<1x128xf32>, vector<128x1xf32> -> vector<128x1xf32>
    %broadcast_in_dim3A_259 = arith.constant 1.000000e+00 : f32
    %broadcast_in_dim3A_260 = vector.broadcast %broadcast_in_dim3A_259 : f32 to vector<1x128xf32>
    %mul3A_261 = vector.broadcast %dot_general3A_258 : vector<128x1xf32> to vector<128x128xf32>
    %mul3A_262 = vector.broadcast %broadcast_in_dim3A_260 : vector<1x128xf32> to vector<128x128xf32>
    %mul3A_263 = arith.mulf %mul3A_261, %mul3A_262 : vector<128x128xf32>
    %concatenate3A_264 = tpu.concatenate %mul3A_143, %mul3A_151, %mul3A_159, %mul3A_167, %mul3A_175, %mul3A_183, %mul3A_191, %mul3A_199, %mul3A_207, %mul3A_215, %mul3A_223, %mul3A_231, %mul3A_239, %mul3A_247, %mul3A_255, %mul3A_263 in 0 : vector<128x128xf32>, vector<128x128xf32>, vector<128x128xf32>, vector<128x128xf32>, vector<128x128xf32>, vector<128x128xf32>, vector<128x128xf32>, vector<128x128xf32>, vector<128x128xf32>, vector<128x128xf32>, vector<128x128xf32>, vector<128x128xf32>, vector<128x128xf32>, vector<128x128xf32>, vector<128x128xf32>, vector<128x128xf32> -> vector<2048x128xf32>
    %get3A_265 = arith.constant 0 : index
    %get3A_266 = arith.constant 0 : index
    %get3A_267 = arith.constant 0 : index
    %get3A_268 = vector.load %arg1[%get3A_265, %get3A_266, %get3A_267] : memref<2x2048x128xf32, #tpu.memory_space<vmem>>, vector<1x2048x128xf32>
    %get3A_269 = vector.shape_cast %get3A_268 : vector<1x2048x128xf32> to vector<2048x128xf32>
    %get3A_270 = arith.constant 1 : index
    %get3A_271 = arith.constant 0 : index
    %get3A_272 = arith.constant 0 : index
    %get3A_273 = vector.load %arg1[%get3A_270, %get3A_271, %get3A_272] : memref<2x2048x128xf32, #tpu.memory_space<vmem>>, vector<1x2048x128xf32>
    %get3A_274 = vector.shape_cast %get3A_273 : vector<1x2048x128xf32> to vector<2048x128xf32>
    %add3A = arith.addf %get3A_269, %get3A_274 : vector<2048x128xf32>
    %swap3A = arith.constant 0 : index
    %swap3A_275 = arith.constant 0 : index
    %swap3A_276 = vector.load %arg4[%swap3A, %swap3A_275] : memref<2048x128xf32, #tpu.memory_space<vmem>>, vector<2048x128xf32>
    tpu.vector_store %arg4[%swap3A, %swap3A_275], %add3A {strides = array<i32>} : memref<2048x128xf32, #tpu.memory_space<vmem>>, vector<2048x128xf32>,
    %mul3A_277 = arith.mulf %add3A, %concatenate3A : vector<2048x128xf32>
    %swap3A_278 = arith.constant 0 : index
    %swap3A_279 = arith.constant 0 : index
    %swap3A_280 = vector.load %arg5[%swap3A_278, %swap3A_279] : memref<2048x128xf32, #tpu.memory_space<vmem>>, vector<2048x128xf32>
    tpu.vector_store %arg5[%swap3A_278, %swap3A_279], %mul3A_277 {strides = array<i32>} : memref<2048x128xf32, #tpu.memory_space<vmem>>, vector<2048x128xf32>,
    %swap3A_281 = arith.constant 0 : index
    %swap3A_282 = arith.constant 0 : index
    %swap3A_283 = vector.load %arg6[%swap3A_281, %swap3A_282] : memref<2048x128xf32, #tpu.memory_space<vmem>>, vector<2048x128xf32>
    tpu.vector_store %arg6[%swap3A_281, %swap3A_282], %concatenate3A {strides = array<i32>} : memref<2048x128xf32, #tpu.memory_space<vmem>>, vector<2048x128xf32>,
    %swap3A_284 = arith.constant 0 : index
    %swap3A_285 = arith.constant 0 : index
    %swap3A_286 = vector.load %arg7[%swap3A_284, %swap3A_285] : memref<2048x128xf32, #tpu.memory_space<vmem>>, vector<2048x128xf32>
    tpu.vector_store %arg7[%swap3A_284, %swap3A_285], %concatenate3A_264 {strides = array<i32>} : memref<2048x128xf32, #tpu.memory_space<vmem>>, vector<2048x128xf32>,
    return
  }
  func.func @transform_0(%arg0: i32) -> (i32, i32, i32) {
    %c0_i32 = arith.constant 0 : i32
    %c0_i32_0 = arith.constant 0 : i32
    %c0_i32_1 = arith.constant 0 : i32
    return %c0_i32, %arg0, %c0_i32_0 : i32, i32, i32
  }
  func.func @transform_1(%arg0: i32) -> (i32, i32) {
    %c0_i32 = arith.constant 0 : i32
    %c0_i32_0 = arith.constant 0 : i32
    return %arg0, %c0_i32 : i32, i32
  }
  func.func @transform_2(%arg0: i32) -> (i32, i32) {
    %add3A = arith.constant 5 : i32
    %add3A_0 = arith.addi %arg0, %add3A : i32
    %c0_i32 = arith.constant 0 : i32
    %c0_i32_1 = arith.constant 0 : i32
    return %add3A_0, %c0_i32 : i32, i32
  }
  func.func @transform_3(%arg0: i32) -> (i32, i32) {
    %c0_i32 = arith.constant 0 : i32
    %c0_i32_0 = arith.constant 0 : i32
    return %arg0, %c0_i32 : i32, i32
  }
  func.func @transform_4(%arg0: i32) -> (i32, i32) {
    %c0_i32 = arith.constant 0 : i32
    %c0_i32_0 = arith.constant 0 : i32
    return %arg0, %c0_i32 : i32, i32
  }
  func.func @transform_5(%arg0: i32) -> (i32, i32) {
    %c0_i32 = arith.constant 0 : i32
    %c0_i32_0 = arith.constant 0 : i32
    return %arg0, %c0_i32 : i32, i32
  }
  func.func @transform_6(%arg0: i32) -> (i32, i32) {
    %c0_i32 = arith.constant 0 : i32
    %c0_i32_0 = arith.constant 0 : i32
    return %arg0, %c0_i32 : i32, i32
  }
}

module attributes {stable_mosaic.version = 14 : i64} {
  func.func @body(%arg0: i32, %arg1: memref<2x2048x128xf32, #tpu.memory_space<vmem>>, %arg2: memref<2048x128xf32, #tpu.memory_space<vmem>>, %arg3: memref<128x128xf32, #tpu.memory_space<vmem>>, %arg4: memref<1x128xf32, #tpu.memory_space<vmem>>, %arg5: memref<2048x128xf32, #tpu.memory_space<vmem>>, %arg6: memref<8x128xf32, #tpu.memory_space<vmem>>, %arg7: memref<8x128xf32, #tpu.memory_space<vmem>>) attributes {dimension_semantics = [#tpu.dimension_semantics<arbitrary>], iteration_bounds = array<i64: 5>, scalar_prefetch = 0 : i64, scratch_operands = 1 : i64, tpu.core_type = #tpu.core_type<tc>, window_params = [{transform_indices = @transform_0, window_bounds = array<i64: 2, 2048, 128>}, {transform_indices = @transform_1, window_bounds = array<i64: 2048, 128>}, {pipeline_mode = #tpu.pipeline_mode<synchronous>, transform_indices = @transform_2, window_bounds = array<i64: 128, 128>}, {pipeline_mode = #tpu.pipeline_mode<synchronous>, transform_indices = @transform_3, window_bounds = array<i64: 1, 128>}, {transform_indices = @transform_4, window_bounds = array<i64: 2048, 128>}, {pipeline_mode = #tpu.pipeline_mode<synchronous>, transform_indices = @transform_5, window_bounds = array<i64: 8, 128>}]} {
    %eq3A = arith.constant 0 : i32
    %eq3A_0 = arith.cmpi eq, %arg0, %eq3A : i32
    %convert_element_type3A = arith.extui %eq3A_0 : i1 to i32
    %cond3A = arith.constant 0 : i32
    %cond3A_1 = arith.cmpi ne, %convert_element_type3A, %cond3A : i32
    scf.if %cond3A_1 {
      %broadcast_in_dim3A_64 = arith.constant 0.000000e+00 : f32
      %broadcast_in_dim3A_65 = vector.broadcast %broadcast_in_dim3A_64 : f32 to vector<8x128xf32>
      %swap3A_66 = arith.constant 0 : index
      %swap3A_67 = arith.constant 0 : index
      %swap3A_68 = vector.load %arg7[%swap3A_66, %swap3A_67] : memref<8x128xf32, #tpu.memory_space<vmem>>, vector<8x128xf32>
      tpu.vector_store %arg7[%swap3A_66, %swap3A_67], %broadcast_in_dim3A_65 {strides = array<i32>} : memref<8x128xf32, #tpu.memory_space<vmem>>, vector<8x128xf32>,
    } else {
    }
    %get3A = arith.constant 0 : index
    %get3A_2 = arith.constant 0 : index
    %get3A_3 = arith.constant 0 : index
    %get3A_4 = vector.load %arg1[%get3A, %get3A_2, %get3A_3] : memref<2x2048x128xf32, #tpu.memory_space<vmem>>, vector<1x2048x128xf32>
    %get3A_5 = vector.shape_cast %get3A_4 : vector<1x2048x128xf32> to vector<2048x128xf32>
    %get3A_6 = arith.constant 1 : index
    %get3A_7 = arith.constant 0 : index
    %get3A_8 = arith.constant 0 : index
    %get3A_9 = vector.load %arg1[%get3A_6, %get3A_7, %get3A_8] : memref<2x2048x128xf32, #tpu.memory_space<vmem>>, vector<1x2048x128xf32>
    %get3A_10 = vector.shape_cast %get3A_9 : vector<1x2048x128xf32> to vector<2048x128xf32>
    %add3A = arith.addf %get3A_5, %get3A_10 : vector<2048x128xf32>
    %get3A_11 = arith.constant 0 : index
    %get3A_12 = arith.constant 0 : index
    %get3A_13 = vector.load %arg2[%get3A_11, %get3A_12] : memref<2048x128xf32, #tpu.memory_space<vmem>>, vector<2048x128xf32>
    %mul3A = arith.mulf %add3A, %get3A_13 : vector<2048x128xf32>
    %get3A_14 = arith.constant 0 : index
    %get3A_15 = arith.constant 0 : index
    %get3A_16 = vector.load %arg3[%get3A_14, %get3A_15] : memref<128x128xf32, #tpu.memory_space<vmem>>, vector<128x128xf32>
    %dot_general3A = arith.constant dense<0.000000e+00> : vector<2048x128xf32>
    %dot_general3A_17 = tpu.matmul %mul3A, %get3A_16, %dot_general3A {dimension_numbers = #tpu.dot_dimension_numbers<[1], [0], [0], [1], [0, 0, 1, 1], [], []>, transpose_lhs_hint = false} : vector<2048x128xf32>, vector<128x128xf32>, vector<2048x128xf32> -> vector<2048x128xf32>
    %get3A_18 = arith.constant 0 : index
    %get3A_19 = arith.constant 0 : index
    %get3A_20 = vector.load %arg4[%get3A_18, %get3A_19] : memref<1x128xf32, #tpu.memory_space<vmem>>, vector<1x128xf32>
    %add3A_21 = vector.broadcast %get3A_20 : vector<1x128xf32> to vector<2048x128xf32>
    %add3A_22 = arith.addf %dot_general3A_17, %add3A_21 : vector<2048x128xf32>
    %swap3A = arith.constant 0 : index
    %swap3A_23 = arith.constant 0 : index
    %swap3A_24 = vector.load %arg5[%swap3A, %swap3A_23] : memref<2048x128xf32, #tpu.memory_space<vmem>>, vector<2048x128xf32>
    tpu.vector_store %arg5[%swap3A, %swap3A_23], %add3A_22 {strides = array<i32>} : memref<2048x128xf32, #tpu.memory_space<vmem>>, vector<2048x128xf32>,
    %iota3A = tpu.iota {dimensions = array<i32: 0>} : vector<2048x1xi32>
    %mul3A_25 = arith.constant 2048 : i32
    %mul3A_26 = arith.muli %arg0, %mul3A_25 : i32
    %add3A_27 = vector.broadcast %mul3A_26 : i32 to vector<2048x1xi32>
    %add3A_28 = arith.addi %iota3A, %add3A_27 : vector<2048x1xi32>
    %lt3A = arith.constant 10000 : i32
    %lt3A_29 = vector.broadcast %lt3A : i32 to vector<2048x1xi32>
    %lt3A_30 = arith.cmpi slt, %add3A_28, %lt3A_29 : vector<2048x1xi32>
    %jit3A = arith.constant 0.000000e+00 : f32
    %broadcast_in_dim3A = vector.shape_cast %lt3A_30 : vector<2048x1xi1> to vector<2048x1xi1>
    %broadcast_in_dim3A_31 = vector.broadcast %broadcast_in_dim3A : vector<2048x1xi1> to vector<2048x128xi1>
    %broadcast_in_dim3A_32 = vector.broadcast %jit3A : f32 to vector<2048x128xf32>
    %select_n3A = arith.select %broadcast_in_dim3A_31, %add3A_22, %broadcast_in_dim3A_32 : vector<2048x128xi1>, vector<2048x128xf32>
    %mul3A_33 = arith.mulf %add3A_22, %add3A_22 : vector<2048x128xf32>
    %jit3A_34 = arith.constant 0.000000e+00 : f32
    %broadcast_in_dim3A_35 = vector.shape_cast %lt3A_30 : vector<2048x1xi1> to vector<2048x1xi1>
    %broadcast_in_dim3A_36 = vector.broadcast %broadcast_in_dim3A_35 : vector<2048x1xi1> to vector<2048x128xi1>
    %broadcast_in_dim3A_37 = vector.broadcast %jit3A_34 : f32 to vector<2048x128xf32>
    %select_n3A_38 = arith.select %broadcast_in_dim3A_36, %mul3A_33, %broadcast_in_dim3A_37 : vector<2048x128xi1>, vector<2048x128xf32>
    %get3A_39 = arith.constant 0 : index
    %get3A_40 = arith.constant 0 : index
    %get3A_41 = vector.load %arg7[%get3A_39, %get3A_40] : memref<8x128xf32, #tpu.memory_space<vmem>>, vector<1x128xf32>
    %reduce_sum3A = arith.constant dense<0.000000e+00> : vector<128xf32>
    %reduce_sum3A_42 = vector.multi_reduction <add>, %select_n3A, %reduce_sum3A [0] : vector<2048x128xf32> to vector<128xf32>
    %broadcast_in_dim3A_43 = vector.shape_cast %reduce_sum3A_42 : vector<128xf32> to vector<1x128xf32>
    %add3A_44 = arith.addf %get3A_41, %broadcast_in_dim3A_43 : vector<1x128xf32>
    %swap3A_45 = arith.constant 0 : index
    %swap3A_46 = arith.constant 0 : index
    %swap3A_47 = vector.load %arg7[%swap3A_45, %swap3A_46] : memref<8x128xf32, #tpu.memory_space<vmem>>, vector<1x128xf32>
    tpu.vector_store %arg7[%swap3A_45, %swap3A_46], %add3A_44 {strides = array<i32>} : memref<8x128xf32, #tpu.memory_space<vmem>>, vector<1x128xf32>,
    %get3A_48 = arith.constant 1 : index
    %get3A_49 = arith.constant 0 : index
    %get3A_50 = vector.load %arg7[%get3A_48, %get3A_49] : memref<8x128xf32, #tpu.memory_space<vmem>>, vector<1x128xf32>
    %reduce_sum3A_51 = arith.constant dense<0.000000e+00> : vector<128xf32>
    %reduce_sum3A_52 = vector.multi_reduction <add>, %select_n3A_38, %reduce_sum3A_51 [0] : vector<2048x128xf32> to vector<128xf32>
    %broadcast_in_dim3A_53 = vector.shape_cast %reduce_sum3A_52 : vector<128xf32> to vector<1x128xf32>
    %add3A_54 = arith.addf %get3A_50, %broadcast_in_dim3A_53 : vector<1x128xf32>
    %swap3A_55 = arith.constant 1 : index
    %swap3A_56 = arith.constant 0 : index
    %swap3A_57 = vector.load %arg7[%swap3A_55, %swap3A_56] : memref<8x128xf32, #tpu.memory_space<vmem>>, vector<1x128xf32>
    tpu.vector_store %arg7[%swap3A_55, %swap3A_56], %add3A_54 {strides = array<i32>} : memref<8x128xf32, #tpu.memory_space<vmem>>, vector<1x128xf32>,
    %get3A_58 = arith.constant 0 : index
    %get3A_59 = arith.constant 0 : index
    %get3A_60 = vector.load %arg7[%get3A_58, %get3A_59] : memref<8x128xf32, #tpu.memory_space<vmem>>, vector<8x128xf32>
    %swap3A_61 = arith.constant 0 : index
    %swap3A_62 = arith.constant 0 : index
    %swap3A_63 = vector.load %arg6[%swap3A_61, %swap3A_62] : memref<8x128xf32, #tpu.memory_space<vmem>>, vector<8x128xf32>
    tpu.vector_store %arg6[%swap3A_61, %swap3A_62], %get3A_60 {strides = array<i32>} : memref<8x128xf32, #tpu.memory_space<vmem>>, vector<8x128xf32>,
    return
  }
  func.func @transform_0(%arg0: i32) -> (i32, i32, i32) {
    %c0_i32 = arith.constant 0 : i32
    %c0_i32_0 = arith.constant 0 : i32
    %c0_i32_1 = arith.constant 0 : i32
    return %c0_i32, %arg0, %c0_i32_0 : i32, i32, i32
  }
  func.func @transform_1(%arg0: i32) -> (i32, i32) {
    %c0_i32 = arith.constant 0 : i32
    %c0_i32_0 = arith.constant 0 : i32
    return %arg0, %c0_i32 : i32, i32
  }
  func.func @transform_2(%arg0: i32) -> (i32, i32) {
    %c0_i32 = arith.constant 0 : i32
    %c0_i32_0 = arith.constant 0 : i32
    %c0_i32_1 = arith.constant 0 : i32
    return %c0_i32, %c0_i32_0 : i32, i32
  }
  func.func @transform_3(%arg0: i32) -> (i32, i32) {
    %c0_i32 = arith.constant 0 : i32
    %c0_i32_0 = arith.constant 0 : i32
    %c0_i32_1 = arith.constant 0 : i32
    return %c0_i32, %c0_i32_0 : i32, i32
  }
  func.func @transform_4(%arg0: i32) -> (i32, i32) {
    %c0_i32 = arith.constant 0 : i32
    %c0_i32_0 = arith.constant 0 : i32
    return %arg0, %c0_i32 : i32, i32
  }
  func.func @transform_5(%arg0: i32) -> (i32, i32) {
    %c0_i32 = arith.constant 0 : i32
    %c0_i32_0 = arith.constant 0 : i32
    %c0_i32_1 = arith.constant 0 : i32
    return %c0_i32, %c0_i32_0 : i32, i32
  }
}

module attributes {stable_mosaic.version = 14 : i64} {
  func.func @body(%arg0: i32, %arg1: memref<2048x128xf32, #tpu.memory_space<vmem>>, %arg2: memref<8x128xf32, #tpu.memory_space<vmem>>, %arg3: memref<1x128xf32, #tpu.memory_space<vmem>>, %arg4: memref<1x128xf32, #tpu.memory_space<vmem>>, %arg5: memref<2048x128xf32, #tpu.memory_space<vmem>>, %arg6: memref<2048x128xf32, #tpu.memory_space<vmem>>, %arg7: memref<2048x128xf32, #tpu.memory_space<vmem>>, %arg8: memref<2048x128xf32, #tpu.memory_space<vmem>>) attributes {dimension_semantics = [#tpu.dimension_semantics<arbitrary>], iteration_bounds = array<i64: 5>, scalar_prefetch = 0 : i64, scratch_operands = 0 : i64, tpu.core_type = #tpu.core_type<tc>, window_params = [{transform_indices = @transform_0, window_bounds = array<i64: 2048, 128>}, {pipeline_mode = #tpu.pipeline_mode<synchronous>, transform_indices = @transform_1, window_bounds = array<i64: 8, 128>}, {pipeline_mode = #tpu.pipeline_mode<synchronous>, transform_indices = @transform_2, window_bounds = array<i64: 1, 128>}, {pipeline_mode = #tpu.pipeline_mode<synchronous>, transform_indices = @transform_3, window_bounds = array<i64: 1, 128>}, {transform_indices = @transform_4, window_bounds = array<i64: 2048, 128>}, {transform_indices = @transform_5, window_bounds = array<i64: 2048, 128>}, {transform_indices = @transform_6, window_bounds = array<i64: 2048, 128>}, {transform_indices = @transform_7, window_bounds = array<i64: 2048, 128>}]} {
    %get3A = arith.constant 0 : index
    %get3A_0 = arith.constant 0 : index
    %get3A_1 = vector.load %arg2[%get3A, %get3A_0] : memref<8x128xf32, #tpu.memory_space<vmem>>, vector<1x128xf32>
    %mul3A = arith.constant 9.99999974E-5 : f32
    %mul3A_2 = vector.broadcast %mul3A : f32 to vector<1x128xf32>
    %mul3A_3 = arith.mulf %get3A_1, %mul3A_2 : vector<1x128xf32>
    %get3A_4 = arith.constant 1 : index
    %get3A_5 = arith.constant 0 : index
    %get3A_6 = vector.load %arg2[%get3A_4, %get3A_5] : memref<8x128xf32, #tpu.memory_space<vmem>>, vector<1x128xf32>
    %mul3A_7 = arith.constant 9.99999974E-5 : f32
    %mul3A_8 = vector.broadcast %mul3A_7 : f32 to vector<1x128xf32>
    %mul3A_9 = arith.mulf %get3A_6, %mul3A_8 : vector<1x128xf32>
    %mul3A_10 = arith.mulf %mul3A_3, %mul3A_3 : vector<1x128xf32>
    %sub3A = arith.subf %mul3A_9, %mul3A_10 : vector<1x128xf32>
    %get3A_11 = arith.constant 0 : index
    %get3A_12 = arith.constant 0 : index
    %get3A_13 = vector.load %arg3[%get3A_11, %get3A_12] : memref<1x128xf32, #tpu.memory_space<vmem>>, vector<1x128xf32>
    %add3A = arith.constant 9.99999974E-6 : f32
    %add3A_14 = vector.broadcast %add3A : f32 to vector<1x128xf32>
    %add3A_15 = arith.addf %sub3A, %add3A_14 : vector<1x128xf32>
    %sqrt3A = math.sqrt %add3A_15 : vector<1x128xf32>
    %div3A = arith.divf %get3A_13, %sqrt3A : vector<1x128xf32>
    %get3A_16 = arith.constant 0 : index
    %get3A_17 = arith.constant 0 : index
    %get3A_18 = vector.load %arg1[%get3A_16, %get3A_17] : memref<2048x128xf32, #tpu.memory_space<vmem>>, vector<2048x128xf32>
    %sub3A_19 = vector.broadcast %mul3A_3 : vector<1x128xf32> to vector<2048x128xf32>
    %sub3A_20 = arith.subf %get3A_18, %sub3A_19 : vector<2048x128xf32>
    %mul3A_21 = vector.broadcast %div3A : vector<1x128xf32> to vector<2048x128xf32>
    %mul3A_22 = arith.mulf %sub3A_20, %mul3A_21 : vector<2048x128xf32>
    %get3A_23 = arith.constant 0 : index
    %get3A_24 = arith.constant 0 : index
    %get3A_25 = vector.load %arg4[%get3A_23, %get3A_24] : memref<1x128xf32, #tpu.memory_space<vmem>>, vector<1x128xf32>
    %add3A_26 = vector.broadcast %get3A_25 : vector<1x128xf32> to vector<2048x128xf32>
    %add3A_27 = arith.addf %mul3A_22, %add3A_26 : vector<2048x128xf32>
    %max3A = arith.constant 0.000000e+00 : f32
    %max3A_28 = vector.broadcast %max3A : f32 to vector<2048x128xf32>
    %max3A_29 = arith.maximumf %add3A_27, %max3A_28 : vector<2048x128xf32>
    %get3A_30 = arith.constant 0 : index
    %get3A_31 = arith.constant 0 : index
    %get3A_32 = vector.load %arg5[%get3A_30, %get3A_31] : memref<2048x128xf32, #tpu.memory_space<vmem>>, vector<2048x128xf32>
    %add3A_33 = arith.addf %get3A_32, %max3A_29 : vector<2048x128xf32>
    %swap3A = arith.constant 0 : index
    %swap3A_34 = arith.constant 0 : index
    %swap3A_35 = vector.load %arg7[%swap3A, %swap3A_34] : memref<2048x128xf32, #tpu.memory_space<vmem>>, vector<2048x128xf32>
    tpu.vector_store %arg7[%swap3A, %swap3A_34], %add3A_33 {strides = array<i32>} : memref<2048x128xf32, #tpu.memory_space<vmem>>, vector<2048x128xf32>,
    %get3A_36 = arith.constant 0 : index
    %get3A_37 = arith.constant 0 : index
    %get3A_38 = vector.load %arg6[%get3A_36, %get3A_37] : memref<2048x128xf32, #tpu.memory_space<vmem>>, vector<2048x128xf32>
    %mul3A_39 = arith.mulf %add3A_33, %get3A_38 : vector<2048x128xf32>
    %swap3A_40 = arith.constant 0 : index
    %swap3A_41 = arith.constant 0 : index
    %swap3A_42 = vector.load %arg8[%swap3A_40, %swap3A_41] : memref<2048x128xf32, #tpu.memory_space<vmem>>, vector<2048x128xf32>
    tpu.vector_store %arg8[%swap3A_40, %swap3A_41], %mul3A_39 {strides = array<i32>} : memref<2048x128xf32, #tpu.memory_space<vmem>>, vector<2048x128xf32>,
    return
  }
  func.func @transform_0(%arg0: i32) -> (i32, i32) {
    %c0_i32 = arith.constant 0 : i32
    %c0_i32_0 = arith.constant 0 : i32
    return %arg0, %c0_i32 : i32, i32
  }
  func.func @transform_1(%arg0: i32) -> (i32, i32) {
    %c0_i32 = arith.constant 0 : i32
    %c0_i32_0 = arith.constant 0 : i32
    %c0_i32_1 = arith.constant 0 : i32
    return %c0_i32, %c0_i32_0 : i32, i32
  }
  func.func @transform_2(%arg0: i32) -> (i32, i32) {
    %c0_i32 = arith.constant 0 : i32
    %c0_i32_0 = arith.constant 0 : i32
    %c0_i32_1 = arith.constant 0 : i32
    return %c0_i32, %c0_i32_0 : i32, i32
  }
  func.func @transform_3(%arg0: i32) -> (i32, i32) {
    %c0_i32 = arith.constant 0 : i32
    %c0_i32_0 = arith.constant 0 : i32
    %c0_i32_1 = arith.constant 0 : i32
    return %c0_i32, %c0_i32_0 : i32, i32
  }
  func.func @transform_4(%arg0: i32) -> (i32, i32) {
    %c0_i32 = arith.constant 0 : i32
    %c0_i32_0 = arith.constant 0 : i32
    return %arg0, %c0_i32 : i32, i32
  }
  func.func @transform_5(%arg0: i32) -> (i32, i32) {
    %c0_i32 = arith.constant 0 : i32
    %c0_i32_0 = arith.constant 0 : i32
    return %arg0, %c0_i32 : i32, i32
  }
  func.func @transform_6(%arg0: i32) -> (i32, i32) {
    %c0_i32 = arith.constant 0 : i32
    %c0_i32_0 = arith.constant 0 : i32
    return %arg0, %c0_i32 : i32, i32
  }
  func.func @transform_7(%arg0: i32) -> (i32, i32) {
    %c0_i32 = arith.constant 0 : i32
    %c0_i32_0 = arith.constant 0 : i32
    return %arg0, %c0_i32 : i32, i32
  }
}

module attributes {stable_mosaic.version = 14 : i64} {
  func.func @body(%arg0: i32, %arg1: memref<2048x128xf32, #tpu.memory_space<vmem>>, %arg2: memref<8x128xf32, #tpu.memory_space<vmem>>, %arg3: memref<1x128xf32, #tpu.memory_space<vmem>>, %arg4: memref<1x128xf32, #tpu.memory_space<vmem>>, %arg5: memref<2048x128xf32, #tpu.memory_space<vmem>>, %arg6: memref<2048x128xf32, #tpu.memory_space<vmem>>, %arg7: memref<2048x128xf32, #tpu.memory_space<vmem>>, %arg8: memref<2048x128xf32, #tpu.memory_space<vmem>>) attributes {dimension_semantics = [#tpu.dimension_semantics<arbitrary>], iteration_bounds = array<i64: 5>, scalar_prefetch = 0 : i64, scratch_operands = 0 : i64, tpu.core_type = #tpu.core_type<tc>, window_params = [{transform_indices = @transform_0, window_bounds = array<i64: 2048, 128>}, {pipeline_mode = #tpu.pipeline_mode<synchronous>, transform_indices = @transform_1, window_bounds = array<i64: 8, 128>}, {pipeline_mode = #tpu.pipeline_mode<synchronous>, transform_indices = @transform_2, window_bounds = array<i64: 1, 128>}, {pipeline_mode = #tpu.pipeline_mode<synchronous>, transform_indices = @transform_3, window_bounds = array<i64: 1, 128>}, {transform_indices = @transform_4, window_bounds = array<i64: 2048, 128>}, {transform_indices = @transform_5, window_bounds = array<i64: 2048, 128>}, {transform_indices = @transform_6, window_bounds = array<i64: 2048, 128>}, {transform_indices = @transform_7, window_bounds = array<i64: 2048, 128>}]} {
    %get3A = arith.constant 0 : index
    %get3A_0 = arith.constant 0 : index
    %get3A_1 = vector.load %arg2[%get3A, %get3A_0] : memref<8x128xf32, #tpu.memory_space<vmem>>, vector<1x128xf32>
    %mul3A = arith.constant 9.99999974E-5 : f32
    %mul3A_2 = vector.broadcast %mul3A : f32 to vector<1x128xf32>
    %mul3A_3 = arith.mulf %get3A_1, %mul3A_2 : vector<1x128xf32>
    %get3A_4 = arith.constant 1 : index
    %get3A_5 = arith.constant 0 : index
    %get3A_6 = vector.load %arg2[%get3A_4, %get3A_5] : memref<8x128xf32, #tpu.memory_space<vmem>>, vector<1x128xf32>
    %mul3A_7 = arith.constant 9.99999974E-5 : f32
    %mul3A_8 = vector.broadcast %mul3A_7 : f32 to vector<1x128xf32>
    %mul3A_9 = arith.mulf %get3A_6, %mul3A_8 : vector<1x128xf32>
    %mul3A_10 = arith.mulf %mul3A_3, %mul3A_3 : vector<1x128xf32>
    %sub3A = arith.subf %mul3A_9, %mul3A_10 : vector<1x128xf32>
    %get3A_11 = arith.constant 0 : index
    %get3A_12 = arith.constant 0 : index
    %get3A_13 = vector.load %arg3[%get3A_11, %get3A_12] : memref<1x128xf32, #tpu.memory_space<vmem>>, vector<1x128xf32>
    %add3A = arith.constant 9.99999974E-6 : f32
    %add3A_14 = vector.broadcast %add3A : f32 to vector<1x128xf32>
    %add3A_15 = arith.addf %sub3A, %add3A_14 : vector<1x128xf32>
    %sqrt3A = math.sqrt %add3A_15 : vector<1x128xf32>
    %div3A = arith.divf %get3A_13, %sqrt3A : vector<1x128xf32>
    %get3A_16 = arith.constant 0 : index
    %get3A_17 = arith.constant 0 : index
    %get3A_18 = vector.load %arg1[%get3A_16, %get3A_17] : memref<2048x128xf32, #tpu.memory_space<vmem>>, vector<2048x128xf32>
    %sub3A_19 = vector.broadcast %mul3A_3 : vector<1x128xf32> to vector<2048x128xf32>
    %sub3A_20 = arith.subf %get3A_18, %sub3A_19 : vector<2048x128xf32>
    %mul3A_21 = vector.broadcast %div3A : vector<1x128xf32> to vector<2048x128xf32>
    %mul3A_22 = arith.mulf %sub3A_20, %mul3A_21 : vector<2048x128xf32>
    %get3A_23 = arith.constant 0 : index
    %get3A_24 = arith.constant 0 : index
    %get3A_25 = vector.load %arg4[%get3A_23, %get3A_24] : memref<1x128xf32, #tpu.memory_space<vmem>>, vector<1x128xf32>
    %add3A_26 = vector.broadcast %get3A_25 : vector<1x128xf32> to vector<2048x128xf32>
    %add3A_27 = arith.addf %mul3A_22, %add3A_26 : vector<2048x128xf32>
    %max3A = arith.constant 0.000000e+00 : f32
    %max3A_28 = vector.broadcast %max3A : f32 to vector<2048x128xf32>
    %max3A_29 = arith.maximumf %add3A_27, %max3A_28 : vector<2048x128xf32>
    %get3A_30 = arith.constant 0 : index
    %get3A_31 = arith.constant 0 : index
    %get3A_32 = vector.load %arg5[%get3A_30, %get3A_31] : memref<2048x128xf32, #tpu.memory_space<vmem>>, vector<2048x128xf32>
    %add3A_33 = arith.addf %get3A_32, %max3A_29 : vector<2048x128xf32>
    %swap3A = arith.constant 0 : index
    %swap3A_34 = arith.constant 0 : index
    %swap3A_35 = vector.load %arg7[%swap3A, %swap3A_34] : memref<2048x128xf32, #tpu.memory_space<vmem>>, vector<2048x128xf32>
    tpu.vector_store %arg7[%swap3A, %swap3A_34], %add3A_33 {strides = array<i32>} : memref<2048x128xf32, #tpu.memory_space<vmem>>, vector<2048x128xf32>,
    %get3A_36 = arith.constant 0 : index
    %get3A_37 = arith.constant 0 : index
    %get3A_38 = vector.load %arg6[%get3A_36, %get3A_37] : memref<2048x128xf32, #tpu.memory_space<vmem>>, vector<2048x128xf32>
    %mul3A_39 = arith.mulf %add3A_33, %get3A_38 : vector<2048x128xf32>
    %swap3A_40 = arith.constant 0 : index
    %swap3A_41 = arith.constant 0 : index
    %swap3A_42 = vector.load %arg8[%swap3A_40, %swap3A_41] : memref<2048x128xf32, #tpu.memory_space<vmem>>, vector<2048x128xf32>
    tpu.vector_store %arg8[%swap3A_40, %swap3A_41], %mul3A_39 {strides = array<i32>} : memref<2048x128xf32, #tpu.memory_space<vmem>>, vector<2048x128xf32>,
    return
  }
  func.func @transform_0(%arg0: i32) -> (i32, i32) {
    %c0_i32 = arith.constant 0 : i32
    %c0_i32_0 = arith.constant 0 : i32
    return %arg0, %c0_i32 : i32, i32
  }
  func.func @transform_1(%arg0: i32) -> (i32, i32) {
    %c0_i32 = arith.constant 0 : i32
    %c0_i32_0 = arith.constant 0 : i32
    %c0_i32_1 = arith.constant 0 : i32
    return %c0_i32, %c0_i32_0 : i32, i32
  }
  func.func @transform_2(%arg0: i32) -> (i32, i32) {
    %c0_i32 = arith.constant 0 : i32
    %c0_i32_0 = arith.constant 0 : i32
    %c0_i32_1 = arith.constant 0 : i32
    return %c0_i32, %c0_i32_0 : i32, i32
  }
  func.func @transform_3(%arg0: i32) -> (i32, i32) {
    %c0_i32 = arith.constant 0 : i32
    %c0_i32_0 = arith.constant 0 : i32
    %c0_i32_1 = arith.constant 0 : i32
    return %c0_i32, %c0_i32_0 : i32, i32
  }
  func.func @transform_4(%arg0: i32) -> (i32, i32) {
    %c0_i32 = arith.constant 0 : i32
    %c0_i32_0 = arith.constant 0 : i32
    return %arg0, %c0_i32 : i32, i32
  }
  func.func @transform_5(%arg0: i32) -> (i32, i32) {
    %c0_i32 = arith.constant 0 : i32
    %c0_i32_0 = arith.constant 0 : i32
    return %arg0, %c0_i32 : i32, i32
  }
  func.func @transform_6(%arg0: i32) -> (i32, i32) {
    %c0_i32 = arith.constant 0 : i32
    %c0_i32_0 = arith.constant 0 : i32
    return %arg0, %c0_i32 : i32, i32
  }
  func.func @transform_7(%arg0: i32) -> (i32, i32) {
    %c0_i32 = arith.constant 0 : i32
    %c0_i32_0 = arith.constant 0 : i32
    return %arg0, %c0_i32 : i32, i32
  }
}

module attributes {stable_mosaic.version = 14 : i64} {
  func.func @body(%arg0: i32, %arg1: memref<2048x128xf32, #tpu.memory_space<vmem>>, %arg2: memref<2048x1xi32, #tpu.memory_space<vmem>>, %arg3: memref<128x64xf32, #tpu.memory_space<vmem>>, %arg4: memref<1x64xf32, #tpu.memory_space<vmem>>, %arg5: memref<64x32xf32, #tpu.memory_space<vmem>>, %arg6: memref<1x32xf32, #tpu.memory_space<vmem>>, %arg7: memref<32x1xf32, #tpu.memory_space<vmem>>, %arg8: memref<1x1xf32, #tpu.memory_space<vmem>>, %arg9: memref<128x1xf32, #tpu.memory_space<vmem>>, %arg10: memref<128x128xf32, #tpu.memory_space<vmem>>, %arg11: memref<128x1xf32, #tpu.memory_space<vmem>>) attributes {dimension_semantics = [#tpu.dimension_semantics<arbitrary>], iteration_bounds = array<i64: 5>, scalar_prefetch = 0 : i64, scratch_operands = 2 : i64, tpu.core_type = #tpu.core_type<tc>, window_params = [{transform_indices = @transform_0, window_bounds = array<i64: 2048, 128>}, {transform_indices = @transform_1, window_bounds = array<i64: 2048, 1>}, {pipeline_mode = #tpu.pipeline_mode<synchronous>, transform_indices = @transform_2, window_bounds = array<i64: 128, 64>}, {pipeline_mode = #tpu.pipeline_mode<synchronous>, transform_indices = @transform_3, window_bounds = array<i64: 1, 64>}, {pipeline_mode = #tpu.pipeline_mode<synchronous>, transform_indices = @transform_4, window_bounds = array<i64: 64, 32>}, {pipeline_mode = #tpu.pipeline_mode<synchronous>, transform_indices = @transform_5, window_bounds = array<i64: 1, 32>}, {pipeline_mode = #tpu.pipeline_mode<synchronous>, transform_indices = @transform_6, window_bounds = array<i64: 32, 1>}, {pipeline_mode = #tpu.pipeline_mode<synchronous>, transform_indices = @transform_7, window_bounds = array<i64: 1, 1>}, {pipeline_mode = #tpu.pipeline_mode<synchronous>, transform_indices = @transform_8, window_bounds = array<i64: 128, 1>}]} {
    %eq3A = arith.constant 0 : i32
    %eq3A_0 = arith.cmpi eq, %arg0, %eq3A : i32
    %convert_element_type3A = arith.extui %eq3A_0 : i1 to i32
    %cond3A = arith.constant 0 : i32
    %cond3A_1 = arith.cmpi ne, %convert_element_type3A, %cond3A : i32
    scf.if %cond3A_1 {
      %broadcast_in_dim3A_32 = arith.constant 0.000000e+00 : f32
      %broadcast_in_dim3A_33 = vector.broadcast %broadcast_in_dim3A_32 : f32 to vector<128x128xf32>
      %swap3A_34 = arith.constant 0 : index
      %swap3A_35 = arith.constant 0 : index
      %swap3A_36 = vector.load %arg10[%swap3A_34, %swap3A_35] : memref<128x128xf32, #tpu.memory_space<vmem>>, vector<128x128xf32>
      tpu.vector_store %arg10[%swap3A_34, %swap3A_35], %broadcast_in_dim3A_33 {strides = array<i32>} : memref<128x128xf32, #tpu.memory_space<vmem>>, vector<128x128xf32>,
      %broadcast_in_dim3A_37 = arith.constant 0.000000e+00 : f32
      %broadcast_in_dim3A_38 = vector.broadcast %broadcast_in_dim3A_37 : f32 to vector<128x1xf32>
      %swap3A_39 = arith.constant 0 : index
      %swap3A_40 = arith.constant 0 : index
      %swap3A_41 = vector.load %arg11[%swap3A_39, %swap3A_40] : memref<128x1xf32, #tpu.memory_space<vmem>>, vector<128x1xf32>
      tpu.vector_store %arg11[%swap3A_39, %swap3A_40], %broadcast_in_dim3A_38 {strides = array<i32>} : memref<128x1xf32, #tpu.memory_space<vmem>>, vector<128x1xf32>,
    } else {
    }
    %iota3A = tpu.iota {dimensions = array<i32: 1>} : vector<2048x128xi32>
    %get3A = arith.constant 0 : index
    %get3A_2 = arith.constant 0 : index
    %get3A_3 = vector.load %arg2[%get3A, %get3A_2] : memref<2048x1xi32, #tpu.memory_space<vmem>>, vector<2048x1xi32>
    %eq3A_4 = vector.broadcast %get3A_3 : vector<2048x1xi32> to vector<2048x128xi32>
    %eq3A_5 = arith.cmpi eq, %eq3A_4, %iota3A : vector<2048x128xi32>
    %convert_element_type3A_6 = arith.extui %eq3A_5 : vector<2048x128xi1> to vector<2048x128xi32>
    %convert_element_type3A_7 = arith.sitofp %convert_element_type3A_6 : vector<2048x128xi32> to vector<2048x128xf32>
    %get3A_8 = arith.constant 0 : index
    %get3A_9 = arith.constant 0 : index
    %get3A_10 = vector.load %arg10[%get3A_8, %get3A_9] : memref<128x128xf32, #tpu.memory_space<vmem>>, vector<128x128xf32>
    %get3A_11 = arith.constant 0 : index
    %get3A_12 = arith.constant 0 : index
    %get3A_13 = vector.load %arg1[%get3A_11, %get3A_12] : memref<2048x128xf32, #tpu.memory_space<vmem>>, vector<2048x128xf32>
    %dot_general3A = arith.constant dense<0.000000e+00> : vector<128x128xf32>
    %dot_general3A_14 = tpu.matmul %convert_element_type3A_7, %get3A_13, %dot_general3A {dimension_numbers = #tpu.dot_dimension_numbers<[0], [0], [1], [1], [0, 1, 1, 1], [], []>, precision = #tpu.contract_precision<fp32>, transpose_lhs_hint = false} : vector<2048x128xf32>, vector<2048x128xf32>, vector<128x128xf32> -> vector<128x128xf32>
    %add3A = arith.addf %get3A_10, %dot_general3A_14 : vector<128x128xf32>
    %swap3A = arith.constant 0 : index
    %swap3A_15 = arith.constant 0 : index
    %swap3A_16 = vector.load %arg10[%swap3A, %swap3A_15] : memref<128x128xf32, #tpu.memory_space<vmem>>, vector<128x128xf32>
    tpu.vector_store %arg10[%swap3A, %swap3A_15], %add3A {strides = array<i32>} : memref<128x128xf32, #tpu.memory_space<vmem>>, vector<128x128xf32>,
    %get3A_17 = arith.constant 0 : index
    %get3A_18 = arith.constant 0 : index
    %get3A_19 = vector.load %arg11[%get3A_17, %get3A_18] : memref<128x1xf32, #tpu.memory_space<vmem>>, vector<128x1xf32>
    %broadcast_in_dim3A = arith.constant 1.000000e+00 : f32
    %broadcast_in_dim3A_20 = vector.broadcast %broadcast_in_dim3A : f32 to vector<2048x1xf32>
    %dot_general3A_21 = arith.constant dense<0.000000e+00> : vector<128x1xf32>
    %dot_general3A_22 = tpu.matmul %convert_element_type3A_7, %broadcast_in_dim3A_20, %dot_general3A_21 {dimension_numbers = #tpu.dot_dimension_numbers<[0], [0], [1], [1], [0, 1, 1, 1], [], []>, precision = #tpu.contract_precision<fp32>, transpose_lhs_hint = false} : vector<2048x128xf32>, vector<2048x1xf32>, vector<128x1xf32> -> vector<128x1xf32>
    %add3A_23 = arith.addf %get3A_19, %dot_general3A_22 : vector<128x1xf32>
    %swap3A_24 = arith.constant 0 : index
    %swap3A_25 = arith.constant 0 : index
    %swap3A_26 = vector.load %arg11[%swap3A_24, %swap3A_25] : memref<128x1xf32, #tpu.memory_space<vmem>>, vector<128x1xf32>
    tpu.vector_store %arg11[%swap3A_24, %swap3A_25], %add3A_23 {strides = array<i32>} : memref<128x1xf32, #tpu.memory_space<vmem>>, vector<128x1xf32>,
    %eq3A_27 = arith.constant 4 : i32
    %eq3A_28 = arith.cmpi eq, %arg0, %eq3A_27 : i32
    %convert_element_type3A_29 = arith.extui %eq3A_28 : i1 to i32
    %cond3A_30 = arith.constant 0 : i32
    %cond3A_31 = arith.cmpi ne, %convert_element_type3A_29, %cond3A_30 : i32
    scf.if %cond3A_31 {
      %get3A_32 = arith.constant 0 : index
      %get3A_33 = arith.constant 0 : index
      %get3A_34 = vector.load %arg10[%get3A_32, %get3A_33] : memref<128x128xf32, #tpu.memory_space<vmem>>, vector<128x128xf32>
      %get3A_35 = arith.constant 0 : index
      %get3A_36 = arith.constant 0 : index
      %get3A_37 = vector.load %arg11[%get3A_35, %get3A_36] : memref<128x1xf32, #tpu.memory_space<vmem>>, vector<128x1xf32>
      %max3A = arith.constant 1.000000e+00 : f32
      %max3A_38 = vector.broadcast %max3A : f32 to vector<128x1xf32>
      %max3A_39 = arith.maximumf %get3A_37, %max3A_38 : vector<128x1xf32>
      %div3A = vector.broadcast %max3A_39 : vector<128x1xf32> to vector<128x128xf32>
      %div3A_40 = arith.divf %get3A_34, %div3A : vector<128x128xf32>
      %get3A_41 = arith.constant 0 : index
      %get3A_42 = arith.constant 0 : index
      %get3A_43 = vector.load %arg3[%get3A_41, %get3A_42] : memref<128x64xf32, #tpu.memory_space<vmem>>, vector<128x64xf32>
      %dot_general3A_44 = arith.constant dense<0.000000e+00> : vector<128x64xf32>
      %dot_general3A_45 = tpu.matmul %div3A_40, %get3A_43, %dot_general3A_44 {dimension_numbers = #tpu.dot_dimension_numbers<[1], [0], [0], [1], [0, 0, 1, 1], [], []>, transpose_lhs_hint = false} : vector<128x128xf32>, vector<128x64xf32>, vector<128x64xf32> -> vector<128x64xf32>
      %get3A_46 = arith.constant 0 : index
      %get3A_47 = arith.constant 0 : index
      %get3A_48 = vector.load %arg4[%get3A_46, %get3A_47] : memref<1x64xf32, #tpu.memory_space<vmem>>, vector<1x64xf32>
      %add3A_49 = vector.broadcast %get3A_48 : vector<1x64xf32> to vector<128x64xf32>
      %add3A_50 = arith.addf %dot_general3A_45, %add3A_49 : vector<128x64xf32>
      %max3A_51 = arith.constant 0.000000e+00 : f32
      %max3A_52 = vector.broadcast %max3A_51 : f32 to vector<128x64xf32>
      %max3A_53 = arith.maximumf %add3A_50, %max3A_52 : vector<128x64xf32>
      %get3A_54 = arith.constant 0 : index
      %get3A_55 = arith.constant 0 : index
      %get3A_56 = vector.load %arg5[%get3A_54, %get3A_55] : memref<64x32xf32, #tpu.memory_space<vmem>>, vector<64x32xf32>
      %dot_general3A_57 = arith.constant dense<0.000000e+00> : vector<128x32xf32>
      %dot_general3A_58 = tpu.matmul %max3A_53, %get3A_56, %dot_general3A_57 {dimension_numbers = #tpu.dot_dimension_numbers<[1], [0], [0], [1], [0, 0, 1, 1], [], []>, transpose_lhs_hint = false} : vector<128x64xf32>, vector<64x32xf32>, vector<128x32xf32> -> vector<128x32xf32>
      %get3A_59 = arith.constant 0 : index
      %get3A_60 = arith.constant 0 : index
      %get3A_61 = vector.load %arg6[%get3A_59, %get3A_60] : memref<1x32xf32, #tpu.memory_space<vmem>>, vector<1x32xf32>
      %add3A_62 = vector.broadcast %get3A_61 : vector<1x32xf32> to vector<128x32xf32>
      %add3A_63 = arith.addf %dot_general3A_58, %add3A_62 : vector<128x32xf32>
      %max3A_64 = arith.constant 0.000000e+00 : f32
      %max3A_65 = vector.broadcast %max3A_64 : f32 to vector<128x32xf32>
      %max3A_66 = arith.maximumf %add3A_63, %max3A_65 : vector<128x32xf32>
      %get3A_67 = arith.constant 0 : index
      %get3A_68 = arith.constant 0 : index
      %get3A_69 = vector.load %arg7[%get3A_67, %get3A_68] : memref<32x1xf32, #tpu.memory_space<vmem>>, vector<32x1xf32>
      %dot_general3A_70 = arith.constant dense<0.000000e+00> : vector<128x1xf32>
      %dot_general3A_71 = tpu.matmul %max3A_66, %get3A_69, %dot_general3A_70 {dimension_numbers = #tpu.dot_dimension_numbers<[1], [0], [0], [1], [0, 0, 1, 1], [], []>, transpose_lhs_hint = false} : vector<128x32xf32>, vector<32x1xf32>, vector<128x1xf32> -> vector<128x1xf32>
      %get3A_72 = arith.constant 0 : index
      %get3A_73 = arith.constant 0 : index
      %get3A_74 = vector.load %arg8[%get3A_72, %get3A_73] : memref<1x1xf32, #tpu.memory_space<vmem>>, vector<1x1xf32>
      %add3A_75 = vector.broadcast %get3A_74 : vector<1x1xf32> to vector<128x1xf32>
      %add3A_76 = arith.addf %dot_general3A_71, %add3A_75 : vector<128x1xf32>
      %swap3A_77 = arith.constant 0 : index
      %swap3A_78 = arith.constant 0 : index
      %swap3A_79 = vector.load %arg9[%swap3A_77, %swap3A_78] : memref<128x1xf32, #tpu.memory_space<vmem>>, vector<128x1xf32>
      tpu.vector_store %arg9[%swap3A_77, %swap3A_78], %add3A_76 {strides = array<i32>} : memref<128x1xf32, #tpu.memory_space<vmem>>, vector<128x1xf32>,
    } else {
    }
    return
  }
  func.func @transform_0(%arg0: i32) -> (i32, i32) {
    %c0_i32 = arith.constant 0 : i32
    %c0_i32_0 = arith.constant 0 : i32
    return %arg0, %c0_i32 : i32, i32
  }
  func.func @transform_1(%arg0: i32) -> (i32, i32) {
    %c0_i32 = arith.constant 0 : i32
    %c0_i32_0 = arith.constant 0 : i32
    return %arg0, %c0_i32 : i32, i32
  }
  func.func @transform_2(%arg0: i32) -> (i32, i32) {
    %c0_i32 = arith.constant 0 : i32
    %c0_i32_0 = arith.constant 0 : i32
    %c0_i32_1 = arith.constant 0 : i32
    return %c0_i32, %c0_i32_0 : i32, i32
  }
  func.func @transform_3(%arg0: i32) -> (i32, i32) {
    %c0_i32 = arith.constant 0 : i32
    %c0_i32_0 = arith.constant 0 : i32
    %c0_i32_1 = arith.constant 0 : i32
    return %c0_i32, %c0_i32_0 : i32, i32
  }
  func.func @transform_4(%arg0: i32) -> (i32, i32) {
    %c0_i32 = arith.constant 0 : i32
    %c0_i32_0 = arith.constant 0 : i32
    %c0_i32_1 = arith.constant 0 : i32
    return %c0_i32, %c0_i32_0 : i32, i32
  }
  func.func @transform_5(%arg0: i32) -> (i32, i32) {
    %c0_i32 = arith.constant 0 : i32
    %c0_i32_0 = arith.constant 0 : i32
    %c0_i32_1 = arith.constant 0 : i32
    return %c0_i32, %c0_i32_0 : i32, i32
  }
  func.func @transform_6(%arg0: i32) -> (i32, i32) {
    %c0_i32 = arith.constant 0 : i32
    %c0_i32_0 = arith.constant 0 : i32
    %c0_i32_1 = arith.constant 0 : i32
    return %c0_i32, %c0_i32_0 : i32, i32
  }
  func.func @transform_7(%arg0: i32) -> (i32, i32) {
    %c0_i32 = arith.constant 0 : i32
    %c0_i32_0 = arith.constant 0 : i32
    %c0_i32_1 = arith.constant 0 : i32
    return %c0_i32, %c0_i32_0 : i32, i32
  }
  func.func @transform_8(%arg0: i32) -> (i32, i32) {
    %c0_i32 = arith.constant 0 : i32
    %c0_i32_0 = arith.constant 0 : i32
    %c0_i32_1 = arith.constant 0 : i32
    return %c0_i32, %c0_i32_0 : i32, i32
  }
}

</mosaic_0001>

<sc_bundles>
// kernel: gather_offload_async_start.1
scs
__scs_entry_jumppad:
0x0: {  	(pc) =	sbr.rel $0x88, $3  }
0x1: {  	(tag) =	ssettag $0x0;
	lr =	simm.s32 $0x1  }
0x2: {  	[smem:$0x3F93] =	sst lr;
	_ =	strace $0xD0000000  }
0x3: {  	_ = 	snop  }
0x4: {  	_ = 	snop  }
0x5: {  	_ = 	snop  }
0x6: {  	_ = 	snop  }
0x7: {  	_ = 	snop  }
__scs_overlays_trampoline_lowered:
0x8: {  	[smem:$0x3FA2] =	sst s0  }
0x9: {  	[smem:$0x3FA3] =	sst s1  }
0xa: {  	[smem:$0x3FA4] =	sst s2  }
0xb: {  	[smem:$0x3FA5] =	sst s3  }
0xc: {  	[smem:$0x3FA6] =	sst s4  }
0xd: {  	[smem:$0x3FA7] =	sst s5  }
0xe: {  	[smem:$0x3FA8] =	sst s6  }
0xf: {  	[smem:$0x3FA9] =	sst s7  }
0x10: {  	[smem:$0x3FAA] =	sst s8  }
0x11: {  	[smem:$0x3FAB] =	sst s9;
	s0 =	simm.s32 @!p0 $0x0  }
0x12: {  	s1 =	sld [smem:$0x3F91];
	s0 =	simm.s32 @p0 $0x1  }
0x13: {  	[smem:$0x3FAC] =	sst s0;
	s0 =	simm.s32 @!p1 $0x0  }
0x14: {  	s2 =	sld [smem:$0x3F90];
	s0 =	simm.s32 @p1 $0x1  }
0x15: {  	[smem:$0x3FAD] =	sst s0;
	s0 =	simm.s32 @!p2 $0x0  }
0x16: {  	s3 =	sld [smem:$0x3FDB];
	s0 =	simm.s32 @p2 $0x1  }
0x17: {  	s4 =	simm.s32 $0x1BF5;
	[smem:$0x3FAF] =	sst s0  }
0x18: {  	s0 =	sld [smem:$0x3F92];
	_ =	swait.ge [sflag:s4], $0x0  }
0x19: {  	s7 =	sld [smem:$0x3F93]  }
0x1a: {  	s8 =	sadd.s32 $0xFFFFE003, lr  }
0x1b: {  	s9 =	sadd.s32 $0xFFFFFEF7, lr;
	s5 =	simm.s32 $0xFFFFFFFF;
	p2 =	slt.u32 s8, $0xFFFFF086  }
0x1c: {  	p1 =	slt.u32 s9, $0xF7A;
	s5 =	simm.s32 @!p2 $0x0  }
0x1d: {  	s5 =	simm.s32 @p1 $0x1;
	p0 =	seq.s32 s7, s2  }
0x1e: {  	s7 =	smul.u32 @!p0 $0xF7A, s2;
	p2 =	seq.s32 @!p0 s5, $0x0  }
0x1f: {  	s9 =	smul.u32 $0xF7A, s1;
	s8 =	simm.s32 @!p0 $0x1BF5;
	p2 =	por !p2, p0  }
0x20: {  	[sflag:s8] =	ssyncset.s32 @!p0 $0xFFFFF086;
	s6 =	sadd.s32 @!p0 s3, s7;
	s7 =	simm.s32 @!p0 $0x108  }
0x21: {  	s3 =	sadd.s32 s3, s9;
	s6 =	sadd.s32 @!p0 $0x88, s6;
	s7 =	simm.s32 @p2 $0x1082  }
0x22: {  	[simem:s7], [sflag:s8] =	dma.local @!p0 [hbm:s6], $0xF7A  }
0x23: {  	s9 =	sor.u32 $0xD0000000, s2;
	s6 =	simm.s32 $0x108;
	_ =	swait.ge @!p0 [sflag:s8], $0x0  }
0x24: {  	s3 =	sadd.s32 $0x88, s3;
	s6 =	simm.s32 @!p1 $0x1082;
	[sflag:s4] =	ssyncset.s32 $0xFFFFF086  }
0x25: {  	[simem:s6], [sflag:s4] =	dma.local [hbm:s3], $0xF7A  }
0x26: {  	[smem:$0x3F93] =	sst s1;
	(tag) =	ssettag s2;
	_ =	strace s9  }
0x27: {  	s1 =	sld [smem:$0x3FA3]  }
0x28: {  	s2 =	sld [smem:$0x3FA4]  }
0x29: {  	s4 =	sld [smem:$0x3FA6]  }
0x2a: {  	p0 =	seq.s32 s5, $0x0;
	s5 =	sld [smem:$0x3FA7]  }
0x2b: {  	s6 =	sld [smem:$0x3FA8]  }
0x2c: {  	s7 =	sld [smem:$0x3FA9]  }
0x2d: {  	s3 =	simm.s32 $0x108;
	s8 =	sld [smem:$0x3FAA]  }
0x2e: {  	s3 =	simm.s32 @!p0 $0x1082;
	s9 =	sld [smem:$0x3FAB]  }
0x2f: {  	lr =	sadd.s32 s0, s3;
	s0 =	sld [smem:$0x3FA2]  }
0x30: {  	s3 =	sld [smem:$0x3FA5]  }
0x31: {  	[smem:$0x3FAE] =	sst s10  }
0x32: {  	s10 =	sld [smem:$0x3FAC];
	_ =	sdelay $0x3  }
0x33: {  	p0 =	seq.s32 s10, $0x1;
	s10 =	sld [smem:$0x3FAE];
	_ =	sdelay $0x3  }
0x34: {  	[smem:$0x3FAE] =	sst s10  }
0x35: {  	s10 =	sld [smem:$0x3FAD];
	_ =	sdelay $0x3  }
0x36: {  	p1 =	seq.s32 s10, $0x1;
	s10 =	sld [smem:$0x3FAE];
	_ =	sdelay $0x3  }
0x37: {  	[smem:$0x3FAE] =	sst s10  }
0x38: {  	s10 =	sld [smem:$0x3FAF]  }
0x39: {  	_ = 	snop;
	(pc) =	sbr.ind lr, $3  }
0x3a: {  	_ = 	snop  }
0x3b: {  	_ = 	snop  }
0x3c: {  	p2 =	seq.s32 s10, $0x1;
	s10 =	sld [smem:$0x3FAE]  }
0x3d: {  	_ =	shalt  }
0x3e: {  	_ =	shalt  }
0x3f: {  	_ =	shalt  }
0x40: {  	_ =	shalt  }
0x41: {  	_ =	shalt  }
0x42: {  	_ =	shalt  }
0x43: {  	_ =	shalt  }
0x44: {  	_ =	shalt  }
0x45: {  	_ =	shalt  }
0x46: {  	_ =	shalt  }
0x47: {  	_ =	shalt  }
0x48: {  	_ =	shalt  }
0x49: {  	_ =	shalt  }
0x4a: {  	_ =	shalt  }
0x4b: {  	_ =	shalt  }
0x4c: {  	_ =	shalt  }
0x4d: {  	_ =	shalt  }
0x4e: {  	_ =	shalt  }
0x4f: {  	_ =	shalt  }
0x50: {  	_ =	shalt  }
0x51: {  	_ =	shalt  }
0x52: {  	_ =	shalt  }
0x53: {  	_ =	shalt  }
0x54: {  	_ =	shalt  }
0x55: {  	_ =	shalt  }
0x56: {  	_ =	shalt  }
0x57: {  	_ =	shalt  }
0x58: {  	_ =	shalt  }
0x59: {  	_ =	shalt  }
0x5a: {  	_ =	shalt  }
0x5b: {  	_ =	shalt  }
0x5c: {  	_ =	shalt  }
0x5d: {  	_ =	shalt  }
0x5e: {  	_ =	shalt  }
0x5f: {  	_ =	shalt  }
0x60: {  	_ =	shalt  }
0x61: {  	_ =	shalt  }
0x62: {  	_ =	shalt  }
0x63: {  	_ =	shalt  }
0x64: {  	_ =	shalt  }
0x65: {  	_ =	shalt  }
0x66: {  	_ =	shalt  }
0x67: {  	_ =	shalt  }
0x68: {  	_ =	shalt  }
0x69: {  	_ =	shalt  }
0x6a: {  	_ =	shalt  }
0x6b: {  	_ =	shalt  }
0x6c: {  	_ =	shalt  }
0x6d: {  	_ =	shalt  }
0x6e: {  	_ =	shalt  }
0x6f: {  	_ =	shalt  }
0x70: {  	_ =	shalt  }
0x71: {  	_ =	shalt  }
0x72: {  	_ =	shalt  }
0x73: {  	_ =	shalt  }
0x74: {  	_ =	shalt  }
0x75: {  	_ =	shalt  }
0x76: {  	_ =	shalt  }
0x77: {  	_ =	shalt  }
0x78: {  	_ =	shalt  }
0x79: {  	_ =	shalt  }
0x7a: {  	_ =	shalt  }
0x7b: {  	_ =	shalt  }
0x7c: {  	_ =	shalt  }
0x7d: {  	_ =	shalt  }
0x7e: {  	_ =	shalt  }
0x7f: {  	_ =	shalt  }
0x80: {  	_ =	shalt  }
0x81: {  	_ =	shalt  }
0x82: {  	_ =	shalt  }
0x83: {  	_ =	shalt  }
0x84: {  	_ =	shalt  }
0x85: {  	_ =	shalt  }
0x86: {  	_ =	shalt  }
0x87: {  	_ =	shalt  }
.Lfunc_end0:
.L_simem_size_0:
called_computation.1_lowered:
.L_overlay_start_0:
0x88: {  	s2 =	sld [smem:$0x3FD9]  }
0x89: {  	s3 =	sld [smem:$0x3FFE];
	_ =	sdelay $0x1  }
0x8a: {  	s1 =	srdreg.scid  }
0x8b: {  	s0 =	sand.u32 $0x1, s1  }
0x8c: {  	s16 =	sshll.u32 s0, $0xA;
	s2 =	sadd.s32 s3, s2  }
0x8d: {  	s2 =	sadd.s32 s2, s16  }
0x8e: {  	[smem:$0x3FBA] =	sst s2  }
0x8f: {  	_ = 	snop  }
0x90: {  	(tm) =	ssettm $0x1  }
0x91: {  	s17 =	sld [smem:$0x3FFB];
	_ =	sdelay $0x3  }
0x92: {  	_ =	strace s17  }
0x93: {  	s2 =	sld [smem:$0x3FFC];
	_ =	sdelay $0x3  }
0x94: {  	_ =	strace s2  }
0x95: {  	s2 =	sld [smem:$0x3FFD];
	_ =	sdelay $0x3  }
0x96: {  	_ =	strace s2  }
0x97: {  	_ =	strace $0x8FFFFFFF  }
0x98: {  	s18 =	sld [smem:$0x3FDB];
	_ =	sdelay $0x1  }
0x99: {  	s19 =	simm.s32 $_scs_section_size  }
0x9a: {  	s4 =	simm.s32 $_size__tile_overlayer_lowered;
	s5 =	simm.s32 $_tile_overlayer_lowered  }
0x9b: {  	s22 =	simm.s32 $0x1BFF;
	s21 =	sshll.u32 s5, $0x1;
	s2 =	sadd.s32 s19, s18  }
0x9c: {  	s6 =	simm.s32 $0x0;
	s20 =	sshll.u32 s4, $0x1;
	s4 =	sadd.s32 s21, s2  }
0x9d: {  	[timem:s6], [sflag:s22] =	dma.local [hbm:s4], s20  }
0x9e: {  	_ =	swait.ge [sflag:s22], s20  }
0x9f: {  	s3 =	ssub.s32 $0x0, s20;
	[sflag:s22] =	ssyncset.done $0x0  }
0xa0: {  	[sflag:s22] =	ssyncadd.s32 s3;
	_ =	sdelay $0x1  }
0xa1: {  	s23 =	simm.s32 $0x1B8B  }
0xa2: {  	_ =	swait.ge [sflag:s23], $0x1  }
0xa3: {  	[sflag:s23] =	ssyncset.done $0x0  }
0xa4: {  	s25 =	simm.s32 $0x1B8E;
	s24 =	sld [smem:$0x3FFE];
	[sflag:s23] =	ssyncadd.s32 $0xFFFFFFFF  }
0xa5: {  	s26 =	simm.s32 $execute0_lowered;
	[smem:$0x3FD2] =	sst s25  }
0xa6: {  	s4 =	sshll.u32 s26, $0x1;
	_ =	strace $0x80000046;
	[dreg:$0x1] =	wrdreg $0xFFFFFFFF  }
0xa7: {  	s28 =	simm.s32 $_size_execute0_lowered;
	s2 =	sadd.s32 s2, s4;
	[dreg:$0x0] =	wrdreg $0x0  }
0xa8: {  	s4 =	sshll.u32 s28, $0x1;
	[dreg:$0x2] =	wrdreg s2  }
0xa9: {  	[dreg:$0x3] =	wrdreg s4  }
0xaa: {  	[dreg:$0x4] =	wrdreg $0xC0  }
0xab: {  	_ =	task [dreg:s6], $0x5FFFF  }
0xac: {  	[dreg:$0x1] =	wrdreg $0xFFFFFFFF  }
0xad: {  	[dreg:$0x0] =	wrdreg $0x60  }
0xae: {  	[dreg:$0x2] =	wrdreg s24  }
0xaf: {  	[dreg:$0x3] =	wrdreg $0x9  }
0xb0: {  	_ =	task.clear_ibuf [dreg:s6], $0x4FFFF;
	_ =	strace $0x90000046  }
0xb1: {  	s29 =	simm.s32 $0x9;
	_ =	strace $0x80000048  }
0xb2: {  	_ =	swait.ge [sflag:s29], $0x1  }
0xb3: {  	[sflag:s29] =	ssyncadd.s32 $0xFFFFFFFF  }
0xb4: {  	_ =	strace $0x90000048  }
0xb5: {  	_ =	sfence  }
0xb6: {  	s30 =	sld [smem:$0x0];
	_ =	sdelay $0x2  }
0xb7: {  	s31 =	sshll.u32 s1, $0xD;
	s1 =	sshrl.u32 s1, $0x2  }
0xb8: {  	s3 =	sand.u32 $0x4000, s31;
	s1 =	sadd.s32 s1, s30  }
0xb9: {  	s0 =	sor.u32 s3, s0;
	s1 =	sshll.u32 s1, $0x11  }
0xba: {  	s0 =	sor.u32 s1, s0  }
0xbb: {  	s0 =	sadd.s32 $0x8F2B, s0  }
0xbc: {  	[sflag:s0] =	ssyncadd.remote.s32 $0x1  }
0xbd: {  	_ =	sfence.sel $0xFFFF  }
0xbe: {  	[dreg:$0x0] =	wrdreg $0xFFFFFFFF;
	(pc) =	sbr.abs _section_cstart, $3  }
0xbf: {  	[dreg:$0x1] =	wrdreg $0xFFFFFFFF  }
0xc0: {  	_ =	task.clear_ibuf [dreg:s6], $0x2FFFF;
	_ =	strace $0x9FFFFFFF  }
0xc1: {  	(tm) =	ssettm $0x7FFFFFFF  }
tec
execute0_lowered:
.L_overlay_start_1:
0x0: {  	(tag) =	ssettag $0x1  }
0x1: {  	s8 =	rddreg [dreg:$0x0]  }
0x2: {  	s0 =	rddreg [dreg:$0x1];
	_ =	strace $0x80000047;
	s1 =	stileid.u32  }
0x3: {  	s3 =	srdreg.scid;
	s4 =	simm.s32 $0x1;
	s7 =	simm.s32 $0x1  }
0x4: {  	s9 =	simm.s32 $0x1;
	s10 =	simm.s32 $0x3;
	s13 =	simm.s32 $0x0  }
0x5: {  	s12 =	simm.s32 $0x0;
	s5 =	sand.u32 $0x1, s3;
	s6 =	sshll.u32 s1, $0x1  }
0x6: {  	s2 =	sadd.s32 $0xFA00, s8;
	s3 =	sadd.s32 $0x19800, s8;
	s5 =	sor.u32 s6, s5  }
.Ltmp0:
0x7: {  	[sflag:s4] =	ssyncpa.u1 $0x0;
	p0 =	slt.u32 s5, $0x9;
	(pc) =	sbr.rel .LBB2_1-.Ltmp0, $4  }
0x8: {  	s6 =	simm.s32 $0x2;
	s7 =	simm.s32 @!p0 $0x0;
	p0 =	sne.s32 s5, $0x8  }
0x9: {  	[sflag:s6] =	ssyncpa.u1 $0x0;
	s5 =	smul.u32 $0x1F40, s5;
	s9 =	simm.s32 @!p0 $0x0  }
0xa: {  	s8 =	sadd.s32 $0x23600, s8;
	[sflag:s10] =	ssyncpa.u1 $0x0;
	s7 =	sadd.s32 s9, s7  }
0xb: {  	vm0 =	vmmov $0xffff;
	s10 =	simm.s32 $0x0;
	s11 =	smov.u32 s5;
	s9 =	sadd.s32 $0x1, s7  }
.LBB2_4:
0xc: {  	v2 =	vnsel vm1, $0x0, v2  }
0xd: {  	vm1 =	vgt.s32 v0, $0x0;
	v2 =	vmin.u32 v2, $0x4E1FF  }
0xe: {  	v0 =	vnsel vm1, $0x0, v0  }
0xf: {  	v0 =	vmin.u32 v0, $0x4E1FF  }
0x10: {  	[tilespmem:s18], [sflag:$0x1] =	stream.indirect_vreg.gather [hbm4b:s2+s10], $0x1, v1, vm0, $0x4038;
	[tilespmem:$0x7D00] =	vst v63  }
0x11: {  	(ifvalue) =	ssetifvalue $0x7FFFFFFF  }
0x12: {  	[tilespmem:s15], [sflag:$0x1] =	stream.indirect_vreg.gather [hbm4b:s2+s10], $0x1, v2, vm0, $0x4038;
	[tilespmem:$0x7D00] =	vst v63  }
0x13: {  	s29 =	sadd.s32 $0x10, s15;
	(ifvalue) =	ssetifvalue $0x7FFFFFFF  }
0x14: {  	[tilespmem:s29], [sflag:$0x1] =	stream.indirect_vreg.gather [hbm4b:s2+s10], $0x1, v0, vm0, $0x4038;
	[tilespmem:$0x7D00] =	vst v63  }
0x15: {  	_ =	swait.ge [sflag:s4], $0x1F40  }
0x16: {  	s30 =	sshrl.u32 s13, $0x3;
	[sflag:s4] =	ssyncset.done $0x0  }
0x17: {  	s31 =	sand.u32 $0x7, s13;
	s15 =	sadd.s32 s8, s30;
	[sflag:s4] =	ssyncadd.s32 $0xFFFFE0C0  }
0x18: {  	[hbm4b:s15+s31] =	stream.linear.scatter [tilespmem:s14], [sflag:$0x3], $0x1F40, $0x38;
	[tilespmem:$0x7D00] =	vst v63  }
.LBB2_5:
0x19: {  	s15 =	sadd.s32 $0x3E800, s11  }
0x1a: {  	p1 =	sgt.s32 s15, $0x4E1FF  }
0x1b: {  	s15 =	smov.u32 @p1 s5;
	p1 =	sne.s32 s12, s9  }
.Ltmp1:
0x1c: {  	p0 =	slt.u32 s12, $0x2;
	(pc) =	sbr.rel @!p1 .LBB2_6-.Ltmp1, $4  }
0x1d: {  	s14 =	simm.s32 @!p0 $0x3  }
0x1e: {  	_ =	swait.ge @!p0 [sflag:s14], $0x1F40  }
0x1f: {  	s16 =	sadd.s32 $0x1, s12;
	s13 =	smov.u32 s11;
	[sflag:s14] =	ssyncset.done @!p0 $0x0  }
0x20: {  	s12 =	smov.u32 s16;
	s11 =	smov.u32 s15;
	[sflag:s14] =	ssyncadd.s32 @!p0 $0xFFFFE0C0  }
.LBB2_1:
0x21: {  	p0 =	sge.u32 s12, s7  }
0x22: {  	s14 =	sxor.u32 @!p0 $0x1, s12  }
0x23: {  	s14 =	smul.u32 @!p0 $0x7D00, s14  }
0x24: {  	s31 =	sadd.s32 $0xFFFFFFFF, s12;
	s15 =	sshrl.u32 @!p0 s11, $0x3  }
0x25: {  	s16 =	sand.u32 @!p0 $0x7, s11;
	s15 =	sadd.s32 @!p0 s3, s15;
	s14 =	sshra.s32 @!p0 s14, $0x2  }
0x26: {  	[tilespmem:s14], [sflag:$0x2] =	stream.linear.gather @!p0 [hbm4b:s15+s16], $0x1F40, $0x38;
	[tilespmem:$0x7D00] =	vst v63  }
0x27: {  	p0 =	sge.u32 s31, s7  }
.Ltmp2:
0x28: {  	_ = 	snop;
	(pc) =	sbr.rel @p0 .LBB2_5-.Ltmp2, $1  }
0x29: {  	_ =	sdelay $0x3  }
0x2a: {  	s14 =	sand.u32 $0x1, s12  }
0x2b: {  	_ =	swait.ge [sflag:s6], $0x1F40;
	p0 =	seq.s32 s14, $0x1;
	s14 =	simm.s32 $0x1F40  }
0x2c: {  	[sflag:s6] =	ssyncset.done $0x0;
	s14 =	simm.s32 @!p0 $0x0  }
0x2d: {  	[sflag:s6] =	ssyncadd.s32 $0xFFFFE0C0;
	(ifvalue) =	ssetifvalue $0x7FFFFFFF;
	v0 =	vld.msk [tilespmem:s14+$0x0 ss:$0x1], $0xffff;
	_ =	sdelay $0x4  }
0x2e: {  	s15 =	sadd.s32 $0x10, s14;
	vm1 =	vgt.s32 v0, $0x0  }
0x2f: {  	v2 =	vld.msk [tilespmem:s15+$0x0 ss:$0x1], $0xffff;
	v1 =	vnsel vm1, $0x0, v0  }
0x30: {  	v1 =	vmin.u32 v1, $0x4E1FF;
	_ =	sdelay $0x2  }
0x31: {  	s17 =	simm.s32 $0x20;
	s14 =	sadd.s32 $0x3E80, s14;
	s16 =	sadd.s32 $0x10, s15  }
0x32: {  	s15 =	sadd.s32 $0x10, s14;
	s18 =	smov.u32 s14;
	v0 =	vld.msk [tilespmem:s16+$0x0 ss:$0x1], $0xffff;
	vm1 =	vgt.s32 v2, $0x0;
	(ifvalue) =	ssetifvalue $0x7FFFFFFF  }
.LBB2_3:
0x33: {  	[tilespmem:s18], [sflag:$0x1] =	stream.indirect_vreg.gather [hbm4b:s2+s10], $0x1, v1, vm0, $0x4038;
	[tilespmem:$0x7D00] =	vst v63  }
0x34: {  	s17 =	sadd.s32 $0x10, s17  }
0x35: {  	v2 =	vnsel vm1, $0x0, v2;
	p0 =	slt.u32 s17, $0x1F30  }
.Ltmp3:
0x36: {  	s18 =	smov.u32 s15;
	v1 =	vmin.u32 v2, $0x4E1FF;
	(pc) =	sbr.rel @p0 .LBB2_3-.Ltmp3, $3  }
0x37: {  	_ =	sdelay $0x1  }
0x38: {  	s16 =	sadd.s32 $0x10, s16  }
0x39: {  	vm1 =	vgt.s32 v0, $0x0;
	s15 =	sadd.s32 $0x10, s15;
	v2 =	vmov v0;
	(ifvalue) =	ssetifvalue $0x7FFFFFFF;
	v0 =	vld.msk [tilespmem:s16+$0x0 ss:$0x1], $0xffff  }
.Ltmp4:
0x3a: {  	_ = 	snop;
	(pc) =	sbr.rel .LBB2_4-.Ltmp4, $1  }
0x3b: {  	_ =	sdelay $0x3  }
.LBB2_6:
0x3c: {  	_ =	sfence.sel $0x180000  }
0x3d: {  	s2 =	simm.s32 $0x2;
	[bflag:$0x0] =	sbarrier.arrive $0xFFFF  }
0x3e: {  	s30 =	simm.s32 $0x3;
	[sflag:s2] =	ssyncpa.u1 $0x1  }
0x3f: {  	s31 =	simm.s32 $0x1;
	[sflag:s30] =	ssyncpa.u1 $0x1  }
0x40: {  	[sflag:s31] =	ssyncpa.u1 $0x1  }
0x41: {  	p0 =	sne.s32 s1, $0x0;
	_ =	strace $0x90000047  }
0x42: {  	s0 =	sadd.s32 @!p0 $0x100000, s0;
	[bflag:$0x2] =	sbarrier.arrive $0xFFFF  }
0x43: {  	[sflag:s0] =	ssyncadd.tile.s32 @!p0 $0x1;
	_ =	shalt  }
.Lfunc_end2:
_tile_overlayer_lowered:
.L_overlay_start_2:
0x44: {  	(tag) =	ssettag $0x2  }
0x45: {  	s0 =	rddreg [dreg:$0x0];
	s2 =	stileid.u32  }
0x46: {  	s1 =	rddreg [dreg:$0x1];
	p0 =	sne.s32 s2, $0x0  }
0x47: {  	s3 =	rddreg [dreg:$0x2];
	[bflag:$0x3] =	sbarrier.arrive $0xFFFF;
	s2 =	simm.s32 @!p0 $0x1C01  }
0x48: {  	[timem:s3], [sflag:s2] =	dma.local @!p0 [hbm:s0], s1  }
0x49: {  	s0 =	simm.s32 @!p0 $0x1  }
0x4a: {  	_ =	swait.ge @!p0 [sflag:s0], s1  }
0x4b: {  	s1 =	ssub.s32 @!p0 $0x0, s1;
	[sflag:s0] =	ssyncset.done @!p0 $0x0  }
0x4c: {  	[sflag:s0] =	ssyncadd.s32 @!p0 s1  }
0x4d: {  	[bflag:$0x3] =	sbarrier.arrive $0xFFFF  }
0x4e: {  	_ =	shalt  }

// kernel: gather_offload_async_start
scs
__scs_entry_jumppad:
0x0: {  	(pc) =	sbr.rel $0x88, $3  }
0x1: {  	(tag) =	ssettag $0x0;
	lr =	simm.s32 $0x1  }
0x2: {  	[smem:$0x3F93] =	sst lr;
	_ =	strace $0xD0000000  }
0x3: {  	_ = 	snop  }
0x4: {  	_ = 	snop  }
0x5: {  	_ = 	snop  }
0x6: {  	_ = 	snop  }
0x7: {  	_ = 	snop  }
__scs_overlays_trampoline_lowered:
0x8: {  	[smem:$0x3FA2] =	sst s0  }
0x9: {  	[smem:$0x3FA3] =	sst s1  }
0xa: {  	[smem:$0x3FA4] =	sst s2  }
0xb: {  	[smem:$0x3FA5] =	sst s3  }
0xc: {  	[smem:$0x3FA6] =	sst s4  }
0xd: {  	[smem:$0x3FA7] =	sst s5  }
0xe: {  	[smem:$0x3FA8] =	sst s6  }
0xf: {  	[smem:$0x3FA9] =	sst s7  }
0x10: {  	[smem:$0x3FAA] =	sst s8  }
0x11: {  	[smem:$0x3FAB] =	sst s9;
	s0 =	simm.s32 @!p0 $0x0  }
0x12: {  	s1 =	sld [smem:$0x3F91];
	s0 =	simm.s32 @p0 $0x1  }
0x13: {  	[smem:$0x3FAC] =	sst s0;
	s0 =	simm.s32 @!p1 $0x0  }
0x14: {  	s2 =	sld [smem:$0x3F90];
	s0 =	simm.s32 @p1 $0x1  }
0x15: {  	[smem:$0x3FAD] =	sst s0;
	s0 =	simm.s32 @!p2 $0x0  }
0x16: {  	s3 =	sld [smem:$0x3FDB];
	s0 =	simm.s32 @p2 $0x1  }
0x17: {  	s4 =	simm.s32 $0x1BF5;
	[smem:$0x3FAF] =	sst s0  }
0x18: {  	s0 =	sld [smem:$0x3F92];
	_ =	swait.ge [sflag:s4], $0x0  }
0x19: {  	s7 =	sld [smem:$0x3F93]  }
0x1a: {  	s8 =	sadd.s32 $0xFFFFE003, lr  }
0x1b: {  	s9 =	sadd.s32 $0xFFFFFEF7, lr;
	s5 =	simm.s32 $0xFFFFFFFF;
	p2 =	slt.u32 s8, $0xFFFFF086  }
0x1c: {  	p1 =	slt.u32 s9, $0xF7A;
	s5 =	simm.s32 @!p2 $0x0  }
0x1d: {  	s5 =	simm.s32 @p1 $0x1;
	p0 =	seq.s32 s7, s2  }
0x1e: {  	s7 =	smul.u32 @!p0 $0xF7A, s2;
	p2 =	seq.s32 @!p0 s5, $0x0  }
0x1f: {  	s9 =	smul.u32 $0xF7A, s1;
	s8 =	simm.s32 @!p0 $0x1BF5;
	p2 =	por !p2, p0  }
0x20: {  	[sflag:s8] =	ssyncset.s32 @!p0 $0xFFFFF086;
	s6 =	sadd.s32 @!p0 s3, s7;
	s7 =	simm.s32 @!p0 $0x108  }
0x21: {  	s3 =	sadd.s32 s3, s9;
	s6 =	sadd.s32 @!p0 $0x88, s6;
	s7 =	simm.s32 @p2 $0x1082  }
0x22: {  	[simem:s7], [sflag:s8] =	dma.local @!p0 [hbm:s6], $0xF7A  }
0x23: {  	s9 =	sor.u32 $0xD0000000, s2;
	s6 =	simm.s32 $0x108;
	_ =	swait.ge @!p0 [sflag:s8], $0x0  }
0x24: {  	s3 =	sadd.s32 $0x88, s3;
	s6 =	simm.s32 @!p1 $0x1082;
	[sflag:s4] =	ssyncset.s32 $0xFFFFF086  }
0x25: {  	[simem:s6], [sflag:s4] =	dma.local [hbm:s3], $0xF7A  }
0x26: {  	[smem:$0x3F93] =	sst s1;
	(tag) =	ssettag s2;
	_ =	strace s9  }
0x27: {  	s1 =	sld [smem:$0x3FA3]  }
0x28: {  	s2 =	sld [smem:$0x3FA4]  }
0x29: {  	s4 =	sld [smem:$0x3FA6]  }
0x2a: {  	p0 =	seq.s32 s5, $0x0;
	s5 =	sld [smem:$0x3FA7]  }
0x2b: {  	s6 =	sld [smem:$0x3FA8]  }
0x2c: {  	s7 =	sld [smem:$0x3FA9]  }
0x2d: {  	s3 =	simm.s32 $0x108;
	s8 =	sld [smem:$0x3FAA]  }
0x2e: {  	s3 =	simm.s32 @!p0 $0x1082;
	s9 =	sld [smem:$0x3FAB]  }
0x2f: {  	lr =	sadd.s32 s0, s3;
	s0 =	sld [smem:$0x3FA2]  }
0x30: {  	s3 =	sld [smem:$0x3FA5]  }
0x31: {  	[smem:$0x3FAE] =	sst s10  }
0x32: {  	s10 =	sld [smem:$0x3FAC];
	_ =	sdelay $0x3  }
0x33: {  	p0 =	seq.s32 s10, $0x1;
	s10 =	sld [smem:$0x3FAE];
	_ =	sdelay $0x3  }
0x34: {  	[smem:$0x3FAE] =	sst s10  }
0x35: {  	s10 =	sld [smem:$0x3FAD];
	_ =	sdelay $0x3  }
0x36: {  	p1 =	seq.s32 s10, $0x1;
	s10 =	sld [smem:$0x3FAE];
	_ =	sdelay $0x3  }
0x37: {  	[smem:$0x3FAE] =	sst s10  }
0x38: {  	s10 =	sld [smem:$0x3FAF]  }
0x39: {  	_ = 	snop;
	(pc) =	sbr.ind lr, $3  }
0x3a: {  	_ = 	snop  }
0x3b: {  	_ = 	snop  }
0x3c: {  	p2 =	seq.s32 s10, $0x1;
	s10 =	sld [smem:$0x3FAE]  }
0x3d: {  	_ =	shalt  }
0x3e: {  	_ =	shalt  }
0x3f: {  	_ =	shalt  }
0x40: {  	_ =	shalt  }
0x41: {  	_ =	shalt  }
0x42: {  	_ =	shalt  }
0x43: {  	_ =	shalt  }
0x44: {  	_ =	shalt  }
0x45: {  	_ =	shalt  }
0x46: {  	_ =	shalt  }
0x47: {  	_ =	shalt  }
0x48: {  	_ =	shalt  }
0x49: {  	_ =	shalt  }
0x4a: {  	_ =	shalt  }
0x4b: {  	_ =	shalt  }
0x4c: {  	_ =	shalt  }
0x4d: {  	_ =	shalt  }
0x4e: {  	_ =	shalt  }
0x4f: {  	_ =	shalt  }
0x50: {  	_ =	shalt  }
0x51: {  	_ =	shalt  }
0x52: {  	_ =	shalt  }
0x53: {  	_ =	shalt  }
0x54: {  	_ =	shalt  }
0x55: {  	_ =	shalt  }
0x56: {  	_ =	shalt  }
0x57: {  	_ =	shalt  }
0x58: {  	_ =	shalt  }
0x59: {  	_ =	shalt  }
0x5a: {  	_ =	shalt  }
0x5b: {  	_ =	shalt  }
0x5c: {  	_ =	shalt  }
0x5d: {  	_ =	shalt  }
0x5e: {  	_ =	shalt  }
0x5f: {  	_ =	shalt  }
0x60: {  	_ =	shalt  }
0x61: {  	_ =	shalt  }
0x62: {  	_ =	shalt  }
0x63: {  	_ =	shalt  }
0x64: {  	_ =	shalt  }
0x65: {  	_ =	shalt  }
0x66: {  	_ =	shalt  }
0x67: {  	_ =	shalt  }
0x68: {  	_ =	shalt  }
0x69: {  	_ =	shalt  }
0x6a: {  	_ =	shalt  }
0x6b: {  	_ =	shalt  }
0x6c: {  	_ =	shalt  }
0x6d: {  	_ =	shalt  }
0x6e: {  	_ =	shalt  }
0x6f: {  	_ =	shalt  }
0x70: {  	_ =	shalt  }
0x71: {  	_ =	shalt  }
0x72: {  	_ =	shalt  }
0x73: {  	_ =	shalt  }
0x74: {  	_ =	shalt  }
0x75: {  	_ =	shalt  }
0x76: {  	_ =	shalt  }
0x77: {  	_ =	shalt  }
0x78: {  	_ =	shalt  }
0x79: {  	_ =	shalt  }
0x7a: {  	_ =	shalt  }
0x7b: {  	_ =	shalt  }
0x7c: {  	_ =	shalt  }
0x7d: {  	_ =	shalt  }
0x7e: {  	_ =	shalt  }
0x7f: {  	_ =	shalt  }
0x80: {  	_ =	shalt  }
0x81: {  	_ =	shalt  }
0x82: {  	_ =	shalt  }
0x83: {  	_ =	shalt  }
0x84: {  	_ =	shalt  }
0x85: {  	_ =	shalt  }
0x86: {  	_ =	shalt  }
0x87: {  	_ =	shalt  }
.Lfunc_end0:
.L_simem_size_0:
called_computation_lowered:
.L_overlay_start_0:
0x88: {  	s2 =	sld [smem:$0x3FD9]  }
0x89: {  	s3 =	sld [smem:$0x3FFE];
	_ =	sdelay $0x1  }
0x8a: {  	s1 =	srdreg.scid  }
0x8b: {  	s0 =	sand.u32 $0x1, s1  }
0x8c: {  	s16 =	sshll.u32 s0, $0xA;
	s2 =	sadd.s32 s3, s2  }
0x8d: {  	s2 =	sadd.s32 s2, s16  }
0x8e: {  	[smem:$0x3FBA] =	sst s2  }
0x8f: {  	_ = 	snop  }
0x90: {  	(tm) =	ssettm $0x1  }
0x91: {  	s17 =	sld [smem:$0x3FFB];
	_ =	sdelay $0x3  }
0x92: {  	_ =	strace s17  }
0x93: {  	s2 =	sld [smem:$0x3FFC];
	_ =	sdelay $0x3  }
0x94: {  	_ =	strace s2  }
0x95: {  	s2 =	sld [smem:$0x3FFD];
	_ =	sdelay $0x3  }
0x96: {  	_ =	strace s2  }
0x97: {  	_ =	strace $0x8FFFFFFF  }
0x98: {  	s18 =	sld [smem:$0x3FDB];
	_ =	sdelay $0x1  }
0x99: {  	s19 =	simm.s32 $_scs_section_size  }
0x9a: {  	s4 =	simm.s32 $_size__tile_overlayer_lowered;
	s5 =	simm.s32 $_tile_overlayer_lowered  }
0x9b: {  	s22 =	simm.s32 $0x1BFF;
	s21 =	sshll.u32 s5, $0x1;
	s2 =	sadd.s32 s19, s18  }
0x9c: {  	s6 =	simm.s32 $0x0;
	s20 =	sshll.u32 s4, $0x1;
	s4 =	sadd.s32 s21, s2  }
0x9d: {  	[timem:s6], [sflag:s22] =	dma.local [hbm:s4], s20  }
0x9e: {  	_ =	swait.ge [sflag:s22], s20  }
0x9f: {  	s3 =	ssub.s32 $0x0, s20;
	[sflag:s22] =	ssyncset.done $0x0  }
0xa0: {  	[sflag:s22] =	ssyncadd.s32 s3;
	_ =	sdelay $0x1  }
0xa1: {  	s23 =	simm.s32 $0x1B8B  }
0xa2: {  	_ =	swait.ge [sflag:s23], $0x1  }
0xa3: {  	[sflag:s23] =	ssyncset.done $0x0  }
0xa4: {  	s25 =	simm.s32 $0x1B8E;
	s24 =	sld [smem:$0x3FFE];
	[sflag:s23] =	ssyncadd.s32 $0xFFFFFFFF  }
0xa5: {  	s26 =	simm.s32 $execute0_lowered;
	[smem:$0x3FD2] =	sst s25  }
0xa6: {  	s4 =	sshll.u32 s26, $0x1;
	_ =	strace $0x80000049;
	[dreg:$0x1] =	wrdreg $0xFFFFFFFF  }
0xa7: {  	s28 =	simm.s32 $_size_execute0_lowered;
	s2 =	sadd.s32 s2, s4;
	[dreg:$0x0] =	wrdreg $0x0  }
0xa8: {  	s4 =	sshll.u32 s28, $0x1;
	[dreg:$0x2] =	wrdreg s2  }
0xa9: {  	[dreg:$0x3] =	wrdreg s4  }
0xaa: {  	[dreg:$0x4] =	wrdreg $0xC0  }
0xab: {  	_ =	task [dreg:s6], $0x5FFFF  }
0xac: {  	[dreg:$0x1] =	wrdreg $0xFFFFFFFF  }
0xad: {  	[dreg:$0x0] =	wrdreg $0x60  }
0xae: {  	[dreg:$0x2] =	wrdreg s24  }
0xaf: {  	[dreg:$0x3] =	wrdreg $0x9  }
0xb0: {  	_ =	task.clear_ibuf [dreg:s6], $0x4FFFF;
	_ =	strace $0x90000049  }
0xb1: {  	s29 =	simm.s32 $0x9;
	_ =	strace $0x8000004B  }
0xb2: {  	_ =	swait.ge [sflag:s29], $0x1  }
0xb3: {  	[sflag:s29] =	ssyncadd.s32 $0xFFFFFFFF  }
0xb4: {  	_ =	strace $0x9000004B  }
0xb5: {  	_ =	sfence  }
0xb6: {  	s30 =	sld [smem:$0x0];
	_ =	sdelay $0x2  }
0xb7: {  	s31 =	sshll.u32 s1, $0xD;
	s1 =	sshrl.u32 s1, $0x2  }
0xb8: {  	s3 =	sand.u32 $0x4000, s31;
	s1 =	sadd.s32 s1, s30  }
0xb9: {  	s0 =	sor.u32 s3, s0;
	s1 =	sshll.u32 s1, $0x11  }
0xba: {  	s0 =	sor.u32 s1, s0  }
0xbb: {  	s0 =	sadd.s32 $0x8F2B, s0  }
0xbc: {  	[sflag:s0] =	ssyncadd.remote.s32 $0x1  }
0xbd: {  	_ =	sfence.sel $0xFFFF  }
0xbe: {  	[dreg:$0x0] =	wrdreg $0xFFFFFFFF;
	(pc) =	sbr.abs _section_cstart, $3  }
0xbf: {  	[dreg:$0x1] =	wrdreg $0xFFFFFFFF  }
0xc0: {  	_ =	task.clear_ibuf [dreg:s6], $0x2FFFF;
	_ =	strace $0x9FFFFFFF  }
0xc1: {  	(tm) =	ssettm $0x7FFFFFFF  }
tec
execute0_lowered:
.L_overlay_start_1:
0x0: {  	(tag) =	ssettag $0x1  }
0x1: {  	s8 =	rddreg [dreg:$0x0]  }
0x2: {  	s0 =	rddreg [dreg:$0x1];
	_ =	strace $0x8000004A;
	s1 =	stileid.u32  }
0x3: {  	s3 =	srdreg.scid;
	s4 =	simm.s32 $0x1;
	s7 =	simm.s32 $0x1  }
0x4: {  	s9 =	simm.s32 $0x1;
	s10 =	simm.s32 $0x3;
	s13 =	simm.s32 $0x0  }
0x5: {  	s12 =	simm.s32 $0x0;
	s5 =	sand.u32 $0x1, s3;
	s6 =	sshll.u32 s1, $0x1  }
0x6: {  	s2 =	sadd.s32 $0x5C00, s8;
	s3 =	sadd.s32 $0x19800, s8;
	s5 =	sor.u32 s6, s5  }
.Ltmp0:
0x7: {  	[sflag:s4] =	ssyncpa.u1 $0x0;
	p0 =	slt.u32 s5, $0x9;
	(pc) =	sbr.rel .LBB2_1-.Ltmp0, $4  }
0x8: {  	s6 =	simm.s32 $0x2;
	s7 =	simm.s32 @!p0 $0x0;
	p0 =	sne.s32 s5, $0x8  }
0x9: {  	[sflag:s6] =	ssyncpa.u1 $0x0;
	s5 =	smul.u32 $0x1F40, s5;
	s9 =	simm.s32 @!p0 $0x0  }
0xa: {  	s8 =	sadd.s32 $0xFA00, s8;
	[sflag:s10] =	ssyncpa.u1 $0x0;
	s7 =	sadd.s32 s9, s7  }
0xb: {  	vm0 =	vmmov $0xffff;
	s10 =	simm.s32 $0x0;
	s11 =	smov.u32 s5;
	s9 =	sadd.s32 $0x1, s7  }
.LBB2_4:
0xc: {  	v2 =	vnsel vm1, $0x0, v2  }
0xd: {  	vm1 =	vgt.s32 v0, $0x0;
	v2 =	vmin.u32 v2, $0x4E1FF  }
0xe: {  	v0 =	vnsel vm1, $0x0, v0  }
0xf: {  	v0 =	vmin.u32 v0, $0x4E1FF  }
0x10: {  	[tilespmem:s18], [sflag:$0x1] =	stream.indirect_vreg.gather [hbm4b:s2+s10], $0x1, v1, vm0, $0x4038;
	[tilespmem:$0x7D00] =	vst v63  }
0x11: {  	(ifvalue) =	ssetifvalue $0x7FFFFFFF  }
0x12: {  	[tilespmem:s15], [sflag:$0x1] =	stream.indirect_vreg.gather [hbm4b:s2+s10], $0x1, v2, vm0, $0x4038;
	[tilespmem:$0x7D00] =	vst v63  }
0x13: {  	s29 =	sadd.s32 $0x10, s15;
	(ifvalue) =	ssetifvalue $0x7FFFFFFF  }
0x14: {  	[tilespmem:s29], [sflag:$0x1] =	stream.indirect_vreg.gather [hbm4b:s2+s10], $0x1, v0, vm0, $0x4038;
	[tilespmem:$0x7D00] =	vst v63  }
0x15: {  	_ =	swait.ge [sflag:s4], $0x1F40  }
0x16: {  	s30 =	sshrl.u32 s13, $0x3;
	[sflag:s4] =	ssyncset.done $0x0  }
0x17: {  	s31 =	sand.u32 $0x7, s13;
	s15 =	sadd.s32 s8, s30;
	[sflag:s4] =	ssyncadd.s32 $0xFFFFE0C0  }
0x18: {  	[hbm4b:s15+s31] =	stream.linear.scatter [tilespmem:s14], [sflag:$0x3], $0x1F40, $0x38;
	[tilespmem:$0x7D00] =	vst v63  }
.LBB2_5:
0x19: {  	s15 =	sadd.s32 $0x3E800, s11  }
0x1a: {  	p1 =	sgt.s32 s15, $0x4E1FF  }
0x1b: {  	s15 =	smov.u32 @p1 s5;
	p1 =	sne.s32 s12, s9  }
.Ltmp1:
0x1c: {  	p0 =	slt.u32 s12, $0x2;
	(pc) =	sbr.rel @!p1 .LBB2_6-.Ltmp1, $4  }
0x1d: {  	s14 =	simm.s32 @!p0 $0x3  }
0x1e: {  	_ =	swait.ge @!p0 [sflag:s14], $0x1F40  }
0x1f: {  	s16 =	sadd.s32 $0x1, s12;
	s13 =	smov.u32 s11;
	[sflag:s14] =	ssyncset.done @!p0 $0x0  }
0x20: {  	s12 =	smov.u32 s16;
	s11 =	smov.u32 s15;
	[sflag:s14] =	ssyncadd.s32 @!p0 $0xFFFFE0C0  }
.LBB2_1:
0x21: {  	p0 =	sge.u32 s12, s7  }
0x22: {  	s14 =	sxor.u32 @!p0 $0x1, s12  }
0x23: {  	s14 =	smul.u32 @!p0 $0x7D00, s14  }
0x24: {  	s31 =	sadd.s32 $0xFFFFFFFF, s12;
	s15 =	sshrl.u32 @!p0 s11, $0x3  }
0x25: {  	s16 =	sand.u32 @!p0 $0x7, s11;
	s15 =	sadd.s32 @!p0 s3, s15;
	s14 =	sshra.s32 @!p0 s14, $0x2  }
0x26: {  	[tilespmem:s14], [sflag:$0x2] =	stream.linear.gather @!p0 [hbm4b:s15+s16], $0x1F40, $0x38;
	[tilespmem:$0x7D00] =	vst v63  }
0x27: {  	p0 =	sge.u32 s31, s7  }
.Ltmp2:
0x28: {  	_ = 	snop;
	(pc) =	sbr.rel @p0 .LBB2_5-.Ltmp2, $1  }
0x29: {  	_ =	sdelay $0x3  }
0x2a: {  	s14 =	sand.u32 $0x1, s12  }
0x2b: {  	_ =	swait.ge [sflag:s6], $0x1F40;
	p0 =	seq.s32 s14, $0x1;
	s14 =	simm.s32 $0x1F40  }
0x2c: {  	[sflag:s6] =	ssyncset.done $0x0;
	s14 =	simm.s32 @!p0 $0x0  }
0x2d: {  	[sflag:s6] =	ssyncadd.s32 $0xFFFFE0C0;
	(ifvalue) =	ssetifvalue $0x7FFFFFFF;
	v0 =	vld.msk [tilespmem:s14+$0x0 ss:$0x1], $0xffff;
	_ =	sdelay $0x4  }
0x2e: {  	s15 =	sadd.s32 $0x10, s14;
	vm1 =	vgt.s32 v0, $0x0  }
0x2f: {  	v2 =	vld.msk [tilespmem:s15+$0x0 ss:$0x1], $0xffff;
	v1 =	vnsel vm1, $0x0, v0  }
0x30: {  	v1 =	vmin.u32 v1, $0x4E1FF;
	_ =	sdelay $0x2  }
0x31: {  	s17 =	simm.s32 $0x20;
	s14 =	sadd.s32 $0x3E80, s14;
	s16 =	sadd.s32 $0x10, s15  }
0x32: {  	s15 =	sadd.s32 $0x10, s14;
	s18 =	smov.u32 s14;
	v0 =	vld.msk [tilespmem:s16+$0x0 ss:$0x1], $0xffff;
	vm1 =	vgt.s32 v2, $0x0;
	(ifvalue) =	ssetifvalue $0x7FFFFFFF  }
.LBB2_3:
0x33: {  	[tilespmem:s18], [sflag:$0x1] =	stream.indirect_vreg.gather [hbm4b:s2+s10], $0x1, v1, vm0, $0x4038;
	[tilespmem:$0x7D00] =	vst v63  }
0x34: {  	s17 =	sadd.s32 $0x10, s17  }
0x35: {  	v2 =	vnsel vm1, $0x0, v2;
	p0 =	slt.u32 s17, $0x1F30  }
.Ltmp3:
0x36: {  	s18 =	smov.u32 s15;
	v1 =	vmin.u32 v2, $0x4E1FF;
	(pc) =	sbr.rel @p0 .LBB2_3-.Ltmp3, $3  }
0x37: {  	_ =	sdelay $0x1  }
0x38: {  	s16 =	sadd.s32 $0x10, s16  }
0x39: {  	vm1 =	vgt.s32 v0, $0x0;
	s15 =	sadd.s32 $0x10, s15;
	v2 =	vmov v0;
	(ifvalue) =	ssetifvalue $0x7FFFFFFF;
	v0 =	vld.msk [tilespmem:s16+$0x0 ss:$0x1], $0xffff  }
.Ltmp4:
0x3a: {  	_ = 	snop;
	(pc) =	sbr.rel .LBB2_4-.Ltmp4, $1  }
0x3b: {  	_ =	sdelay $0x3  }
.LBB2_6:
0x3c: {  	_ =	sfence.sel $0x180000  }
0x3d: {  	s2 =	simm.s32 $0x2;
	[bflag:$0x0] =	sbarrier.arrive $0xFFFF  }
0x3e: {  	s30 =	simm.s32 $0x3;
	[sflag:s2] =	ssyncpa.u1 $0x1  }
0x3f: {  	s31 =	simm.s32 $0x1;
	[sflag:s30] =	ssyncpa.u1 $0x1  }
0x40: {  	[sflag:s31] =	ssyncpa.u1 $0x1  }
0x41: {  	p0 =	sne.s32 s1, $0x0;
	_ =	strace $0x9000004A  }
0x42: {  	s0 =	sadd.s32 @!p0 $0x100000, s0;
	[bflag:$0x2] =	sbarrier.arrive $0xFFFF  }
0x43: {  	[sflag:s0] =	ssyncadd.tile.s32 @!p0 $0x1;
	_ =	shalt  }
.Lfunc_end2:
_tile_overlayer_lowered:
.L_overlay_start_2:
0x44: {  	(tag) =	ssettag $0x2  }
0x45: {  	s0 =	rddreg [dreg:$0x0];
	s2 =	stileid.u32  }
0x46: {  	s1 =	rddreg [dreg:$0x1];
	p0 =	sne.s32 s2, $0x0  }
0x47: {  	s3 =	rddreg [dreg:$0x2];
	[bflag:$0x3] =	sbarrier.arrive $0xFFFF;
	s2 =	simm.s32 @!p0 $0x1C01  }
0x48: {  	[timem:s3], [sflag:s2] =	dma.local @!p0 [hbm:s0], s1  }
0x49: {  	s0 =	simm.s32 @!p0 $0x1  }
0x4a: {  	_ =	swait.ge @!p0 [sflag:s0], s1  }
0x4b: {  	s1 =	ssub.s32 @!p0 $0x0, s1;
	[sflag:s0] =	ssyncset.done @!p0 $0x0  }
0x4c: {  	[sflag:s0] =	ssyncadd.s32 @!p0 s1  }
0x4d: {  	[bflag:$0x3] =	sbarrier.arrive $0xFFFF  }
0x4e: {  	_ =	shalt  }

// kernel: kernel.19.cloned.1.call-start
scs
__scs_entry_jumppad:
0x0: {  	(pc) =	sbr.rel $0x88, $3  }
0x1: {  	(tag) =	ssettag $0x0;
	lr =	simm.s32 $0x1  }
0x2: {  	[smem:$0x3F93] =	sst lr;
	_ =	strace $0xD0000000  }
0x3: {  	_ = 	snop  }
0x4: {  	_ = 	snop  }
0x5: {  	_ = 	snop  }
0x6: {  	_ = 	snop  }
0x7: {  	_ = 	snop  }
__scs_overlays_trampoline_lowered:
0x8: {  	[smem:$0x3FA2] =	sst s0  }
0x9: {  	[smem:$0x3FA3] =	sst s1  }
0xa: {  	[smem:$0x3FA4] =	sst s2  }
0xb: {  	[smem:$0x3FA5] =	sst s3  }
0xc: {  	[smem:$0x3FA6] =	sst s4  }
0xd: {  	[smem:$0x3FA7] =	sst s5  }
0xe: {  	[smem:$0x3FA8] =	sst s6  }
0xf: {  	[smem:$0x3FA9] =	sst s7  }
0x10: {  	[smem:$0x3FAA] =	sst s8  }
0x11: {  	[smem:$0x3FAB] =	sst s9;
	s0 =	simm.s32 @!p0 $0x0  }
0x12: {  	s1 =	sld [smem:$0x3F91];
	s0 =	simm.s32 @p0 $0x1  }
0x13: {  	[smem:$0x3FAC] =	sst s0;
	s0 =	simm.s32 @!p1 $0x0  }
0x14: {  	s2 =	sld [smem:$0x3F90];
	s0 =	simm.s32 @p1 $0x1  }
0x15: {  	[smem:$0x3FAD] =	sst s0;
	s0 =	simm.s32 @!p2 $0x0  }
0x16: {  	s3 =	sld [smem:$0x3FDB];
	s0 =	simm.s32 @p2 $0x1  }
0x17: {  	s4 =	simm.s32 $0x1BF5;
	[smem:$0x3FAF] =	sst s0  }
0x18: {  	s0 =	sld [smem:$0x3F92];
	_ =	swait.ge [sflag:s4], $0x0  }
0x19: {  	s7 =	sld [smem:$0x3F93]  }
0x1a: {  	s8 =	sadd.s32 $0xFFFFE003, lr  }
0x1b: {  	s9 =	sadd.s32 $0xFFFFFEF7, lr;
	s5 =	simm.s32 $0xFFFFFFFF;
	p2 =	slt.u32 s8, $0xFFFFF086  }
0x1c: {  	p1 =	slt.u32 s9, $0xF7A;
	s5 =	simm.s32 @!p2 $0x0  }
0x1d: {  	s5 =	simm.s32 @p1 $0x1;
	p0 =	seq.s32 s7, s2  }
0x1e: {  	s7 =	smul.u32 @!p0 $0xF7A, s2;
	p2 =	seq.s32 @!p0 s5, $0x0  }
0x1f: {  	s9 =	smul.u32 $0xF7A, s1;
	s8 =	simm.s32 @!p0 $0x1BF5;
	p2 =	por !p2, p0  }
0x20: {  	[sflag:s8] =	ssyncset.s32 @!p0 $0xFFFFF086;
	s6 =	sadd.s32 @!p0 s3, s7;
	s7 =	simm.s32 @!p0 $0x108  }
0x21: {  	s3 =	sadd.s32 s3, s9;
	s6 =	sadd.s32 @!p0 $0x88, s6;
	s7 =	simm.s32 @p2 $0x1082  }
0x22: {  	[simem:s7], [sflag:s8] =	dma.local @!p0 [hbm:s6], $0xF7A  }
0x23: {  	s9 =	sor.u32 $0xD0000000, s2;
	s6 =	simm.s32 $0x108;
	_ =	swait.ge @!p0 [sflag:s8], $0x0  }
0x24: {  	s3 =	sadd.s32 $0x88, s3;
	s6 =	simm.s32 @!p1 $0x1082;
	[sflag:s4] =	ssyncset.s32 $0xFFFFF086  }
0x25: {  	[simem:s6], [sflag:s4] =	dma.local [hbm:s3], $0xF7A  }
0x26: {  	[smem:$0x3F93] =	sst s1;
	(tag) =	ssettag s2;
	_ =	strace s9  }
0x27: {  	s1 =	sld [smem:$0x3FA3]  }
0x28: {  	s2 =	sld [smem:$0x3FA4]  }
0x29: {  	s4 =	sld [smem:$0x3FA6]  }
0x2a: {  	p0 =	seq.s32 s5, $0x0;
	s5 =	sld [smem:$0x3FA7]  }
0x2b: {  	s6 =	sld [smem:$0x3FA8]  }
0x2c: {  	s7 =	sld [smem:$0x3FA9]  }
0x2d: {  	s3 =	simm.s32 $0x108;
	s8 =	sld [smem:$0x3FAA]  }
0x2e: {  	s3 =	simm.s32 @!p0 $0x1082;
	s9 =	sld [smem:$0x3FAB]  }
0x2f: {  	lr =	sadd.s32 s0, s3;
	s0 =	sld [smem:$0x3FA2]  }
0x30: {  	s3 =	sld [smem:$0x3FA5]  }
0x31: {  	[smem:$0x3FAE] =	sst s10  }
0x32: {  	s10 =	sld [smem:$0x3FAC];
	_ =	sdelay $0x3  }
0x33: {  	p0 =	seq.s32 s10, $0x1;
	s10 =	sld [smem:$0x3FAE];
	_ =	sdelay $0x3  }
0x34: {  	[smem:$0x3FAE] =	sst s10  }
0x35: {  	s10 =	sld [smem:$0x3FAD];
	_ =	sdelay $0x3  }
0x36: {  	p1 =	seq.s32 s10, $0x1;
	s10 =	sld [smem:$0x3FAE];
	_ =	sdelay $0x3  }
0x37: {  	[smem:$0x3FAE] =	sst s10  }
0x38: {  	s10 =	sld [smem:$0x3FAF]  }
0x39: {  	_ = 	snop;
	(pc) =	sbr.ind lr, $3  }
0x3a: {  	_ = 	snop  }
0x3b: {  	_ = 	snop  }
0x3c: {  	p2 =	seq.s32 s10, $0x1;
	s10 =	sld [smem:$0x3FAE]  }
0x3d: {  	_ =	shalt  }
0x3e: {  	_ =	shalt  }
0x3f: {  	_ =	shalt  }
0x40: {  	_ =	shalt  }
0x41: {  	_ =	shalt  }
0x42: {  	_ =	shalt  }
0x43: {  	_ =	shalt  }
0x44: {  	_ =	shalt  }
0x45: {  	_ =	shalt  }
0x46: {  	_ =	shalt  }
0x47: {  	_ =	shalt  }
0x48: {  	_ =	shalt  }
0x49: {  	_ =	shalt  }
0x4a: {  	_ =	shalt  }
0x4b: {  	_ =	shalt  }
0x4c: {  	_ =	shalt  }
0x4d: {  	_ =	shalt  }
0x4e: {  	_ =	shalt  }
0x4f: {  	_ =	shalt  }
0x50: {  	_ =	shalt  }
0x51: {  	_ =	shalt  }
0x52: {  	_ =	shalt  }
0x53: {  	_ =	shalt  }
0x54: {  	_ =	shalt  }
0x55: {  	_ =	shalt  }
0x56: {  	_ =	shalt  }
0x57: {  	_ =	shalt  }
0x58: {  	_ =	shalt  }
0x59: {  	_ =	shalt  }
0x5a: {  	_ =	shalt  }
0x5b: {  	_ =	shalt  }
0x5c: {  	_ =	shalt  }
0x5d: {  	_ =	shalt  }
0x5e: {  	_ =	shalt  }
0x5f: {  	_ =	shalt  }
0x60: {  	_ =	shalt  }
0x61: {  	_ =	shalt  }
0x62: {  	_ =	shalt  }
0x63: {  	_ =	shalt  }
0x64: {  	_ =	shalt  }
0x65: {  	_ =	shalt  }
0x66: {  	_ =	shalt  }
0x67: {  	_ =	shalt  }
0x68: {  	_ =	shalt  }
0x69: {  	_ =	shalt  }
0x6a: {  	_ =	shalt  }
0x6b: {  	_ =	shalt  }
0x6c: {  	_ =	shalt  }
0x6d: {  	_ =	shalt  }
0x6e: {  	_ =	shalt  }
0x6f: {  	_ =	shalt  }
0x70: {  	_ =	shalt  }
0x71: {  	_ =	shalt  }
0x72: {  	_ =	shalt  }
0x73: {  	_ =	shalt  }
0x74: {  	_ =	shalt  }
0x75: {  	_ =	shalt  }
0x76: {  	_ =	shalt  }
0x77: {  	_ =	shalt  }
0x78: {  	_ =	shalt  }
0x79: {  	_ =	shalt  }
0x7a: {  	_ =	shalt  }
0x7b: {  	_ =	shalt  }
0x7c: {  	_ =	shalt  }
0x7d: {  	_ =	shalt  }
0x7e: {  	_ =	shalt  }
0x7f: {  	_ =	shalt  }
0x80: {  	_ =	shalt  }
0x81: {  	_ =	shalt  }
0x82: {  	_ =	shalt  }
0x83: {  	_ =	shalt  }
0x84: {  	_ =	shalt  }
0x85: {  	_ =	shalt  }
0x86: {  	_ =	shalt  }
0x87: {  	_ =	shalt  }
.Lfunc_end0:
.L_simem_size_0:
called_computation.2_lowered:
.L_overlay_start_0:
0x88: {  	s2 =	sld [smem:$0x3FD9]  }
0x89: {  	s3 =	sld [smem:$0x3FFE];
	_ =	sdelay $0x1  }
0x8a: {  	s1 =	srdreg.scid  }
0x8b: {  	s0 =	sand.u32 $0x1, s1  }
0x8c: {  	s17 =	sshll.u32 s0, $0xA;
	s2 =	sadd.s32 s3, s2  }
0x8d: {  	s2 =	sadd.s32 s2, s17  }
0x8e: {  	[smem:$0x3FBA] =	sst s2  }
0x8f: {  	_ = 	snop  }
0x90: {  	(tm) =	ssettm $0x1  }
0x91: {  	s18 =	sld [smem:$0x3FFB];
	_ =	sdelay $0x3  }
0x92: {  	_ =	strace s18  }
0x93: {  	s2 =	sld [smem:$0x3FFC];
	_ =	sdelay $0x3  }
0x94: {  	_ =	strace s2  }
0x95: {  	s2 =	sld [smem:$0x3FFD];
	_ =	sdelay $0x3  }
0x96: {  	_ =	strace s2  }
0x97: {  	_ =	strace $0x8FFFFFFF  }
0x98: {  	s19 =	sld [smem:$0x3FDB];
	_ =	sdelay $0x1  }
0x99: {  	s20 =	simm.s32 $_scs_section_size  }
0x9a: {  	s4 =	simm.s32 $_size__tile_overlayer_lowered;
	s5 =	simm.s32 $_tile_overlayer_lowered  }
0x9b: {  	s6 =	simm.s32 $0x1BFF;
	s21 =	sshll.u32 s5, $0x1;
	s3 =	sadd.s32 s20, s19  }
0x9c: {  	s22 =	simm.s32 $0x0;
	s4 =	sshll.u32 s4, $0x1;
	s5 =	sadd.s32 s21, s3  }
0x9d: {  	[timem:s22], [sflag:s6] =	dma.local [hbm:s5], s4  }
0x9e: {  	_ =	swait.ge [sflag:s6], s4  }
0x9f: {  	s4 =	ssub.s32 $0x0, s4;
	[sflag:s6] =	ssyncset.done $0x0  }
0xa0: {  	[sflag:s6] =	ssyncadd.s32 s4;
	_ =	sdelay $0x1  }
0xa1: {  	s23 =	simm.s32 $0x1B8B  }
0xa2: {  	_ =	swait.ge [sflag:s23], $0x1  }
0xa3: {  	[sflag:s23] =	ssyncset.done $0x0  }
0xa4: {  	[sflag:s23] =	ssyncadd.s32 $0xFFFFFFFF  }
0xa5: {  	s4 =	sld [smem:$0x0]  }
0xa6: {  	s5 =	sand.u32 $0xFFFFFFFE, s1  }
0xa7: {  	p0 =	sne.s32 s1, s5  }
0xa8: {  	s5 =	sshll.u32 @p0 s5, $0xE  }
0xa9: {  	s5 =	sadd.s32 @p0 $0x11B8D, s5;
	s6 =	sshll.u32 @p0 s4, $0x11  }
0xaa: {  	s5 =	sor.u32 @p0 s6, s5  }
0xab: {  	[sflag:s5] =	ssyncadd.remote.s32 @p0 $0x1;
	_ =	sdelay $0x1  }
0xac: {  	s5 =	simm.s32 @p0 $0x1B8D  }
0xad: {  	_ =	swait.eq @p0 [sflag:s5], $0x1  }
0xae: {  	[sflag:s5] =	ssyncadd.s32 @p0 $0xFFFFFFFF  }
0xaf: {  	s6 =	sshll.u32 @!p0 s1, $0xE  }
0xb0: {  	s6 =	sor.u32 @!p0 $0x4000, s6;
	s5 =	simm.s32 @!p0 $0x1B8D  }
0xb1: {  	s4 =	sshll.u32 @!p0 s4, $0x11;
	s6 =	sadd.s32 @!p0 $0x11B8D, s6;
	_ =	swait.eq @!p0 [sflag:s5], $0x1  }
0xb2: {  	s4 =	sor.u32 @!p0 s4, s6;
	[sflag:s5] =	ssyncadd.s32 @!p0 $0xFFFFFFFF  }
0xb3: {  	s25 =	simm.s32 $0x1B8E;
	s24 =	sld [smem:$0x3FFE];
	[sflag:s4] =	ssyncadd.remote.s32 @!p0 $0x1  }
0xb4: {  	s26 =	simm.s32 $execute0_lowered;
	[smem:$0x3FD2] =	sst s25  }
0xb5: {  	s5 =	sshll.u32 s26, $0x1;
	_ =	strace $0x8000004F;
	[dreg:$0x1] =	wrdreg $0xFFFFFFFF  }
0xb6: {  	s28 =	simm.s32 $_size_execute0_lowered;
	s3 =	sadd.s32 s3, s5;
	[dreg:$0x0] =	wrdreg $0x0  }
0xb7: {  	s5 =	sshll.u32 s28, $0x1;
	[dreg:$0x2] =	wrdreg s3  }
0xb8: {  	[dreg:$0x3] =	wrdreg s5  }
0xb9: {  	[dreg:$0x4] =	wrdreg $0xC0  }
0xba: {  	_ =	task [dreg:s22], $0x5FFFF  }
0xbb: {  	[dreg:$0x1] =	wrdreg $0xFFFFFFFF  }
0xbc: {  	[dreg:$0x0] =	wrdreg $0x60  }
0xbd: {  	[dreg:$0x2] =	wrdreg s24  }
0xbe: {  	[dreg:$0x3] =	wrdreg $0x58000  }
0xbf: {  	[dreg:$0x4] =	wrdreg $0x9  }
0xc0: {  	_ =	task.clear_ibuf [dreg:s22], $0x5FFFF;
	_ =	strace $0x9000004F  }
0xc1: {  	s29 =	simm.s32 $0x9;
	_ =	strace $0x80000051  }
0xc2: {  	_ =	swait.ge [sflag:s29], $0x1  }
0xc3: {  	[sflag:s29] =	ssyncadd.s32 $0xFFFFFFFF  }
0xc4: {  	_ =	strace $0x90000051  }
0xc5: {  	_ =	sfence  }
0xc6: {  	s30 =	sld [smem:$0x0];
	_ =	sdelay $0x2  }
0xc7: {  	s31 =	sshll.u32 s1, $0xD;
	s1 =	sshrl.u32 s1, $0x2  }
0xc8: {  	s4 =	sand.u32 $0x4000, s31;
	s1 =	sadd.s32 s1, s30  }
0xc9: {  	s0 =	sor.u32 s4, s0;
	s1 =	sshll.u32 s1, $0x11  }
0xca: {  	s0 =	sor.u32 s1, s0  }
0xcb: {  	s0 =	sadd.s32 $0x8F2B, s0  }
0xcc: {  	[sflag:s0] =	ssyncadd.remote.s32 $0x1  }
0xcd: {  	_ =	sfence.sel $0xFFFF  }
0xce: {  	[dreg:$0x0] =	wrdreg $0xFFFFFFFF;
	(pc) =	sbr.abs _section_cstart, $3  }
0xcf: {  	[dreg:$0x1] =	wrdreg $0xFFFFFFFF  }
0xd0: {  	_ =	task.clear_ibuf [dreg:s22], $0x2FFFF;
	_ =	strace $0x9FFFFFFF  }
0xd1: {  	(tm) =	ssettm $0x7FFFFFFF  }
tec
execute0_lowered:
.L_overlay_start_1:
0x0: {  	(tag) =	ssettag $0x1  }
0x1: {  	s0 =	srdreg.scid;
	s6 =	rddreg [dreg:$0x0]  }
0x2: {  	s2 =	rddreg [dreg:$0x1];
	s3 =	simm.s32 $0x0;
	s14 =	simm.s32 $0x1800  }
0x3: {  	s15 =	simm.s32 $0x2;
	s16 =	simm.s32 $0xC00;
	s5 =	sand.u32 $0x1, s0  }
0x4: {  	s17 =	simm.s32 $0x80;
	s0 =	stileid.u32;
	s8 =	smul.u32 $0x140000, s5  }
0x5: {  	s18 =	simm.s32 $0x1;
	[smem:$0x7FF] =	sst s3;
	s9 =	smul.u32 $0x14000, s0  }
0x6: {  	s4 =	sadd.s32 $0x29C00, s6;
	s1 =	sshll.u32 s5, $0x4;
	s10 =	smul.u32 $0x50000, s0  }
0x7: {  	s29 =	ssub.s32 $0x2, s5;
	s19 =	sshll.u32 s0, $0x6;
	s1 =	sor.u32 s0, s1  }
0x8: {  	s31 =	sshrl.u32 s29, $0x1;
	s19 =	sor.u32 $0x1C02, s19;
	s7 =	smul.u32 $0x180, s1  }
0x9: {  	s1 =	rddreg [dreg:$0x2];
	_ =	strace $0x80000050;
	s30 =	sshrl.u32 s10, $0x2  }
0xa: {  	s28 =	sadd.s32 s9, s8;
	s13 =	ssub.s32 s29, s31;
	s5 =	sadd.s32 s30, s2  }
0xb: {  	s13 =	smax.u32 s13, $0x1;
	s11 =	sadd.s32 s7, s6;
	s7 =	sshrl.u32 s28, $0x3  }
0xc: {  	s8 =	sadd.s32 $0xC000, s5;
	s9 =	sadd.s32 $0x10000, s5;
	s20 =	sshrl.u32 s5, $0x3  }
0xd: {  	s12 =	sadd.s32 s7, s6;
	s6 =	sadd.s32 $0x4000, s5;
	s7 =	sadd.s32 $0x8000, s5  }
0xe: {  	v0 =	vimm.f32 $0.0e+00;
	s10 =	sadd.s32 $0x23C00, s11;
	s11 =	sadd.s32 $0x26C00, s11;
	s12 =	sadd.s32 $0x3D600, s12  }
.LBB2_1:
0xf: {  	s21 =	simm.s32 $0x0;
	s22 =	simm.s32 $0x200  }
.LBB2_2:
0x10: {  	p0 =	sne.s32 s22, $0xFE00;
	[tilespmem:s21+$0x1870] =	vst v0  }
0x11: {  	[tilespmem:s21+$0x1800] =	vst v0  }
0x12: {  	[tilespmem:s21+$0x1810] =	vst v0  }
.Ltmp0:
0x13: {  	[tilespmem:s21+$0x1820] =	vst v0;
	(pc) =	sbr.rel @p0 .LBB2_2-.Ltmp0, $4  }
0x14: {  	[tilespmem:s21+$0x1830] =	vst v0  }
0x15: {  	[tilespmem:s21+$0x1840] =	vst v0  }
0x16: {  	[tilespmem:s21+$0x1850] =	vst v0  }
0x17: {  	[tilespmem:s21+$0x1860] =	vst v0;
	s21 =	sshra.s32 s22, $0x2;
	s22 =	sadd.s32 $0x200, s22  }
0x18: {  	[tilespmem:s21+$0x1870] =	vst v0  }
0x19: {  	[tilespmem:s21+$0x1800] =	vst v0  }
0x1a: {  	[tilespmem:s21+$0x1810] =	vst v0  }
0x1b: {  	[tilespmem:s21+$0x1820] =	vst v0  }
0x1c: {  	[tilespmem:s21+$0x1830] =	vst v0  }
0x1d: {  	[tilespmem:s21+$0x1840] =	vst v0  }
0x1e: {  	[tilespmem:s21+$0x1850] =	vst v0  }
0x1f: {  	[tilespmem:s21+$0x1860] =	vst v0  }
0x20: {  	[spmem:s5] =	stream.linear.scatter [tilespmem:s14], [sflag:$0x2], $0x4000, $0x38;
	[tilespmem:$0x19800] =	vst v63  }
0x21: {  	_ =	swait.ge [sflag:s15], $0x4000  }
0x22: {  	[sflag:s15] =	ssyncset.done $0x0  }
0x23: {  	[sflag:s15] =	ssyncadd.s32 $0xFFFFC000  }
0x24: {  	[spmem:s6] =	stream.linear.scatter [tilespmem:s14], [sflag:$0x2], $0x4000, $0x38;
	[tilespmem:$0x19800] =	vst v63  }
0x25: {  	_ =	swait.ge [sflag:s15], $0x4000  }
0x26: {  	[sflag:s15] =	ssyncset.done $0x0  }
0x27: {  	[sflag:s15] =	ssyncadd.s32 $0xFFFFC000  }
0x28: {  	[spmem:s7] =	stream.linear.scatter [tilespmem:s14], [sflag:$0x2], $0x4000, $0x38;
	[tilespmem:$0x19800] =	vst v63  }
0x29: {  	_ =	swait.ge [sflag:s15], $0x4000  }
0x2a: {  	[sflag:s15] =	ssyncset.done $0x0  }
0x2b: {  	[sflag:s15] =	ssyncadd.s32 $0xFFFFC000  }
0x2c: {  	[spmem:s8] =	stream.linear.scatter [tilespmem:s14], [sflag:$0x2], $0x4000, $0x38;
	[tilespmem:$0x19800] =	vst v63  }
0x2d: {  	_ =	swait.ge [sflag:s15], $0x4000  }
0x2e: {  	[sflag:s15] =	ssyncset.done $0x0  }
0x2f: {  	[sflag:s15] =	ssyncadd.s32 $0xFFFFC000  }
0x30: {  	[spmem:s9] =	stream.linear.scatter [tilespmem:s14], [sflag:$0x2], $0x4000, $0x38;
	[tilespmem:$0x19800] =	vst v63  }
0x31: {  	_ =	swait.ge [sflag:s15], $0x4000  }
0x32: {  	[sflag:s15] =	ssyncset.done $0x0  }
0x33: {  	[sflag:s15] =	ssyncadd.s32 $0xFFFFC000  }
0x34: {  	s29 =	simm.s32 $0x0;
	[bflag:$0x0] =	sbarrier.arrive $0xFFFF  }
0x35: {  	[tilespmem:s29], [sflag:$0x2] =	stream.linear.gather [hbm4b:s10+s29], $0xB80, $0x38;
	[tilespmem:$0x19800] =	vst v63  }
0x36: {  	_ =	swait.ge [sflag:s15], $0xB80  }
0x37: {  	[sflag:s15] =	ssyncset.done $0x0  }
0x38: {  	[sflag:s15] =	ssyncadd.s32 $0xFFFFF480  }
0x39: {  	[tilespmem:s16], [sflag:$0x2] =	stream.linear.gather [hbm4b:s11+s29], $0xB80, $0x38;
	[tilespmem:$0x19800] =	vst v63  }
0x3a: {  	_ =	swait.ge [sflag:s15], $0xB80  }
0x3b: {  	[sflag:s15] =	ssyncset.done $0x0  }
0x3c: {  	s30 =	simm.s32 $0x0;
	[sflag:s15] =	ssyncadd.s32 $0xFFFFF480  }
0x3d: {  	[tilespmem:s14], [sflag:$0x1] =	stream.indirect.gather [hbm4b:s4+s17], $0x80, s30, s17, $0xb8;
	[tilespmem:$0x19800] =	vst v63  }
0x3e: {  	_ =	swait.ge [sflag:s18], $0x4000  }
0x3f: {  	[sflag:s18] =	ssyncset.done $0x0  }
0x40: {  	s31 =	simm.s32 $0xC00;
	[sflag:s18] =	ssyncadd.s32 $0xFFFFC000  }
0x41: {  	[spmem:s2] =	stream.indirect.scatter.add.f32 [tilespmem:s14], [sflag:$0x2], $0x80, s31, s17, $0xb8;
	[tilespmem:$0x19800] =	vst v63  }
0x42: {  	_ =	swait.ge [sflag:s15], $0x4000  }
0x43: {  	s21 =	simm.s32 $0x200;
	s22 =	simm.s32 $0x400;
	[sflag:s15] =	ssyncset.done $0x0  }
.LBB2_4:
0x44: {  	s23 =	sshra.s32 s21, $0x2  }
0x45: {  	[sflag:s15] =	ssyncadd.s32 $0xFFFFC000;
	s21 =	smov.u32 s22;
	s24 =	sadd.s32 $0x200, s22  }
0x46: {  	[tilespmem:s14], [sflag:$0x1] =	stream.indirect.gather [hbm4b:s4+s17], $0x80, s23, s17, $0xb8;
	[tilespmem:$0x19800] =	vst v63  }
0x47: {  	p0 =	sne.s32 s22, $0x2C00;
	_ =	swait.ge [sflag:s18], $0x4000  }
.Ltmp1:
0x48: {  	[sflag:s18] =	ssyncset.done $0x0;
	(pc) =	sbr.rel @p0 .LBB2_4-.Ltmp1, $4  }
0x49: {  	s22 =	sadd.s32 $0xC00, s23;
	[sflag:s18] =	ssyncadd.s32 $0xFFFFC000  }
0x4a: {  	[spmem:s2] =	stream.indirect.scatter.add.f32 [tilespmem:s14], [sflag:$0x2], $0x80, s22, s17, $0xb8;
	[tilespmem:$0x19800] =	vst v63  }
0x4b: {  	_ =	swait.ge [sflag:s15], $0x4000  }
0x4c: {  	s22 =	smov.u32 s24;
	[sflag:s15] =	ssyncset.done $0x0  }
0x4d: {  	s21 =	sshra.s32 s21, $0x2;
	[sflag:s15] =	ssyncadd.s32 $0xFFFFC000  }
0x4e: {  	[tilespmem:s14], [sflag:$0x1] =	stream.indirect.gather [hbm4b:s4+s17], $0x80, s21, s17, $0xb8;
	[tilespmem:$0x19800] =	vst v63  }
0x4f: {  	_ =	swait.ge [sflag:s18], $0x4000  }
0x50: {  	[sflag:s18] =	ssyncset.done $0x0  }
0x51: {  	s21 =	sadd.s32 $0xC00, s21;
	[sflag:s18] =	ssyncadd.s32 $0xFFFFC000  }
0x52: {  	[spmem:s2] =	stream.indirect.scatter.add.f32 [tilespmem:s14], [sflag:$0x2], $0x80, s21, s17, $0xb8;
	[tilespmem:$0x19800] =	vst v63  }
0x53: {  	_ =	swait.ge [sflag:s15], $0x4000  }
0x54: {  	s3 =	sadd.s32 $0x1, s3;
	[sflag:s15] =	ssyncset.done $0x0  }
0x55: {  	p0 =	sne.s32 s3, s13;
	[sflag:s15] =	ssyncadd.s32 $0xFFFFC000  }
.Ltmp2:
0x56: {  	[bflag:$0x0] =	sbarrier.arrive $0xFFFF;
	(pc) =	sbr.rel @p0 .LBB2_1-.Ltmp2, $4  }
0x57: {  	[hbm:s12], [sflag:s19] =	dma.local [spmem:s20], $0x2800  }
0x58: {  	_ =	swait.ge [sflag:s15], $0x2800  }
0x59: {  	[sflag:s15] =	ssyncset.done $0x0  }
0x5a: {  	[sflag:s15] =	ssyncadd.s32 $0xFFFFD800  }
0x5b: {  	_ =	sfence.sel $0x180000  }
0x5c: {  	[bflag:$0x0] =	sbarrier.arrive $0xFFFF  }
0x5d: {  	p0 =	sne.s32 s0, $0x0;
	_ =	strace $0x90000050  }
0x5e: {  	s0 =	sadd.s32 @!p0 $0x100000, s1;
	[bflag:$0x2] =	sbarrier.arrive $0xFFFF  }
0x5f: {  	[sflag:s0] =	ssyncadd.tile.s32 @!p0 $0x1;
	_ =	shalt  }
.Lfunc_end2:
_tile_overlayer_lowered:
.L_overlay_start_2:
0x60: {  	(tag) =	ssettag $0x2  }
0x61: {  	s0 =	rddreg [dreg:$0x0];
	s2 =	stileid.u32  }
0x62: {  	s1 =	rddreg [dreg:$0x1];
	p0 =	sne.s32 s2, $0x0  }
0x63: {  	s3 =	rddreg [dreg:$0x2];
	[bflag:$0x3] =	sbarrier.arrive $0xFFFF;
	s2 =	simm.s32 @!p0 $0x1C02  }
0x64: {  	[timem:s3], [sflag:s2] =	dma.local @!p0 [hbm:s0], s1  }
0x65: {  	s0 =	simm.s32 @!p0 $0x2  }
0x66: {  	_ =	swait.ge @!p0 [sflag:s0], s1  }
0x67: {  	s1 =	ssub.s32 @!p0 $0x0, s1;
	[sflag:s0] =	ssyncset.done @!p0 $0x0  }
0x68: {  	[sflag:s0] =	ssyncadd.s32 @!p0 s1  }
0x69: {  	[bflag:$0x3] =	sbarrier.arrive $0xFFFF  }
0x6a: {  	_ =	shalt  }

// kernel: kernel.22.cloned.1.call-start
scs
__scs_entry_jumppad:
0x0: {  	(pc) =	sbr.rel $0x88, $3  }
0x1: {  	(tag) =	ssettag $0x0;
	lr =	simm.s32 $0x1  }
0x2: {  	[smem:$0x3F93] =	sst lr;
	_ =	strace $0xD0000000  }
0x3: {  	_ = 	snop  }
0x4: {  	_ = 	snop  }
0x5: {  	_ = 	snop  }
0x6: {  	_ = 	snop  }
0x7: {  	_ = 	snop  }
__scs_overlays_trampoline_lowered:
0x8: {  	[smem:$0x3FA2] =	sst s0  }
0x9: {  	[smem:$0x3FA3] =	sst s1  }
0xa: {  	[smem:$0x3FA4] =	sst s2  }
0xb: {  	[smem:$0x3FA5] =	sst s3  }
0xc: {  	[smem:$0x3FA6] =	sst s4  }
0xd: {  	[smem:$0x3FA7] =	sst s5  }
0xe: {  	[smem:$0x3FA8] =	sst s6  }
0xf: {  	[smem:$0x3FA9] =	sst s7  }
0x10: {  	[smem:$0x3FAA] =	sst s8  }
0x11: {  	[smem:$0x3FAB] =	sst s9;
	s0 =	simm.s32 @!p0 $0x0  }
0x12: {  	s1 =	sld [smem:$0x3F91];
	s0 =	simm.s32 @p0 $0x1  }
0x13: {  	[smem:$0x3FAC] =	sst s0;
	s0 =	simm.s32 @!p1 $0x0  }
0x14: {  	s2 =	sld [smem:$0x3F90];
	s0 =	simm.s32 @p1 $0x1  }
0x15: {  	[smem:$0x3FAD] =	sst s0;
	s0 =	simm.s32 @!p2 $0x0  }
0x16: {  	s3 =	sld [smem:$0x3FDB];
	s0 =	simm.s32 @p2 $0x1  }
0x17: {  	s4 =	simm.s32 $0x1BF5;
	[smem:$0x3FAF] =	sst s0  }
0x18: {  	s0 =	sld [smem:$0x3F92];
	_ =	swait.ge [sflag:s4], $0x0  }
0x19: {  	s7 =	sld [smem:$0x3F93]  }
0x1a: {  	s8 =	sadd.s32 $0xFFFFE003, lr  }
0x1b: {  	s9 =	sadd.s32 $0xFFFFFEF7, lr;
	s5 =	simm.s32 $0xFFFFFFFF;
	p2 =	slt.u32 s8, $0xFFFFF086  }
0x1c: {  	p1 =	slt.u32 s9, $0xF7A;
	s5 =	simm.s32 @!p2 $0x0  }
0x1d: {  	s5 =	simm.s32 @p1 $0x1;
	p0 =	seq.s32 s7, s2  }
0x1e: {  	s7 =	smul.u32 @!p0 $0xF7A, s2;
	p2 =	seq.s32 @!p0 s5, $0x0  }
0x1f: {  	s9 =	smul.u32 $0xF7A, s1;
	s8 =	simm.s32 @!p0 $0x1BF5;
	p2 =	por !p2, p0  }
0x20: {  	[sflag:s8] =	ssyncset.s32 @!p0 $0xFFFFF086;
	s6 =	sadd.s32 @!p0 s3, s7;
	s7 =	simm.s32 @!p0 $0x108  }
0x21: {  	s3 =	sadd.s32 s3, s9;
	s6 =	sadd.s32 @!p0 $0x88, s6;
	s7 =	simm.s32 @p2 $0x1082  }
0x22: {  	[simem:s7], [sflag:s8] =	dma.local @!p0 [hbm:s6], $0xF7A  }
0x23: {  	s9 =	sor.u32 $0xD0000000, s2;
	s6 =	simm.s32 $0x108;
	_ =	swait.ge @!p0 [sflag:s8], $0x0  }
0x24: {  	s3 =	sadd.s32 $0x88, s3;
	s6 =	simm.s32 @!p1 $0x1082;
	[sflag:s4] =	ssyncset.s32 $0xFFFFF086  }
0x25: {  	[simem:s6], [sflag:s4] =	dma.local [hbm:s3], $0xF7A  }
0x26: {  	[smem:$0x3F93] =	sst s1;
	(tag) =	ssettag s2;
	_ =	strace s9  }
0x27: {  	s1 =	sld [smem:$0x3FA3]  }
0x28: {  	s2 =	sld [smem:$0x3FA4]  }
0x29: {  	s4 =	sld [smem:$0x3FA6]  }
0x2a: {  	p0 =	seq.s32 s5, $0x0;
	s5 =	sld [smem:$0x3FA7]  }
0x2b: {  	s6 =	sld [smem:$0x3FA8]  }
0x2c: {  	s7 =	sld [smem:$0x3FA9]  }
0x2d: {  	s3 =	simm.s32 $0x108;
	s8 =	sld [smem:$0x3FAA]  }
0x2e: {  	s3 =	simm.s32 @!p0 $0x1082;
	s9 =	sld [smem:$0x3FAB]  }
0x2f: {  	lr =	sadd.s32 s0, s3;
	s0 =	sld [smem:$0x3FA2]  }
0x30: {  	s3 =	sld [smem:$0x3FA5]  }
0x31: {  	[smem:$0x3FAE] =	sst s10  }
0x32: {  	s10 =	sld [smem:$0x3FAC];
	_ =	sdelay $0x3  }
0x33: {  	p0 =	seq.s32 s10, $0x1;
	s10 =	sld [smem:$0x3FAE];
	_ =	sdelay $0x3  }
0x34: {  	[smem:$0x3FAE] =	sst s10  }
0x35: {  	s10 =	sld [smem:$0x3FAD];
	_ =	sdelay $0x3  }
0x36: {  	p1 =	seq.s32 s10, $0x1;
	s10 =	sld [smem:$0x3FAE];
	_ =	sdelay $0x3  }
0x37: {  	[smem:$0x3FAE] =	sst s10  }
0x38: {  	s10 =	sld [smem:$0x3FAF]  }
0x39: {  	_ = 	snop;
	(pc) =	sbr.ind lr, $3  }
0x3a: {  	_ = 	snop  }
0x3b: {  	_ = 	snop  }
0x3c: {  	p2 =	seq.s32 s10, $0x1;
	s10 =	sld [smem:$0x3FAE]  }
0x3d: {  	_ =	shalt  }
0x3e: {  	_ =	shalt  }
0x3f: {  	_ =	shalt  }
0x40: {  	_ =	shalt  }
0x41: {  	_ =	shalt  }
0x42: {  	_ =	shalt  }
0x43: {  	_ =	shalt  }
0x44: {  	_ =	shalt  }
0x45: {  	_ =	shalt  }
0x46: {  	_ =	shalt  }
0x47: {  	_ =	shalt  }
0x48: {  	_ =	shalt  }
0x49: {  	_ =	shalt  }
0x4a: {  	_ =	shalt  }
0x4b: {  	_ =	shalt  }
0x4c: {  	_ =	shalt  }
0x4d: {  	_ =	shalt  }
0x4e: {  	_ =	shalt  }
0x4f: {  	_ =	shalt  }
0x50: {  	_ =	shalt  }
0x51: {  	_ =	shalt  }
0x52: {  	_ =	shalt  }
0x53: {  	_ =	shalt  }
0x54: {  	_ =	shalt  }
0x55: {  	_ =	shalt  }
0x56: {  	_ =	shalt  }
0x57: {  	_ =	shalt  }
0x58: {  	_ =	shalt  }
0x59: {  	_ =	shalt  }
0x5a: {  	_ =	shalt  }
0x5b: {  	_ =	shalt  }
0x5c: {  	_ =	shalt  }
0x5d: {  	_ =	shalt  }
0x5e: {  	_ =	shalt  }
0x5f: {  	_ =	shalt  }
0x60: {  	_ =	shalt  }
0x61: {  	_ =	shalt  }
0x62: {  	_ =	shalt  }
0x63: {  	_ =	shalt  }
0x64: {  	_ =	shalt  }
0x65: {  	_ =	shalt  }
0x66: {  	_ =	shalt  }
0x67: {  	_ =	shalt  }
0x68: {  	_ =	shalt  }
0x69: {  	_ =	shalt  }
0x6a: {  	_ =	shalt  }
0x6b: {  	_ =	shalt  }
0x6c: {  	_ =	shalt  }
0x6d: {  	_ =	shalt  }
0x6e: {  	_ =	shalt  }
0x6f: {  	_ =	shalt  }
0x70: {  	_ =	shalt  }
0x71: {  	_ =	shalt  }
0x72: {  	_ =	shalt  }
0x73: {  	_ =	shalt  }
0x74: {  	_ =	shalt  }
0x75: {  	_ =	shalt  }
0x76: {  	_ =	shalt  }
0x77: {  	_ =	shalt  }
0x78: {  	_ =	shalt  }
0x79: {  	_ =	shalt  }
0x7a: {  	_ =	shalt  }
0x7b: {  	_ =	shalt  }
0x7c: {  	_ =	shalt  }
0x7d: {  	_ =	shalt  }
0x7e: {  	_ =	shalt  }
0x7f: {  	_ =	shalt  }
0x80: {  	_ =	shalt  }
0x81: {  	_ =	shalt  }
0x82: {  	_ =	shalt  }
0x83: {  	_ =	shalt  }
0x84: {  	_ =	shalt  }
0x85: {  	_ =	shalt  }
0x86: {  	_ =	shalt  }
0x87: {  	_ =	shalt  }
.Lfunc_end0:
.L_simem_size_0:
called_computation.3_lowered:
.L_overlay_start_0:
0x88: {  	s2 =	sld [smem:$0x3FD9]  }
0x89: {  	s3 =	sld [smem:$0x3FFE];
	_ =	sdelay $0x1  }
0x8a: {  	s1 =	srdreg.scid  }
0x8b: {  	s0 =	sand.u32 $0x1, s1  }
0x8c: {  	s16 =	sshll.u32 s0, $0xA;
	s2 =	sadd.s32 s3, s2  }
0x8d: {  	s2 =	sadd.s32 s2, s16  }
0x8e: {  	[smem:$0x3FBA] =	sst s2  }
0x8f: {  	_ = 	snop  }
0x90: {  	(tm) =	ssettm $0x1  }
0x91: {  	s17 =	sld [smem:$0x3FFB];
	_ =	sdelay $0x3  }
0x92: {  	_ =	strace s17  }
0x93: {  	s2 =	sld [smem:$0x3FFC];
	_ =	sdelay $0x3  }
0x94: {  	_ =	strace s2  }
0x95: {  	s2 =	sld [smem:$0x3FFD];
	_ =	sdelay $0x3  }
0x96: {  	_ =	strace s2  }
0x97: {  	_ =	strace $0x8FFFFFFF  }
0x98: {  	s18 =	sld [smem:$0x3FDB];
	_ =	sdelay $0x1  }
0x99: {  	s19 =	simm.s32 $_scs_section_size  }
0x9a: {  	s4 =	simm.s32 $_size__tile_overlayer_lowered;
	s5 =	simm.s32 $_tile_overlayer_lowered  }
0x9b: {  	s22 =	simm.s32 $0x1BFF;
	s21 =	sshll.u32 s5, $0x1;
	s2 =	sadd.s32 s19, s18  }
0x9c: {  	s6 =	simm.s32 $0x0;
	s20 =	sshll.u32 s4, $0x1;
	s4 =	sadd.s32 s21, s2  }
0x9d: {  	[timem:s6], [sflag:s22] =	dma.local [hbm:s4], s20  }
0x9e: {  	_ =	swait.ge [sflag:s22], s20  }
0x9f: {  	s3 =	ssub.s32 $0x0, s20;
	[sflag:s22] =	ssyncset.done $0x0  }
0xa0: {  	[sflag:s22] =	ssyncadd.s32 s3;
	_ =	sdelay $0x1  }
0xa1: {  	s23 =	simm.s32 $0x1B8B  }
0xa2: {  	_ =	swait.ge [sflag:s23], $0x1  }
0xa3: {  	[sflag:s23] =	ssyncset.done $0x0  }
0xa4: {  	s25 =	simm.s32 $0x1B8E;
	s24 =	sld [smem:$0x3FFE];
	[sflag:s23] =	ssyncadd.s32 $0xFFFFFFFF  }
0xa5: {  	s26 =	simm.s32 $execute0_lowered;
	[smem:$0x3FD2] =	sst s25  }
0xa6: {  	s4 =	sshll.u32 s26, $0x1;
	_ =	strace $0x8000004C;
	[dreg:$0x1] =	wrdreg $0xFFFFFFFF  }
0xa7: {  	s28 =	simm.s32 $_size_execute0_lowered;
	s2 =	sadd.s32 s2, s4;
	[dreg:$0x0] =	wrdreg $0x0  }
0xa8: {  	s4 =	sshll.u32 s28, $0x1;
	[dreg:$0x2] =	wrdreg s2  }
0xa9: {  	[dreg:$0x3] =	wrdreg s4  }
0xaa: {  	[dreg:$0x4] =	wrdreg $0xC0  }
0xab: {  	_ =	task [dreg:s6], $0x5FFFF  }
0xac: {  	[dreg:$0x1] =	wrdreg $0xFFFFFFFF  }
0xad: {  	[dreg:$0x0] =	wrdreg $0x60  }
0xae: {  	[dreg:$0x2] =	wrdreg s24  }
0xaf: {  	[dreg:$0x3] =	wrdreg $0xA  }
0xb0: {  	_ =	task.clear_ibuf [dreg:s6], $0x4FFFF;
	_ =	strace $0x9000004C  }
0xb1: {  	s29 =	simm.s32 $0xA;
	_ =	strace $0x8000004E  }
0xb2: {  	_ =	swait.ge [sflag:s29], $0x1  }
0xb3: {  	[sflag:s29] =	ssyncadd.s32 $0xFFFFFFFF  }
0xb4: {  	_ =	strace $0x9000004E  }
0xb5: {  	_ =	sfence  }
0xb6: {  	s30 =	sld [smem:$0x0];
	_ =	sdelay $0x2  }
0xb7: {  	s31 =	sshll.u32 s1, $0xD;
	s1 =	sshrl.u32 s1, $0x2  }
0xb8: {  	s3 =	sand.u32 $0x4000, s31;
	s1 =	sadd.s32 s1, s30  }
0xb9: {  	s0 =	sor.u32 s3, s0;
	s1 =	sshll.u32 s1, $0x11  }
0xba: {  	s0 =	sor.u32 s1, s0  }
0xbb: {  	s0 =	sadd.s32 $0x8F2B, s0  }
0xbc: {  	[sflag:s0] =	ssyncadd.remote.s32 $0x1  }
0xbd: {  	_ =	sfence.sel $0xFFFF  }
0xbe: {  	[dreg:$0x0] =	wrdreg $0xFFFFFFFF;
	(pc) =	sbr.abs _section_cstart, $3  }
0xbf: {  	[dreg:$0x1] =	wrdreg $0xFFFFFFFF  }
0xc0: {  	_ =	task.clear_ibuf [dreg:s6], $0x2FFFF;
	_ =	strace $0x9FFFFFFF  }
0xc1: {  	(tm) =	ssettm $0x7FFFFFFF  }
tec
execute0_lowered:
.L_overlay_start_1:
0x0: {  	(tag) =	ssettag $0x1  }
0x1: {  	s0 =	srdreg.scid  }
0x2: {  	s4 =	rddreg [dreg:$0x0];
	s2 =	simm.s32 $0x0;
	s3 =	sand.u32 $0x1, s0  }
0x3: {  	s8 =	simm.s32 $0x2800;
	s0 =	stileid.u32;
	s1 =	sshll.u32 s3, $0x4  }
0x4: {  	s9 =	simm.s32 $0x5000;
	s10 =	simm.s32 $0x80;
	s5 =	sor.u32 s0, s1  }
0x5: {  	s11 =	simm.s32 $0x400;
	[smem:$0x7FF] =	sst s2;
	s6 =	sshrl.u32 s5, $0x3  }
0x6: {  	s7 =	sshll.u32 s0, $0x7;
	s3 =	ssub.s32 $0x2, s3;
	s6 =	smul.u32 $0x28000, s6  }
0x7: {  	s1 =	rddreg [dreg:$0x1];
	s7 =	sand.u32 $0x380, s7;
	s5 =	smul.u32 $0x500, s5  }
0x8: {  	_ =	strace $0x8000004D;
	s31 =	sshrl.u32 s3, $0x1;
	s6 =	sor.u32 s7, s6  }
0x9: {  	s5 =	sadd.s32 s5, s4;
	s7 =	ssub.s32 s3, s31;
	s6 =	sshrl.u32 s6, $0x3  }
0xa: {  	s3 =	sadd.s32 $0x5C00, s5;
	s6 =	sadd.s32 s6, s4;
	s4 =	sadd.s32 $0x33600, s5  }
0xb: {  	v0 =	vimm.f32 $0.0e+00;
	v1 =	vimm.f32 $1.000000000e+00;
	s5 =	sadd.s32 $0xFC00, s6;
	s6 =	smax.u32 s7, $0x1;
	s7 =	simm.s32 $0x1  }
.LBB2_1:
0xc: {  	s12 =	simm.s32 $0x40;
	s13 =	simm.s32 $0x0  }
.LBB2_2:
0xd: {  	p0 =	sne.s32 s12, $0x13FC0;
	[tilespmem:s13+$0x5000] =	vst v0;
	s13 =	smov.u32 s12;
	s12 =	sadd.s32 $0x40, s12  }
.Ltmp0:
0xe: {  	(pc) =	sbr.rel @p0 .LBB2_2-.Ltmp0, $2  }
0xf: {  	_ =	sdelay $0x2  }
0x10: {  	s13 =	sshra.s32 s13, $0x2  }
0x11: {  	[tilespmem:s13+$0x5000] =	vst v0;
	s12 =	simm.s32 $0x0  }
0x12: {  	[tilespmem:s12], [sflag:$0x1] =	stream.linear.gather [hbm4b:s3+s12], $0x2780, $0x38;
	[tilespmem:$0xA000] =	vst v63  }
0x13: {  	_ =	swait.ge [sflag:s7], $0x2780  }
0x14: {  	[sflag:s7] =	ssyncset.done $0x0  }
0x15: {  	[sflag:s7] =	ssyncadd.s32 $0xFFFFD880  }
0x16: {  	[tilespmem:s8], [sflag:$0x1] =	stream.linear.gather [hbm4b:s4+s12], $0x2780, $0x38;
	[tilespmem:$0xA000] =	vst v63  }
0x17: {  	_ =	swait.ge [sflag:s7], $0x2780  }
0x18: {  	[sflag:s7] =	ssyncset.done $0x0  }
0x19: {  	[sflag:s7] =	ssyncadd.s32 $0xFFFFD880  }
.LBB2_4:
0x1a: {  	s13 =	sshra.s32 s12, $0x2  }
0x1b: {  	v2 =	vld [tilespmem:s13+$0x0];
	_ =	sdelay $0x7  }
0x1c: {  	[tilespmem:v2+s9+$0x0] =	vst.idx.add.f32.msk $0xffff, v1  }
0x1d: {  	v2 =	vld [tilespmem:s13+$0x2800];
	_ =	sdelay $0x4  }
0x1e: {  	v2 =	vadd.s32 $0x2800, v2;
	_ =	sdelay $0x4  }
0x1f: {  	[tilespmem:v2+s9+$0x0] =	vst.idx.add.f32.msk $0xffff, v1  }
0x20: {  	v2 =	vld [tilespmem:s13+$0x10];
	_ =	sdelay $0x7  }
0x21: {  	[tilespmem:v2+s9+$0x0] =	vst.idx.add.f32.msk $0xffff, v1  }
0x22: {  	v2 =	vld [tilespmem:s13+$0x2810];
	_ =	sdelay $0x4  }
0x23: {  	v2 =	vadd.s32 $0x2800, v2;
	_ =	sdelay $0x4  }
0x24: {  	[tilespmem:v2+s9+$0x0] =	vst.idx.add.f32.msk $0xffff, v1  }
0x25: {  	v2 =	vld [tilespmem:s13+$0x20];
	_ =	sdelay $0x7  }
0x26: {  	[tilespmem:v2+s9+$0x0] =	vst.idx.add.f32.msk $0xffff, v1  }
0x27: {  	v2 =	vld [tilespmem:s13+$0x2820];
	_ =	sdelay $0x4  }
0x28: {  	v2 =	vadd.s32 $0x2800, v2;
	_ =	sdelay $0x4  }
0x29: {  	[tilespmem:v2+s9+$0x0] =	vst.idx.add.f32.msk $0xffff, v1  }
0x2a: {  	v2 =	vld [tilespmem:s13+$0x30];
	_ =	sdelay $0x7  }
0x2b: {  	[tilespmem:v2+s9+$0x0] =	vst.idx.add.f32.msk $0xffff, v1  }
0x2c: {  	v2 =	vld [tilespmem:s13+$0x2830];
	_ =	sdelay $0x4  }
0x2d: {  	v2 =	vadd.s32 $0x2800, v2;
	_ =	sdelay $0x4  }
0x2e: {  	[tilespmem:v2+s9+$0x0] =	vst.idx.add.f32.msk $0xffff, v1  }
0x2f: {  	v2 =	vld [tilespmem:s13+$0x40];
	_ =	sdelay $0x7  }
0x30: {  	[tilespmem:v2+s9+$0x0] =	vst.idx.add.f32.msk $0xffff, v1  }
0x31: {  	v2 =	vld [tilespmem:s13+$0x2840];
	_ =	sdelay $0x4  }
0x32: {  	v2 =	vadd.s32 $0x2800, v2;
	_ =	sdelay $0x4  }
0x33: {  	[tilespmem:v2+s9+$0x0] =	vst.idx.add.f32.msk $0xffff, v1  }
0x34: {  	v2 =	vld [tilespmem:s13+$0x50];
	_ =	sdelay $0x7  }
0x35: {  	[tilespmem:v2+s9+$0x0] =	vst.idx.add.f32.msk $0xffff, v1  }
0x36: {  	v2 =	vld [tilespmem:s13+$0x2850];
	_ =	sdelay $0x4  }
0x37: {  	v2 =	vadd.s32 $0x2800, v2;
	_ =	sdelay $0x4  }
0x38: {  	[tilespmem:v2+s9+$0x0] =	vst.idx.add.f32.msk $0xffff, v1  }
0x39: {  	v2 =	vld [tilespmem:s13+$0x60];
	_ =	sdelay $0x7  }
0x3a: {  	[tilespmem:v2+s9+$0x0] =	vst.idx.add.f32.msk $0xffff, v1  }
0x3b: {  	v2 =	vld [tilespmem:s13+$0x2860];
	_ =	sdelay $0x4  }
0x3c: {  	v2 =	vadd.s32 $0x2800, v2;
	_ =	sdelay $0x4  }
0x3d: {  	[tilespmem:v2+s9+$0x0] =	vst.idx.add.f32.msk $0xffff, v1  }
0x3e: {  	v2 =	vld [tilespmem:s13+$0x70];
	_ =	sdelay $0x7  }
0x3f: {  	[tilespmem:v2+s9+$0x0] =	vst.idx.add.f32.msk $0xffff, v1  }
0x40: {  	v2 =	vld [tilespmem:s13+$0x2870];
	_ =	sdelay $0x4  }
0x41: {  	p0 =	sne.s32 s12, $0x9C00;
	v2 =	vadd.s32 $0x2800, v2  }
.Ltmp1:
0x42: {  	_ = 	snop;
	(pc) =	sbr.rel @p0 .LBB2_4-.Ltmp1, $2  }
0x43: {  	_ =	sdelay $0x2  }
0x44: {  	s12 =	sadd.s32 $0x200, s12;
	[tilespmem:v2+s9+$0x0] =	vst.idx.add.f32.msk $0xffff, v1  }
0x45: {  	s2 =	sadd.s32 $0x1, s2  }
0x46: {  	p0 =	sne.s32 s2, s6  }
.Ltmp2:
0x47: {  	_ = 	snop;
	(pc) =	sbr.rel @p0 .LBB2_1-.Ltmp2, $4  }
0x48: {  	[hbm4b:s5+s10] =	stream.strided.scatter [tilespmem:s9], [sflag:$0x1], $0x5000, s11, s10, $0x38;
	[tilespmem:$0xA000] =	vst v63  }
0x49: {  	_ =	swait.ge [sflag:s7], $0x5000  }
0x4a: {  	[sflag:s7] =	ssyncset.done $0x0  }
0x4b: {  	[sflag:s7] =	ssyncadd.s32 $0xFFFFB000  }
0x4c: {  	_ =	sfence.sel $0x180000  }
0x4d: {  	[bflag:$0x0] =	sbarrier.arrive $0xFFFF  }
0x4e: {  	p0 =	sne.s32 s0, $0x0;
	_ =	strace $0x9000004D  }
0x4f: {  	s0 =	sadd.s32 @!p0 $0x100000, s1;
	[bflag:$0x2] =	sbarrier.arrive $0xFFFF  }
0x50: {  	[sflag:s0] =	ssyncadd.tile.s32 @!p0 $0x1;
	_ =	shalt  }
.Lfunc_end2:
_tile_overlayer_lowered:
.L_overlay_start_2:
0x51: {  	(tag) =	ssettag $0x2  }
0x52: {  	s0 =	rddreg [dreg:$0x0];
	s2 =	stileid.u32  }
0x53: {  	s1 =	rddreg [dreg:$0x1];
	p0 =	sne.s32 s2, $0x0  }
0x54: {  	s3 =	rddreg [dreg:$0x2];
	[bflag:$0x3] =	sbarrier.arrive $0xFFFF;
	s2 =	simm.s32 @!p0 $0x1C01  }
0x55: {  	[timem:s3], [sflag:s2] =	dma.local @!p0 [hbm:s0], s1  }
0x56: {  	s0 =	simm.s32 @!p0 $0x1  }
0x57: {  	_ =	swait.ge @!p0 [sflag:s0], s1  }
0x58: {  	s1 =	ssub.s32 @!p0 $0x0, s1;
	[sflag:s0] =	ssyncset.done @!p0 $0x0  }
0x59: {  	[sflag:s0] =	ssyncadd.s32 @!p0 s1  }
0x5a: {  	[bflag:$0x3] =	sbarrier.arrive $0xFFFF  }
0x5b: {  	_ =	shalt  }

// kernel: kernel.25.cloned.1.call-start
scs
__scs_entry_jumppad:
0x0: {  	(pc) =	sbr.rel $0x88, $3  }
0x1: {  	(tag) =	ssettag $0x0;
	lr =	simm.s32 $0x1  }
0x2: {  	[smem:$0x3F93] =	sst lr;
	_ =	strace $0xD0000000  }
0x3: {  	_ = 	snop  }
0x4: {  	_ = 	snop  }
0x5: {  	_ = 	snop  }
0x6: {  	_ = 	snop  }
0x7: {  	_ = 	snop  }
__scs_overlays_trampoline_lowered:
0x8: {  	[smem:$0x3FA2] =	sst s0  }
0x9: {  	[smem:$0x3FA3] =	sst s1  }
0xa: {  	[smem:$0x3FA4] =	sst s2  }
0xb: {  	[smem:$0x3FA5] =	sst s3  }
0xc: {  	[smem:$0x3FA6] =	sst s4  }
0xd: {  	[smem:$0x3FA7] =	sst s5  }
0xe: {  	[smem:$0x3FA8] =	sst s6  }
0xf: {  	[smem:$0x3FA9] =	sst s7  }
0x10: {  	[smem:$0x3FAA] =	sst s8  }
0x11: {  	[smem:$0x3FAB] =	sst s9;
	s0 =	simm.s32 @!p0 $0x0  }
0x12: {  	s1 =	sld [smem:$0x3F91];
	s0 =	simm.s32 @p0 $0x1  }
0x13: {  	[smem:$0x3FAC] =	sst s0;
	s0 =	simm.s32 @!p1 $0x0  }
0x14: {  	s2 =	sld [smem:$0x3F90];
	s0 =	simm.s32 @p1 $0x1  }
0x15: {  	[smem:$0x3FAD] =	sst s0;
	s0 =	simm.s32 @!p2 $0x0  }
0x16: {  	s3 =	sld [smem:$0x3FDB];
	s0 =	simm.s32 @p2 $0x1  }
0x17: {  	s4 =	simm.s32 $0x1BF5;
	[smem:$0x3FAF] =	sst s0  }
0x18: {  	s0 =	sld [smem:$0x3F92];
	_ =	swait.ge [sflag:s4], $0x0  }
0x19: {  	s7 =	sld [smem:$0x3F93]  }
0x1a: {  	s8 =	sadd.s32 $0xFFFFE003, lr  }
0x1b: {  	s9 =	sadd.s32 $0xFFFFFEF7, lr;
	s5 =	simm.s32 $0xFFFFFFFF;
	p2 =	slt.u32 s8, $0xFFFFF086  }
0x1c: {  	p1 =	slt.u32 s9, $0xF7A;
	s5 =	simm.s32 @!p2 $0x0  }
0x1d: {  	s5 =	simm.s32 @p1 $0x1;
	p0 =	seq.s32 s7, s2  }
0x1e: {  	s7 =	smul.u32 @!p0 $0xF7A, s2;
	p2 =	seq.s32 @!p0 s5, $0x0  }
0x1f: {  	s9 =	smul.u32 $0xF7A, s1;
	s8 =	simm.s32 @!p0 $0x1BF5;
	p2 =	por !p2, p0  }
0x20: {  	[sflag:s8] =	ssyncset.s32 @!p0 $0xFFFFF086;
	s6 =	sadd.s32 @!p0 s3, s7;
	s7 =	simm.s32 @!p0 $0x108  }
0x21: {  	s3 =	sadd.s32 s3, s9;
	s6 =	sadd.s32 @!p0 $0x88, s6;
	s7 =	simm.s32 @p2 $0x1082  }
0x22: {  	[simem:s7], [sflag:s8] =	dma.local @!p0 [hbm:s6], $0xF7A  }
0x23: {  	s9 =	sor.u32 $0xD0000000, s2;
	s6 =	simm.s32 $0x108;
	_ =	swait.ge @!p0 [sflag:s8], $0x0  }
0x24: {  	s3 =	sadd.s32 $0x88, s3;
	s6 =	simm.s32 @!p1 $0x1082;
	[sflag:s4] =	ssyncset.s32 $0xFFFFF086  }
0x25: {  	[simem:s6], [sflag:s4] =	dma.local [hbm:s3], $0xF7A  }
0x26: {  	[smem:$0x3F93] =	sst s1;
	(tag) =	ssettag s2;
	_ =	strace s9  }
0x27: {  	s1 =	sld [smem:$0x3FA3]  }
0x28: {  	s2 =	sld [smem:$0x3FA4]  }
0x29: {  	s4 =	sld [smem:$0x3FA6]  }
0x2a: {  	p0 =	seq.s32 s5, $0x0;
	s5 =	sld [smem:$0x3FA7]  }
0x2b: {  	s6 =	sld [smem:$0x3FA8]  }
0x2c: {  	s7 =	sld [smem:$0x3FA9]  }
0x2d: {  	s3 =	simm.s32 $0x108;
	s8 =	sld [smem:$0x3FAA]  }
0x2e: {  	s3 =	simm.s32 @!p0 $0x1082;
	s9 =	sld [smem:$0x3FAB]  }
0x2f: {  	lr =	sadd.s32 s0, s3;
	s0 =	sld [smem:$0x3FA2]  }
0x30: {  	s3 =	sld [smem:$0x3FA5]  }
0x31: {  	[smem:$0x3FAE] =	sst s10  }
0x32: {  	s10 =	sld [smem:$0x3FAC];
	_ =	sdelay $0x3  }
0x33: {  	p0 =	seq.s32 s10, $0x1;
	s10 =	sld [smem:$0x3FAE];
	_ =	sdelay $0x3  }
0x34: {  	[smem:$0x3FAE] =	sst s10  }
0x35: {  	s10 =	sld [smem:$0x3FAD];
	_ =	sdelay $0x3  }
0x36: {  	p1 =	seq.s32 s10, $0x1;
	s10 =	sld [smem:$0x3FAE];
	_ =	sdelay $0x3  }
0x37: {  	[smem:$0x3FAE] =	sst s10  }
0x38: {  	s10 =	sld [smem:$0x3FAF]  }
0x39: {  	_ = 	snop;
	(pc) =	sbr.ind lr, $3  }
0x3a: {  	_ = 	snop  }
0x3b: {  	_ = 	snop  }
0x3c: {  	p2 =	seq.s32 s10, $0x1;
	s10 =	sld [smem:$0x3FAE]  }
0x3d: {  	_ =	shalt  }
0x3e: {  	_ =	shalt  }
0x3f: {  	_ =	shalt  }
0x40: {  	_ =	shalt  }
0x41: {  	_ =	shalt  }
0x42: {  	_ =	shalt  }
0x43: {  	_ =	shalt  }
0x44: {  	_ =	shalt  }
0x45: {  	_ =	shalt  }
0x46: {  	_ =	shalt  }
0x47: {  	_ =	shalt  }
0x48: {  	_ =	shalt  }
0x49: {  	_ =	shalt  }
0x4a: {  	_ =	shalt  }
0x4b: {  	_ =	shalt  }
0x4c: {  	_ =	shalt  }
0x4d: {  	_ =	shalt  }
0x4e: {  	_ =	shalt  }
0x4f: {  	_ =	shalt  }
0x50: {  	_ =	shalt  }
0x51: {  	_ =	shalt  }
0x52: {  	_ =	shalt  }
0x53: {  	_ =	shalt  }
0x54: {  	_ =	shalt  }
0x55: {  	_ =	shalt  }
0x56: {  	_ =	shalt  }
0x57: {  	_ =	shalt  }
0x58: {  	_ =	shalt  }
0x59: {  	_ =	shalt  }
0x5a: {  	_ =	shalt  }
0x5b: {  	_ =	shalt  }
0x5c: {  	_ =	shalt  }
0x5d: {  	_ =	shalt  }
0x5e: {  	_ =	shalt  }
0x5f: {  	_ =	shalt  }
0x60: {  	_ =	shalt  }
0x61: {  	_ =	shalt  }
0x62: {  	_ =	shalt  }
0x63: {  	_ =	shalt  }
0x64: {  	_ =	shalt  }
0x65: {  	_ =	shalt  }
0x66: {  	_ =	shalt  }
0x67: {  	_ =	shalt  }
0x68: {  	_ =	shalt  }
0x69: {  	_ =	shalt  }
0x6a: {  	_ =	shalt  }
0x6b: {  	_ =	shalt  }
0x6c: {  	_ =	shalt  }
0x6d: {  	_ =	shalt  }
0x6e: {  	_ =	shalt  }
0x6f: {  	_ =	shalt  }
0x70: {  	_ =	shalt  }
0x71: {  	_ =	shalt  }
0x72: {  	_ =	shalt  }
0x73: {  	_ =	shalt  }
0x74: {  	_ =	shalt  }
0x75: {  	_ =	shalt  }
0x76: {  	_ =	shalt  }
0x77: {  	_ =	shalt  }
0x78: {  	_ =	shalt  }
0x79: {  	_ =	shalt  }
0x7a: {  	_ =	shalt  }
0x7b: {  	_ =	shalt  }
0x7c: {  	_ =	shalt  }
0x7d: {  	_ =	shalt  }
0x7e: {  	_ =	shalt  }
0x7f: {  	_ =	shalt  }
0x80: {  	_ =	shalt  }
0x81: {  	_ =	shalt  }
0x82: {  	_ =	shalt  }
0x83: {  	_ =	shalt  }
0x84: {  	_ =	shalt  }
0x85: {  	_ =	shalt  }
0x86: {  	_ =	shalt  }
0x87: {  	_ =	shalt  }
.Lfunc_end0:
.L_simem_size_0:
called_computation.4_lowered:
.L_overlay_start_0:
0x88: {  	s2 =	sld [smem:$0x3FD9]  }
0x89: {  	s3 =	sld [smem:$0x3FFE];
	_ =	sdelay $0x1  }
0x8a: {  	s1 =	srdreg.scid  }
0x8b: {  	s0 =	sand.u32 $0x1, s1  }
0x8c: {  	s16 =	sshll.u32 s0, $0xA;
	s2 =	sadd.s32 s3, s2  }
0x8d: {  	s2 =	sadd.s32 s2, s16  }
0x8e: {  	[smem:$0x3FBA] =	sst s2  }
0x8f: {  	_ = 	snop  }
0x90: {  	(tm) =	ssettm $0x1  }
0x91: {  	s17 =	sld [smem:$0x3FFB];
	_ =	sdelay $0x3  }
0x92: {  	_ =	strace s17  }
0x93: {  	s2 =	sld [smem:$0x3FFC];
	_ =	sdelay $0x3  }
0x94: {  	_ =	strace s2  }
0x95: {  	s2 =	sld [smem:$0x3FFD];
	_ =	sdelay $0x3  }
0x96: {  	_ =	strace s2  }
0x97: {  	_ =	strace $0x8FFFFFFF  }
0x98: {  	s18 =	sld [smem:$0x3FDB];
	_ =	sdelay $0x1  }
0x99: {  	s19 =	simm.s32 $_scs_section_size  }
0x9a: {  	s4 =	simm.s32 $_size__tile_overlayer_lowered;
	s5 =	simm.s32 $_tile_overlayer_lowered  }
0x9b: {  	s22 =	simm.s32 $0x1BFF;
	s21 =	sshll.u32 s5, $0x1;
	s2 =	sadd.s32 s19, s18  }
0x9c: {  	s6 =	simm.s32 $0x0;
	s20 =	sshll.u32 s4, $0x1;
	s4 =	sadd.s32 s21, s2  }
0x9d: {  	[timem:s6], [sflag:s22] =	dma.local [hbm:s4], s20  }
0x9e: {  	_ =	swait.ge [sflag:s22], s20  }
0x9f: {  	s3 =	ssub.s32 $0x0, s20;
	[sflag:s22] =	ssyncset.done $0x0  }
0xa0: {  	[sflag:s22] =	ssyncadd.s32 s3;
	_ =	sdelay $0x1  }
0xa1: {  	s23 =	simm.s32 $0x1B8B  }
0xa2: {  	_ =	swait.ge [sflag:s23], $0x1  }
0xa3: {  	[sflag:s23] =	ssyncset.done $0x0  }
0xa4: {  	s25 =	simm.s32 $0x1B8E;
	s24 =	sld [smem:$0x3FFE];
	[sflag:s23] =	ssyncadd.s32 $0xFFFFFFFF  }
0xa5: {  	s26 =	simm.s32 $execute0_lowered;
	[smem:$0x3FD2] =	sst s25  }
0xa6: {  	s4 =	sshll.u32 s26, $0x1;
	_ =	strace $0x80000052;
	[dreg:$0x1] =	wrdreg $0xFFFFFFFF  }
0xa7: {  	s28 =	simm.s32 $_size_execute0_lowered;
	s2 =	sadd.s32 s2, s4;
	[dreg:$0x0] =	wrdreg $0x0  }
0xa8: {  	s4 =	sshll.u32 s28, $0x1;
	[dreg:$0x2] =	wrdreg s2  }
0xa9: {  	[dreg:$0x3] =	wrdreg s4  }
0xaa: {  	[dreg:$0x4] =	wrdreg $0xC0  }
0xab: {  	_ =	task [dreg:s6], $0x5FFFF  }
0xac: {  	[dreg:$0x1] =	wrdreg $0xFFFFFFFF  }
0xad: {  	[dreg:$0x0] =	wrdreg $0x60  }
0xae: {  	[dreg:$0x2] =	wrdreg s24  }
0xaf: {  	[dreg:$0x3] =	wrdreg $0x90000  }
0xb0: {  	[dreg:$0x4] =	wrdreg $0x9  }
0xb1: {  	_ =	task.clear_ibuf [dreg:s6], $0x5FFFF;
	_ =	strace $0x90000052  }
0xb2: {  	s29 =	simm.s32 $0x9;
	_ =	strace $0x80000054  }
0xb3: {  	_ =	swait.ge [sflag:s29], $0x1  }
0xb4: {  	[sflag:s29] =	ssyncadd.s32 $0xFFFFFFFF  }
0xb5: {  	_ =	strace $0x90000054  }
0xb6: {  	_ =	sfence  }
0xb7: {  	s30 =	sld [smem:$0x0];
	_ =	sdelay $0x2  }
0xb8: {  	s31 =	sshll.u32 s1, $0xD;
	s1 =	sshrl.u32 s1, $0x2  }
0xb9: {  	s3 =	sand.u32 $0x4000, s31;
	s1 =	sadd.s32 s1, s30  }
0xba: {  	s0 =	sor.u32 s3, s0;
	s1 =	sshll.u32 s1, $0x11  }
0xbb: {  	s0 =	sor.u32 s1, s0  }
0xbc: {  	s0 =	sadd.s32 $0x8F2B, s0  }
0xbd: {  	[sflag:s0] =	ssyncadd.remote.s32 $0x1  }
0xbe: {  	_ =	sfence.sel $0xFFFF  }
0xbf: {  	[dreg:$0x0] =	wrdreg $0xFFFFFFFF;
	(pc) =	sbr.abs _section_cstart, $3  }
0xc0: {  	[dreg:$0x1] =	wrdreg $0xFFFFFFFF  }
0xc1: {  	_ =	task.clear_ibuf [dreg:s6], $0x2FFFF;
	_ =	strace $0x9FFFFFFF  }
0xc2: {  	(tm) =	ssettm $0x7FFFFFFF  }
0xc3: {  	_ =	shalt  }
tec
execute0_lowered:
.L_overlay_start_1:
0x0: {  	(tag) =	ssettag $0x1  }
0x1: {  	s0 =	srdreg.scid;
	s6 =	rddreg [dreg:$0x0]  }
0x2: {  	s2 =	rddreg [dreg:$0x1];
	s3 =	simm.s32 $0x0;
	s14 =	simm.s32 $0x5000  }
0x3: {  	s15 =	simm.s32 $0x2;
	s16 =	simm.s32 $0x2800;
	s5 =	sand.u32 $0x1, s0  }
0x4: {  	s17 =	simm.s32 $0x80;
	s0 =	stileid.u32;
	s8 =	smul.u32 $0x140000, s5  }
0x5: {  	s18 =	simm.s32 $0x1;
	[smem:$0x7FF] =	sst s3;
	s9 =	smul.u32 $0x14000, s0  }
0x6: {  	s4 =	sadd.s32 $0x3D600, s6;
	s1 =	sshll.u32 s5, $0x4;
	s10 =	smul.u32 $0x50000, s0  }
0x7: {  	s29 =	ssub.s32 $0x2, s5;
	s19 =	sshll.u32 s0, $0x6;
	s1 =	sor.u32 s0, s1  }
0x8: {  	s31 =	sshrl.u32 s29, $0x1;
	s19 =	sor.u32 $0x1C02, s19;
	s7 =	smul.u32 $0x500, s1  }
0x9: {  	s1 =	rddreg [dreg:$0x2];
	_ =	strace $0x80000053;
	s30 =	sshrl.u32 s10, $0x2  }
0xa: {  	s28 =	sadd.s32 s9, s8;
	s13 =	ssub.s32 s29, s31;
	s5 =	sadd.s32 s30, s2  }
0xb: {  	s13 =	smax.u32 s13, $0x1;
	s11 =	sadd.s32 s7, s6;
	s7 =	sshrl.u32 s28, $0x3  }
0xc: {  	s8 =	sadd.s32 $0xC000, s5;
	s9 =	sadd.s32 $0x10000, s5;
	s20 =	sshrl.u32 s5, $0x3  }
0xd: {  	s12 =	sadd.s32 s7, s6;
	s6 =	sadd.s32 $0x4000, s5;
	s7 =	sadd.s32 $0x8000, s5  }
0xe: {  	v0 =	vimm.f32 $0.0e+00;
	s10 =	sadd.s32 $0x5C00, s11;
	s11 =	sadd.s32 $0x33600, s11;
	s12 =	sadd.s32 $0x8D600, s12  }
.LBB2_1:
0xf: {  	s21 =	simm.s32 $0x0;
	s22 =	simm.s32 $0x200  }
.LBB2_2:
0x10: {  	p0 =	sne.s32 s22, $0xFE00;
	[tilespmem:s21+$0x5070] =	vst v0  }
0x11: {  	[tilespmem:s21+$0x5000] =	vst v0  }
0x12: {  	[tilespmem:s21+$0x5010] =	vst v0  }
.Ltmp0:
0x13: {  	[tilespmem:s21+$0x5020] =	vst v0;
	(pc) =	sbr.rel @p0 .LBB2_2-.Ltmp0, $4  }
0x14: {  	[tilespmem:s21+$0x5030] =	vst v0  }
0x15: {  	[tilespmem:s21+$0x5040] =	vst v0  }
0x16: {  	[tilespmem:s21+$0x5050] =	vst v0  }
0x17: {  	[tilespmem:s21+$0x5060] =	vst v0;
	s21 =	sshra.s32 s22, $0x2;
	s22 =	sadd.s32 $0x200, s22  }
0x18: {  	[tilespmem:s21+$0x5070] =	vst v0  }
0x19: {  	[tilespmem:s21+$0x5000] =	vst v0  }
0x1a: {  	[tilespmem:s21+$0x5010] =	vst v0  }
0x1b: {  	[tilespmem:s21+$0x5020] =	vst v0  }
0x1c: {  	[tilespmem:s21+$0x5030] =	vst v0  }
0x1d: {  	[tilespmem:s21+$0x5040] =	vst v0  }
0x1e: {  	[tilespmem:s21+$0x5050] =	vst v0  }
0x1f: {  	[tilespmem:s21+$0x5060] =	vst v0  }
0x20: {  	[spmem:s5] =	stream.linear.scatter [tilespmem:s14], [sflag:$0x2], $0x4000, $0x38;
	[tilespmem:$0x1D000] =	vst v63  }
0x21: {  	_ =	swait.ge [sflag:s15], $0x4000  }
0x22: {  	[sflag:s15] =	ssyncset.done $0x0  }
0x23: {  	[sflag:s15] =	ssyncadd.s32 $0xFFFFC000  }
0x24: {  	[spmem:s6] =	stream.linear.scatter [tilespmem:s14], [sflag:$0x2], $0x4000, $0x38;
	[tilespmem:$0x1D000] =	vst v63  }
0x25: {  	_ =	swait.ge [sflag:s15], $0x4000  }
0x26: {  	[sflag:s15] =	ssyncset.done $0x0  }
0x27: {  	[sflag:s15] =	ssyncadd.s32 $0xFFFFC000  }
0x28: {  	[spmem:s7] =	stream.linear.scatter [tilespmem:s14], [sflag:$0x2], $0x4000, $0x38;
	[tilespmem:$0x1D000] =	vst v63  }
0x29: {  	_ =	swait.ge [sflag:s15], $0x4000  }
0x2a: {  	[sflag:s15] =	ssyncset.done $0x0  }
0x2b: {  	[sflag:s15] =	ssyncadd.s32 $0xFFFFC000  }
0x2c: {  	[spmem:s8] =	stream.linear.scatter [tilespmem:s14], [sflag:$0x2], $0x4000, $0x38;
	[tilespmem:$0x1D000] =	vst v63  }
0x2d: {  	_ =	swait.ge [sflag:s15], $0x4000  }
0x2e: {  	[sflag:s15] =	ssyncset.done $0x0  }
0x2f: {  	[sflag:s15] =	ssyncadd.s32 $0xFFFFC000  }
0x30: {  	[spmem:s9] =	stream.linear.scatter [tilespmem:s14], [sflag:$0x2], $0x4000, $0x38;
	[tilespmem:$0x1D000] =	vst v63  }
0x31: {  	_ =	swait.ge [sflag:s15], $0x4000  }
0x32: {  	[sflag:s15] =	ssyncset.done $0x0  }
0x33: {  	[sflag:s15] =	ssyncadd.s32 $0xFFFFC000  }
0x34: {  	s29 =	simm.s32 $0x0;
	[bflag:$0x0] =	sbarrier.arrive $0xFFFF  }
0x35: {  	[tilespmem:s29], [sflag:$0x2] =	stream.linear.gather [hbm4b:s10+s29], $0x2780, $0x38;
	[tilespmem:$0x1D000] =	vst v63  }
0x36: {  	_ =	swait.ge [sflag:s15], $0x2780  }
0x37: {  	[sflag:s15] =	ssyncset.done $0x0  }
0x38: {  	[sflag:s15] =	ssyncadd.s32 $0xFFFFD880  }
0x39: {  	[tilespmem:s16], [sflag:$0x2] =	stream.linear.gather [hbm4b:s11+s29], $0x2780, $0x38;
	[tilespmem:$0x1D000] =	vst v63  }
0x3a: {  	_ =	swait.ge [sflag:s15], $0x2780  }
0x3b: {  	[sflag:s15] =	ssyncset.done $0x0  }
0x3c: {  	s30 =	simm.s32 $0x0;
	[sflag:s15] =	ssyncadd.s32 $0xFFFFD880  }
0x3d: {  	[tilespmem:s14], [sflag:$0x1] =	stream.indirect.gather [hbm4b:s4+s17], $0x80, s30, s17, $0xb8;
	[tilespmem:$0x1D000] =	vst v63  }
0x3e: {  	_ =	swait.ge [sflag:s18], $0x4000  }
0x3f: {  	[sflag:s18] =	ssyncset.done $0x0  }
0x40: {  	s31 =	simm.s32 $0x2800;
	[sflag:s18] =	ssyncadd.s32 $0xFFFFC000  }
0x41: {  	[spmem:s2] =	stream.indirect.scatter.add.f32 [tilespmem:s14], [sflag:$0x2], $0x80, s31, s17, $0xb8;
	[tilespmem:$0x1D000] =	vst v63  }
0x42: {  	_ =	swait.ge [sflag:s15], $0x4000  }
0x43: {  	s21 =	simm.s32 $0x200;
	s22 =	simm.s32 $0x400;
	[sflag:s15] =	ssyncset.done $0x0  }
.LBB2_4:
0x44: {  	s23 =	sshra.s32 s21, $0x2  }
0x45: {  	[sflag:s15] =	ssyncadd.s32 $0xFFFFC000;
	s21 =	smov.u32 s22;
	s24 =	sadd.s32 $0x200, s22  }
0x46: {  	[tilespmem:s14], [sflag:$0x1] =	stream.indirect.gather [hbm4b:s4+s17], $0x80, s23, s17, $0xb8;
	[tilespmem:$0x1D000] =	vst v63  }
0x47: {  	p0 =	sne.s32 s22, $0x9C00;
	_ =	swait.ge [sflag:s18], $0x4000  }
.Ltmp1:
0x48: {  	[sflag:s18] =	ssyncset.done $0x0;
	(pc) =	sbr.rel @p0 .LBB2_4-.Ltmp1, $4  }
0x49: {  	s22 =	sadd.s32 $0x2800, s23;
	[sflag:s18] =	ssyncadd.s32 $0xFFFFC000  }
0x4a: {  	[spmem:s2] =	stream.indirect.scatter.add.f32 [tilespmem:s14], [sflag:$0x2], $0x80, s22, s17, $0xb8;
	[tilespmem:$0x1D000] =	vst v63  }
0x4b: {  	_ =	swait.ge [sflag:s15], $0x4000  }
0x4c: {  	s22 =	smov.u32 s24;
	[sflag:s15] =	ssyncset.done $0x0  }
0x4d: {  	s21 =	sshra.s32 s21, $0x2;
	[sflag:s15] =	ssyncadd.s32 $0xFFFFC000  }
0x4e: {  	[tilespmem:s14], [sflag:$0x1] =	stream.indirect.gather [hbm4b:s4+s17], $0x80, s21, s17, $0xb8;
	[tilespmem:$0x1D000] =	vst v63  }
0x4f: {  	_ =	swait.ge [sflag:s18], $0x4000  }
0x50: {  	[sflag:s18] =	ssyncset.done $0x0  }
0x51: {  	s21 =	sadd.s32 $0x2800, s21;
	[sflag:s18] =	ssyncadd.s32 $0xFFFFC000  }
0x52: {  	[spmem:s2] =	stream.indirect.scatter.add.f32 [tilespmem:s14], [sflag:$0x2], $0x80, s21, s17, $0xb8;
	[tilespmem:$0x1D000] =	vst v63  }
0x53: {  	_ =	swait.ge [sflag:s15], $0x4000  }
0x54: {  	s3 =	sadd.s32 $0x1, s3;
	[sflag:s15] =	ssyncset.done $0x0  }
0x55: {  	p0 =	sne.s32 s3, s13;
	[sflag:s15] =	ssyncadd.s32 $0xFFFFC000  }
.Ltmp2:
0x56: {  	[bflag:$0x0] =	sbarrier.arrive $0xFFFF;
	(pc) =	sbr.rel @p0 .LBB2_1-.Ltmp2, $4  }
0x57: {  	[hbm:s12], [sflag:s19] =	dma.local [spmem:s20], $0x2800  }
0x58: {  	_ =	swait.ge [sflag:s15], $0x2800  }
0x59: {  	[sflag:s15] =	ssyncset.done $0x0  }
0x5a: {  	[sflag:s15] =	ssyncadd.s32 $0xFFFFD800  }
0x5b: {  	_ =	sfence.sel $0x180000  }
0x5c: {  	[bflag:$0x0] =	sbarrier.arrive $0xFFFF  }
0x5d: {  	p0 =	sne.s32 s0, $0x0;
	_ =	strace $0x90000053  }
0x5e: {  	s0 =	sadd.s32 @!p0 $0x100000, s1;
	[bflag:$0x2] =	sbarrier.arrive $0xFFFF  }
0x5f: {  	[sflag:s0] =	ssyncadd.tile.s32 @!p0 $0x1;
	_ =	shalt  }
.Lfunc_end2:
_tile_overlayer_lowered:
.L_overlay_start_2:
0x60: {  	(tag) =	ssettag $0x2  }
0x61: {  	s0 =	rddreg [dreg:$0x0];
	s2 =	stileid.u32  }
0x62: {  	s1 =	rddreg [dreg:$0x1];
	p0 =	sne.s32 s2, $0x0  }
0x63: {  	s3 =	rddreg [dreg:$0x2];
	[bflag:$0x3] =	sbarrier.arrive $0xFFFF;
	s2 =	simm.s32 @!p0 $0x1C02  }
0x64: {  	[timem:s3], [sflag:s2] =	dma.local @!p0 [hbm:s0], s1  }
0x65: {  	s0 =	simm.s32 @!p0 $0x2  }
0x66: {  	_ =	swait.ge @!p0 [sflag:s0], s1  }
0x67: {  	s1 =	ssub.s32 @!p0 $0x0, s1;
	[sflag:s0] =	ssyncset.done @!p0 $0x0  }
0x68: {  	[sflag:s0] =	ssyncadd.s32 @!p0 s1  }
0x69: {  	[bflag:$0x3] =	sbarrier.arrive $0xFFFF  }
0x6a: {  	_ =	shalt  }

// kernel: kernel.28.cloned.1.call-start
scs
__scs_entry_jumppad:
0x0: {  	(pc) =	sbr.rel $0x88, $3  }
0x1: {  	(tag) =	ssettag $0x0;
	lr =	simm.s32 $0x1  }
0x2: {  	[smem:$0x3F93] =	sst lr;
	_ =	strace $0xD0000000  }
0x3: {  	_ = 	snop  }
0x4: {  	_ = 	snop  }
0x5: {  	_ = 	snop  }
0x6: {  	_ = 	snop  }
0x7: {  	_ = 	snop  }
__scs_overlays_trampoline_lowered:
0x8: {  	[smem:$0x3FA2] =	sst s0  }
0x9: {  	[smem:$0x3FA3] =	sst s1  }
0xa: {  	[smem:$0x3FA4] =	sst s2  }
0xb: {  	[smem:$0x3FA5] =	sst s3  }
0xc: {  	[smem:$0x3FA6] =	sst s4  }
0xd: {  	[smem:$0x3FA7] =	sst s5  }
0xe: {  	[smem:$0x3FA8] =	sst s6  }
0xf: {  	[smem:$0x3FA9] =	sst s7  }
0x10: {  	[smem:$0x3FAA] =	sst s8  }
0x11: {  	[smem:$0x3FAB] =	sst s9;
	s0 =	simm.s32 @!p0 $0x0  }
0x12: {  	s1 =	sld [smem:$0x3F91];
	s0 =	simm.s32 @p0 $0x1  }
0x13: {  	[smem:$0x3FAC] =	sst s0;
	s0 =	simm.s32 @!p1 $0x0  }
0x14: {  	s2 =	sld [smem:$0x3F90];
	s0 =	simm.s32 @p1 $0x1  }
0x15: {  	[smem:$0x3FAD] =	sst s0;
	s0 =	simm.s32 @!p2 $0x0  }
0x16: {  	s3 =	sld [smem:$0x3FDB];
	s0 =	simm.s32 @p2 $0x1  }
0x17: {  	s4 =	simm.s32 $0x1BF5;
	[smem:$0x3FAF] =	sst s0  }
0x18: {  	s0 =	sld [smem:$0x3F92];
	_ =	swait.ge [sflag:s4], $0x0  }
0x19: {  	s7 =	sld [smem:$0x3F93]  }
0x1a: {  	s8 =	sadd.s32 $0xFFFFE003, lr  }
0x1b: {  	s9 =	sadd.s32 $0xFFFFFEF7, lr;
	s5 =	simm.s32 $0xFFFFFFFF;
	p2 =	slt.u32 s8, $0xFFFFF086  }
0x1c: {  	p1 =	slt.u32 s9, $0xF7A;
	s5 =	simm.s32 @!p2 $0x0  }
0x1d: {  	s5 =	simm.s32 @p1 $0x1;
	p0 =	seq.s32 s7, s2  }
0x1e: {  	s7 =	smul.u32 @!p0 $0xF7A, s2;
	p2 =	seq.s32 @!p0 s5, $0x0  }
0x1f: {  	s9 =	smul.u32 $0xF7A, s1;
	s8 =	simm.s32 @!p0 $0x1BF5;
	p2 =	por !p2, p0  }
0x20: {  	[sflag:s8] =	ssyncset.s32 @!p0 $0xFFFFF086;
	s6 =	sadd.s32 @!p0 s3, s7;
	s7 =	simm.s32 @!p0 $0x108  }
0x21: {  	s3 =	sadd.s32 s3, s9;
	s6 =	sadd.s32 @!p0 $0x88, s6;
	s7 =	simm.s32 @p2 $0x1082  }
0x22: {  	[simem:s7], [sflag:s8] =	dma.local @!p0 [hbm:s6], $0xF7A  }
0x23: {  	s9 =	sor.u32 $0xD0000000, s2;
	s6 =	simm.s32 $0x108;
	_ =	swait.ge @!p0 [sflag:s8], $0x0  }
0x24: {  	s3 =	sadd.s32 $0x88, s3;
	s6 =	simm.s32 @!p1 $0x1082;
	[sflag:s4] =	ssyncset.s32 $0xFFFFF086  }
0x25: {  	[simem:s6], [sflag:s4] =	dma.local [hbm:s3], $0xF7A  }
0x26: {  	[smem:$0x3F93] =	sst s1;
	(tag) =	ssettag s2;
	_ =	strace s9  }
0x27: {  	s1 =	sld [smem:$0x3FA3]  }
0x28: {  	s2 =	sld [smem:$0x3FA4]  }
0x29: {  	s4 =	sld [smem:$0x3FA6]  }
0x2a: {  	p0 =	seq.s32 s5, $0x0;
	s5 =	sld [smem:$0x3FA7]  }
0x2b: {  	s6 =	sld [smem:$0x3FA8]  }
0x2c: {  	s7 =	sld [smem:$0x3FA9]  }
0x2d: {  	s3 =	simm.s32 $0x108;
	s8 =	sld [smem:$0x3FAA]  }
0x2e: {  	s3 =	simm.s32 @!p0 $0x1082;
	s9 =	sld [smem:$0x3FAB]  }
0x2f: {  	lr =	sadd.s32 s0, s3;
	s0 =	sld [smem:$0x3FA2]  }
0x30: {  	s3 =	sld [smem:$0x3FA5]  }
0x31: {  	[smem:$0x3FAE] =	sst s10  }
0x32: {  	s10 =	sld [smem:$0x3FAC];
	_ =	sdelay $0x3  }
0x33: {  	p0 =	seq.s32 s10, $0x1;
	s10 =	sld [smem:$0x3FAE];
	_ =	sdelay $0x3  }
0x34: {  	[smem:$0x3FAE] =	sst s10  }
0x35: {  	s10 =	sld [smem:$0x3FAD];
	_ =	sdelay $0x3  }
0x36: {  	p1 =	seq.s32 s10, $0x1;
	s10 =	sld [smem:$0x3FAE];
	_ =	sdelay $0x3  }
0x37: {  	[smem:$0x3FAE] =	sst s10  }
0x38: {  	s10 =	sld [smem:$0x3FAF]  }
0x39: {  	_ = 	snop;
	(pc) =	sbr.ind lr, $3  }
0x3a: {  	_ = 	snop  }
0x3b: {  	_ = 	snop  }
0x3c: {  	p2 =	seq.s32 s10, $0x1;
	s10 =	sld [smem:$0x3FAE]  }
0x3d: {  	_ =	shalt  }
0x3e: {  	_ =	shalt  }
0x3f: {  	_ =	shalt  }
0x40: {  	_ =	shalt  }
0x41: {  	_ =	shalt  }
0x42: {  	_ =	shalt  }
0x43: {  	_ =	shalt  }
0x44: {  	_ =	shalt  }
0x45: {  	_ =	shalt  }
0x46: {  	_ =	shalt  }
0x47: {  	_ =	shalt  }
0x48: {  	_ =	shalt  }
0x49: {  	_ =	shalt  }
0x4a: {  	_ =	shalt  }
0x4b: {  	_ =	shalt  }
0x4c: {  	_ =	shalt  }
0x4d: {  	_ =	shalt  }
0x4e: {  	_ =	shalt  }
0x4f: {  	_ =	shalt  }
0x50: {  	_ =	shalt  }
0x51: {  	_ =	shalt  }
0x52: {  	_ =	shalt  }
0x53: {  	_ =	shalt  }
0x54: {  	_ =	shalt  }
0x55: {  	_ =	shalt  }
0x56: {  	_ =	shalt  }
0x57: {  	_ =	shalt  }
0x58: {  	_ =	shalt  }
0x59: {  	_ =	shalt  }
0x5a: {  	_ =	shalt  }
0x5b: {  	_ =	shalt  }
0x5c: {  	_ =	shalt  }
0x5d: {  	_ =	shalt  }
0x5e: {  	_ =	shalt  }
0x5f: {  	_ =	shalt  }
0x60: {  	_ =	shalt  }
0x61: {  	_ =	shalt  }
0x62: {  	_ =	shalt  }
0x63: {  	_ =	shalt  }
0x64: {  	_ =	shalt  }
0x65: {  	_ =	shalt  }
0x66: {  	_ =	shalt  }
0x67: {  	_ =	shalt  }
0x68: {  	_ =	shalt  }
0x69: {  	_ =	shalt  }
0x6a: {  	_ =	shalt  }
0x6b: {  	_ =	shalt  }
0x6c: {  	_ =	shalt  }
0x6d: {  	_ =	shalt  }
0x6e: {  	_ =	shalt  }
0x6f: {  	_ =	shalt  }
0x70: {  	_ =	shalt  }
0x71: {  	_ =	shalt  }
0x72: {  	_ =	shalt  }
0x73: {  	_ =	shalt  }
0x74: {  	_ =	shalt  }
0x75: {  	_ =	shalt  }
0x76: {  	_ =	shalt  }
0x77: {  	_ =	shalt  }
0x78: {  	_ =	shalt  }
0x79: {  	_ =	shalt  }
0x7a: {  	_ =	shalt  }
0x7b: {  	_ =	shalt  }
0x7c: {  	_ =	shalt  }
0x7d: {  	_ =	shalt  }
0x7e: {  	_ =	shalt  }
0x7f: {  	_ =	shalt  }
0x80: {  	_ =	shalt  }
0x81: {  	_ =	shalt  }
0x82: {  	_ =	shalt  }
0x83: {  	_ =	shalt  }
0x84: {  	_ =	shalt  }
0x85: {  	_ =	shalt  }
0x86: {  	_ =	shalt  }
0x87: {  	_ =	shalt  }
.Lfunc_end0:
.L_simem_size_0:
called_computation.5_lowered:
.L_overlay_start_0:
0x88: {  	s2 =	sld [smem:$0x3FD9]  }
0x89: {  	s3 =	sld [smem:$0x3FFE];
	_ =	sdelay $0x1  }
0x8a: {  	s1 =	srdreg.scid  }
0x8b: {  	s0 =	sand.u32 $0x1, s1  }
0x8c: {  	s16 =	sshll.u32 s0, $0xA;
	s2 =	sadd.s32 s3, s2  }
0x8d: {  	s2 =	sadd.s32 s2, s16  }
0x8e: {  	[smem:$0x3FBA] =	sst s2  }
0x8f: {  	_ = 	snop  }
0x90: {  	(tm) =	ssettm $0x1  }
0x91: {  	s17 =	sld [smem:$0x3FFB];
	_ =	sdelay $0x3  }
0x92: {  	_ =	strace s17  }
0x93: {  	s2 =	sld [smem:$0x3FFC];
	_ =	sdelay $0x3  }
0x94: {  	_ =	strace s2  }
0x95: {  	s2 =	sld [smem:$0x3FFD];
	_ =	sdelay $0x3  }
0x96: {  	_ =	strace s2  }
0x97: {  	_ =	strace $0x8FFFFFFF  }
0x98: {  	s18 =	sld [smem:$0x3FDB];
	_ =	sdelay $0x1  }
0x99: {  	s19 =	simm.s32 $_scs_section_size  }
0x9a: {  	s4 =	simm.s32 $_size__tile_overlayer_lowered;
	s5 =	simm.s32 $_tile_overlayer_lowered  }
0x9b: {  	s22 =	simm.s32 $0x1BFF;
	s21 =	sshll.u32 s5, $0x1;
	s2 =	sadd.s32 s19, s18  }
0x9c: {  	s6 =	simm.s32 $0x0;
	s20 =	sshll.u32 s4, $0x1;
	s4 =	sadd.s32 s21, s2  }
0x9d: {  	[timem:s6], [sflag:s22] =	dma.local [hbm:s4], s20  }
0x9e: {  	_ =	swait.ge [sflag:s22], s20  }
0x9f: {  	s3 =	ssub.s32 $0x0, s20;
	[sflag:s22] =	ssyncset.done $0x0  }
0xa0: {  	[sflag:s22] =	ssyncadd.s32 s3;
	_ =	sdelay $0x1  }
0xa1: {  	s23 =	simm.s32 $0x1B8B  }
0xa2: {  	_ =	swait.ge [sflag:s23], $0x1  }
0xa3: {  	[sflag:s23] =	ssyncset.done $0x0  }
0xa4: {  	s25 =	simm.s32 $0x1B8E;
	s24 =	sld [smem:$0x3FFE];
	[sflag:s23] =	ssyncadd.s32 $0xFFFFFFFF  }
0xa5: {  	s26 =	simm.s32 $execute0_lowered;
	[smem:$0x3FD2] =	sst s25  }
0xa6: {  	s4 =	sshll.u32 s26, $0x1;
	_ =	strace $0x80000055;
	[dreg:$0x1] =	wrdreg $0xFFFFFFFF  }
0xa7: {  	s28 =	simm.s32 $_size_execute0_lowered;
	s2 =	sadd.s32 s2, s4;
	[dreg:$0x0] =	wrdreg $0x0  }
0xa8: {  	s4 =	sshll.u32 s28, $0x1;
	[dreg:$0x2] =	wrdreg s2  }
0xa9: {  	[dreg:$0x3] =	wrdreg s4  }
0xaa: {  	[dreg:$0x4] =	wrdreg $0xC0  }
0xab: {  	_ =	task [dreg:s6], $0x5FFFF  }
0xac: {  	[dreg:$0x1] =	wrdreg $0xFFFFFFFF  }
0xad: {  	[dreg:$0x0] =	wrdreg $0x60  }
0xae: {  	[dreg:$0x2] =	wrdreg s24  }
0xaf: {  	[dreg:$0x3] =	wrdreg $0x90000  }
0xb0: {  	[dreg:$0x4] =	wrdreg $0x9  }
0xb1: {  	_ =	task.clear_ibuf [dreg:s6], $0x5FFFF;
	_ =	strace $0x90000055  }
0xb2: {  	s29 =	simm.s32 $0x9;
	_ =	strace $0x80000057  }
0xb3: {  	_ =	swait.ge [sflag:s29], $0x1  }
0xb4: {  	[sflag:s29] =	ssyncadd.s32 $0xFFFFFFFF  }
0xb5: {  	_ =	strace $0x90000057  }
0xb6: {  	_ =	sfence  }
0xb7: {  	s30 =	sld [smem:$0x0];
	_ =	sdelay $0x2  }
0xb8: {  	s31 =	sshll.u32 s1, $0xD;
	s1 =	sshrl.u32 s1, $0x2  }
0xb9: {  	s3 =	sand.u32 $0x4000, s31;
	s1 =	sadd.s32 s1, s30  }
0xba: {  	s0 =	sor.u32 s3, s0;
	s1 =	sshll.u32 s1, $0x11  }
0xbb: {  	s0 =	sor.u32 s1, s0  }
0xbc: {  	s0 =	sadd.s32 $0x8F2B, s0  }
0xbd: {  	[sflag:s0] =	ssyncadd.remote.s32 $0x1  }
0xbe: {  	_ =	sfence.sel $0xFFFF  }
0xbf: {  	[dreg:$0x0] =	wrdreg $0xFFFFFFFF;
	(pc) =	sbr.abs _section_cstart, $3  }
0xc0: {  	[dreg:$0x1] =	wrdreg $0xFFFFFFFF  }
0xc1: {  	_ =	task.clear_ibuf [dreg:s6], $0x2FFFF;
	_ =	strace $0x9FFFFFFF  }
0xc2: {  	(tm) =	ssettm $0x7FFFFFFF  }
0xc3: {  	_ =	shalt  }
tec
execute0_lowered:
.L_overlay_start_1:
0x0: {  	(tag) =	ssettag $0x1  }
0x1: {  	s0 =	srdreg.scid;
	s6 =	rddreg [dreg:$0x0]  }
0x2: {  	s2 =	rddreg [dreg:$0x1];
	s3 =	simm.s32 $0x0;
	s14 =	simm.s32 $0x5000  }
0x3: {  	s15 =	simm.s32 $0x2;
	s16 =	simm.s32 $0x2800;
	s5 =	sand.u32 $0x1, s0  }
0x4: {  	s17 =	simm.s32 $0x80;
	s0 =	stileid.u32;
	s8 =	smul.u32 $0x140000, s5  }
0x5: {  	s18 =	simm.s32 $0x1;
	[smem:$0x7FF] =	sst s3;
	s9 =	smul.u32 $0x14000, s0  }
0x6: {  	s4 =	sadd.s32 $0x3D600, s6;
	s1 =	sshll.u32 s5, $0x4;
	s10 =	smul.u32 $0x50000, s0  }
0x7: {  	s29 =	ssub.s32 $0x2, s5;
	s19 =	sshll.u32 s0, $0x6;
	s1 =	sor.u32 s0, s1  }
0x8: {  	s31 =	sshrl.u32 s29, $0x1;
	s19 =	sor.u32 $0x1C02, s19;
	s7 =	smul.u32 $0x500, s1  }
0x9: {  	s1 =	rddreg [dreg:$0x2];
	_ =	strace $0x80000056;
	s30 =	sshrl.u32 s10, $0x2  }
0xa: {  	s28 =	sadd.s32 s9, s8;
	s13 =	ssub.s32 s29, s31;
	s5 =	sadd.s32 s30, s2  }
0xb: {  	s13 =	smax.u32 s13, $0x1;
	s11 =	sadd.s32 s7, s6;
	s7 =	sshrl.u32 s28, $0x3  }
0xc: {  	s8 =	sadd.s32 $0xC000, s5;
	s9 =	sadd.s32 $0x10000, s5;
	s20 =	sshrl.u32 s5, $0x3  }
0xd: {  	s12 =	sadd.s32 s7, s6;
	s6 =	sadd.s32 $0x4000, s5;
	s7 =	sadd.s32 $0x8000, s5  }
0xe: {  	v0 =	vimm.f32 $0.0e+00;
	s10 =	sadd.s32 $0x5C00, s11;
	s11 =	sadd.s32 $0x33600, s11;
	s12 =	sadd.s32 $0xB5600, s12  }
.LBB2_1:
0xf: {  	s21 =	simm.s32 $0x0;
	s22 =	simm.s32 $0x200  }
.LBB2_2:
0x10: {  	p0 =	sne.s32 s22, $0xFE00;
	[tilespmem:s21+$0x5070] =	vst v0  }
0x11: {  	[tilespmem:s21+$0x5000] =	vst v0  }
0x12: {  	[tilespmem:s21+$0x5010] =	vst v0  }
.Ltmp0:
0x13: {  	[tilespmem:s21+$0x5020] =	vst v0;
	(pc) =	sbr.rel @p0 .LBB2_2-.Ltmp0, $4  }
0x14: {  	[tilespmem:s21+$0x5030] =	vst v0  }
0x15: {  	[tilespmem:s21+$0x5040] =	vst v0  }
0x16: {  	[tilespmem:s21+$0x5050] =	vst v0  }
0x17: {  	[tilespmem:s21+$0x5060] =	vst v0;
	s21 =	sshra.s32 s22, $0x2;
	s22 =	sadd.s32 $0x200, s22  }
0x18: {  	[tilespmem:s21+$0x5070] =	vst v0  }
0x19: {  	[tilespmem:s21+$0x5000] =	vst v0  }
0x1a: {  	[tilespmem:s21+$0x5010] =	vst v0  }
0x1b: {  	[tilespmem:s21+$0x5020] =	vst v0  }
0x1c: {  	[tilespmem:s21+$0x5030] =	vst v0  }
0x1d: {  	[tilespmem:s21+$0x5040] =	vst v0  }
0x1e: {  	[tilespmem:s21+$0x5050] =	vst v0  }
0x1f: {  	[tilespmem:s21+$0x5060] =	vst v0  }
0x20: {  	[spmem:s5] =	stream.linear.scatter [tilespmem:s14], [sflag:$0x2], $0x4000, $0x38;
	[tilespmem:$0x1D000] =	vst v63  }
0x21: {  	_ =	swait.ge [sflag:s15], $0x4000  }
0x22: {  	[sflag:s15] =	ssyncset.done $0x0  }
0x23: {  	[sflag:s15] =	ssyncadd.s32 $0xFFFFC000  }
0x24: {  	[spmem:s6] =	stream.linear.scatter [tilespmem:s14], [sflag:$0x2], $0x4000, $0x38;
	[tilespmem:$0x1D000] =	vst v63  }
0x25: {  	_ =	swait.ge [sflag:s15], $0x4000  }
0x26: {  	[sflag:s15] =	ssyncset.done $0x0  }
0x27: {  	[sflag:s15] =	ssyncadd.s32 $0xFFFFC000  }
0x28: {  	[spmem:s7] =	stream.linear.scatter [tilespmem:s14], [sflag:$0x2], $0x4000, $0x38;
	[tilespmem:$0x1D000] =	vst v63  }
0x29: {  	_ =	swait.ge [sflag:s15], $0x4000  }
0x2a: {  	[sflag:s15] =	ssyncset.done $0x0  }
0x2b: {  	[sflag:s15] =	ssyncadd.s32 $0xFFFFC000  }
0x2c: {  	[spmem:s8] =	stream.linear.scatter [tilespmem:s14], [sflag:$0x2], $0x4000, $0x38;
	[tilespmem:$0x1D000] =	vst v63  }
0x2d: {  	_ =	swait.ge [sflag:s15], $0x4000  }
0x2e: {  	[sflag:s15] =	ssyncset.done $0x0  }
0x2f: {  	[sflag:s15] =	ssyncadd.s32 $0xFFFFC000  }
0x30: {  	[spmem:s9] =	stream.linear.scatter [tilespmem:s14], [sflag:$0x2], $0x4000, $0x38;
	[tilespmem:$0x1D000] =	vst v63  }
0x31: {  	_ =	swait.ge [sflag:s15], $0x4000  }
0x32: {  	[sflag:s15] =	ssyncset.done $0x0  }
0x33: {  	[sflag:s15] =	ssyncadd.s32 $0xFFFFC000  }
0x34: {  	s29 =	simm.s32 $0x0;
	[bflag:$0x0] =	sbarrier.arrive $0xFFFF  }
0x35: {  	[tilespmem:s29], [sflag:$0x2] =	stream.linear.gather [hbm4b:s10+s29], $0x2780, $0x38;
	[tilespmem:$0x1D000] =	vst v63  }
0x36: {  	_ =	swait.ge [sflag:s15], $0x2780  }
0x37: {  	[sflag:s15] =	ssyncset.done $0x0  }
0x38: {  	[sflag:s15] =	ssyncadd.s32 $0xFFFFD880  }
0x39: {  	[tilespmem:s16], [sflag:$0x2] =	stream.linear.gather [hbm4b:s11+s29], $0x2780, $0x38;
	[tilespmem:$0x1D000] =	vst v63  }
0x3a: {  	_ =	swait.ge [sflag:s15], $0x2780  }
0x3b: {  	[sflag:s15] =	ssyncset.done $0x0  }
0x3c: {  	s30 =	simm.s32 $0x0;
	[sflag:s15] =	ssyncadd.s32 $0xFFFFD880  }
0x3d: {  	[tilespmem:s14], [sflag:$0x1] =	stream.indirect.gather [hbm4b:s4+s17], $0x80, s30, s17, $0xb8;
	[tilespmem:$0x1D000] =	vst v63  }
0x3e: {  	_ =	swait.ge [sflag:s18], $0x4000  }
0x3f: {  	[sflag:s18] =	ssyncset.done $0x0  }
0x40: {  	s31 =	simm.s32 $0x2800;
	[sflag:s18] =	ssyncadd.s32 $0xFFFFC000  }
0x41: {  	[spmem:s2] =	stream.indirect.scatter.add.f32 [tilespmem:s14], [sflag:$0x2], $0x80, s31, s17, $0xb8;
	[tilespmem:$0x1D000] =	vst v63  }
0x42: {  	_ =	swait.ge [sflag:s15], $0x4000  }
0x43: {  	s21 =	simm.s32 $0x200;
	s22 =	simm.s32 $0x400;
	[sflag:s15] =	ssyncset.done $0x0  }
.LBB2_4:
0x44: {  	s23 =	sshra.s32 s21, $0x2  }
0x45: {  	[sflag:s15] =	ssyncadd.s32 $0xFFFFC000;
	s21 =	smov.u32 s22;
	s24 =	sadd.s32 $0x200, s22  }
0x46: {  	[tilespmem:s14], [sflag:$0x1] =	stream.indirect.gather [hbm4b:s4+s17], $0x80, s23, s17, $0xb8;
	[tilespmem:$0x1D000] =	vst v63  }
0x47: {  	p0 =	sne.s32 s22, $0x9C00;
	_ =	swait.ge [sflag:s18], $0x4000  }
.Ltmp1:
0x48: {  	[sflag:s18] =	ssyncset.done $0x0;
	(pc) =	sbr.rel @p0 .LBB2_4-.Ltmp1, $4  }
0x49: {  	s22 =	sadd.s32 $0x2800, s23;
	[sflag:s18] =	ssyncadd.s32 $0xFFFFC000  }
0x4a: {  	[spmem:s2] =	stream.indirect.scatter.add.f32 [tilespmem:s14], [sflag:$0x2], $0x80, s22, s17, $0xb8;
	[tilespmem:$0x1D000] =	vst v63  }
0x4b: {  	_ =	swait.ge [sflag:s15], $0x4000  }
0x4c: {  	s22 =	smov.u32 s24;
	[sflag:s15] =	ssyncset.done $0x0  }
0x4d: {  	s21 =	sshra.s32 s21, $0x2;
	[sflag:s15] =	ssyncadd.s32 $0xFFFFC000  }
0x4e: {  	[tilespmem:s14], [sflag:$0x1] =	stream.indirect.gather [hbm4b:s4+s17], $0x80, s21, s17, $0xb8;
	[tilespmem:$0x1D000] =	vst v63  }
0x4f: {  	_ =	swait.ge [sflag:s18], $0x4000  }
0x50: {  	[sflag:s18] =	ssyncset.done $0x0  }
0x51: {  	s21 =	sadd.s32 $0x2800, s21;
	[sflag:s18] =	ssyncadd.s32 $0xFFFFC000  }
0x52: {  	[spmem:s2] =	stream.indirect.scatter.add.f32 [tilespmem:s14], [sflag:$0x2], $0x80, s21, s17, $0xb8;
	[tilespmem:$0x1D000] =	vst v63  }
0x53: {  	_ =	swait.ge [sflag:s15], $0x4000  }
0x54: {  	s3 =	sadd.s32 $0x1, s3;
	[sflag:s15] =	ssyncset.done $0x0  }
0x55: {  	p0 =	sne.s32 s3, s13;
	[sflag:s15] =	ssyncadd.s32 $0xFFFFC000  }
.Ltmp2:
0x56: {  	[bflag:$0x0] =	sbarrier.arrive $0xFFFF;
	(pc) =	sbr.rel @p0 .LBB2_1-.Ltmp2, $4  }
0x57: {  	[hbm:s12], [sflag:s19] =	dma.local [spmem:s20], $0x2800  }
0x58: {  	_ =	swait.ge [sflag:s15], $0x2800  }
0x59: {  	[sflag:s15] =	ssyncset.done $0x0  }
0x5a: {  	[sflag:s15] =	ssyncadd.s32 $0xFFFFD800  }
0x5b: {  	_ =	sfence.sel $0x180000  }
0x5c: {  	[bflag:$0x0] =	sbarrier.arrive $0xFFFF  }
0x5d: {  	p0 =	sne.s32 s0, $0x0;
	_ =	strace $0x90000056  }
0x5e: {  	s0 =	sadd.s32 @!p0 $0x100000, s1;
	[bflag:$0x2] =	sbarrier.arrive $0xFFFF  }
0x5f: {  	[sflag:s0] =	ssyncadd.tile.s32 @!p0 $0x1;
	_ =	shalt  }
.Lfunc_end2:
_tile_overlayer_lowered:
.L_overlay_start_2:
0x60: {  	(tag) =	ssettag $0x2  }
0x61: {  	s0 =	rddreg [dreg:$0x0];
	s2 =	stileid.u32  }
0x62: {  	s1 =	rddreg [dreg:$0x1];
	p0 =	sne.s32 s2, $0x0  }
0x63: {  	s3 =	rddreg [dreg:$0x2];
	[bflag:$0x3] =	sbarrier.arrive $0xFFFF;
	s2 =	simm.s32 @!p0 $0x1C02  }
0x64: {  	[timem:s3], [sflag:s2] =	dma.local @!p0 [hbm:s0], s1  }
0x65: {  	s0 =	simm.s32 @!p0 $0x2  }
0x66: {  	_ =	swait.ge @!p0 [sflag:s0], s1  }
0x67: {  	s1 =	ssub.s32 @!p0 $0x0, s1;
	[sflag:s0] =	ssyncset.done @!p0 $0x0  }
0x68: {  	[sflag:s0] =	ssyncadd.s32 @!p0 s1  }
0x69: {  	[bflag:$0x3] =	sbarrier.arrive $0xFFFF  }
0x6a: {  	_ =	shalt  }

// kernel: kernel.31.cloned.1.call-start
scs
__scs_entry_jumppad:
0x0: {  	(pc) =	sbr.rel $0x88, $3  }
0x1: {  	(tag) =	ssettag $0x0;
	lr =	simm.s32 $0x1  }
0x2: {  	[smem:$0x3F93] =	sst lr;
	_ =	strace $0xD0000000  }
0x3: {  	_ = 	snop  }
0x4: {  	_ = 	snop  }
0x5: {  	_ = 	snop  }
0x6: {  	_ = 	snop  }
0x7: {  	_ = 	snop  }
__scs_overlays_trampoline_lowered:
0x8: {  	[smem:$0x3FA2] =	sst s0  }
0x9: {  	[smem:$0x3FA3] =	sst s1  }
0xa: {  	[smem:$0x3FA4] =	sst s2  }
0xb: {  	[smem:$0x3FA5] =	sst s3  }
0xc: {  	[smem:$0x3FA6] =	sst s4  }
0xd: {  	[smem:$0x3FA7] =	sst s5  }
0xe: {  	[smem:$0x3FA8] =	sst s6  }
0xf: {  	[smem:$0x3FA9] =	sst s7  }
0x10: {  	[smem:$0x3FAA] =	sst s8  }
0x11: {  	[smem:$0x3FAB] =	sst s9;
	s0 =	simm.s32 @!p0 $0x0  }
0x12: {  	s1 =	sld [smem:$0x3F91];
	s0 =	simm.s32 @p0 $0x1  }
0x13: {  	[smem:$0x3FAC] =	sst s0;
	s0 =	simm.s32 @!p1 $0x0  }
0x14: {  	s2 =	sld [smem:$0x3F90];
	s0 =	simm.s32 @p1 $0x1  }
0x15: {  	[smem:$0x3FAD] =	sst s0;
	s0 =	simm.s32 @!p2 $0x0  }
0x16: {  	s3 =	sld [smem:$0x3FDB];
	s0 =	simm.s32 @p2 $0x1  }
0x17: {  	s4 =	simm.s32 $0x1BF5;
	[smem:$0x3FAF] =	sst s0  }
0x18: {  	s0 =	sld [smem:$0x3F92];
	_ =	swait.ge [sflag:s4], $0x0  }
0x19: {  	s7 =	sld [smem:$0x3F93]  }
0x1a: {  	s8 =	sadd.s32 $0xFFFFE003, lr  }
0x1b: {  	s9 =	sadd.s32 $0xFFFFFEF7, lr;
	s5 =	simm.s32 $0xFFFFFFFF;
	p2 =	slt.u32 s8, $0xFFFFF086  }
0x1c: {  	p1 =	slt.u32 s9, $0xF7A;
	s5 =	simm.s32 @!p2 $0x0  }
0x1d: {  	s5 =	simm.s32 @p1 $0x1;
	p0 =	seq.s32 s7, s2  }
0x1e: {  	s7 =	smul.u32 @!p0 $0xF7A, s2;
	p2 =	seq.s32 @!p0 s5, $0x0  }
0x1f: {  	s9 =	smul.u32 $0xF7A, s1;
	s8 =	simm.s32 @!p0 $0x1BF5;
	p2 =	por !p2, p0  }
0x20: {  	[sflag:s8] =	ssyncset.s32 @!p0 $0xFFFFF086;
	s6 =	sadd.s32 @!p0 s3, s7;
	s7 =	simm.s32 @!p0 $0x108  }
0x21: {  	s3 =	sadd.s32 s3, s9;
	s6 =	sadd.s32 @!p0 $0x88, s6;
	s7 =	simm.s32 @p2 $0x1082  }
0x22: {  	[simem:s7], [sflag:s8] =	dma.local @!p0 [hbm:s6], $0xF7A  }
0x23: {  	s9 =	sor.u32 $0xD0000000, s2;
	s6 =	simm.s32 $0x108;
	_ =	swait.ge @!p0 [sflag:s8], $0x0  }
0x24: {  	s3 =	sadd.s32 $0x88, s3;
	s6 =	simm.s32 @!p1 $0x1082;
	[sflag:s4] =	ssyncset.s32 $0xFFFFF086  }
0x25: {  	[simem:s6], [sflag:s4] =	dma.local [hbm:s3], $0xF7A  }
0x26: {  	[smem:$0x3F93] =	sst s1;
	(tag) =	ssettag s2;
	_ =	strace s9  }
0x27: {  	s1 =	sld [smem:$0x3FA3]  }
0x28: {  	s2 =	sld [smem:$0x3FA4]  }
0x29: {  	s4 =	sld [smem:$0x3FA6]  }
0x2a: {  	p0 =	seq.s32 s5, $0x0;
	s5 =	sld [smem:$0x3FA7]  }
0x2b: {  	s6 =	sld [smem:$0x3FA8]  }
0x2c: {  	s7 =	sld [smem:$0x3FA9]  }
0x2d: {  	s3 =	simm.s32 $0x108;
	s8 =	sld [smem:$0x3FAA]  }
0x2e: {  	s3 =	simm.s32 @!p0 $0x1082;
	s9 =	sld [smem:$0x3FAB]  }
0x2f: {  	lr =	sadd.s32 s0, s3;
	s0 =	sld [smem:$0x3FA2]  }
0x30: {  	s3 =	sld [smem:$0x3FA5]  }
0x31: {  	[smem:$0x3FAE] =	sst s10  }
0x32: {  	s10 =	sld [smem:$0x3FAC];
	_ =	sdelay $0x3  }
0x33: {  	p0 =	seq.s32 s10, $0x1;
	s10 =	sld [smem:$0x3FAE];
	_ =	sdelay $0x3  }
0x34: {  	[smem:$0x3FAE] =	sst s10  }
0x35: {  	s10 =	sld [smem:$0x3FAD];
	_ =	sdelay $0x3  }
0x36: {  	p1 =	seq.s32 s10, $0x1;
	s10 =	sld [smem:$0x3FAE];
	_ =	sdelay $0x3  }
0x37: {  	[smem:$0x3FAE] =	sst s10  }
0x38: {  	s10 =	sld [smem:$0x3FAF]  }
0x39: {  	_ = 	snop;
	(pc) =	sbr.ind lr, $3  }
0x3a: {  	_ = 	snop  }
0x3b: {  	_ = 	snop  }
0x3c: {  	p2 =	seq.s32 s10, $0x1;
	s10 =	sld [smem:$0x3FAE]  }
0x3d: {  	_ =	shalt  }
0x3e: {  	_ =	shalt  }
0x3f: {  	_ =	shalt  }
0x40: {  	_ =	shalt  }
0x41: {  	_ =	shalt  }
0x42: {  	_ =	shalt  }
0x43: {  	_ =	shalt  }
0x44: {  	_ =	shalt  }
0x45: {  	_ =	shalt  }
0x46: {  	_ =	shalt  }
0x47: {  	_ =	shalt  }
0x48: {  	_ =	shalt  }
0x49: {  	_ =	shalt  }
0x4a: {  	_ =	shalt  }
0x4b: {  	_ =	shalt  }
0x4c: {  	_ =	shalt  }
0x4d: {  	_ =	shalt  }
0x4e: {  	_ =	shalt  }
0x4f: {  	_ =	shalt  }
0x50: {  	_ =	shalt  }
0x51: {  	_ =	shalt  }
0x52: {  	_ =	shalt  }
0x53: {  	_ =	shalt  }
0x54: {  	_ =	shalt  }
0x55: {  	_ =	shalt  }
0x56: {  	_ =	shalt  }
0x57: {  	_ =	shalt  }
0x58: {  	_ =	shalt  }
0x59: {  	_ =	shalt  }
0x5a: {  	_ =	shalt  }
0x5b: {  	_ =	shalt  }
0x5c: {  	_ =	shalt  }
0x5d: {  	_ =	shalt  }
0x5e: {  	_ =	shalt  }
0x5f: {  	_ =	shalt  }
0x60: {  	_ =	shalt  }
0x61: {  	_ =	shalt  }
0x62: {  	_ =	shalt  }
0x63: {  	_ =	shalt  }
0x64: {  	_ =	shalt  }
0x65: {  	_ =	shalt  }
0x66: {  	_ =	shalt  }
0x67: {  	_ =	shalt  }
0x68: {  	_ =	shalt  }
0x69: {  	_ =	shalt  }
0x6a: {  	_ =	shalt  }
0x6b: {  	_ =	shalt  }
0x6c: {  	_ =	shalt  }
0x6d: {  	_ =	shalt  }
0x6e: {  	_ =	shalt  }
0x6f: {  	_ =	shalt  }
0x70: {  	_ =	shalt  }
0x71: {  	_ =	shalt  }
0x72: {  	_ =	shalt  }
0x73: {  	_ =	shalt  }
0x74: {  	_ =	shalt  }
0x75: {  	_ =	shalt  }
0x76: {  	_ =	shalt  }
0x77: {  	_ =	shalt  }
0x78: {  	_ =	shalt  }
0x79: {  	_ =	shalt  }
0x7a: {  	_ =	shalt  }
0x7b: {  	_ =	shalt  }
0x7c: {  	_ =	shalt  }
0x7d: {  	_ =	shalt  }
0x7e: {  	_ =	shalt  }
0x7f: {  	_ =	shalt  }
0x80: {  	_ =	shalt  }
0x81: {  	_ =	shalt  }
0x82: {  	_ =	shalt  }
0x83: {  	_ =	shalt  }
0x84: {  	_ =	shalt  }
0x85: {  	_ =	shalt  }
0x86: {  	_ =	shalt  }
0x87: {  	_ =	shalt  }
.Lfunc_end0:
.L_simem_size_0:
called_computation.6_lowered:
.L_overlay_start_0:
0x88: {  	s2 =	sld [smem:$0x3FD9]  }
0x89: {  	s3 =	sld [smem:$0x3FFE];
	_ =	sdelay $0x1  }
0x8a: {  	s1 =	srdreg.scid  }
0x8b: {  	s0 =	sand.u32 $0x1, s1  }
0x8c: {  	s16 =	sshll.u32 s0, $0xA;
	s2 =	sadd.s32 s3, s2  }
0x8d: {  	s2 =	sadd.s32 s2, s16  }
0x8e: {  	[smem:$0x3FBA] =	sst s2  }
0x8f: {  	_ = 	snop  }
0x90: {  	(tm) =	ssettm $0x1  }
0x91: {  	s17 =	sld [smem:$0x3FFB];
	_ =	sdelay $0x3  }
0x92: {  	_ =	strace s17  }
0x93: {  	s2 =	sld [smem:$0x3FFC];
	_ =	sdelay $0x3  }
0x94: {  	_ =	strace s2  }
0x95: {  	s2 =	sld [smem:$0x3FFD];
	_ =	sdelay $0x3  }
0x96: {  	_ =	strace s2  }
0x97: {  	_ =	strace $0x8FFFFFFF  }
0x98: {  	s18 =	sld [smem:$0x3FDB];
	_ =	sdelay $0x1  }
0x99: {  	s19 =	simm.s32 $_scs_section_size  }
0x9a: {  	s4 =	simm.s32 $_size__tile_overlayer_lowered;
	s5 =	simm.s32 $_tile_overlayer_lowered  }
0x9b: {  	s22 =	simm.s32 $0x1BFF;
	s21 =	sshll.u32 s5, $0x1;
	s2 =	sadd.s32 s19, s18  }
0x9c: {  	s6 =	simm.s32 $0x0;
	s20 =	sshll.u32 s4, $0x1;
	s4 =	sadd.s32 s21, s2  }
0x9d: {  	[timem:s6], [sflag:s22] =	dma.local [hbm:s4], s20  }
0x9e: {  	_ =	swait.ge [sflag:s22], s20  }
0x9f: {  	s3 =	ssub.s32 $0x0, s20;
	[sflag:s22] =	ssyncset.done $0x0  }
0xa0: {  	[sflag:s22] =	ssyncadd.s32 s3;
	_ =	sdelay $0x1  }
0xa1: {  	s23 =	simm.s32 $0x1B8B  }
0xa2: {  	_ =	swait.ge [sflag:s23], $0x1  }
0xa3: {  	[sflag:s23] =	ssyncset.done $0x0  }
0xa4: {  	s25 =	simm.s32 $0x1B8E;
	s24 =	sld [smem:$0x3FFE];
	[sflag:s23] =	ssyncadd.s32 $0xFFFFFFFF  }
0xa5: {  	s26 =	simm.s32 $execute0_lowered;
	[smem:$0x3FD2] =	sst s25  }
0xa6: {  	s4 =	sshll.u32 s26, $0x1;
	_ =	strace $0x80000058;
	[dreg:$0x1] =	wrdreg $0xFFFFFFFF  }
0xa7: {  	s28 =	simm.s32 $_size_execute0_lowered;
	s2 =	sadd.s32 s2, s4;
	[dreg:$0x0] =	wrdreg $0x0  }
0xa8: {  	s4 =	sshll.u32 s28, $0x1;
	[dreg:$0x2] =	wrdreg s2  }
0xa9: {  	[dreg:$0x3] =	wrdreg s4  }
0xaa: {  	[dreg:$0x4] =	wrdreg $0xC0  }
0xab: {  	_ =	task [dreg:s6], $0x5FFFF  }
0xac: {  	[dreg:$0x1] =	wrdreg $0xFFFFFFFF  }
0xad: {  	[dreg:$0x0] =	wrdreg $0x60  }
0xae: {  	[dreg:$0x2] =	wrdreg s24  }
0xaf: {  	[dreg:$0x3] =	wrdreg $0x90000  }
0xb0: {  	[dreg:$0x4] =	wrdreg $0x9  }
0xb1: {  	_ =	task.clear_ibuf [dreg:s6], $0x5FFFF;
	_ =	strace $0x90000058  }
0xb2: {  	s29 =	simm.s32 $0x9;
	_ =	strace $0x8000005A  }
0xb3: {  	_ =	swait.ge [sflag:s29], $0x1  }
0xb4: {  	[sflag:s29] =	ssyncadd.s32 $0xFFFFFFFF  }
0xb5: {  	_ =	strace $0x9000005A  }
0xb6: {  	_ =	sfence  }
0xb7: {  	s30 =	sld [smem:$0x0];
	_ =	sdelay $0x2  }
0xb8: {  	s31 =	sshll.u32 s1, $0xD;
	s1 =	sshrl.u32 s1, $0x2  }
0xb9: {  	s3 =	sand.u32 $0x4000, s31;
	s1 =	sadd.s32 s1, s30  }
0xba: {  	s0 =	sor.u32 s3, s0;
	s1 =	sshll.u32 s1, $0x11  }
0xbb: {  	s0 =	sor.u32 s1, s0  }
0xbc: {  	s0 =	sadd.s32 $0x8F2B, s0  }
0xbd: {  	[sflag:s0] =	ssyncadd.remote.s32 $0x1  }
0xbe: {  	_ =	sfence.sel $0xFFFF  }
0xbf: {  	[dreg:$0x0] =	wrdreg $0xFFFFFFFF;
	(pc) =	sbr.abs _section_cstart, $3  }
0xc0: {  	[dreg:$0x1] =	wrdreg $0xFFFFFFFF  }
0xc1: {  	_ =	task.clear_ibuf [dreg:s6], $0x2FFFF;
	_ =	strace $0x9FFFFFFF  }
0xc2: {  	(tm) =	ssettm $0x7FFFFFFF  }
0xc3: {  	_ =	shalt  }
tec
execute0_lowered:
.L_overlay_start_1:
0x0: {  	(tag) =	ssettag $0x1  }
0x1: {  	s0 =	srdreg.scid;
	s6 =	rddreg [dreg:$0x0]  }
0x2: {  	s2 =	rddreg [dreg:$0x1];
	s3 =	simm.s32 $0x0;
	s14 =	simm.s32 $0x5000  }
0x3: {  	s15 =	simm.s32 $0x2;
	s16 =	simm.s32 $0x2800;
	s5 =	sand.u32 $0x1, s0  }
0x4: {  	s17 =	simm.s32 $0x80;
	s0 =	stileid.u32;
	s8 =	smul.u32 $0x140000, s5  }
0x5: {  	s18 =	simm.s32 $0x1;
	[smem:$0x7FF] =	sst s3;
	s9 =	smul.u32 $0x14000, s0  }
0x6: {  	s4 =	sadd.s32 $0x3D600, s6;
	s1 =	sshll.u32 s5, $0x4;
	s10 =	smul.u32 $0x50000, s0  }
0x7: {  	s29 =	ssub.s32 $0x2, s5;
	s19 =	sshll.u32 s0, $0x6;
	s1 =	sor.u32 s0, s1  }
0x8: {  	s31 =	sshrl.u32 s29, $0x1;
	s19 =	sor.u32 $0x1C02, s19;
	s7 =	smul.u32 $0x500, s1  }
0x9: {  	s1 =	rddreg [dreg:$0x2];
	_ =	strace $0x80000059;
	s30 =	sshrl.u32 s10, $0x2  }
0xa: {  	s28 =	sadd.s32 s9, s8;
	s13 =	ssub.s32 s29, s31;
	s5 =	sadd.s32 s30, s2  }
0xb: {  	s13 =	smax.u32 s13, $0x1;
	s11 =	sadd.s32 s7, s6;
	s7 =	sshrl.u32 s28, $0x3  }
0xc: {  	s8 =	sadd.s32 $0xC000, s5;
	s9 =	sadd.s32 $0x10000, s5;
	s20 =	sshrl.u32 s5, $0x3  }
0xd: {  	s12 =	sadd.s32 s7, s6;
	s6 =	sadd.s32 $0x4000, s5;
	s7 =	sadd.s32 $0x8000, s5  }
0xe: {  	v0 =	vimm.f32 $0.0e+00;
	s10 =	sadd.s32 $0x5C00, s11;
	s11 =	sadd.s32 $0x33600, s11;
	s12 =	sadd.s32 $0xB5600, s12  }
.LBB2_1:
0xf: {  	s21 =	simm.s32 $0x0;
	s22 =	simm.s32 $0x200  }
.LBB2_2:
0x10: {  	p0 =	sne.s32 s22, $0xFE00;
	[tilespmem:s21+$0x5070] =	vst v0  }
0x11: {  	[tilespmem:s21+$0x5000] =	vst v0  }
0x12: {  	[tilespmem:s21+$0x5010] =	vst v0  }
.Ltmp0:
0x13: {  	[tilespmem:s21+$0x5020] =	vst v0;
	(pc) =	sbr.rel @p0 .LBB2_2-.Ltmp0, $4  }
0x14: {  	[tilespmem:s21+$0x5030] =	vst v0  }
0x15: {  	[tilespmem:s21+$0x5040] =	vst v0  }
0x16: {  	[tilespmem:s21+$0x5050] =	vst v0  }
0x17: {  	[tilespmem:s21+$0x5060] =	vst v0;
	s21 =	sshra.s32 s22, $0x2;
	s22 =	sadd.s32 $0x200, s22  }
0x18: {  	[tilespmem:s21+$0x5070] =	vst v0  }
0x19: {  	[tilespmem:s21+$0x5000] =	vst v0  }
0x1a: {  	[tilespmem:s21+$0x5010] =	vst v0  }
0x1b: {  	[tilespmem:s21+$0x5020] =	vst v0  }
0x1c: {  	[tilespmem:s21+$0x5030] =	vst v0  }
0x1d: {  	[tilespmem:s21+$0x5040] =	vst v0  }
0x1e: {  	[tilespmem:s21+$0x5050] =	vst v0  }
0x1f: {  	[tilespmem:s21+$0x5060] =	vst v0  }
0x20: {  	[spmem:s5] =	stream.linear.scatter [tilespmem:s14], [sflag:$0x2], $0x4000, $0x38;
	[tilespmem:$0x1D000] =	vst v63  }
0x21: {  	_ =	swait.ge [sflag:s15], $0x4000  }
0x22: {  	[sflag:s15] =	ssyncset.done $0x0  }
0x23: {  	[sflag:s15] =	ssyncadd.s32 $0xFFFFC000  }
0x24: {  	[spmem:s6] =	stream.linear.scatter [tilespmem:s14], [sflag:$0x2], $0x4000, $0x38;
	[tilespmem:$0x1D000] =	vst v63  }
0x25: {  	_ =	swait.ge [sflag:s15], $0x4000  }
0x26: {  	[sflag:s15] =	ssyncset.done $0x0  }
0x27: {  	[sflag:s15] =	ssyncadd.s32 $0xFFFFC000  }
0x28: {  	[spmem:s7] =	stream.linear.scatter [tilespmem:s14], [sflag:$0x2], $0x4000, $0x38;
	[tilespmem:$0x1D000] =	vst v63  }
0x29: {  	_ =	swait.ge [sflag:s15], $0x4000  }
0x2a: {  	[sflag:s15] =	ssyncset.done $0x0  }
0x2b: {  	[sflag:s15] =	ssyncadd.s32 $0xFFFFC000  }
0x2c: {  	[spmem:s8] =	stream.linear.scatter [tilespmem:s14], [sflag:$0x2], $0x4000, $0x38;
	[tilespmem:$0x1D000] =	vst v63  }
0x2d: {  	_ =	swait.ge [sflag:s15], $0x4000  }
0x2e: {  	[sflag:s15] =	ssyncset.done $0x0  }
0x2f: {  	[sflag:s15] =	ssyncadd.s32 $0xFFFFC000  }
0x30: {  	[spmem:s9] =	stream.linear.scatter [tilespmem:s14], [sflag:$0x2], $0x4000, $0x38;
	[tilespmem:$0x1D000] =	vst v63  }
0x31: {  	_ =	swait.ge [sflag:s15], $0x4000  }
0x32: {  	[sflag:s15] =	ssyncset.done $0x0  }
0x33: {  	[sflag:s15] =	ssyncadd.s32 $0xFFFFC000  }
0x34: {  	s29 =	simm.s32 $0x0;
	[bflag:$0x0] =	sbarrier.arrive $0xFFFF  }
0x35: {  	[tilespmem:s29], [sflag:$0x2] =	stream.linear.gather [hbm4b:s10+s29], $0x2780, $0x38;
	[tilespmem:$0x1D000] =	vst v63  }
0x36: {  	_ =	swait.ge [sflag:s15], $0x2780  }
0x37: {  	[sflag:s15] =	ssyncset.done $0x0  }
0x38: {  	[sflag:s15] =	ssyncadd.s32 $0xFFFFD880  }
0x39: {  	[tilespmem:s16], [sflag:$0x2] =	stream.linear.gather [hbm4b:s11+s29], $0x2780, $0x38;
	[tilespmem:$0x1D000] =	vst v63  }
0x3a: {  	_ =	swait.ge [sflag:s15], $0x2780  }
0x3b: {  	[sflag:s15] =	ssyncset.done $0x0  }
0x3c: {  	s30 =	simm.s32 $0x0;
	[sflag:s15] =	ssyncadd.s32 $0xFFFFD880  }
0x3d: {  	[tilespmem:s14], [sflag:$0x1] =	stream.indirect.gather [hbm4b:s4+s17], $0x80, s30, s17, $0xb8;
	[tilespmem:$0x1D000] =	vst v63  }
0x3e: {  	_ =	swait.ge [sflag:s18], $0x4000  }
0x3f: {  	[sflag:s18] =	ssyncset.done $0x0  }
0x40: {  	s31 =	simm.s32 $0x2800;
	[sflag:s18] =	ssyncadd.s32 $0xFFFFC000  }
0x41: {  	[spmem:s2] =	stream.indirect.scatter.add.f32 [tilespmem:s14], [sflag:$0x2], $0x80, s31, s17, $0xb8;
	[tilespmem:$0x1D000] =	vst v63  }
0x42: {  	_ =	swait.ge [sflag:s15], $0x4000  }
0x43: {  	s21 =	simm.s32 $0x200;
	s22 =	simm.s32 $0x400;
	[sflag:s15] =	ssyncset.done $0x0  }
.LBB2_4:
0x44: {  	s23 =	sshra.s32 s21, $0x2  }
0x45: {  	[sflag:s15] =	ssyncadd.s32 $0xFFFFC000;
	s21 =	smov.u32 s22;
	s24 =	sadd.s32 $0x200, s22  }
0x46: {  	[tilespmem:s14], [sflag:$0x1] =	stream.indirect.gather [hbm4b:s4+s17], $0x80, s23, s17, $0xb8;
	[tilespmem:$0x1D000] =	vst v63  }
0x47: {  	p0 =	sne.s32 s22, $0x9C00;
	_ =	swait.ge [sflag:s18], $0x4000  }
.Ltmp1:
0x48: {  	[sflag:s18] =	ssyncset.done $0x0;
	(pc) =	sbr.rel @p0 .LBB2_4-.Ltmp1, $4  }
0x49: {  	s22 =	sadd.s32 $0x2800, s23;
	[sflag:s18] =	ssyncadd.s32 $0xFFFFC000  }
0x4a: {  	[spmem:s2] =	stream.indirect.scatter.add.f32 [tilespmem:s14], [sflag:$0x2], $0x80, s22, s17, $0xb8;
	[tilespmem:$0x1D000] =	vst v63  }
0x4b: {  	_ =	swait.ge [sflag:s15], $0x4000  }
0x4c: {  	s22 =	smov.u32 s24;
	[sflag:s15] =	ssyncset.done $0x0  }
0x4d: {  	s21 =	sshra.s32 s21, $0x2;
	[sflag:s15] =	ssyncadd.s32 $0xFFFFC000  }
0x4e: {  	[tilespmem:s14], [sflag:$0x1] =	stream.indirect.gather [hbm4b:s4+s17], $0x80, s21, s17, $0xb8;
	[tilespmem:$0x1D000] =	vst v63  }
0x4f: {  	_ =	swait.ge [sflag:s18], $0x4000  }
0x50: {  	[sflag:s18] =	ssyncset.done $0x0  }
0x51: {  	s21 =	sadd.s32 $0x2800, s21;
	[sflag:s18] =	ssyncadd.s32 $0xFFFFC000  }
0x52: {  	[spmem:s2] =	stream.indirect.scatter.add.f32 [tilespmem:s14], [sflag:$0x2], $0x80, s21, s17, $0xb8;
	[tilespmem:$0x1D000] =	vst v63  }
0x53: {  	_ =	swait.ge [sflag:s15], $0x4000  }
0x54: {  	s3 =	sadd.s32 $0x1, s3;
	[sflag:s15] =	ssyncset.done $0x0  }
0x55: {  	p0 =	sne.s32 s3, s13;
	[sflag:s15] =	ssyncadd.s32 $0xFFFFC000  }
.Ltmp2:
0x56: {  	[bflag:$0x0] =	sbarrier.arrive $0xFFFF;
	(pc) =	sbr.rel @p0 .LBB2_1-.Ltmp2, $4  }
0x57: {  	[hbm:s12], [sflag:s19] =	dma.local [spmem:s20], $0x2800  }
0x58: {  	_ =	swait.ge [sflag:s15], $0x2800  }
0x59: {  	[sflag:s15] =	ssyncset.done $0x0  }
0x5a: {  	[sflag:s15] =	ssyncadd.s32 $0xFFFFD800  }
0x5b: {  	_ =	sfence.sel $0x180000  }
0x5c: {  	[bflag:$0x0] =	sbarrier.arrive $0xFFFF  }
0x5d: {  	p0 =	sne.s32 s0, $0x0;
	_ =	strace $0x90000059  }
0x5e: {  	s0 =	sadd.s32 @!p0 $0x100000, s1;
	[bflag:$0x2] =	sbarrier.arrive $0xFFFF  }
0x5f: {  	[sflag:s0] =	ssyncadd.tile.s32 @!p0 $0x1;
	_ =	shalt  }
.Lfunc_end2:
_tile_overlayer_lowered:
.L_overlay_start_2:
0x60: {  	(tag) =	ssettag $0x2  }
0x61: {  	s0 =	rddreg [dreg:$0x0];
	s2 =	stileid.u32  }
0x62: {  	s1 =	rddreg [dreg:$0x1];
	p0 =	sne.s32 s2, $0x0  }
0x63: {  	s3 =	rddreg [dreg:$0x2];
	[bflag:$0x3] =	sbarrier.arrive $0xFFFF;
	s2 =	simm.s32 @!p0 $0x1C02  }
0x64: {  	[timem:s3], [sflag:s2] =	dma.local @!p0 [hbm:s0], s1  }
0x65: {  	s0 =	simm.s32 @!p0 $0x2  }
0x66: {  	_ =	swait.ge @!p0 [sflag:s0], s1  }
0x67: {  	s1 =	ssub.s32 @!p0 $0x0, s1;
	[sflag:s0] =	ssyncset.done @!p0 $0x0  }
0x68: {  	[sflag:s0] =	ssyncadd.s32 @!p0 s1  }
0x69: {  	[bflag:$0x3] =	sbarrier.arrive $0xFFFF  }
0x6a: {  	_ =	shalt  }

// kernel: kernel.34.cloned.1.call-start
scs
__scs_entry_jumppad:
0x0: {  	(pc) =	sbr.rel $0x88, $3  }
0x1: {  	(tag) =	ssettag $0x0;
	lr =	simm.s32 $0x1  }
0x2: {  	[smem:$0x3F93] =	sst lr;
	_ =	strace $0xD0000000  }
0x3: {  	_ = 	snop  }
0x4: {  	_ = 	snop  }
0x5: {  	_ = 	snop  }
0x6: {  	_ = 	snop  }
0x7: {  	_ = 	snop  }
__scs_overlays_trampoline_lowered:
0x8: {  	[smem:$0x3FA2] =	sst s0  }
0x9: {  	[smem:$0x3FA3] =	sst s1  }
0xa: {  	[smem:$0x3FA4] =	sst s2  }
0xb: {  	[smem:$0x3FA5] =	sst s3  }
0xc: {  	[smem:$0x3FA6] =	sst s4  }
0xd: {  	[smem:$0x3FA7] =	sst s5  }
0xe: {  	[smem:$0x3FA8] =	sst s6  }
0xf: {  	[smem:$0x3FA9] =	sst s7  }
0x10: {  	[smem:$0x3FAA] =	sst s8  }
0x11: {  	[smem:$0x3FAB] =	sst s9;
	s0 =	simm.s32 @!p0 $0x0  }
0x12: {  	s1 =	sld [smem:$0x3F91];
	s0 =	simm.s32 @p0 $0x1  }
0x13: {  	[smem:$0x3FAC] =	sst s0;
	s0 =	simm.s32 @!p1 $0x0  }
0x14: {  	s2 =	sld [smem:$0x3F90];
	s0 =	simm.s32 @p1 $0x1  }
0x15: {  	[smem:$0x3FAD] =	sst s0;
	s0 =	simm.s32 @!p2 $0x0  }
0x16: {  	s3 =	sld [smem:$0x3FDB];
	s0 =	simm.s32 @p2 $0x1  }
0x17: {  	s4 =	simm.s32 $0x1BF5;
	[smem:$0x3FAF] =	sst s0  }
0x18: {  	s0 =	sld [smem:$0x3F92];
	_ =	swait.ge [sflag:s4], $0x0  }
0x19: {  	s7 =	sld [smem:$0x3F93]  }
0x1a: {  	s8 =	sadd.s32 $0xFFFFE003, lr  }
0x1b: {  	s9 =	sadd.s32 $0xFFFFFEF7, lr;
	s5 =	simm.s32 $0xFFFFFFFF;
	p2 =	slt.u32 s8, $0xFFFFF086  }
0x1c: {  	p1 =	slt.u32 s9, $0xF7A;
	s5 =	simm.s32 @!p2 $0x0  }
0x1d: {  	s5 =	simm.s32 @p1 $0x1;
	p0 =	seq.s32 s7, s2  }
0x1e: {  	s7 =	smul.u32 @!p0 $0xF7A, s2;
	p2 =	seq.s32 @!p0 s5, $0x0  }
0x1f: {  	s9 =	smul.u32 $0xF7A, s1;
	s8 =	simm.s32 @!p0 $0x1BF5;
	p2 =	por !p2, p0  }
0x20: {  	[sflag:s8] =	ssyncset.s32 @!p0 $0xFFFFF086;
	s6 =	sadd.s32 @!p0 s3, s7;
	s7 =	simm.s32 @!p0 $0x108  }
0x21: {  	s3 =	sadd.s32 s3, s9;
	s6 =	sadd.s32 @!p0 $0x88, s6;
	s7 =	simm.s32 @p2 $0x1082  }
0x22: {  	[simem:s7], [sflag:s8] =	dma.local @!p0 [hbm:s6], $0xF7A  }
0x23: {  	s9 =	sor.u32 $0xD0000000, s2;
	s6 =	simm.s32 $0x108;
	_ =	swait.ge @!p0 [sflag:s8], $0x0  }
0x24: {  	s3 =	sadd.s32 $0x88, s3;
	s6 =	simm.s32 @!p1 $0x1082;
	[sflag:s4] =	ssyncset.s32 $0xFFFFF086  }
0x25: {  	[simem:s6], [sflag:s4] =	dma.local [hbm:s3], $0xF7A  }
0x26: {  	[smem:$0x3F93] =	sst s1;
	(tag) =	ssettag s2;
	_ =	strace s9  }
0x27: {  	s1 =	sld [smem:$0x3FA3]  }
0x28: {  	s2 =	sld [smem:$0x3FA4]  }
0x29: {  	s4 =	sld [smem:$0x3FA6]  }
0x2a: {  	p0 =	seq.s32 s5, $0x0;
	s5 =	sld [smem:$0x3FA7]  }
0x2b: {  	s6 =	sld [smem:$0x3FA8]  }
0x2c: {  	s7 =	sld [smem:$0x3FA9]  }
0x2d: {  	s3 =	simm.s32 $0x108;
	s8 =	sld [smem:$0x3FAA]  }
0x2e: {  	s3 =	simm.s32 @!p0 $0x1082;
	s9 =	sld [smem:$0x3FAB]  }
0x2f: {  	lr =	sadd.s32 s0, s3;
	s0 =	sld [smem:$0x3FA2]  }
0x30: {  	s3 =	sld [smem:$0x3FA5]  }
0x31: {  	[smem:$0x3FAE] =	sst s10  }
0x32: {  	s10 =	sld [smem:$0x3FAC];
	_ =	sdelay $0x3  }
0x33: {  	p0 =	seq.s32 s10, $0x1;
	s10 =	sld [smem:$0x3FAE];
	_ =	sdelay $0x3  }
0x34: {  	[smem:$0x3FAE] =	sst s10  }
0x35: {  	s10 =	sld [smem:$0x3FAD];
	_ =	sdelay $0x3  }
0x36: {  	p1 =	seq.s32 s10, $0x1;
	s10 =	sld [smem:$0x3FAE];
	_ =	sdelay $0x3  }
0x37: {  	[smem:$0x3FAE] =	sst s10  }
0x38: {  	s10 =	sld [smem:$0x3FAF]  }
0x39: {  	_ = 	snop;
	(pc) =	sbr.ind lr, $3  }
0x3a: {  	_ = 	snop  }
0x3b: {  	_ = 	snop  }
0x3c: {  	p2 =	seq.s32 s10, $0x1;
	s10 =	sld [smem:$0x3FAE]  }
0x3d: {  	_ =	shalt  }
0x3e: {  	_ =	shalt  }
0x3f: {  	_ =	shalt  }
0x40: {  	_ =	shalt  }
0x41: {  	_ =	shalt  }
0x42: {  	_ =	shalt  }
0x43: {  	_ =	shalt  }
0x44: {  	_ =	shalt  }
0x45: {  	_ =	shalt  }
0x46: {  	_ =	shalt  }
0x47: {  	_ =	shalt  }
0x48: {  	_ =	shalt  }
0x49: {  	_ =	shalt  }
0x4a: {  	_ =	shalt  }
0x4b: {  	_ =	shalt  }
0x4c: {  	_ =	shalt  }
0x4d: {  	_ =	shalt  }
0x4e: {  	_ =	shalt  }
0x4f: {  	_ =	shalt  }
0x50: {  	_ =	shalt  }
0x51: {  	_ =	shalt  }
0x52: {  	_ =	shalt  }
0x53: {  	_ =	shalt  }
0x54: {  	_ =	shalt  }
0x55: {  	_ =	shalt  }
0x56: {  	_ =	shalt  }
0x57: {  	_ =	shalt  }
0x58: {  	_ =	shalt  }
0x59: {  	_ =	shalt  }
0x5a: {  	_ =	shalt  }
0x5b: {  	_ =	shalt  }
0x5c: {  	_ =	shalt  }
0x5d: {  	_ =	shalt  }
0x5e: {  	_ =	shalt  }
0x5f: {  	_ =	shalt  }
0x60: {  	_ =	shalt  }
0x61: {  	_ =	shalt  }
0x62: {  	_ =	shalt  }
0x63: {  	_ =	shalt  }
0x64: {  	_ =	shalt  }
0x65: {  	_ =	shalt  }
0x66: {  	_ =	shalt  }
0x67: {  	_ =	shalt  }
0x68: {  	_ =	shalt  }
0x69: {  	_ =	shalt  }
0x6a: {  	_ =	shalt  }
0x6b: {  	_ =	shalt  }
0x6c: {  	_ =	shalt  }
0x6d: {  	_ =	shalt  }
0x6e: {  	_ =	shalt  }
0x6f: {  	_ =	shalt  }
0x70: {  	_ =	shalt  }
0x71: {  	_ =	shalt  }
0x72: {  	_ =	shalt  }
0x73: {  	_ =	shalt  }
0x74: {  	_ =	shalt  }
0x75: {  	_ =	shalt  }
0x76: {  	_ =	shalt  }
0x77: {  	_ =	shalt  }
0x78: {  	_ =	shalt  }
0x79: {  	_ =	shalt  }
0x7a: {  	_ =	shalt  }
0x7b: {  	_ =	shalt  }
0x7c: {  	_ =	shalt  }
0x7d: {  	_ =	shalt  }
0x7e: {  	_ =	shalt  }
0x7f: {  	_ =	shalt  }
0x80: {  	_ =	shalt  }
0x81: {  	_ =	shalt  }
0x82: {  	_ =	shalt  }
0x83: {  	_ =	shalt  }
0x84: {  	_ =	shalt  }
0x85: {  	_ =	shalt  }
0x86: {  	_ =	shalt  }
0x87: {  	_ =	shalt  }
.Lfunc_end0:
.L_simem_size_0:
called_computation.7_lowered:
.L_overlay_start_0:
0x88: {  	s2 =	sld [smem:$0x3FD9]  }
0x89: {  	s3 =	sld [smem:$0x3FFE];
	_ =	sdelay $0x1  }
0x8a: {  	s1 =	srdreg.scid  }
0x8b: {  	s0 =	sand.u32 $0x1, s1  }
0x8c: {  	s16 =	sshll.u32 s0, $0xA;
	s2 =	sadd.s32 s3, s2  }
0x8d: {  	s2 =	sadd.s32 s2, s16  }
0x8e: {  	[smem:$0x3FBA] =	sst s2  }
0x8f: {  	_ = 	snop  }
0x90: {  	(tm) =	ssettm $0x1  }
0x91: {  	s17 =	sld [smem:$0x3FFB];
	_ =	sdelay $0x3  }
0x92: {  	_ =	strace s17  }
0x93: {  	s2 =	sld [smem:$0x3FFC];
	_ =	sdelay $0x3  }
0x94: {  	_ =	strace s2  }
0x95: {  	s2 =	sld [smem:$0x3FFD];
	_ =	sdelay $0x3  }
0x96: {  	_ =	strace s2  }
0x97: {  	_ =	strace $0x8FFFFFFF  }
0x98: {  	s18 =	sld [smem:$0x3FDB];
	_ =	sdelay $0x1  }
0x99: {  	s19 =	simm.s32 $_scs_section_size  }
0x9a: {  	s4 =	simm.s32 $_size__tile_overlayer_lowered;
	s5 =	simm.s32 $_tile_overlayer_lowered  }
0x9b: {  	s22 =	simm.s32 $0x1BFF;
	s21 =	sshll.u32 s5, $0x1;
	s2 =	sadd.s32 s19, s18  }
0x9c: {  	s6 =	simm.s32 $0x0;
	s20 =	sshll.u32 s4, $0x1;
	s4 =	sadd.s32 s21, s2  }
0x9d: {  	[timem:s6], [sflag:s22] =	dma.local [hbm:s4], s20  }
0x9e: {  	_ =	swait.ge [sflag:s22], s20  }
0x9f: {  	s3 =	ssub.s32 $0x0, s20;
	[sflag:s22] =	ssyncset.done $0x0  }
0xa0: {  	[sflag:s22] =	ssyncadd.s32 s3;
	_ =	sdelay $0x1  }
0xa1: {  	s23 =	simm.s32 $0x1B8B  }
0xa2: {  	_ =	swait.ge [sflag:s23], $0x1  }
0xa3: {  	[sflag:s23] =	ssyncset.done $0x0  }
0xa4: {  	s25 =	simm.s32 $0x1B8E;
	s24 =	sld [smem:$0x3FFE];
	[sflag:s23] =	ssyncadd.s32 $0xFFFFFFFF  }
0xa5: {  	s26 =	simm.s32 $execute0_lowered;
	[smem:$0x3FD2] =	sst s25  }
0xa6: {  	s4 =	sshll.u32 s26, $0x1;
	_ =	strace $0x8000005B;
	[dreg:$0x1] =	wrdreg $0xFFFFFFFF  }
0xa7: {  	s28 =	simm.s32 $_size_execute0_lowered;
	s2 =	sadd.s32 s2, s4;
	[dreg:$0x0] =	wrdreg $0x0  }
0xa8: {  	s4 =	sshll.u32 s28, $0x1;
	[dreg:$0x2] =	wrdreg s2  }
0xa9: {  	[dreg:$0x3] =	wrdreg s4  }
0xaa: {  	[dreg:$0x4] =	wrdreg $0xC0  }
0xab: {  	_ =	task [dreg:s6], $0x5FFFF  }
0xac: {  	[dreg:$0x1] =	wrdreg $0xFFFFFFFF  }
0xad: {  	[dreg:$0x0] =	wrdreg $0x60  }
0xae: {  	[dreg:$0x2] =	wrdreg s24  }
0xaf: {  	[dreg:$0x3] =	wrdreg $0x90000  }
0xb0: {  	[dreg:$0x4] =	wrdreg $0x9  }
0xb1: {  	_ =	task.clear_ibuf [dreg:s6], $0x5FFFF;
	_ =	strace $0x9000005B  }
0xb2: {  	s29 =	simm.s32 $0x9;
	_ =	strace $0x8000005D  }
0xb3: {  	_ =	swait.ge [sflag:s29], $0x1  }
0xb4: {  	[sflag:s29] =	ssyncadd.s32 $0xFFFFFFFF  }
0xb5: {  	_ =	strace $0x9000005D  }
0xb6: {  	_ =	sfence  }
0xb7: {  	s30 =	sld [smem:$0x0];
	_ =	sdelay $0x2  }
0xb8: {  	s31 =	sshll.u32 s1, $0xD;
	s1 =	sshrl.u32 s1, $0x2  }
0xb9: {  	s3 =	sand.u32 $0x4000, s31;
	s1 =	sadd.s32 s1, s30  }
0xba: {  	s0 =	sor.u32 s3, s0;
	s1 =	sshll.u32 s1, $0x11  }
0xbb: {  	s0 =	sor.u32 s1, s0  }
0xbc: {  	s0 =	sadd.s32 $0x8F2B, s0  }
0xbd: {  	[sflag:s0] =	ssyncadd.remote.s32 $0x1  }
0xbe: {  	_ =	sfence.sel $0xFFFF  }
0xbf: {  	[dreg:$0x0] =	wrdreg $0xFFFFFFFF;
	(pc) =	sbr.abs _section_cstart, $3  }
0xc0: {  	[dreg:$0x1] =	wrdreg $0xFFFFFFFF  }
0xc1: {  	_ =	task.clear_ibuf [dreg:s6], $0x2FFFF;
	_ =	strace $0x9FFFFFFF  }
0xc2: {  	(tm) =	ssettm $0x7FFFFFFF  }
0xc3: {  	_ =	shalt  }
tec
execute0_lowered:
.L_overlay_start_1:
0x0: {  	(tag) =	ssettag $0x1  }
0x1: {  	s0 =	srdreg.scid;
	s6 =	rddreg [dreg:$0x0]  }
0x2: {  	s2 =	rddreg [dreg:$0x1];
	s3 =	simm.s32 $0x0;
	s14 =	simm.s32 $0x5000  }
0x3: {  	s15 =	simm.s32 $0x2;
	s16 =	simm.s32 $0x2800;
	s5 =	sand.u32 $0x1, s0  }
0x4: {  	s17 =	simm.s32 $0x80;
	s0 =	stileid.u32;
	s8 =	smul.u32 $0x140000, s5  }
0x5: {  	s18 =	simm.s32 $0x1;
	[smem:$0x7FF] =	sst s3;
	s9 =	smul.u32 $0x14000, s0  }
0x6: {  	s4 =	sadd.s32 $0x3D600, s6;
	s1 =	sshll.u32 s5, $0x4;
	s10 =	smul.u32 $0x50000, s0  }
0x7: {  	s29 =	ssub.s32 $0x2, s5;
	s19 =	sshll.u32 s0, $0x6;
	s1 =	sor.u32 s0, s1  }
0x8: {  	s31 =	sshrl.u32 s29, $0x1;
	s19 =	sor.u32 $0x1C02, s19;
	s7 =	smul.u32 $0x500, s1  }
0x9: {  	s1 =	rddreg [dreg:$0x2];
	_ =	strace $0x8000005C;
	s30 =	sshrl.u32 s10, $0x2  }
0xa: {  	s28 =	sadd.s32 s9, s8;
	s13 =	ssub.s32 s29, s31;
	s5 =	sadd.s32 s30, s2  }
0xb: {  	s13 =	smax.u32 s13, $0x1;
	s11 =	sadd.s32 s7, s6;
	s7 =	sshrl.u32 s28, $0x3  }
0xc: {  	s8 =	sadd.s32 $0xC000, s5;
	s9 =	sadd.s32 $0x10000, s5;
	s20 =	sshrl.u32 s5, $0x3  }
0xd: {  	s12 =	sadd.s32 s7, s6;
	s6 =	sadd.s32 $0x4000, s5;
	s7 =	sadd.s32 $0x8000, s5  }
0xe: {  	v0 =	vimm.f32 $0.0e+00;
	s10 =	sadd.s32 $0x5C00, s11;
	s11 =	sadd.s32 $0x33600, s11;
	s12 =	sadd.s32 $0xB5600, s12  }
.LBB2_1:
0xf: {  	s21 =	simm.s32 $0x0;
	s22 =	simm.s32 $0x200  }
.LBB2_2:
0x10: {  	p0 =	sne.s32 s22, $0xFE00;
	[tilespmem:s21+$0x5070] =	vst v0  }
0x11: {  	[tilespmem:s21+$0x5000] =	vst v0  }
0x12: {  	[tilespmem:s21+$0x5010] =	vst v0  }
.Ltmp0:
0x13: {  	[tilespmem:s21+$0x5020] =	vst v0;
	(pc) =	sbr.rel @p0 .LBB2_2-.Ltmp0, $4  }
0x14: {  	[tilespmem:s21+$0x5030] =	vst v0  }
0x15: {  	[tilespmem:s21+$0x5040] =	vst v0  }
0x16: {  	[tilespmem:s21+$0x5050] =	vst v0  }
0x17: {  	[tilespmem:s21+$0x5060] =	vst v0;
	s21 =	sshra.s32 s22, $0x2;
	s22 =	sadd.s32 $0x200, s22  }
0x18: {  	[tilespmem:s21+$0x5070] =	vst v0  }
0x19: {  	[tilespmem:s21+$0x5000] =	vst v0  }
0x1a: {  	[tilespmem:s21+$0x5010] =	vst v0  }
0x1b: {  	[tilespmem:s21+$0x5020] =	vst v0  }
0x1c: {  	[tilespmem:s21+$0x5030] =	vst v0  }
0x1d: {  	[tilespmem:s21+$0x5040] =	vst v0  }
0x1e: {  	[tilespmem:s21+$0x5050] =	vst v0  }
0x1f: {  	[tilespmem:s21+$0x5060] =	vst v0  }
0x20: {  	[spmem:s5] =	stream.linear.scatter [tilespmem:s14], [sflag:$0x2], $0x4000, $0x38;
	[tilespmem:$0x1D000] =	vst v63  }
0x21: {  	_ =	swait.ge [sflag:s15], $0x4000  }
0x22: {  	[sflag:s15] =	ssyncset.done $0x0  }
0x23: {  	[sflag:s15] =	ssyncadd.s32 $0xFFFFC000  }
0x24: {  	[spmem:s6] =	stream.linear.scatter [tilespmem:s14], [sflag:$0x2], $0x4000, $0x38;
	[tilespmem:$0x1D000] =	vst v63  }
0x25: {  	_ =	swait.ge [sflag:s15], $0x4000  }
0x26: {  	[sflag:s15] =	ssyncset.done $0x0  }
0x27: {  	[sflag:s15] =	ssyncadd.s32 $0xFFFFC000  }
0x28: {  	[spmem:s7] =	stream.linear.scatter [tilespmem:s14], [sflag:$0x2], $0x4000, $0x38;
	[tilespmem:$0x1D000] =	vst v63  }
0x29: {  	_ =	swait.ge [sflag:s15], $0x4000  }
0x2a: {  	[sflag:s15] =	ssyncset.done $0x0  }
0x2b: {  	[sflag:s15] =	ssyncadd.s32 $0xFFFFC000  }
0x2c: {  	[spmem:s8] =	stream.linear.scatter [tilespmem:s14], [sflag:$0x2], $0x4000, $0x38;
	[tilespmem:$0x1D000] =	vst v63  }
0x2d: {  	_ =	swait.ge [sflag:s15], $0x4000  }
0x2e: {  	[sflag:s15] =	ssyncset.done $0x0  }
0x2f: {  	[sflag:s15] =	ssyncadd.s32 $0xFFFFC000  }
0x30: {  	[spmem:s9] =	stream.linear.scatter [tilespmem:s14], [sflag:$0x2], $0x4000, $0x38;
	[tilespmem:$0x1D000] =	vst v63  }
0x31: {  	_ =	swait.ge [sflag:s15], $0x4000  }
0x32: {  	[sflag:s15] =	ssyncset.done $0x0  }
0x33: {  	[sflag:s15] =	ssyncadd.s32 $0xFFFFC000  }
0x34: {  	s29 =	simm.s32 $0x0;
	[bflag:$0x0] =	sbarrier.arrive $0xFFFF  }
0x35: {  	[tilespmem:s29], [sflag:$0x2] =	stream.linear.gather [hbm4b:s10+s29], $0x2780, $0x38;
	[tilespmem:$0x1D000] =	vst v63  }
0x36: {  	_ =	swait.ge [sflag:s15], $0x2780  }
0x37: {  	[sflag:s15] =	ssyncset.done $0x0  }
0x38: {  	[sflag:s15] =	ssyncadd.s32 $0xFFFFD880  }
0x39: {  	[tilespmem:s16], [sflag:$0x2] =	stream.linear.gather [hbm4b:s11+s29], $0x2780, $0x38;
	[tilespmem:$0x1D000] =	vst v63  }
0x3a: {  	_ =	swait.ge [sflag:s15], $0x2780  }
0x3b: {  	[sflag:s15] =	ssyncset.done $0x0  }
0x3c: {  	s30 =	simm.s32 $0x0;
	[sflag:s15] =	ssyncadd.s32 $0xFFFFD880  }
0x3d: {  	[tilespmem:s14], [sflag:$0x1] =	stream.indirect.gather [hbm4b:s4+s17], $0x80, s30, s17, $0xb8;
	[tilespmem:$0x1D000] =	vst v63  }
0x3e: {  	_ =	swait.ge [sflag:s18], $0x4000  }
0x3f: {  	[sflag:s18] =	ssyncset.done $0x0  }
0x40: {  	s31 =	simm.s32 $0x2800;
	[sflag:s18] =	ssyncadd.s32 $0xFFFFC000  }
0x41: {  	[spmem:s2] =	stream.indirect.scatter.add.f32 [tilespmem:s14], [sflag:$0x2], $0x80, s31, s17, $0xb8;
	[tilespmem:$0x1D000] =	vst v63  }
0x42: {  	_ =	swait.ge [sflag:s15], $0x4000  }
0x43: {  	s21 =	simm.s32 $0x200;
	s22 =	simm.s32 $0x400;
	[sflag:s15] =	ssyncset.done $0x0  }
.LBB2_4:
0x44: {  	s23 =	sshra.s32 s21, $0x2  }
0x45: {  	[sflag:s15] =	ssyncadd.s32 $0xFFFFC000;
	s21 =	smov.u32 s22;
	s24 =	sadd.s32 $0x200, s22  }
0x46: {  	[tilespmem:s14], [sflag:$0x1] =	stream.indirect.gather [hbm4b:s4+s17], $0x80, s23, s17, $0xb8;
	[tilespmem:$0x1D000] =	vst v63  }
0x47: {  	p0 =	sne.s32 s22, $0x9C00;
	_ =	swait.ge [sflag:s18], $0x4000  }
.Ltmp1:
0x48: {  	[sflag:s18] =	ssyncset.done $0x0;
	(pc) =	sbr.rel @p0 .LBB2_4-.Ltmp1, $4  }
0x49: {  	s22 =	sadd.s32 $0x2800, s23;
	[sflag:s18] =	ssyncadd.s32 $0xFFFFC000  }
0x4a: {  	[spmem:s2] =	stream.indirect.scatter.add.f32 [tilespmem:s14], [sflag:$0x2], $0x80, s22, s17, $0xb8;
	[tilespmem:$0x1D000] =	vst v63  }
0x4b: {  	_ =	swait.ge [sflag:s15], $0x4000  }
0x4c: {  	s22 =	smov.u32 s24;
	[sflag:s15] =	ssyncset.done $0x0  }
0x4d: {  	s21 =	sshra.s32 s21, $0x2;
	[sflag:s15] =	ssyncadd.s32 $0xFFFFC000  }
0x4e: {  	[tilespmem:s14], [sflag:$0x1] =	stream.indirect.gather [hbm4b:s4+s17], $0x80, s21, s17, $0xb8;
	[tilespmem:$0x1D000] =	vst v63  }
0x4f: {  	_ =	swait.ge [sflag:s18], $0x4000  }
0x50: {  	[sflag:s18] =	ssyncset.done $0x0  }
0x51: {  	s21 =	sadd.s32 $0x2800, s21;
	[sflag:s18] =	ssyncadd.s32 $0xFFFFC000  }
0x52: {  	[spmem:s2] =	stream.indirect.scatter.add.f32 [tilespmem:s14], [sflag:$0x2], $0x80, s21, s17, $0xb8;
	[tilespmem:$0x1D000] =	vst v63  }
0x53: {  	_ =	swait.ge [sflag:s15], $0x4000  }
0x54: {  	s3 =	sadd.s32 $0x1, s3;
	[sflag:s15] =	ssyncset.done $0x0  }
0x55: {  	p0 =	sne.s32 s3, s13;
	[sflag:s15] =	ssyncadd.s32 $0xFFFFC000  }
.Ltmp2:
0x56: {  	[bflag:$0x0] =	sbarrier.arrive $0xFFFF;
	(pc) =	sbr.rel @p0 .LBB2_1-.Ltmp2, $4  }
0x57: {  	[hbm:s12], [sflag:s19] =	dma.local [spmem:s20], $0x2800  }
0x58: {  	_ =	swait.ge [sflag:s15], $0x2800  }
0x59: {  	[sflag:s15] =	ssyncset.done $0x0  }
0x5a: {  	[sflag:s15] =	ssyncadd.s32 $0xFFFFD800  }
0x5b: {  	_ =	sfence.sel $0x180000  }
0x5c: {  	[bflag:$0x0] =	sbarrier.arrive $0xFFFF  }
0x5d: {  	p0 =	sne.s32 s0, $0x0;
	_ =	strace $0x9000005C  }
0x5e: {  	s0 =	sadd.s32 @!p0 $0x100000, s1;
	[bflag:$0x2] =	sbarrier.arrive $0xFFFF  }
0x5f: {  	[sflag:s0] =	ssyncadd.tile.s32 @!p0 $0x1;
	_ =	shalt  }
.Lfunc_end2:
_tile_overlayer_lowered:
.L_overlay_start_2:
0x60: {  	(tag) =	ssettag $0x2  }
0x61: {  	s0 =	rddreg [dreg:$0x0];
	s2 =	stileid.u32  }
0x62: {  	s1 =	rddreg [dreg:$0x1];
	p0 =	sne.s32 s2, $0x0  }
0x63: {  	s3 =	rddreg [dreg:$0x2];
	[bflag:$0x3] =	sbarrier.arrive $0xFFFF;
	s2 =	simm.s32 @!p0 $0x1C02  }
0x64: {  	[timem:s3], [sflag:s2] =	dma.local @!p0 [hbm:s0], s1  }
0x65: {  	s0 =	simm.s32 @!p0 $0x2  }
0x66: {  	_ =	swait.ge @!p0 [sflag:s0], s1  }
0x67: {  	s1 =	ssub.s32 @!p0 $0x0, s1;
	[sflag:s0] =	ssyncset.done @!p0 $0x0  }
0x68: {  	[sflag:s0] =	ssyncadd.s32 @!p0 s1  }
0x69: {  	[bflag:$0x3] =	sbarrier.arrive $0xFFFF  }
0x6a: {  	_ =	shalt  }

</sc_bundles>
